<compile_context>
chip_gen: v7x
topology: tpu7x:2x2x1
jax: 0.10.2.dev20260603
libtpu: 0.0.44.dev20260713+nightly
codegen_flags: <defaults>
</compile_context>

<pallas_src>
import jax
import jax.numpy as jnp
from jax import lax
from jax.experimental import pallas as pl
from jax.experimental.pallas import tpu as pltpu
from jax.experimental.pallas import tpu_sc as plsc

LANES = 16


def _make_kernel(B, H, V, D):
    info = plsc.get_sparse_core_info()
    NC, NS = info.num_cores, info.num_subcores
    NW = NC * NS
    EPW = B // NW
    C = 4
    NCH = EPW // C
    FL = C * H
    G0 = 128
    G1 = H - G0
    NLG = H // LANES
    TAIL = H - NLG * LANES
    TOFF = H - LANES
    ND = D // LANES

    mesh = plsc.VectorSubcoreMesh(core_axis_name="c", subcore_axis_name="s")

    def body(feat_hbm, wts_hbm, table_hbm, out_hbm,
             idx0, idx1, w0, w1, rows0, rows1, out_v,
             sem_f0, sem_f1, sem_w0, sem_w1, sem_g0, sem_g1):
        cid = lax.axis_index("c")
        sid = lax.axis_index("s")
        wid = sid * NC + cid
        row0 = wid * EPW

        slots = (
            (idx0, w0, rows0, sem_f0, sem_w0, sem_g0),
            (idx1, w1, rows1, sem_f1, sem_w1, sem_g1),
        )

        def issue_in(k, s):
            idx_v, w_v, _, sem_f, sem_w, _ = slots[s]
            r = row0 + k * C
            for i in range(C):
                pltpu.async_copy(feat_hbm.at[r + i], idx_v.at[pl.ds(i * H, H)], sem_f)
            pltpu.async_copy(wts_hbm.at[pl.ds(r, C)], w_v, sem_w)

        def wait_in(s):
            idx_v, w_v, _, sem_f, sem_w, _ = slots[s]
            for i in range(C):
                pltpu.make_async_copy(
                    feat_hbm.at[0], idx_v.at[pl.ds(i * H, H)], sem_f
                ).wait()
            pltpu.make_async_copy(wts_hbm.at[pl.ds(0, C)], w_v, sem_w).wait()

        def issue_gathers(s):
            idx_v, _, rows_v, _, _, sem_g = slots[s]
            for g in range(FL // G0):
                pltpu.async_copy(
                    table_hbm.at[idx_v.at[pl.ds(g * G0, G0)]],
                    rows_v.at[pl.ds(g * G0, G0)],
                    sem_g,
                )
            rem = FL % G0
            if rem:
                pltpu.async_copy(
                    table_hbm.at[idx_v.at[pl.ds(FL - rem, rem)]],
                    rows_v.at[pl.ds(FL - rem, rem)],
                    sem_g,
                )

        def double_indices(s):
            idx_v = slots[s][0]
            for g in range(FL // LANES):
                sl = pl.ds(g * LANES, LANES)
                idx_v[sl] = idx_v[sl] * 2

        def wait_gathers(s):
            _, _, rows_v, _, _, sem_g = slots[s]
            pltpu.make_async_copy(table_hbm.at[pl.ds(0, FL)], rows_v, sem_g).wait()

        def compute(k, s):
            _, w_v, rows_v, _, _, _ = slots[s]

            def elem_body(i, carry):
                base = i * H

                def lg_body(lg, accs):
                    off = lg * LANES
                    wv = w_v[i, pl.ds(off, LANES)]
                    accs = list(accs)
                    for j in range(LANES):
                        w_s = wv[j]
                        r = base + off + j
                        for dg in range(ND):
                            accs[dg] = accs[dg] + w_s * rows_v[r, pl.ds(dg * LANES, LANES)]
                    return tuple(accs)

                zero = jnp.zeros((LANES,), jnp.float32)
                accs = lax.fori_loop(0, NLG, lg_body, (zero,) * ND)
                accs = list(accs)
                wv = w_v[i, pl.ds(TOFF, LANES)]
                for j in range(TAIL):
                    w_s = wv[LANES - TAIL + j]
                    r = base + TOFF + LANES - TAIL + j
                    for dg in range(ND):
                        accs[dg] = accs[dg] + w_s * rows_v[r, pl.ds(dg * LANES, LANES)]
                for dg in range(ND):
                    out_v[i, pl.ds(dg * LANES, LANES)] = accs[dg]
                return carry

            lax.fori_loop(0, C, elem_body, 0)
            pltpu.sync_copy(out_v, out_hbm.at[pl.ds(row0 + k * C, C)])

        issue_in(0, 0)
        issue_in(1, 1)
        wait_in(0)
        double_indices(0)
        issue_gathers(0)

        def outer(c2, carry):
            for par in range(2):
                k = 2 * c2 + par
                s = par

                @pl.when(k + 1 < NCH)
                def _():
                    wait_in(1 - s)
                    double_indices(1 - s)
                    issue_gathers(1 - s)

                wait_gathers(s)
                compute(k, s)

                @pl.when(k + 2 < NCH)
                def _():
                    issue_in(k + 2, s)

            return carry

        lax.fori_loop(0, NCH // 2, outer, 0)

    return pl.kernel(
        body,
        out_type=jax.ShapeDtypeStruct((B, D), jnp.float32),
        mesh=mesh,
        compiler_params=pltpu.CompilerParams(use_tc_tiling_on_sc=False),
        scratch_types=[
            pltpu.VMEM((FL,), jnp.int32),
            pltpu.VMEM((FL,), jnp.int32),
            pltpu.VMEM((C, H), jnp.float32),
            pltpu.VMEM((C, H), jnp.float32),
            pltpu.VMEM((C * H, D), jnp.float32),
            pltpu.VMEM((C * H, D), jnp.float32),
            pltpu.VMEM((C, D), jnp.float32),
            pltpu.SemaphoreType.DMA,
            pltpu.SemaphoreType.DMA,
            pltpu.SemaphoreType.DMA,
            pltpu.SemaphoreType.DMA,
            pltpu.SemaphoreType.DMA,
            pltpu.SemaphoreType.DMA,
        ],
    )


@jax.jit
def kernel(features, weights, table):
    B, H = features.shape
    V, D = table.shape
    table2 = jnp.pad(table, ((0, 0), (0, 128 - D))).reshape(2 * V, D)
    return _make_kernel(B, H, V, D)(features.astype(jnp.int32), weights, table2)

# --- scband reference (transcript-rebuilt; emitter-appended) ---
"""Pipeline reference for scband-custom-embedding-5265629905092 (READ-ONLY COPY).

The authoritative reference and input builder live on the scoring server;
editing this copy changes nothing except your own understanding.
"""

import jax, jax.numpy as jnp
import numpy as np

NUM_EMBEDDINGS = 1000000
EMBEDDING_DIM = 64
BATCH = 16384
HIST = 200


def setup_inputs(seed: int = 0) -> dict:
    key = jax.random.key(seed)
    k1, k2, k3 = jax.random.split(key, 3)
    features = jax.random.randint(k1, (BATCH, HIST), 0, NUM_EMBEDDINGS, dtype=jnp.int64 if jax.config.jax_enable_x64 else jnp.int32)
    weights = jax.random.uniform(k2, (BATCH, HIST), dtype=jnp.float32)
    table = jax.random.normal(k3, (NUM_EMBEDDINGS, EMBEDDING_DIM), dtype=jnp.float32)
    return {"features": features, "weights": weights, "table": table}


def reference(features, weights, table):
    # F.embedding: gather rows from table -> (B, L, D)
    emb = jnp.take(table, features, axis=0)
    # weighted sum over the history/feature axis -> (B, D)
    out = jnp.sum(emb * weights[:, :, None], axis=1)
    return out

if __name__ == "__main__":
    import jax
    _d = setup_inputs()
    print(jax.jit(kernel)(*tuple(_d.values())))

</pallas_src>

<mosaic_0001>
#map = affine_map<(d0, d1) -> (0, 0)>
module attributes {stable_mosaic.version = 14 : i64} {
  func.func @body(%arg0: i32, %arg1: i32, %arg2: memref<16384x200xi32, #tpu.memory_space<hbm>>, %arg3: memref<16384x200xf32, #tpu.memory_space<hbm>>, %arg4: memref<2000000x64xf32, #tpu.memory_space<hbm>>, %arg5: memref<16384x64xf32, #tpu.memory_space<hbm>>, %arg6: memref<800xi32, #tpu.memory_space<vmem>>, %arg7: memref<800xi32, #tpu.memory_space<vmem>>, %arg8: memref<4x200xf32, #tpu.memory_space<vmem>>, %arg9: memref<4x200xf32, #tpu.memory_space<vmem>>, %arg10: memref<800x64xf32, #tpu.memory_space<vmem>>, %arg11: memref<800x64xf32, #tpu.memory_space<vmem>>, %arg12: memref<4x64xf32, #tpu.memory_space<vmem>>, %arg13: memref<!tpu.dma_semaphore, #tpu.memory_space<semaphore_mem>>, %arg14: memref<!tpu.dma_semaphore, #tpu.memory_space<semaphore_mem>>, %arg15: memref<!tpu.dma_semaphore, #tpu.memory_space<semaphore_mem>>, %arg16: memref<!tpu.dma_semaphore, #tpu.memory_space<semaphore_mem>>, %arg17: memref<!tpu.dma_semaphore, #tpu.memory_space<semaphore_mem>>, %arg18: memref<!tpu.dma_semaphore, #tpu.memory_space<semaphore_mem>>) attributes {dimension_semantics = [#tpu.dimension_semantics<core_parallel>, #tpu.dimension_semantics<subcore_parallel>], iteration_bounds = array<i64: 2, 16>, scalar_prefetch = 0 : i64, scratch_operands = 13 : i64, tpu.core_type = #tpu.core_type<sc_vector_subcore>, window_params = [{transform_indices = #map}, {transform_indices = #map}, {transform_indices = #map}, {transform_indices = #map}]} {
    %mul3A = arith.constant 2 : i32
    %mul3A_0 = arith.muli %arg1, %mul3A : i32
    %add3A = arith.addi %mul3A_0, %arg0 : i32
    %mul3A_1 = arith.constant 512 : i32
    %mul3A_2 = arith.muli %add3A, %mul3A_1 : i32
    %add3A_3 = arith.constant 0 : i32
    %add3A_4 = arith.addi %mul3A_2, %add3A_3 : i32
    %add3A_5 = arith.constant 0 : i32
    %add3A_6 = arith.addi %add3A_4, %add3A_5 : i32
    %dma_start3A = arith.constant 0 : i32
    %dma_start3A_7 = tpu.memref_slice %arg6[%dma_start3A] : memref<800xi32, #tpu.memory_space<vmem>> -> memref<200xi32, #tpu.memory_space<vmem>>
    %dma_start3A_8 = arith.constant 0 : i32
    %dma_start3A_9 = tpu.memref_slice %arg2[%add3A_6, %dma_start3A_8] : memref<16384x200xi32, #tpu.memory_space<hbm>> -> memref<1x200xi32, #tpu.memory_space<hbm>>
    %dma_start3A_10 = tpu.memref_squeeze %dma_start3A_9 : memref<1x200xi32, #tpu.memory_space<hbm>> -> memref<200xi32, #tpu.memory_space<hbm>>
    %dma_start3A_11 = arith.constant 0 : i32
    %dma_start3A_12 = tpu.memref_slice %arg6[%dma_start3A_11] : memref<800xi32, #tpu.memory_space<vmem>> -> memref<200xi32, #tpu.memory_space<vmem>>
    %dma_start3A_13 = arith.constant 0 : i32
    %dma_start3A_14 = tpu.memref_slice %arg2[%add3A_6, %dma_start3A_13] : memref<16384x200xi32, #tpu.memory_space<hbm>> -> memref<1x200xi32, #tpu.memory_space<hbm>>
    %dma_start3A_15 = tpu.memref_squeeze %dma_start3A_14 : memref<1x200xi32, #tpu.memory_space<hbm>> -> memref<200xi32, #tpu.memory_space<hbm>>
    tpu.enqueue_dma source(%dma_start3A_15 : memref<200xi32, #tpu.memory_space<hbm>>) target(%dma_start3A_12 : memref<200xi32, #tpu.memory_space<vmem>>) target_semaphore(%arg13 : memref<!tpu.dma_semaphore, #tpu.memory_space<semaphore_mem>>)
    %add3A_16 = arith.constant 1 : i32
    %add3A_17 = arith.addi %add3A_4, %add3A_16 : i32
    %dma_start3A_18 = arith.constant 200 : i32
    %dma_start3A_19 = tpu.memref_slice %arg6[%dma_start3A_18] : memref<800xi32, #tpu.memory_space<vmem>> -> memref<200xi32, #tpu.memory_space<vmem>>
    %dma_start3A_20 = arith.constant 0 : i32
    %dma_start3A_21 = tpu.memref_slice %arg2[%add3A_17, %dma_start3A_20] : memref<16384x200xi32, #tpu.memory_space<hbm>> -> memref<1x200xi32, #tpu.memory_space<hbm>>
    %dma_start3A_22 = tpu.memref_squeeze %dma_start3A_21 : memref<1x200xi32, #tpu.memory_space<hbm>> -> memref<200xi32, #tpu.memory_space<hbm>>
    %dma_start3A_23 = arith.constant 200 : i32
    %dma_start3A_24 = tpu.memref_slice %arg6[%dma_start3A_23] : memref<800xi32, #tpu.memory_space<vmem>> -> memref<200xi32, #tpu.memory_space<vmem>>
    %dma_start3A_25 = arith.constant 0 : i32
    %dma_start3A_26 = tpu.memref_slice %arg2[%add3A_17, %dma_start3A_25] : memref<16384x200xi32, #tpu.memory_space<hbm>> -> memref<1x200xi32, #tpu.memory_space<hbm>>
    %dma_start3A_27 = tpu.memref_squeeze %dma_start3A_26 : memref<1x200xi32, #tpu.memory_space<hbm>> -> memref<200xi32, #tpu.memory_space<hbm>>
    tpu.enqueue_dma source(%dma_start3A_27 : memref<200xi32, #tpu.memory_space<hbm>>) target(%dma_start3A_24 : memref<200xi32, #tpu.memory_space<vmem>>) target_semaphore(%arg13 : memref<!tpu.dma_semaphore, #tpu.memory_space<semaphore_mem>>)
    %add3A_28 = arith.constant 2 : i32
    %add3A_29 = arith.addi %add3A_4, %add3A_28 : i32
    %dma_start3A_30 = arith.constant 400 : i32
    %dma_start3A_31 = tpu.memref_slice %arg6[%dma_start3A_30] : memref<800xi32, #tpu.memory_space<vmem>> -> memref<200xi32, #tpu.memory_space<vmem>>
    %dma_start3A_32 = arith.constant 0 : i32
    %dma_start3A_33 = tpu.memref_slice %arg2[%add3A_29, %dma_start3A_32] : memref<16384x200xi32, #tpu.memory_space<hbm>> -> memref<1x200xi32, #tpu.memory_space<hbm>>
    %dma_start3A_34 = tpu.memref_squeeze %dma_start3A_33 : memref<1x200xi32, #tpu.memory_space<hbm>> -> memref<200xi32, #tpu.memory_space<hbm>>
    %dma_start3A_35 = arith.constant 400 : i32
    %dma_start3A_36 = tpu.memref_slice %arg6[%dma_start3A_35] : memref<800xi32, #tpu.memory_space<vmem>> -> memref<200xi32, #tpu.memory_space<vmem>>
    %dma_start3A_37 = arith.constant 0 : i32
    %dma_start3A_38 = tpu.memref_slice %arg2[%add3A_29, %dma_start3A_37] : memref<16384x200xi32, #tpu.memory_space<hbm>> -> memref<1x200xi32, #tpu.memory_space<hbm>>
    %dma_start3A_39 = tpu.memref_squeeze %dma_start3A_38 : memref<1x200xi32, #tpu.memory_space<hbm>> -> memref<200xi32, #tpu.memory_space<hbm>>
    tpu.enqueue_dma source(%dma_start3A_39 : memref<200xi32, #tpu.memory_space<hbm>>) target(%dma_start3A_36 : memref<200xi32, #tpu.memory_space<vmem>>) target_semaphore(%arg13 : memref<!tpu.dma_semaphore, #tpu.memory_space<semaphore_mem>>)
    %add3A_40 = arith.constant 3 : i32
    %add3A_41 = arith.addi %add3A_4, %add3A_40 : i32
    %dma_start3A_42 = arith.constant 600 : i32
    %dma_start3A_43 = tpu.memref_slice %arg6[%dma_start3A_42] : memref<800xi32, #tpu.memory_space<vmem>> -> memref<200xi32, #tpu.memory_space<vmem>>
    %dma_start3A_44 = arith.constant 0 : i32
    %dma_start3A_45 = tpu.memref_slice %arg2[%add3A_41, %dma_start3A_44] : memref<16384x200xi32, #tpu.memory_space<hbm>> -> memref<1x200xi32, #tpu.memory_space<hbm>>
    %dma_start3A_46 = tpu.memref_squeeze %dma_start3A_45 : memref<1x200xi32, #tpu.memory_space<hbm>> -> memref<200xi32, #tpu.memory_space<hbm>>
    %dma_start3A_47 = arith.constant 600 : i32
    %dma_start3A_48 = tpu.memref_slice %arg6[%dma_start3A_47] : memref<800xi32, #tpu.memory_space<vmem>> -> memref<200xi32, #tpu.memory_space<vmem>>
    %dma_start3A_49 = arith.constant 0 : i32
    %dma_start3A_50 = tpu.memref_slice %arg2[%add3A_41, %dma_start3A_49] : memref<16384x200xi32, #tpu.memory_space<hbm>> -> memref<1x200xi32, #tpu.memory_space<hbm>>
    %dma_start3A_51 = tpu.memref_squeeze %dma_start3A_50 : memref<1x200xi32, #tpu.memory_space<hbm>> -> memref<200xi32, #tpu.memory_space<hbm>>
    tpu.enqueue_dma source(%dma_start3A_51 : memref<200xi32, #tpu.memory_space<hbm>>) target(%dma_start3A_48 : memref<200xi32, #tpu.memory_space<vmem>>) target_semaphore(%arg13 : memref<!tpu.dma_semaphore, #tpu.memory_space<semaphore_mem>>)
    %dma_start3A_52 = arith.constant 0 : i32
    %dma_start3A_53 = tpu.memref_slice %arg3[%add3A_4, %dma_start3A_52] : memref<16384x200xf32, #tpu.memory_space<hbm>> -> memref<4x200xf32, #tpu.memory_space<hbm>>
    %dma_start3A_54 = arith.constant 0 : i32
    %dma_start3A_55 = tpu.memref_slice %arg3[%add3A_4, %dma_start3A_54] : memref<16384x200xf32, #tpu.memory_space<hbm>> -> memref<4x200xf32, #tpu.memory_space<hbm>>
    tpu.enqueue_dma source(%dma_start3A_55 : memref<4x200xf32, #tpu.memory_space<hbm>>) target(%arg8 : memref<4x200xf32, #tpu.memory_space<vmem>>) target_semaphore(%arg15 : memref<!tpu.dma_semaphore, #tpu.memory_space<semaphore_mem>>)
    %add3A_56 = arith.constant 4 : i32
    %add3A_57 = arith.addi %mul3A_2, %add3A_56 : i32
    %add3A_58 = arith.constant 0 : i32
    %add3A_59 = arith.addi %add3A_57, %add3A_58 : i32
    %dma_start3A_60 = arith.constant 0 : i32
    %dma_start3A_61 = tpu.memref_slice %arg7[%dma_start3A_60] : memref<800xi32, #tpu.memory_space<vmem>> -> memref<200xi32, #tpu.memory_space<vmem>>
    %dma_start3A_62 = arith.constant 0 : i32
    %dma_start3A_63 = tpu.memref_slice %arg2[%add3A_59, %dma_start3A_62] : memref<16384x200xi32, #tpu.memory_space<hbm>> -> memref<1x200xi32, #tpu.memory_space<hbm>>
    %dma_start3A_64 = tpu.memref_squeeze %dma_start3A_63 : memref<1x200xi32, #tpu.memory_space<hbm>> -> memref<200xi32, #tpu.memory_space<hbm>>
    %dma_start3A_65 = arith.constant 0 : i32
    %dma_start3A_66 = tpu.memref_slice %arg7[%dma_start3A_65] : memref<800xi32, #tpu.memory_space<vmem>> -> memref<200xi32, #tpu.memory_space<vmem>>
    %dma_start3A_67 = arith.constant 0 : i32
    %dma_start3A_68 = tpu.memref_slice %arg2[%add3A_59, %dma_start3A_67] : memref<16384x200xi32, #tpu.memory_space<hbm>> -> memref<1x200xi32, #tpu.memory_space<hbm>>
    %dma_start3A_69 = tpu.memref_squeeze %dma_start3A_68 : memref<1x200xi32, #tpu.memory_space<hbm>> -> memref<200xi32, #tpu.memory_space<hbm>>
    tpu.enqueue_dma source(%dma_start3A_69 : memref<200xi32, #tpu.memory_space<hbm>>) target(%dma_start3A_66 : memref<200xi32, #tpu.memory_space<vmem>>) target_semaphore(%arg14 : memref<!tpu.dma_semaphore, #tpu.memory_space<semaphore_mem>>)
    %add3A_70 = arith.constant 1 : i32
    %add3A_71 = arith.addi %add3A_57, %add3A_70 : i32
    %dma_start3A_72 = arith.constant 200 : i32
    %dma_start3A_73 = tpu.memref_slice %arg7[%dma_start3A_72] : memref<800xi32, #tpu.memory_space<vmem>> -> memref<200xi32, #tpu.memory_space<vmem>>
    %dma_start3A_74 = arith.constant 0 : i32
    %dma_start3A_75 = tpu.memref_slice %arg2[%add3A_71, %dma_start3A_74] : memref<16384x200xi32, #tpu.memory_space<hbm>> -> memref<1x200xi32, #tpu.memory_space<hbm>>
    %dma_start3A_76 = tpu.memref_squeeze %dma_start3A_75 : memref<1x200xi32, #tpu.memory_space<hbm>> -> memref<200xi32, #tpu.memory_space<hbm>>
    %dma_start3A_77 = arith.constant 200 : i32
    %dma_start3A_78 = tpu.memref_slice %arg7[%dma_start3A_77] : memref<800xi32, #tpu.memory_space<vmem>> -> memref<200xi32, #tpu.memory_space<vmem>>
    %dma_start3A_79 = arith.constant 0 : i32
    %dma_start3A_80 = tpu.memref_slice %arg2[%add3A_71, %dma_start3A_79] : memref<16384x200xi32, #tpu.memory_space<hbm>> -> memref<1x200xi32, #tpu.memory_space<hbm>>
    %dma_start3A_81 = tpu.memref_squeeze %dma_start3A_80 : memref<1x200xi32, #tpu.memory_space<hbm>> -> memref<200xi32, #tpu.memory_space<hbm>>
    tpu.enqueue_dma source(%dma_start3A_81 : memref<200xi32, #tpu.memory_space<hbm>>) target(%dma_start3A_78 : memref<200xi32, #tpu.memory_space<vmem>>) target_semaphore(%arg14 : memref<!tpu.dma_semaphore, #tpu.memory_space<semaphore_mem>>)
    %add3A_82 = arith.constant 2 : i32
    %add3A_83 = arith.addi %add3A_57, %add3A_82 : i32
    %dma_start3A_84 = arith.constant 400 : i32
    %dma_start3A_85 = tpu.memref_slice %arg7[%dma_start3A_84] : memref<800xi32, #tpu.memory_space<vmem>> -> memref<200xi32, #tpu.memory_space<vmem>>
    %dma_start3A_86 = arith.constant 0 : i32
    %dma_start3A_87 = tpu.memref_slice %arg2[%add3A_83, %dma_start3A_86] : memref<16384x200xi32, #tpu.memory_space<hbm>> -> memref<1x200xi32, #tpu.memory_space<hbm>>
    %dma_start3A_88 = tpu.memref_squeeze %dma_start3A_87 : memref<1x200xi32, #tpu.memory_space<hbm>> -> memref<200xi32, #tpu.memory_space<hbm>>
    %dma_start3A_89 = arith.constant 400 : i32
    %dma_start3A_90 = tpu.memref_slice %arg7[%dma_start3A_89] : memref<800xi32, #tpu.memory_space<vmem>> -> memref<200xi32, #tpu.memory_space<vmem>>
    %dma_start3A_91 = arith.constant 0 : i32
    %dma_start3A_92 = tpu.memref_slice %arg2[%add3A_83, %dma_start3A_91] : memref<16384x200xi32, #tpu.memory_space<hbm>> -> memref<1x200xi32, #tpu.memory_space<hbm>>
    %dma_start3A_93 = tpu.memref_squeeze %dma_start3A_92 : memref<1x200xi32, #tpu.memory_space<hbm>> -> memref<200xi32, #tpu.memory_space<hbm>>
    tpu.enqueue_dma source(%dma_start3A_93 : memref<200xi32, #tpu.memory_space<hbm>>) target(%dma_start3A_90 : memref<200xi32, #tpu.memory_space<vmem>>) target_semaphore(%arg14 : memref<!tpu.dma_semaphore, #tpu.memory_space<semaphore_mem>>)
    %add3A_94 = arith.constant 3 : i32
    %add3A_95 = arith.addi %add3A_57, %add3A_94 : i32
    %dma_start3A_96 = arith.constant 600 : i32
    %dma_start3A_97 = tpu.memref_slice %arg7[%dma_start3A_96] : memref<800xi32, #tpu.memory_space<vmem>> -> memref<200xi32, #tpu.memory_space<vmem>>
    %dma_start3A_98 = arith.constant 0 : i32
    %dma_start3A_99 = tpu.memref_slice %arg2[%add3A_95, %dma_start3A_98] : memref<16384x200xi32, #tpu.memory_space<hbm>> -> memref<1x200xi32, #tpu.memory_space<hbm>>
    %dma_start3A_100 = tpu.memref_squeeze %dma_start3A_99 : memref<1x200xi32, #tpu.memory_space<hbm>> -> memref<200xi32, #tpu.memory_space<hbm>>
    %dma_start3A_101 = arith.constant 600 : i32
    %dma_start3A_102 = tpu.memref_slice %arg7[%dma_start3A_101] : memref<800xi32, #tpu.memory_space<vmem>> -> memref<200xi32, #tpu.memory_space<vmem>>
    %dma_start3A_103 = arith.constant 0 : i32
    %dma_start3A_104 = tpu.memref_slice %arg2[%add3A_95, %dma_start3A_103] : memref<16384x200xi32, #tpu.memory_space<hbm>> -> memref<1x200xi32, #tpu.memory_space<hbm>>
    %dma_start3A_105 = tpu.memref_squeeze %dma_start3A_104 : memref<1x200xi32, #tpu.memory_space<hbm>> -> memref<200xi32, #tpu.memory_space<hbm>>
    tpu.enqueue_dma source(%dma_start3A_105 : memref<200xi32, #tpu.memory_space<hbm>>) target(%dma_start3A_102 : memref<200xi32, #tpu.memory_space<vmem>>) target_semaphore(%arg14 : memref<!tpu.dma_semaphore, #tpu.memory_space<semaphore_mem>>)
    %dma_start3A_106 = arith.constant 0 : i32
    %dma_start3A_107 = tpu.memref_slice %arg3[%add3A_57, %dma_start3A_106] : memref<16384x200xf32, #tpu.memory_space<hbm>> -> memref<4x200xf32, #tpu.memory_space<hbm>>
    %dma_start3A_108 = arith.constant 0 : i32
    %dma_start3A_109 = tpu.memref_slice %arg3[%add3A_57, %dma_start3A_108] : memref<16384x200xf32, #tpu.memory_space<hbm>> -> memref<4x200xf32, #tpu.memory_space<hbm>>
    tpu.enqueue_dma source(%dma_start3A_109 : memref<4x200xf32, #tpu.memory_space<hbm>>) target(%arg9 : memref<4x200xf32, #tpu.memory_space<vmem>>) target_semaphore(%arg16 : memref<!tpu.dma_semaphore, #tpu.memory_space<semaphore_mem>>)
    %dma_wait3A = arith.constant 0 : i32
    %dma_wait3A_110 = arith.constant 0 : i32
    %dma_wait3A_111 = tpu.memref_slice %arg6[%dma_wait3A_110] : memref<800xi32, #tpu.memory_space<vmem>> -> memref<200xi32, #tpu.memory_space<vmem>>
    %dma_wait3A_112 = arith.constant 0 : i32
    %dma_wait3A_113 = tpu.memref_slice %arg2[%dma_wait3A, %dma_wait3A_112] : memref<16384x200xi32, #tpu.memory_space<hbm>> -> memref<1x200xi32, #tpu.memory_space<hbm>>
    %dma_wait3A_114 = tpu.memref_squeeze %dma_wait3A_113 : memref<1x200xi32, #tpu.memory_space<hbm>> -> memref<200xi32, #tpu.memory_space<hbm>>
    %dma_wait3A_115 = arith.constant 0 : i32
    %dma_wait3A_116 = tpu.memref_slice %arg6[%dma_wait3A_115] : memref<800xi32, #tpu.memory_space<vmem>> -> memref<200xi32, #tpu.memory_space<vmem>>
    %dma_wait3A_117 = arith.constant 0 : i32
    %dma_wait3A_118 = tpu.memref_slice %arg2[%dma_wait3A, %dma_wait3A_117] : memref<16384x200xi32, #tpu.memory_space<hbm>> -> memref<1x200xi32, #tpu.memory_space<hbm>>
    %dma_wait3A_119 = tpu.memref_squeeze %dma_wait3A_118 : memref<1x200xi32, #tpu.memory_space<hbm>> -> memref<200xi32, #tpu.memory_space<hbm>>
    tpu.wait_dma2 semaphore(%arg13 : memref<!tpu.dma_semaphore, #tpu.memory_space<semaphore_mem>>) src(%dma_wait3A_119 : memref<200xi32, #tpu.memory_space<hbm>>) dst(%dma_wait3A_116 : memref<200xi32, #tpu.memory_space<vmem>>)
    %dma_wait3A_120 = arith.constant 0 : i32
    %dma_wait3A_121 = arith.constant 200 : i32
    %dma_wait3A_122 = tpu.memref_slice %arg6[%dma_wait3A_121] : memref<800xi32, #tpu.memory_space<vmem>> -> memref<200xi32, #tpu.memory_space<vmem>>
    %dma_wait3A_123 = arith.constant 0 : i32
    %dma_wait3A_124 = tpu.memref_slice %arg2[%dma_wait3A_120, %dma_wait3A_123] : memref<16384x200xi32, #tpu.memory_space<hbm>> -> memref<1x200xi32, #tpu.memory_space<hbm>>
    %dma_wait3A_125 = tpu.memref_squeeze %dma_wait3A_124 : memref<1x200xi32, #tpu.memory_space<hbm>> -> memref<200xi32, #tpu.memory_space<hbm>>
    %dma_wait3A_126 = arith.constant 200 : i32
    %dma_wait3A_127 = tpu.memref_slice %arg6[%dma_wait3A_126] : memref<800xi32, #tpu.memory_space<vmem>> -> memref<200xi32, #tpu.memory_space<vmem>>
    %dma_wait3A_128 = arith.constant 0 : i32
    %dma_wait3A_129 = tpu.memref_slice %arg2[%dma_wait3A_120, %dma_wait3A_128] : memref<16384x200xi32, #tpu.memory_space<hbm>> -> memref<1x200xi32, #tpu.memory_space<hbm>>
    %dma_wait3A_130 = tpu.memref_squeeze %dma_wait3A_129 : memref<1x200xi32, #tpu.memory_space<hbm>> -> memref<200xi32, #tpu.memory_space<hbm>>
    tpu.wait_dma2 semaphore(%arg13 : memref<!tpu.dma_semaphore, #tpu.memory_space<semaphore_mem>>) src(%dma_wait3A_130 : memref<200xi32, #tpu.memory_space<hbm>>) dst(%dma_wait3A_127 : memref<200xi32, #tpu.memory_space<vmem>>)
    %dma_wait3A_131 = arith.constant 0 : i32
    %dma_wait3A_132 = arith.constant 400 : i32
    %dma_wait3A_133 = tpu.memref_slice %arg6[%dma_wait3A_132] : memref<800xi32, #tpu.memory_space<vmem>> -> memref<200xi32, #tpu.memory_space<vmem>>
    %dma_wait3A_134 = arith.constant 0 : i32
    %dma_wait3A_135 = tpu.memref_slice %arg2[%dma_wait3A_131, %dma_wait3A_134] : memref<16384x200xi32, #tpu.memory_space<hbm>> -> memref<1x200xi32, #tpu.memory_space<hbm>>
    %dma_wait3A_136 = tpu.memref_squeeze %dma_wait3A_135 : memref<1x200xi32, #tpu.memory_space<hbm>> -> memref<200xi32, #tpu.memory_space<hbm>>
    %dma_wait3A_137 = arith.constant 400 : i32
    %dma_wait3A_138 = tpu.memref_slice %arg6[%dma_wait3A_137] : memref<800xi32, #tpu.memory_space<vmem>> -> memref<200xi32, #tpu.memory_space<vmem>>
    %dma_wait3A_139 = arith.constant 0 : i32
    %dma_wait3A_140 = tpu.memref_slice %arg2[%dma_wait3A_131, %dma_wait3A_139] : memref<16384x200xi32, #tpu.memory_space<hbm>> -> memref<1x200xi32, #tpu.memory_space<hbm>>
    %dma_wait3A_141 = tpu.memref_squeeze %dma_wait3A_140 : memref<1x200xi32, #tpu.memory_space<hbm>> -> memref<200xi32, #tpu.memory_space<hbm>>
    tpu.wait_dma2 semaphore(%arg13 : memref<!tpu.dma_semaphore, #tpu.memory_space<semaphore_mem>>) src(%dma_wait3A_141 : memref<200xi32, #tpu.memory_space<hbm>>) dst(%dma_wait3A_138 : memref<200xi32, #tpu.memory_space<vmem>>)
    %dma_wait3A_142 = arith.constant 0 : i32
    %dma_wait3A_143 = arith.constant 600 : i32
    %dma_wait3A_144 = tpu.memref_slice %arg6[%dma_wait3A_143] : memref<800xi32, #tpu.memory_space<vmem>> -> memref<200xi32, #tpu.memory_space<vmem>>
    %dma_wait3A_145 = arith.constant 0 : i32
    %dma_wait3A_146 = tpu.memref_slice %arg2[%dma_wait3A_142, %dma_wait3A_145] : memref<16384x200xi32, #tpu.memory_space<hbm>> -> memref<1x200xi32, #tpu.memory_space<hbm>>
    %dma_wait3A_147 = tpu.memref_squeeze %dma_wait3A_146 : memref<1x200xi32, #tpu.memory_space<hbm>> -> memref<200xi32, #tpu.memory_space<hbm>>
    %dma_wait3A_148 = arith.constant 600 : i32
    %dma_wait3A_149 = tpu.memref_slice %arg6[%dma_wait3A_148] : memref<800xi32, #tpu.memory_space<vmem>> -> memref<200xi32, #tpu.memory_space<vmem>>
    %dma_wait3A_150 = arith.constant 0 : i32
    %dma_wait3A_151 = tpu.memref_slice %arg2[%dma_wait3A_142, %dma_wait3A_150] : memref<16384x200xi32, #tpu.memory_space<hbm>> -> memref<1x200xi32, #tpu.memory_space<hbm>>
    %dma_wait3A_152 = tpu.memref_squeeze %dma_wait3A_151 : memref<1x200xi32, #tpu.memory_space<hbm>> -> memref<200xi32, #tpu.memory_space<hbm>>
    tpu.wait_dma2 semaphore(%arg13 : memref<!tpu.dma_semaphore, #tpu.memory_space<semaphore_mem>>) src(%dma_wait3A_152 : memref<200xi32, #tpu.memory_space<hbm>>) dst(%dma_wait3A_149 : memref<200xi32, #tpu.memory_space<vmem>>)
    %dma_wait3A_153 = arith.constant 0 : i32
    %dma_wait3A_154 = arith.constant 0 : i32
    %dma_wait3A_155 = tpu.memref_slice %arg3[%dma_wait3A_153, %dma_wait3A_154] : memref<16384x200xf32, #tpu.memory_space<hbm>> -> memref<4x200xf32, #tpu.memory_space<hbm>>
    %dma_wait3A_156 = arith.constant 0 : i32
    %dma_wait3A_157 = arith.constant 0 : i32
    %dma_wait3A_158 = tpu.memref_slice %arg3[%dma_wait3A_156, %dma_wait3A_157] : memref<16384x200xf32, #tpu.memory_space<hbm>> -> memref<4x200xf32, #tpu.memory_space<hbm>>
    tpu.wait_dma2 semaphore(%arg15 : memref<!tpu.dma_semaphore, #tpu.memory_space<semaphore_mem>>) src(%dma_wait3A_158 : memref<4x200xf32, #tpu.memory_space<hbm>>) dst(%arg8 : memref<4x200xf32, #tpu.memory_space<vmem>>)
    %get3A = arith.constant 0 : index
    %get3A_159 = tpu.vector_load %arg6[%get3A] {strides = array<i32>} : memref<800xi32, #tpu.memory_space<vmem>>, vector<16xi32>,
    %get3A_160 = vector.shape_cast %get3A_159 : vector<16xi32> to vector<16xi32>
    %mul3A_161 = arith.constant 2 : i32
    %mul3A_162 = vector.broadcast %mul3A_161 : i32 to vector<16xi32>
    %mul3A_163 = arith.muli %get3A_160, %mul3A_162 : vector<16xi32>
    %swap3A = arith.constant 0 : index
    %swap3A_164 = tpu.vector_load %arg6[%swap3A] {strides = array<i32>} : memref<800xi32, #tpu.memory_space<vmem>>, vector<16xi32>,
    %swap3A_165 = vector.shape_cast %swap3A_164 : vector<16xi32> to vector<16xi32>
    %swap3A_166 = vector.shape_cast %mul3A_163 : vector<16xi32> to vector<16xi32>
    tpu.vector_store %arg6[%swap3A], %swap3A_166 {strides = array<i32>} : memref<800xi32, #tpu.memory_space<vmem>>, vector<16xi32>,
    %get3A_167 = arith.constant 16 : index
    %get3A_168 = tpu.vector_load %arg6[%get3A_167] {strides = array<i32>} : memref<800xi32, #tpu.memory_space<vmem>>, vector<16xi32>,
    %get3A_169 = vector.shape_cast %get3A_168 : vector<16xi32> to vector<16xi32>
    %mul3A_170 = arith.constant 2 : i32
    %mul3A_171 = vector.broadcast %mul3A_170 : i32 to vector<16xi32>
    %mul3A_172 = arith.muli %get3A_169, %mul3A_171 : vector<16xi32>
    %swap3A_173 = arith.constant 16 : index
    %swap3A_174 = tpu.vector_load %arg6[%swap3A_173] {strides = array<i32>} : memref<800xi32, #tpu.memory_space<vmem>>, vector<16xi32>,
    %swap3A_175 = vector.shape_cast %swap3A_174 : vector<16xi32> to vector<16xi32>
    %swap3A_176 = vector.shape_cast %mul3A_172 : vector<16xi32> to vector<16xi32>
    tpu.vector_store %arg6[%swap3A_173], %swap3A_176 {strides = array<i32>} : memref<800xi32, #tpu.memory_space<vmem>>, vector<16xi32>,
    %get3A_177 = arith.constant 32 : index
    %get3A_178 = tpu.vector_load %arg6[%get3A_177] {strides = array<i32>} : memref<800xi32, #tpu.memory_space<vmem>>, vector<16xi32>,
    %get3A_179 = vector.shape_cast %get3A_178 : vector<16xi32> to vector<16xi32>
    %mul3A_180 = arith.constant 2 : i32
    %mul3A_181 = vector.broadcast %mul3A_180 : i32 to vector<16xi32>
    %mul3A_182 = arith.muli %get3A_179, %mul3A_181 : vector<16xi32>
    %swap3A_183 = arith.constant 32 : index
    %swap3A_184 = tpu.vector_load %arg6[%swap3A_183] {strides = array<i32>} : memref<800xi32, #tpu.memory_space<vmem>>, vector<16xi32>,
    %swap3A_185 = vector.shape_cast %swap3A_184 : vector<16xi32> to vector<16xi32>
    %swap3A_186 = vector.shape_cast %mul3A_182 : vector<16xi32> to vector<16xi32>
    tpu.vector_store %arg6[%swap3A_183], %swap3A_186 {strides = array<i32>} : memref<800xi32, #tpu.memory_space<vmem>>, vector<16xi32>,
    %get3A_187 = arith.constant 48 : index
    %get3A_188 = tpu.vector_load %arg6[%get3A_187] {strides = array<i32>} : memref<800xi32, #tpu.memory_space<vmem>>, vector<16xi32>,
    %get3A_189 = vector.shape_cast %get3A_188 : vector<16xi32> to vector<16xi32>
    %mul3A_190 = arith.constant 2 : i32
    %mul3A_191 = vector.broadcast %mul3A_190 : i32 to vector<16xi32>
    %mul3A_192 = arith.muli %get3A_189, %mul3A_191 : vector<16xi32>
    %swap3A_193 = arith.constant 48 : index
    %swap3A_194 = tpu.vector_load %arg6[%swap3A_193] {strides = array<i32>} : memref<800xi32, #tpu.memory_space<vmem>>, vector<16xi32>,
    %swap3A_195 = vector.shape_cast %swap3A_194 : vector<16xi32> to vector<16xi32>
    %swap3A_196 = vector.shape_cast %mul3A_192 : vector<16xi32> to vector<16xi32>
    tpu.vector_store %arg6[%swap3A_193], %swap3A_196 {strides = array<i32>} : memref<800xi32, #tpu.memory_space<vmem>>, vector<16xi32>,
    %get3A_197 = arith.constant 64 : index
    %get3A_198 = tpu.vector_load %arg6[%get3A_197] {strides = array<i32>} : memref<800xi32, #tpu.memory_space<vmem>>, vector<16xi32>,
    %get3A_199 = vector.shape_cast %get3A_198 : vector<16xi32> to vector<16xi32>
    %mul3A_200 = arith.constant 2 : i32
    %mul3A_201 = vector.broadcast %mul3A_200 : i32 to vector<16xi32>
    %mul3A_202 = arith.muli %get3A_199, %mul3A_201 : vector<16xi32>
    %swap3A_203 = arith.constant 64 : index
    %swap3A_204 = tpu.vector_load %arg6[%swap3A_203] {strides = array<i32>} : memref<800xi32, #tpu.memory_space<vmem>>, vector<16xi32>,
    %swap3A_205 = vector.shape_cast %swap3A_204 : vector<16xi32> to vector<16xi32>
    %swap3A_206 = vector.shape_cast %mul3A_202 : vector<16xi32> to vector<16xi32>
    tpu.vector_store %arg6[%swap3A_203], %swap3A_206 {strides = array<i32>} : memref<800xi32, #tpu.memory_space<vmem>>, vector<16xi32>,
    %get3A_207 = arith.constant 80 : index
    %get3A_208 = tpu.vector_load %arg6[%get3A_207] {strides = array<i32>} : memref<800xi32, #tpu.memory_space<vmem>>, vector<16xi32>,
    %get3A_209 = vector.shape_cast %get3A_208 : vector<16xi32> to vector<16xi32>
    %mul3A_210 = arith.constant 2 : i32
    %mul3A_211 = vector.broadcast %mul3A_210 : i32 to vector<16xi32>
    %mul3A_212 = arith.muli %get3A_209, %mul3A_211 : vector<16xi32>
    %swap3A_213 = arith.constant 80 : index
    %swap3A_214 = tpu.vector_load %arg6[%swap3A_213] {strides = array<i32>} : memref<800xi32, #tpu.memory_space<vmem>>, vector<16xi32>,
    %swap3A_215 = vector.shape_cast %swap3A_214 : vector<16xi32> to vector<16xi32>
    %swap3A_216 = vector.shape_cast %mul3A_212 : vector<16xi32> to vector<16xi32>
    tpu.vector_store %arg6[%swap3A_213], %swap3A_216 {strides = array<i32>} : memref<800xi32, #tpu.memory_space<vmem>>, vector<16xi32>,
    %get3A_217 = arith.constant 96 : index
    %get3A_218 = tpu.vector_load %arg6[%get3A_217] {strides = array<i32>} : memref<800xi32, #tpu.memory_space<vmem>>, vector<16xi32>,
    %get3A_219 = vector.shape_cast %get3A_218 : vector<16xi32> to vector<16xi32>
    %mul3A_220 = arith.constant 2 : i32
    %mul3A_221 = vector.broadcast %mul3A_220 : i32 to vector<16xi32>
    %mul3A_222 = arith.muli %get3A_219, %mul3A_221 : vector<16xi32>
    %swap3A_223 = arith.constant 96 : index
    %swap3A_224 = tpu.vector_load %arg6[%swap3A_223] {strides = array<i32>} : memref<800xi32, #tpu.memory_space<vmem>>, vector<16xi32>,
    %swap3A_225 = vector.shape_cast %swap3A_224 : vector<16xi32> to vector<16xi32>
    %swap3A_226 = vector.shape_cast %mul3A_222 : vector<16xi32> to vector<16xi32>
    tpu.vector_store %arg6[%swap3A_223], %swap3A_226 {strides = array<i32>} : memref<800xi32, #tpu.memory_space<vmem>>, vector<16xi32>,
    %get3A_227 = arith.constant 112 : index
    %get3A_228 = tpu.vector_load %arg6[%get3A_227] {strides = array<i32>} : memref<800xi32, #tpu.memory_space<vmem>>, vector<16xi32>,
    %get3A_229 = vector.shape_cast %get3A_228 : vector<16xi32> to vector<16xi32>
    %mul3A_230 = arith.constant 2 : i32
    %mul3A_231 = vector.broadcast %mul3A_230 : i32 to vector<16xi32>
    %mul3A_232 = arith.muli %get3A_229, %mul3A_231 : vector<16xi32>
    %swap3A_233 = arith.constant 112 : index
    %swap3A_234 = tpu.vector_load %arg6[%swap3A_233] {strides = array<i32>} : memref<800xi32, #tpu.memory_space<vmem>>, vector<16xi32>,
    %swap3A_235 = vector.shape_cast %swap3A_234 : vector<16xi32> to vector<16xi32>
    %swap3A_236 = vector.shape_cast %mul3A_232 : vector<16xi32> to vector<16xi32>
    tpu.vector_store %arg6[%swap3A_233], %swap3A_236 {strides = array<i32>} : memref<800xi32, #tpu.memory_space<vmem>>, vector<16xi32>,
    %get3A_237 = arith.constant 128 : index
    %get3A_238 = tpu.vector_load %arg6[%get3A_237] {strides = array<i32>} : memref<800xi32, #tpu.memory_space<vmem>>, vector<16xi32>,
    %get3A_239 = vector.shape_cast %get3A_238 : vector<16xi32> to vector<16xi32>
    %mul3A_240 = arith.constant 2 : i32
    %mul3A_241 = vector.broadcast %mul3A_240 : i32 to vector<16xi32>
    %mul3A_242 = arith.muli %get3A_239, %mul3A_241 : vector<16xi32>
    %swap3A_243 = arith.constant 128 : index
    %swap3A_244 = tpu.vector_load %arg6[%swap3A_243] {strides = array<i32>} : memref<800xi32, #tpu.memory_space<vmem>>, vector<16xi32>,
    %swap3A_245 = vector.shape_cast %swap3A_244 : vector<16xi32> to vector<16xi32>
    %swap3A_246 = vector.shape_cast %mul3A_242 : vector<16xi32> to vector<16xi32>
    tpu.vector_store %arg6[%swap3A_243], %swap3A_246 {strides = array<i32>} : memref<800xi32, #tpu.memory_space<vmem>>, vector<16xi32>,
    %get3A_247 = arith.constant 144 : index
    %get3A_248 = tpu.vector_load %arg6[%get3A_247] {strides = array<i32>} : memref<800xi32, #tpu.memory_space<vmem>>, vector<16xi32>,
    %get3A_249 = vector.shape_cast %get3A_248 : vector<16xi32> to vector<16xi32>
    %mul3A_250 = arith.constant 2 : i32
    %mul3A_251 = vector.broadcast %mul3A_250 : i32 to vector<16xi32>
    %mul3A_252 = arith.muli %get3A_249, %mul3A_251 : vector<16xi32>
    %swap3A_253 = arith.constant 144 : index
    %swap3A_254 = tpu.vector_load %arg6[%swap3A_253] {strides = array<i32>} : memref<800xi32, #tpu.memory_space<vmem>>, vector<16xi32>,
    %swap3A_255 = vector.shape_cast %swap3A_254 : vector<16xi32> to vector<16xi32>
    %swap3A_256 = vector.shape_cast %mul3A_252 : vector<16xi32> to vector<16xi32>
    tpu.vector_store %arg6[%swap3A_253], %swap3A_256 {strides = array<i32>} : memref<800xi32, #tpu.memory_space<vmem>>, vector<16xi32>,
    %get3A_257 = arith.constant 160 : index
    %get3A_258 = tpu.vector_load %arg6[%get3A_257] {strides = array<i32>} : memref<800xi32, #tpu.memory_space<vmem>>, vector<16xi32>,
    %get3A_259 = vector.shape_cast %get3A_258 : vector<16xi32> to vector<16xi32>
    %mul3A_260 = arith.constant 2 : i32
    %mul3A_261 = vector.broadcast %mul3A_260 : i32 to vector<16xi32>
    %mul3A_262 = arith.muli %get3A_259, %mul3A_261 : vector<16xi32>
    %swap3A_263 = arith.constant 160 : index
    %swap3A_264 = tpu.vector_load %arg6[%swap3A_263] {strides = array<i32>} : memref<800xi32, #tpu.memory_space<vmem>>, vector<16xi32>,
    %swap3A_265 = vector.shape_cast %swap3A_264 : vector<16xi32> to vector<16xi32>
    %swap3A_266 = vector.shape_cast %mul3A_262 : vector<16xi32> to vector<16xi32>
    tpu.vector_store %arg6[%swap3A_263], %swap3A_266 {strides = array<i32>} : memref<800xi32, #tpu.memory_space<vmem>>, vector<16xi32>,
    %get3A_267 = arith.constant 176 : index
    %get3A_268 = tpu.vector_load %arg6[%get3A_267] {strides = array<i32>} : memref<800xi32, #tpu.memory_space<vmem>>, vector<16xi32>,
    %get3A_269 = vector.shape_cast %get3A_268 : vector<16xi32> to vector<16xi32>
    %mul3A_270 = arith.constant 2 : i32
    %mul3A_271 = vector.broadcast %mul3A_270 : i32 to vector<16xi32>
    %mul3A_272 = arith.muli %get3A_269, %mul3A_271 : vector<16xi32>
    %swap3A_273 = arith.constant 176 : index
    %swap3A_274 = tpu.vector_load %arg6[%swap3A_273] {strides = array<i32>} : memref<800xi32, #tpu.memory_space<vmem>>, vector<16xi32>,
    %swap3A_275 = vector.shape_cast %swap3A_274 : vector<16xi32> to vector<16xi32>
    %swap3A_276 = vector.shape_cast %mul3A_272 : vector<16xi32> to vector<16xi32>
    tpu.vector_store %arg6[%swap3A_273], %swap3A_276 {strides = array<i32>} : memref<800xi32, #tpu.memory_space<vmem>>, vector<16xi32>,
    %get3A_277 = arith.constant 192 : index
    %get3A_278 = tpu.vector_load %arg6[%get3A_277] {strides = array<i32>} : memref<800xi32, #tpu.memory_space<vmem>>, vector<16xi32>,
    %get3A_279 = vector.shape_cast %get3A_278 : vector<16xi32> to vector<16xi32>
    %mul3A_280 = arith.constant 2 : i32
    %mul3A_281 = vector.broadcast %mul3A_280 : i32 to vector<16xi32>
    %mul3A_282 = arith.muli %get3A_279, %mul3A_281 : vector<16xi32>
    %swap3A_283 = arith.constant 192 : index
    %swap3A_284 = tpu.vector_load %arg6[%swap3A_283] {strides = array<i32>} : memref<800xi32, #tpu.memory_space<vmem>>, vector<16xi32>,
    %swap3A_285 = vector.shape_cast %swap3A_284 : vector<16xi32> to vector<16xi32>
    %swap3A_286 = vector.shape_cast %mul3A_282 : vector<16xi32> to vector<16xi32>
    tpu.vector_store %arg6[%swap3A_283], %swap3A_286 {strides = array<i32>} : memref<800xi32, #tpu.memory_space<vmem>>, vector<16xi32>,
    %get3A_287 = arith.constant 208 : index
    %get3A_288 = tpu.vector_load %arg6[%get3A_287] {strides = array<i32>} : memref<800xi32, #tpu.memory_space<vmem>>, vector<16xi32>,
    %get3A_289 = vector.shape_cast %get3A_288 : vector<16xi32> to vector<16xi32>
    %mul3A_290 = arith.constant 2 : i32
    %mul3A_291 = vector.broadcast %mul3A_290 : i32 to vector<16xi32>
    %mul3A_292 = arith.muli %get3A_289, %mul3A_291 : vector<16xi32>
    %swap3A_293 = arith.constant 208 : index
    %swap3A_294 = tpu.vector_load %arg6[%swap3A_293] {strides = array<i32>} : memref<800xi32, #tpu.memory_space<vmem>>, vector<16xi32>,
    %swap3A_295 = vector.shape_cast %swap3A_294 : vector<16xi32> to vector<16xi32>
    %swap3A_296 = vector.shape_cast %mul3A_292 : vector<16xi32> to vector<16xi32>
    tpu.vector_store %arg6[%swap3A_293], %swap3A_296 {strides = array<i32>} : memref<800xi32, #tpu.memory_space<vmem>>, vector<16xi32>,
    %get3A_297 = arith.constant 224 : index
    %get3A_298 = tpu.vector_load %arg6[%get3A_297] {strides = array<i32>} : memref<800xi32, #tpu.memory_space<vmem>>, vector<16xi32>,
    %get3A_299 = vector.shape_cast %get3A_298 : vector<16xi32> to vector<16xi32>
    %mul3A_300 = arith.constant 2 : i32
    %mul3A_301 = vector.broadcast %mul3A_300 : i32 to vector<16xi32>
    %mul3A_302 = arith.muli %get3A_299, %mul3A_301 : vector<16xi32>
    %swap3A_303 = arith.constant 224 : index
    %swap3A_304 = tpu.vector_load %arg6[%swap3A_303] {strides = array<i32>} : memref<800xi32, #tpu.memory_space<vmem>>, vector<16xi32>,
    %swap3A_305 = vector.shape_cast %swap3A_304 : vector<16xi32> to vector<16xi32>
    %swap3A_306 = vector.shape_cast %mul3A_302 : vector<16xi32> to vector<16xi32>
    tpu.vector_store %arg6[%swap3A_303], %swap3A_306 {strides = array<i32>} : memref<800xi32, #tpu.memory_space<vmem>>, vector<16xi32>,
    %get3A_307 = arith.constant 240 : index
    %get3A_308 = tpu.vector_load %arg6[%get3A_307] {strides = array<i32>} : memref<800xi32, #tpu.memory_space<vmem>>, vector<16xi32>,
    %get3A_309 = vector.shape_cast %get3A_308 : vector<16xi32> to vector<16xi32>
    %mul3A_310 = arith.constant 2 : i32
    %mul3A_311 = vector.broadcast %mul3A_310 : i32 to vector<16xi32>
    %mul3A_312 = arith.muli %get3A_309, %mul3A_311 : vector<16xi32>
    %swap3A_313 = arith.constant 240 : index
    %swap3A_314 = tpu.vector_load %arg6[%swap3A_313] {strides = array<i32>} : memref<800xi32, #tpu.memory_space<vmem>>, vector<16xi32>,
    %swap3A_315 = vector.shape_cast %swap3A_314 : vector<16xi32> to vector<16xi32>
    %swap3A_316 = vector.shape_cast %mul3A_312 : vector<16xi32> to vector<16xi32>
    tpu.vector_store %arg6[%swap3A_313], %swap3A_316 {strides = array<i32>} : memref<800xi32, #tpu.memory_space<vmem>>, vector<16xi32>,
    %get3A_317 = arith.constant 256 : index
    %get3A_318 = tpu.vector_load %arg6[%get3A_317] {strides = array<i32>} : memref<800xi32, #tpu.memory_space<vmem>>, vector<16xi32>,
    %get3A_319 = vector.shape_cast %get3A_318 : vector<16xi32> to vector<16xi32>
    %mul3A_320 = arith.constant 2 : i32
    %mul3A_321 = vector.broadcast %mul3A_320 : i32 to vector<16xi32>
    %mul3A_322 = arith.muli %get3A_319, %mul3A_321 : vector<16xi32>
    %swap3A_323 = arith.constant 256 : index
    %swap3A_324 = tpu.vector_load %arg6[%swap3A_323] {strides = array<i32>} : memref<800xi32, #tpu.memory_space<vmem>>, vector<16xi32>,
    %swap3A_325 = vector.shape_cast %swap3A_324 : vector<16xi32> to vector<16xi32>
    %swap3A_326 = vector.shape_cast %mul3A_322 : vector<16xi32> to vector<16xi32>
    tpu.vector_store %arg6[%swap3A_323], %swap3A_326 {strides = array<i32>} : memref<800xi32, #tpu.memory_space<vmem>>, vector<16xi32>,
    %get3A_327 = arith.constant 272 : index
    %get3A_328 = tpu.vector_load %arg6[%get3A_327] {strides = array<i32>} : memref<800xi32, #tpu.memory_space<vmem>>, vector<16xi32>,
    %get3A_329 = vector.shape_cast %get3A_328 : vector<16xi32> to vector<16xi32>
    %mul3A_330 = arith.constant 2 : i32
    %mul3A_331 = vector.broadcast %mul3A_330 : i32 to vector<16xi32>
    %mul3A_332 = arith.muli %get3A_329, %mul3A_331 : vector<16xi32>
    %swap3A_333 = arith.constant 272 : index
    %swap3A_334 = tpu.vector_load %arg6[%swap3A_333] {strides = array<i32>} : memref<800xi32, #tpu.memory_space<vmem>>, vector<16xi32>,
    %swap3A_335 = vector.shape_cast %swap3A_334 : vector<16xi32> to vector<16xi32>
    %swap3A_336 = vector.shape_cast %mul3A_332 : vector<16xi32> to vector<16xi32>
    tpu.vector_store %arg6[%swap3A_333], %swap3A_336 {strides = array<i32>} : memref<800xi32, #tpu.memory_space<vmem>>, vector<16xi32>,
    %get3A_337 = arith.constant 288 : index
    %get3A_338 = tpu.vector_load %arg6[%get3A_337] {strides = array<i32>} : memref<800xi32, #tpu.memory_space<vmem>>, vector<16xi32>,
    %get3A_339 = vector.shape_cast %get3A_338 : vector<16xi32> to vector<16xi32>
    %mul3A_340 = arith.constant 2 : i32
    %mul3A_341 = vector.broadcast %mul3A_340 : i32 to vector<16xi32>
    %mul3A_342 = arith.muli %get3A_339, %mul3A_341 : vector<16xi32>
    %swap3A_343 = arith.constant 288 : index
    %swap3A_344 = tpu.vector_load %arg6[%swap3A_343] {strides = array<i32>} : memref<800xi32, #tpu.memory_space<vmem>>, vector<16xi32>,
    %swap3A_345 = vector.shape_cast %swap3A_344 : vector<16xi32> to vector<16xi32>
    %swap3A_346 = vector.shape_cast %mul3A_342 : vector<16xi32> to vector<16xi32>
    tpu.vector_store %arg6[%swap3A_343], %swap3A_346 {strides = array<i32>} : memref<800xi32, #tpu.memory_space<vmem>>, vector<16xi32>,
    %get3A_347 = arith.constant 304 : index
    %get3A_348 = tpu.vector_load %arg6[%get3A_347] {strides = array<i32>} : memref<800xi32, #tpu.memory_space<vmem>>, vector<16xi32>,
    %get3A_349 = vector.shape_cast %get3A_348 : vector<16xi32> to vector<16xi32>
    %mul3A_350 = arith.constant 2 : i32
    %mul3A_351 = vector.broadcast %mul3A_350 : i32 to vector<16xi32>
    %mul3A_352 = arith.muli %get3A_349, %mul3A_351 : vector<16xi32>
    %swap3A_353 = arith.constant 304 : index
    %swap3A_354 = tpu.vector_load %arg6[%swap3A_353] {strides = array<i32>} : memref<800xi32, #tpu.memory_space<vmem>>, vector<16xi32>,
    %swap3A_355 = vector.shape_cast %swap3A_354 : vector<16xi32> to vector<16xi32>
    %swap3A_356 = vector.shape_cast %mul3A_352 : vector<16xi32> to vector<16xi32>
    tpu.vector_store %arg6[%swap3A_353], %swap3A_356 {strides = array<i32>} : memref<800xi32, #tpu.memory_space<vmem>>, vector<16xi32>,
    %get3A_357 = arith.constant 320 : index
    %get3A_358 = tpu.vector_load %arg6[%get3A_357] {strides = array<i32>} : memref<800xi32, #tpu.memory_space<vmem>>, vector<16xi32>,
    %get3A_359 = vector.shape_cast %get3A_358 : vector<16xi32> to vector<16xi32>
    %mul3A_360 = arith.constant 2 : i32
    %mul3A_361 = vector.broadcast %mul3A_360 : i32 to vector<16xi32>
    %mul3A_362 = arith.muli %get3A_359, %mul3A_361 : vector<16xi32>
    %swap3A_363 = arith.constant 320 : index
    %swap3A_364 = tpu.vector_load %arg6[%swap3A_363] {strides = array<i32>} : memref<800xi32, #tpu.memory_space<vmem>>, vector<16xi32>,
    %swap3A_365 = vector.shape_cast %swap3A_364 : vector<16xi32> to vector<16xi32>
    %swap3A_366 = vector.shape_cast %mul3A_362 : vector<16xi32> to vector<16xi32>
    tpu.vector_store %arg6[%swap3A_363], %swap3A_366 {strides = array<i32>} : memref<800xi32, #tpu.memory_space<vmem>>, vector<16xi32>,
    %get3A_367 = arith.constant 336 : index
    %get3A_368 = tpu.vector_load %arg6[%get3A_367] {strides = array<i32>} : memref<800xi32, #tpu.memory_space<vmem>>, vector<16xi32>,
    %get3A_369 = vector.shape_cast %get3A_368 : vector<16xi32> to vector<16xi32>
    %mul3A_370 = arith.constant 2 : i32
    %mul3A_371 = vector.broadcast %mul3A_370 : i32 to vector<16xi32>
    %mul3A_372 = arith.muli %get3A_369, %mul3A_371 : vector<16xi32>
    %swap3A_373 = arith.constant 336 : index
    %swap3A_374 = tpu.vector_load %arg6[%swap3A_373] {strides = array<i32>} : memref<800xi32, #tpu.memory_space<vmem>>, vector<16xi32>,
    %swap3A_375 = vector.shape_cast %swap3A_374 : vector<16xi32> to vector<16xi32>
    %swap3A_376 = vector.shape_cast %mul3A_372 : vector<16xi32> to vector<16xi32>
    tpu.vector_store %arg6[%swap3A_373], %swap3A_376 {strides = array<i32>} : memref<800xi32, #tpu.memory_space<vmem>>, vector<16xi32>,
    %get3A_377 = arith.constant 352 : index
    %get3A_378 = tpu.vector_load %arg6[%get3A_377] {strides = array<i32>} : memref<800xi32, #tpu.memory_space<vmem>>, vector<16xi32>,
    %get3A_379 = vector.shape_cast %get3A_378 : vector<16xi32> to vector<16xi32>
    %mul3A_380 = arith.constant 2 : i32
    %mul3A_381 = vector.broadcast %mul3A_380 : i32 to vector<16xi32>
    %mul3A_382 = arith.muli %get3A_379, %mul3A_381 : vector<16xi32>
    %swap3A_383 = arith.constant 352 : index
    %swap3A_384 = tpu.vector_load %arg6[%swap3A_383] {strides = array<i32>} : memref<800xi32, #tpu.memory_space<vmem>>, vector<16xi32>,
    %swap3A_385 = vector.shape_cast %swap3A_384 : vector<16xi32> to vector<16xi32>
    %swap3A_386 = vector.shape_cast %mul3A_382 : vector<16xi32> to vector<16xi32>
    tpu.vector_store %arg6[%swap3A_383], %swap3A_386 {strides = array<i32>} : memref<800xi32, #tpu.memory_space<vmem>>, vector<16xi32>,
    %get3A_387 = arith.constant 368 : index
    %get3A_388 = tpu.vector_load %arg6[%get3A_387] {strides = array<i32>} : memref<800xi32, #tpu.memory_space<vmem>>, vector<16xi32>,
    %get3A_389 = vector.shape_cast %get3A_388 : vector<16xi32> to vector<16xi32>
    %mul3A_390 = arith.constant 2 : i32
    %mul3A_391 = vector.broadcast %mul3A_390 : i32 to vector<16xi32>
    %mul3A_392 = arith.muli %get3A_389, %mul3A_391 : vector<16xi32>
    %swap3A_393 = arith.constant 368 : index
    %swap3A_394 = tpu.vector_load %arg6[%swap3A_393] {strides = array<i32>} : memref<800xi32, #tpu.memory_space<vmem>>, vector<16xi32>,
    %swap3A_395 = vector.shape_cast %swap3A_394 : vector<16xi32> to vector<16xi32>
    %swap3A_396 = vector.shape_cast %mul3A_392 : vector<16xi32> to vector<16xi32>
    tpu.vector_store %arg6[%swap3A_393], %swap3A_396 {strides = array<i32>} : memref<800xi32, #tpu.memory_space<vmem>>, vector<16xi32>,
    %get3A_397 = arith.constant 384 : index
    %get3A_398 = tpu.vector_load %arg6[%get3A_397] {strides = array<i32>} : memref<800xi32, #tpu.memory_space<vmem>>, vector<16xi32>,
    %get3A_399 = vector.shape_cast %get3A_398 : vector<16xi32> to vector<16xi32>
    %mul3A_400 = arith.constant 2 : i32
    %mul3A_401 = vector.broadcast %mul3A_400 : i32 to vector<16xi32>
    %mul3A_402 = arith.muli %get3A_399, %mul3A_401 : vector<16xi32>
    %swap3A_403 = arith.constant 384 : index
    %swap3A_404 = tpu.vector_load %arg6[%swap3A_403] {strides = array<i32>} : memref<800xi32, #tpu.memory_space<vmem>>, vector<16xi32>,
    %swap3A_405 = vector.shape_cast %swap3A_404 : vector<16xi32> to vector<16xi32>
    %swap3A_406 = vector.shape_cast %mul3A_402 : vector<16xi32> to vector<16xi32>
    tpu.vector_store %arg6[%swap3A_403], %swap3A_406 {strides = array<i32>} : memref<800xi32, #tpu.memory_space<vmem>>, vector<16xi32>,
    %get3A_407 = arith.constant 400 : index
    %get3A_408 = tpu.vector_load %arg6[%get3A_407] {strides = array<i32>} : memref<800xi32, #tpu.memory_space<vmem>>, vector<16xi32>,
    %get3A_409 = vector.shape_cast %get3A_408 : vector<16xi32> to vector<16xi32>
    %mul3A_410 = arith.constant 2 : i32
    %mul3A_411 = vector.broadcast %mul3A_410 : i32 to vector<16xi32>
    %mul3A_412 = arith.muli %get3A_409, %mul3A_411 : vector<16xi32>
    %swap3A_413 = arith.constant 400 : index
    %swap3A_414 = tpu.vector_load %arg6[%swap3A_413] {strides = array<i32>} : memref<800xi32, #tpu.memory_space<vmem>>, vector<16xi32>,
    %swap3A_415 = vector.shape_cast %swap3A_414 : vector<16xi32> to vector<16xi32>
    %swap3A_416 = vector.shape_cast %mul3A_412 : vector<16xi32> to vector<16xi32>
    tpu.vector_store %arg6[%swap3A_413], %swap3A_416 {strides = array<i32>} : memref<800xi32, #tpu.memory_space<vmem>>, vector<16xi32>,
    %get3A_417 = arith.constant 416 : index
    %get3A_418 = tpu.vector_load %arg6[%get3A_417] {strides = array<i32>} : memref<800xi32, #tpu.memory_space<vmem>>, vector<16xi32>,
    %get3A_419 = vector.shape_cast %get3A_418 : vector<16xi32> to vector<16xi32>
    %mul3A_420 = arith.constant 2 : i32
    %mul3A_421 = vector.broadcast %mul3A_420 : i32 to vector<16xi32>
    %mul3A_422 = arith.muli %get3A_419, %mul3A_421 : vector<16xi32>
    %swap3A_423 = arith.constant 416 : index
    %swap3A_424 = tpu.vector_load %arg6[%swap3A_423] {strides = array<i32>} : memref<800xi32, #tpu.memory_space<vmem>>, vector<16xi32>,
    %swap3A_425 = vector.shape_cast %swap3A_424 : vector<16xi32> to vector<16xi32>
    %swap3A_426 = vector.shape_cast %mul3A_422 : vector<16xi32> to vector<16xi32>
    tpu.vector_store %arg6[%swap3A_423], %swap3A_426 {strides = array<i32>} : memref<800xi32, #tpu.memory_space<vmem>>, vector<16xi32>,
    %get3A_427 = arith.constant 432 : index
    %get3A_428 = tpu.vector_load %arg6[%get3A_427] {strides = array<i32>} : memref<800xi32, #tpu.memory_space<vmem>>, vector<16xi32>,
    %get3A_429 = vector.shape_cast %get3A_428 : vector<16xi32> to vector<16xi32>
    %mul3A_430 = arith.constant 2 : i32
    %mul3A_431 = vector.broadcast %mul3A_430 : i32 to vector<16xi32>
    %mul3A_432 = arith.muli %get3A_429, %mul3A_431 : vector<16xi32>
    %swap3A_433 = arith.constant 432 : index
    %swap3A_434 = tpu.vector_load %arg6[%swap3A_433] {strides = array<i32>} : memref<800xi32, #tpu.memory_space<vmem>>, vector<16xi32>,
    %swap3A_435 = vector.shape_cast %swap3A_434 : vector<16xi32> to vector<16xi32>
    %swap3A_436 = vector.shape_cast %mul3A_432 : vector<16xi32> to vector<16xi32>
    tpu.vector_store %arg6[%swap3A_433], %swap3A_436 {strides = array<i32>} : memref<800xi32, #tpu.memory_space<vmem>>, vector<16xi32>,
    %get3A_437 = arith.constant 448 : index
    %get3A_438 = tpu.vector_load %arg6[%get3A_437] {strides = array<i32>} : memref<800xi32, #tpu.memory_space<vmem>>, vector<16xi32>,
    %get3A_439 = vector.shape_cast %get3A_438 : vector<16xi32> to vector<16xi32>
    %mul3A_440 = arith.constant 2 : i32
    %mul3A_441 = vector.broadcast %mul3A_440 : i32 to vector<16xi32>
    %mul3A_442 = arith.muli %get3A_439, %mul3A_441 : vector<16xi32>
    %swap3A_443 = arith.constant 448 : index
    %swap3A_444 = tpu.vector_load %arg6[%swap3A_443] {strides = array<i32>} : memref<800xi32, #tpu.memory_space<vmem>>, vector<16xi32>,
    %swap3A_445 = vector.shape_cast %swap3A_444 : vector<16xi32> to vector<16xi32>
    %swap3A_446 = vector.shape_cast %mul3A_442 : vector<16xi32> to vector<16xi32>
    tpu.vector_store %arg6[%swap3A_443], %swap3A_446 {strides = array<i32>} : memref<800xi32, #tpu.memory_space<vmem>>, vector<16xi32>,
    %get3A_447 = arith.constant 464 : index
    %get3A_448 = tpu.vector_load %arg6[%get3A_447] {strides = array<i32>} : memref<800xi32, #tpu.memory_space<vmem>>, vector<16xi32>,
    %get3A_449 = vector.shape_cast %get3A_448 : vector<16xi32> to vector<16xi32>
    %mul3A_450 = arith.constant 2 : i32
    %mul3A_451 = vector.broadcast %mul3A_450 : i32 to vector<16xi32>
    %mul3A_452 = arith.muli %get3A_449, %mul3A_451 : vector<16xi32>
    %swap3A_453 = arith.constant 464 : index
    %swap3A_454 = tpu.vector_load %arg6[%swap3A_453] {strides = array<i32>} : memref<800xi32, #tpu.memory_space<vmem>>, vector<16xi32>,
    %swap3A_455 = vector.shape_cast %swap3A_454 : vector<16xi32> to vector<16xi32>
    %swap3A_456 = vector.shape_cast %mul3A_452 : vector<16xi32> to vector<16xi32>
    tpu.vector_store %arg6[%swap3A_453], %swap3A_456 {strides = array<i32>} : memref<800xi32, #tpu.memory_space<vmem>>, vector<16xi32>,
    %get3A_457 = arith.constant 480 : index
    %get3A_458 = tpu.vector_load %arg6[%get3A_457] {strides = array<i32>} : memref<800xi32, #tpu.memory_space<vmem>>, vector<16xi32>,
    %get3A_459 = vector.shape_cast %get3A_458 : vector<16xi32> to vector<16xi32>
    %mul3A_460 = arith.constant 2 : i32
    %mul3A_461 = vector.broadcast %mul3A_460 : i32 to vector<16xi32>
    %mul3A_462 = arith.muli %get3A_459, %mul3A_461 : vector<16xi32>
    %swap3A_463 = arith.constant 480 : index
    %swap3A_464 = tpu.vector_load %arg6[%swap3A_463] {strides = array<i32>} : memref<800xi32, #tpu.memory_space<vmem>>, vector<16xi32>,
    %swap3A_465 = vector.shape_cast %swap3A_464 : vector<16xi32> to vector<16xi32>
    %swap3A_466 = vector.shape_cast %mul3A_462 : vector<16xi32> to vector<16xi32>
    tpu.vector_store %arg6[%swap3A_463], %swap3A_466 {strides = array<i32>} : memref<800xi32, #tpu.memory_space<vmem>>, vector<16xi32>,
    %get3A_467 = arith.constant 496 : index
    %get3A_468 = tpu.vector_load %arg6[%get3A_467] {strides = array<i32>} : memref<800xi32, #tpu.memory_space<vmem>>, vector<16xi32>,
    %get3A_469 = vector.shape_cast %get3A_468 : vector<16xi32> to vector<16xi32>
    %mul3A_470 = arith.constant 2 : i32
    %mul3A_471 = vector.broadcast %mul3A_470 : i32 to vector<16xi32>
    %mul3A_472 = arith.muli %get3A_469, %mul3A_471 : vector<16xi32>
    %swap3A_473 = arith.constant 496 : index
    %swap3A_474 = tpu.vector_load %arg6[%swap3A_473] {strides = array<i32>} : memref<800xi32, #tpu.memory_space<vmem>>, vector<16xi32>,
    %swap3A_475 = vector.shape_cast %swap3A_474 : vector<16xi32> to vector<16xi32>
    %swap3A_476 = vector.shape_cast %mul3A_472 : vector<16xi32> to vector<16xi32>
    tpu.vector_store %arg6[%swap3A_473], %swap3A_476 {strides = array<i32>} : memref<800xi32, #tpu.memory_space<vmem>>, vector<16xi32>,
    %get3A_477 = arith.constant 512 : index
    %get3A_478 = tpu.vector_load %arg6[%get3A_477] {strides = array<i32>} : memref<800xi32, #tpu.memory_space<vmem>>, vector<16xi32>,
    %get3A_479 = vector.shape_cast %get3A_478 : vector<16xi32> to vector<16xi32>
    %mul3A_480 = arith.constant 2 : i32
    %mul3A_481 = vector.broadcast %mul3A_480 : i32 to vector<16xi32>
    %mul3A_482 = arith.muli %get3A_479, %mul3A_481 : vector<16xi32>
    %swap3A_483 = arith.constant 512 : index
    %swap3A_484 = tpu.vector_load %arg6[%swap3A_483] {strides = array<i32>} : memref<800xi32, #tpu.memory_space<vmem>>, vector<16xi32>,
    %swap3A_485 = vector.shape_cast %swap3A_484 : vector<16xi32> to vector<16xi32>
    %swap3A_486 = vector.shape_cast %mul3A_482 : vector<16xi32> to vector<16xi32>
    tpu.vector_store %arg6[%swap3A_483], %swap3A_486 {strides = array<i32>} : memref<800xi32, #tpu.memory_space<vmem>>, vector<16xi32>,
    %get3A_487 = arith.constant 528 : index
    %get3A_488 = tpu.vector_load %arg6[%get3A_487] {strides = array<i32>} : memref<800xi32, #tpu.memory_space<vmem>>, vector<16xi32>,
    %get3A_489 = vector.shape_cast %get3A_488 : vector<16xi32> to vector<16xi32>
    %mul3A_490 = arith.constant 2 : i32
    %mul3A_491 = vector.broadcast %mul3A_490 : i32 to vector<16xi32>
    %mul3A_492 = arith.muli %get3A_489, %mul3A_491 : vector<16xi32>
    %swap3A_493 = arith.constant 528 : index
    %swap3A_494 = tpu.vector_load %arg6[%swap3A_493] {strides = array<i32>} : memref<800xi32, #tpu.memory_space<vmem>>, vector<16xi32>,
    %swap3A_495 = vector.shape_cast %swap3A_494 : vector<16xi32> to vector<16xi32>
    %swap3A_496 = vector.shape_cast %mul3A_492 : vector<16xi32> to vector<16xi32>
    tpu.vector_store %arg6[%swap3A_493], %swap3A_496 {strides = array<i32>} : memref<800xi32, #tpu.memory_space<vmem>>, vector<16xi32>,
    %get3A_497 = arith.constant 544 : index
    %get3A_498 = tpu.vector_load %arg6[%get3A_497] {strides = array<i32>} : memref<800xi32, #tpu.memory_space<vmem>>, vector<16xi32>,
    %get3A_499 = vector.shape_cast %get3A_498 : vector<16xi32> to vector<16xi32>
    %mul3A_500 = arith.constant 2 : i32
    %mul3A_501 = vector.broadcast %mul3A_500 : i32 to vector<16xi32>
    %mul3A_502 = arith.muli %get3A_499, %mul3A_501 : vector<16xi32>
    %swap3A_503 = arith.constant 544 : index
    %swap3A_504 = tpu.vector_load %arg6[%swap3A_503] {strides = array<i32>} : memref<800xi32, #tpu.memory_space<vmem>>, vector<16xi32>,
    %swap3A_505 = vector.shape_cast %swap3A_504 : vector<16xi32> to vector<16xi32>
    %swap3A_506 = vector.shape_cast %mul3A_502 : vector<16xi32> to vector<16xi32>
    tpu.vector_store %arg6[%swap3A_503], %swap3A_506 {strides = array<i32>} : memref<800xi32, #tpu.memory_space<vmem>>, vector<16xi32>,
    %get3A_507 = arith.constant 560 : index
    %get3A_508 = tpu.vector_load %arg6[%get3A_507] {strides = array<i32>} : memref<800xi32, #tpu.memory_space<vmem>>, vector<16xi32>,
    %get3A_509 = vector.shape_cast %get3A_508 : vector<16xi32> to vector<16xi32>
    %mul3A_510 = arith.constant 2 : i32
    %mul3A_511 = vector.broadcast %mul3A_510 : i32 to vector<16xi32>
    %mul3A_512 = arith.muli %get3A_509, %mul3A_511 : vector<16xi32>
    %swap3A_513 = arith.constant 560 : index
    %swap3A_514 = tpu.vector_load %arg6[%swap3A_513] {strides = array<i32>} : memref<800xi32, #tpu.memory_space<vmem>>, vector<16xi32>,
    %swap3A_515 = vector.shape_cast %swap3A_514 : vector<16xi32> to vector<16xi32>
    %swap3A_516 = vector.shape_cast %mul3A_512 : vector<16xi32> to vector<16xi32>
    tpu.vector_store %arg6[%swap3A_513], %swap3A_516 {strides = array<i32>} : memref<800xi32, #tpu.memory_space<vmem>>, vector<16xi32>,
    %get3A_517 = arith.constant 576 : index
    %get3A_518 = tpu.vector_load %arg6[%get3A_517] {strides = array<i32>} : memref<800xi32, #tpu.memory_space<vmem>>, vector<16xi32>,
    %get3A_519 = vector.shape_cast %get3A_518 : vector<16xi32> to vector<16xi32>
    %mul3A_520 = arith.constant 2 : i32
    %mul3A_521 = vector.broadcast %mul3A_520 : i32 to vector<16xi32>
    %mul3A_522 = arith.muli %get3A_519, %mul3A_521 : vector<16xi32>
    %swap3A_523 = arith.constant 576 : index
    %swap3A_524 = tpu.vector_load %arg6[%swap3A_523] {strides = array<i32>} : memref<800xi32, #tpu.memory_space<vmem>>, vector<16xi32>,
    %swap3A_525 = vector.shape_cast %swap3A_524 : vector<16xi32> to vector<16xi32>
    %swap3A_526 = vector.shape_cast %mul3A_522 : vector<16xi32> to vector<16xi32>
    tpu.vector_store %arg6[%swap3A_523], %swap3A_526 {strides = array<i32>} : memref<800xi32, #tpu.memory_space<vmem>>, vector<16xi32>,
    %get3A_527 = arith.constant 592 : index
    %get3A_528 = tpu.vector_load %arg6[%get3A_527] {strides = array<i32>} : memref<800xi32, #tpu.memory_space<vmem>>, vector<16xi32>,
    %get3A_529 = vector.shape_cast %get3A_528 : vector<16xi32> to vector<16xi32>
    %mul3A_530 = arith.constant 2 : i32
    %mul3A_531 = vector.broadcast %mul3A_530 : i32 to vector<16xi32>
    %mul3A_532 = arith.muli %get3A_529, %mul3A_531 : vector<16xi32>
    %swap3A_533 = arith.constant 592 : index
    %swap3A_534 = tpu.vector_load %arg6[%swap3A_533] {strides = array<i32>} : memref<800xi32, #tpu.memory_space<vmem>>, vector<16xi32>,
    %swap3A_535 = vector.shape_cast %swap3A_534 : vector<16xi32> to vector<16xi32>
    %swap3A_536 = vector.shape_cast %mul3A_532 : vector<16xi32> to vector<16xi32>
    tpu.vector_store %arg6[%swap3A_533], %swap3A_536 {strides = array<i32>} : memref<800xi32, #tpu.memory_space<vmem>>, vector<16xi32>,
    %get3A_537 = arith.constant 608 : index
    %get3A_538 = tpu.vector_load %arg6[%get3A_537] {strides = array<i32>} : memref<800xi32, #tpu.memory_space<vmem>>, vector<16xi32>,
    %get3A_539 = vector.shape_cast %get3A_538 : vector<16xi32> to vector<16xi32>
    %mul3A_540 = arith.constant 2 : i32
    %mul3A_541 = vector.broadcast %mul3A_540 : i32 to vector<16xi32>
    %mul3A_542 = arith.muli %get3A_539, %mul3A_541 : vector<16xi32>
    %swap3A_543 = arith.constant 608 : index
    %swap3A_544 = tpu.vector_load %arg6[%swap3A_543] {strides = array<i32>} : memref<800xi32, #tpu.memory_space<vmem>>, vector<16xi32>,
    %swap3A_545 = vector.shape_cast %swap3A_544 : vector<16xi32> to vector<16xi32>
    %swap3A_546 = vector.shape_cast %mul3A_542 : vector<16xi32> to vector<16xi32>
    tpu.vector_store %arg6[%swap3A_543], %swap3A_546 {strides = array<i32>} : memref<800xi32, #tpu.memory_space<vmem>>, vector<16xi32>,
    %get3A_547 = arith.constant 624 : index
    %get3A_548 = tpu.vector_load %arg6[%get3A_547] {strides = array<i32>} : memref<800xi32, #tpu.memory_space<vmem>>, vector<16xi32>,
    %get3A_549 = vector.shape_cast %get3A_548 : vector<16xi32> to vector<16xi32>
    %mul3A_550 = arith.constant 2 : i32
    %mul3A_551 = vector.broadcast %mul3A_550 : i32 to vector<16xi32>
    %mul3A_552 = arith.muli %get3A_549, %mul3A_551 : vector<16xi32>
    %swap3A_553 = arith.constant 624 : index
    %swap3A_554 = tpu.vector_load %arg6[%swap3A_553] {strides = array<i32>} : memref<800xi32, #tpu.memory_space<vmem>>, vector<16xi32>,
    %swap3A_555 = vector.shape_cast %swap3A_554 : vector<16xi32> to vector<16xi32>
    %swap3A_556 = vector.shape_cast %mul3A_552 : vector<16xi32> to vector<16xi32>
    tpu.vector_store %arg6[%swap3A_553], %swap3A_556 {strides = array<i32>} : memref<800xi32, #tpu.memory_space<vmem>>, vector<16xi32>,
    %get3A_557 = arith.constant 640 : index
    %get3A_558 = tpu.vector_load %arg6[%get3A_557] {strides = array<i32>} : memref<800xi32, #tpu.memory_space<vmem>>, vector<16xi32>,
    %get3A_559 = vector.shape_cast %get3A_558 : vector<16xi32> to vector<16xi32>
    %mul3A_560 = arith.constant 2 : i32
    %mul3A_561 = vector.broadcast %mul3A_560 : i32 to vector<16xi32>
    %mul3A_562 = arith.muli %get3A_559, %mul3A_561 : vector<16xi32>
    %swap3A_563 = arith.constant 640 : index
    %swap3A_564 = tpu.vector_load %arg6[%swap3A_563] {strides = array<i32>} : memref<800xi32, #tpu.memory_space<vmem>>, vector<16xi32>,
    %swap3A_565 = vector.shape_cast %swap3A_564 : vector<16xi32> to vector<16xi32>
    %swap3A_566 = vector.shape_cast %mul3A_562 : vector<16xi32> to vector<16xi32>
    tpu.vector_store %arg6[%swap3A_563], %swap3A_566 {strides = array<i32>} : memref<800xi32, #tpu.memory_space<vmem>>, vector<16xi32>,
    %get3A_567 = arith.constant 656 : index
    %get3A_568 = tpu.vector_load %arg6[%get3A_567] {strides = array<i32>} : memref<800xi32, #tpu.memory_space<vmem>>, vector<16xi32>,
    %get3A_569 = vector.shape_cast %get3A_568 : vector<16xi32> to vector<16xi32>
    %mul3A_570 = arith.constant 2 : i32
    %mul3A_571 = vector.broadcast %mul3A_570 : i32 to vector<16xi32>
    %mul3A_572 = arith.muli %get3A_569, %mul3A_571 : vector<16xi32>
    %swap3A_573 = arith.constant 656 : index
    %swap3A_574 = tpu.vector_load %arg6[%swap3A_573] {strides = array<i32>} : memref<800xi32, #tpu.memory_space<vmem>>, vector<16xi32>,
    %swap3A_575 = vector.shape_cast %swap3A_574 : vector<16xi32> to vector<16xi32>
    %swap3A_576 = vector.shape_cast %mul3A_572 : vector<16xi32> to vector<16xi32>
    tpu.vector_store %arg6[%swap3A_573], %swap3A_576 {strides = array<i32>} : memref<800xi32, #tpu.memory_space<vmem>>, vector<16xi32>,
    %get3A_577 = arith.constant 672 : index
    %get3A_578 = tpu.vector_load %arg6[%get3A_577] {strides = array<i32>} : memref<800xi32, #tpu.memory_space<vmem>>, vector<16xi32>,
    %get3A_579 = vector.shape_cast %get3A_578 : vector<16xi32> to vector<16xi32>
    %mul3A_580 = arith.constant 2 : i32
    %mul3A_581 = vector.broadcast %mul3A_580 : i32 to vector<16xi32>
    %mul3A_582 = arith.muli %get3A_579, %mul3A_581 : vector<16xi32>
    %swap3A_583 = arith.constant 672 : index
    %swap3A_584 = tpu.vector_load %arg6[%swap3A_583] {strides = array<i32>} : memref<800xi32, #tpu.memory_space<vmem>>, vector<16xi32>,
    %swap3A_585 = vector.shape_cast %swap3A_584 : vector<16xi32> to vector<16xi32>
    %swap3A_586 = vector.shape_cast %mul3A_582 : vector<16xi32> to vector<16xi32>
    tpu.vector_store %arg6[%swap3A_583], %swap3A_586 {strides = array<i32>} : memref<800xi32, #tpu.memory_space<vmem>>, vector<16xi32>,
    %get3A_587 = arith.constant 688 : index
    %get3A_588 = tpu.vector_load %arg6[%get3A_587] {strides = array<i32>} : memref<800xi32, #tpu.memory_space<vmem>>, vector<16xi32>,
    %get3A_589 = vector.shape_cast %get3A_588 : vector<16xi32> to vector<16xi32>
    %mul3A_590 = arith.constant 2 : i32
    %mul3A_591 = vector.broadcast %mul3A_590 : i32 to vector<16xi32>
    %mul3A_592 = arith.muli %get3A_589, %mul3A_591 : vector<16xi32>
    %swap3A_593 = arith.constant 688 : index
    %swap3A_594 = tpu.vector_load %arg6[%swap3A_593] {strides = array<i32>} : memref<800xi32, #tpu.memory_space<vmem>>, vector<16xi32>,
    %swap3A_595 = vector.shape_cast %swap3A_594 : vector<16xi32> to vector<16xi32>
    %swap3A_596 = vector.shape_cast %mul3A_592 : vector<16xi32> to vector<16xi32>
    tpu.vector_store %arg6[%swap3A_593], %swap3A_596 {strides = array<i32>} : memref<800xi32, #tpu.memory_space<vmem>>, vector<16xi32>,
    %get3A_597 = arith.constant 704 : index
    %get3A_598 = tpu.vector_load %arg6[%get3A_597] {strides = array<i32>} : memref<800xi32, #tpu.memory_space<vmem>>, vector<16xi32>,
    %get3A_599 = vector.shape_cast %get3A_598 : vector<16xi32> to vector<16xi32>
    %mul3A_600 = arith.constant 2 : i32
    %mul3A_601 = vector.broadcast %mul3A_600 : i32 to vector<16xi32>
    %mul3A_602 = arith.muli %get3A_599, %mul3A_601 : vector<16xi32>
    %swap3A_603 = arith.constant 704 : index
    %swap3A_604 = tpu.vector_load %arg6[%swap3A_603] {strides = array<i32>} : memref<800xi32, #tpu.memory_space<vmem>>, vector<16xi32>,
    %swap3A_605 = vector.shape_cast %swap3A_604 : vector<16xi32> to vector<16xi32>
    %swap3A_606 = vector.shape_cast %mul3A_602 : vector<16xi32> to vector<16xi32>
    tpu.vector_store %arg6[%swap3A_603], %swap3A_606 {strides = array<i32>} : memref<800xi32, #tpu.memory_space<vmem>>, vector<16xi32>,
    %get3A_607 = arith.constant 720 : index
    %get3A_608 = tpu.vector_load %arg6[%get3A_607] {strides = array<i32>} : memref<800xi32, #tpu.memory_space<vmem>>, vector<16xi32>,
    %get3A_609 = vector.shape_cast %get3A_608 : vector<16xi32> to vector<16xi32>
    %mul3A_610 = arith.constant 2 : i32
    %mul3A_611 = vector.broadcast %mul3A_610 : i32 to vector<16xi32>
    %mul3A_612 = arith.muli %get3A_609, %mul3A_611 : vector<16xi32>
    %swap3A_613 = arith.constant 720 : index
    %swap3A_614 = tpu.vector_load %arg6[%swap3A_613] {strides = array<i32>} : memref<800xi32, #tpu.memory_space<vmem>>, vector<16xi32>,
    %swap3A_615 = vector.shape_cast %swap3A_614 : vector<16xi32> to vector<16xi32>
    %swap3A_616 = vector.shape_cast %mul3A_612 : vector<16xi32> to vector<16xi32>
    tpu.vector_store %arg6[%swap3A_613], %swap3A_616 {strides = array<i32>} : memref<800xi32, #tpu.memory_space<vmem>>, vector<16xi32>,
    %get3A_617 = arith.constant 736 : index
    %get3A_618 = tpu.vector_load %arg6[%get3A_617] {strides = array<i32>} : memref<800xi32, #tpu.memory_space<vmem>>, vector<16xi32>,
    %get3A_619 = vector.shape_cast %get3A_618 : vector<16xi32> to vector<16xi32>
    %mul3A_620 = arith.constant 2 : i32
    %mul3A_621 = vector.broadcast %mul3A_620 : i32 to vector<16xi32>
    %mul3A_622 = arith.muli %get3A_619, %mul3A_621 : vector<16xi32>
    %swap3A_623 = arith.constant 736 : index
    %swap3A_624 = tpu.vector_load %arg6[%swap3A_623] {strides = array<i32>} : memref<800xi32, #tpu.memory_space<vmem>>, vector<16xi32>,
    %swap3A_625 = vector.shape_cast %swap3A_624 : vector<16xi32> to vector<16xi32>
    %swap3A_626 = vector.shape_cast %mul3A_622 : vector<16xi32> to vector<16xi32>
    tpu.vector_store %arg6[%swap3A_623], %swap3A_626 {strides = array<i32>} : memref<800xi32, #tpu.memory_space<vmem>>, vector<16xi32>,
    %get3A_627 = arith.constant 752 : index
    %get3A_628 = tpu.vector_load %arg6[%get3A_627] {strides = array<i32>} : memref<800xi32, #tpu.memory_space<vmem>>, vector<16xi32>,
    %get3A_629 = vector.shape_cast %get3A_628 : vector<16xi32> to vector<16xi32>
    %mul3A_630 = arith.constant 2 : i32
    %mul3A_631 = vector.broadcast %mul3A_630 : i32 to vector<16xi32>
    %mul3A_632 = arith.muli %get3A_629, %mul3A_631 : vector<16xi32>
    %swap3A_633 = arith.constant 752 : index
    %swap3A_634 = tpu.vector_load %arg6[%swap3A_633] {strides = array<i32>} : memref<800xi32, #tpu.memory_space<vmem>>, vector<16xi32>,
    %swap3A_635 = vector.shape_cast %swap3A_634 : vector<16xi32> to vector<16xi32>
    %swap3A_636 = vector.shape_cast %mul3A_632 : vector<16xi32> to vector<16xi32>
    tpu.vector_store %arg6[%swap3A_633], %swap3A_636 {strides = array<i32>} : memref<800xi32, #tpu.memory_space<vmem>>, vector<16xi32>,
    %get3A_637 = arith.constant 768 : index
    %get3A_638 = tpu.vector_load %arg6[%get3A_637] {strides = array<i32>} : memref<800xi32, #tpu.memory_space<vmem>>, vector<16xi32>,
    %get3A_639 = vector.shape_cast %get3A_638 : vector<16xi32> to vector<16xi32>
    %mul3A_640 = arith.constant 2 : i32
    %mul3A_641 = vector.broadcast %mul3A_640 : i32 to vector<16xi32>
    %mul3A_642 = arith.muli %get3A_639, %mul3A_641 : vector<16xi32>
    %swap3A_643 = arith.constant 768 : index
    %swap3A_644 = tpu.vector_load %arg6[%swap3A_643] {strides = array<i32>} : memref<800xi32, #tpu.memory_space<vmem>>, vector<16xi32>,
    %swap3A_645 = vector.shape_cast %swap3A_644 : vector<16xi32> to vector<16xi32>
    %swap3A_646 = vector.shape_cast %mul3A_642 : vector<16xi32> to vector<16xi32>
    tpu.vector_store %arg6[%swap3A_643], %swap3A_646 {strides = array<i32>} : memref<800xi32, #tpu.memory_space<vmem>>, vector<16xi32>,
    %get3A_647 = arith.constant 784 : index
    %get3A_648 = tpu.vector_load %arg6[%get3A_647] {strides = array<i32>} : memref<800xi32, #tpu.memory_space<vmem>>, vector<16xi32>,
    %get3A_649 = vector.shape_cast %get3A_648 : vector<16xi32> to vector<16xi32>
    %mul3A_650 = arith.constant 2 : i32
    %mul3A_651 = vector.broadcast %mul3A_650 : i32 to vector<16xi32>
    %mul3A_652 = arith.muli %get3A_649, %mul3A_651 : vector<16xi32>
    %swap3A_653 = arith.constant 784 : index
    %swap3A_654 = tpu.vector_load %arg6[%swap3A_653] {strides = array<i32>} : memref<800xi32, #tpu.memory_space<vmem>>, vector<16xi32>,
    %swap3A_655 = vector.shape_cast %swap3A_654 : vector<16xi32> to vector<16xi32>
    %swap3A_656 = vector.shape_cast %mul3A_652 : vector<16xi32> to vector<16xi32>
    tpu.vector_store %arg6[%swap3A_653], %swap3A_656 {strides = array<i32>} : memref<800xi32, #tpu.memory_space<vmem>>, vector<16xi32>,
    %dma_start3A_657 = arith.constant 0 : i32
    %dma_start3A_658 = arith.constant 0 : i32
    %dma_start3A_659 = tpu.memref_slice %arg10[%dma_start3A_657, %dma_start3A_658] : memref<800x64xf32, #tpu.memory_space<vmem>> -> memref<128x64xf32, #tpu.memory_space<vmem>>
    %dma_start3A_660 = arith.constant 0 : i32
    %dma_start3A_661 = tpu.memref_slice %arg6[%dma_start3A_660] : memref<800xi32, #tpu.memory_space<vmem>> -> memref<128xi32, #tpu.memory_space<vmem>>
    %dma_start3A_662 = arith.constant 0 : i32
    %dma_start3A_663 = arith.constant 0 : i32
    %dma_start3A_664 = tpu.memref_slice %arg4[%dma_start3A_662, %dma_start3A_663] : memref<2000000x64xf32, #tpu.memory_space<hbm>> -> memref<2000000x64xf32, #tpu.memory_space<hbm>>
    tpu.enqueue_indirect_dma source(%dma_start3A_664 : memref<2000000x64xf32, #tpu.memory_space<hbm>>) target(%dma_start3A_659 : memref<128x64xf32, #tpu.memory_space<vmem>>) offsets(%dma_start3A_661 : memref<128xi32, #tpu.memory_space<vmem>>) semaphore(%arg17 : memref<!tpu.dma_semaphore, #tpu.memory_space<semaphore_mem>>)
    %dma_start3A_665 = arith.constant 128 : i32
    %dma_start3A_666 = arith.constant 0 : i32
    %dma_start3A_667 = tpu.memref_slice %arg10[%dma_start3A_665, %dma_start3A_666] : memref<800x64xf32, #tpu.memory_space<vmem>> -> memref<128x64xf32, #tpu.memory_space<vmem>>
    %dma_start3A_668 = arith.constant 128 : i32
    %dma_start3A_669 = tpu.memref_slice %arg6[%dma_start3A_668] : memref<800xi32, #tpu.memory_space<vmem>> -> memref<128xi32, #tpu.memory_space<vmem>>
    %dma_start3A_670 = arith.constant 0 : i32
    %dma_start3A_671 = arith.constant 0 : i32
    %dma_start3A_672 = tpu.memref_slice %arg4[%dma_start3A_670, %dma_start3A_671] : memref<2000000x64xf32, #tpu.memory_space<hbm>> -> memref<2000000x64xf32, #tpu.memory_space<hbm>>
    tpu.enqueue_indirect_dma source(%dma_start3A_672 : memref<2000000x64xf32, #tpu.memory_space<hbm>>) target(%dma_start3A_667 : memref<128x64xf32, #tpu.memory_space<vmem>>) offsets(%dma_start3A_669 : memref<128xi32, #tpu.memory_space<vmem>>) semaphore(%arg17 : memref<!tpu.dma_semaphore, #tpu.memory_space<semaphore_mem>>)
    %dma_start3A_673 = arith.constant 256 : i32
    %dma_start3A_674 = arith.constant 0 : i32
    %dma_start3A_675 = tpu.memref_slice %arg10[%dma_start3A_673, %dma_start3A_674] : memref<800x64xf32, #tpu.memory_space<vmem>> -> memref<128x64xf32, #tpu.memory_space<vmem>>
    %dma_start3A_676 = arith.constant 256 : i32
    %dma_start3A_677 = tpu.memref_slice %arg6[%dma_start3A_676] : memref<800xi32, #tpu.memory_space<vmem>> -> memref<128xi32, #tpu.memory_space<vmem>>
    %dma_start3A_678 = arith.constant 0 : i32
    %dma_start3A_679 = arith.constant 0 : i32
    %dma_start3A_680 = tpu.memref_slice %arg4[%dma_start3A_678, %dma_start3A_679] : memref<2000000x64xf32, #tpu.memory_space<hbm>> -> memref<2000000x64xf32, #tpu.memory_space<hbm>>
    tpu.enqueue_indirect_dma source(%dma_start3A_680 : memref<2000000x64xf32, #tpu.memory_space<hbm>>) target(%dma_start3A_675 : memref<128x64xf32, #tpu.memory_space<vmem>>) offsets(%dma_start3A_677 : memref<128xi32, #tpu.memory_space<vmem>>) semaphore(%arg17 : memref<!tpu.dma_semaphore, #tpu.memory_space<semaphore_mem>>)
    %dma_start3A_681 = arith.constant 384 : i32
    %dma_start3A_682 = arith.constant 0 : i32
    %dma_start3A_683 = tpu.memref_slice %arg10[%dma_start3A_681, %dma_start3A_682] : memref<800x64xf32, #tpu.memory_space<vmem>> -> memref<128x64xf32, #tpu.memory_space<vmem>>
    %dma_start3A_684 = arith.constant 384 : i32
    %dma_start3A_685 = tpu.memref_slice %arg6[%dma_start3A_684] : memref<800xi32, #tpu.memory_space<vmem>> -> memref<128xi32, #tpu.memory_space<vmem>>
    %dma_start3A_686 = arith.constant 0 : i32
    %dma_start3A_687 = arith.constant 0 : i32
    %dma_start3A_688 = tpu.memref_slice %arg4[%dma_start3A_686, %dma_start3A_687] : memref<2000000x64xf32, #tpu.memory_space<hbm>> -> memref<2000000x64xf32, #tpu.memory_space<hbm>>
    tpu.enqueue_indirect_dma source(%dma_start3A_688 : memref<2000000x64xf32, #tpu.memory_space<hbm>>) target(%dma_start3A_683 : memref<128x64xf32, #tpu.memory_space<vmem>>) offsets(%dma_start3A_685 : memref<128xi32, #tpu.memory_space<vmem>>) semaphore(%arg17 : memref<!tpu.dma_semaphore, #tpu.memory_space<semaphore_mem>>)
    %dma_start3A_689 = arith.constant 512 : i32
    %dma_start3A_690 = arith.constant 0 : i32
    %dma_start3A_691 = tpu.memref_slice %arg10[%dma_start3A_689, %dma_start3A_690] : memref<800x64xf32, #tpu.memory_space<vmem>> -> memref<128x64xf32, #tpu.memory_space<vmem>>
    %dma_start3A_692 = arith.constant 512 : i32
    %dma_start3A_693 = tpu.memref_slice %arg6[%dma_start3A_692] : memref<800xi32, #tpu.memory_space<vmem>> -> memref<128xi32, #tpu.memory_space<vmem>>
    %dma_start3A_694 = arith.constant 0 : i32
    %dma_start3A_695 = arith.constant 0 : i32
    %dma_start3A_696 = tpu.memref_slice %arg4[%dma_start3A_694, %dma_start3A_695] : memref<2000000x64xf32, #tpu.memory_space<hbm>> -> memref<2000000x64xf32, #tpu.memory_space<hbm>>
    tpu.enqueue_indirect_dma source(%dma_start3A_696 : memref<2000000x64xf32, #tpu.memory_space<hbm>>) target(%dma_start3A_691 : memref<128x64xf32, #tpu.memory_space<vmem>>) offsets(%dma_start3A_693 : memref<128xi32, #tpu.memory_space<vmem>>) semaphore(%arg17 : memref<!tpu.dma_semaphore, #tpu.memory_space<semaphore_mem>>)
    %dma_start3A_697 = arith.constant 640 : i32
    %dma_start3A_698 = arith.constant 0 : i32
    %dma_start3A_699 = tpu.memref_slice %arg10[%dma_start3A_697, %dma_start3A_698] : memref<800x64xf32, #tpu.memory_space<vmem>> -> memref<128x64xf32, #tpu.memory_space<vmem>>
    %dma_start3A_700 = arith.constant 640 : i32
    %dma_start3A_701 = tpu.memref_slice %arg6[%dma_start3A_700] : memref<800xi32, #tpu.memory_space<vmem>> -> memref<128xi32, #tpu.memory_space<vmem>>
    %dma_start3A_702 = arith.constant 0 : i32
    %dma_start3A_703 = arith.constant 0 : i32
    %dma_start3A_704 = tpu.memref_slice %arg4[%dma_start3A_702, %dma_start3A_703] : memref<2000000x64xf32, #tpu.memory_space<hbm>> -> memref<2000000x64xf32, #tpu.memory_space<hbm>>
    tpu.enqueue_indirect_dma source(%dma_start3A_704 : memref<2000000x64xf32, #tpu.memory_space<hbm>>) target(%dma_start3A_699 : memref<128x64xf32, #tpu.memory_space<vmem>>) offsets(%dma_start3A_701 : memref<128xi32, #tpu.memory_space<vmem>>) semaphore(%arg17 : memref<!tpu.dma_semaphore, #tpu.memory_space<semaphore_mem>>)
    %dma_start3A_705 = arith.constant 768 : i32
    %dma_start3A_706 = arith.constant 0 : i32
    %dma_start3A_707 = tpu.memref_slice %arg10[%dma_start3A_705, %dma_start3A_706] : memref<800x64xf32, #tpu.memory_space<vmem>> -> memref<32x64xf32, #tpu.memory_space<vmem>>
    %dma_start3A_708 = arith.constant 768 : i32
    %dma_start3A_709 = tpu.memref_slice %arg6[%dma_start3A_708] : memref<800xi32, #tpu.memory_space<vmem>> -> memref<32xi32, #tpu.memory_space<vmem>>
    %dma_start3A_710 = arith.constant 0 : i32
    %dma_start3A_711 = arith.constant 0 : i32
    %dma_start3A_712 = tpu.memref_slice %arg4[%dma_start3A_710, %dma_start3A_711] : memref<2000000x64xf32, #tpu.memory_space<hbm>> -> memref<2000000x64xf32, #tpu.memory_space<hbm>>
    tpu.enqueue_indirect_dma source(%dma_start3A_712 : memref<2000000x64xf32, #tpu.memory_space<hbm>>) target(%dma_start3A_707 : memref<32x64xf32, #tpu.memory_space<vmem>>) offsets(%dma_start3A_709 : memref<32xi32, #tpu.memory_space<vmem>>) semaphore(%arg17 : memref<!tpu.dma_semaphore, #tpu.memory_space<semaphore_mem>>)
    %scan3A = arith.constant 0 : i32
    %scan3A_713 = arith.constant 0 : i32
    %scan3A_714 = arith.constant 64 : i32
    %scan3A_715 = arith.addi %scan3A_713, %scan3A_714 : i32
    %scan3A_716 = arith.constant 1 : i32
    scf.for %scan3A_718 = %scan3A_713 to %scan3A_715 step %scan3A_716  : i32 {
      %mul3A_719 = arith.constant 2 : i32
      %mul3A_720 = arith.muli %mul3A_719, %scan3A_718 : i32
      %add3A_721 = arith.constant 0 : i32
      %add3A_722 = arith.addi %mul3A_720, %add3A_721 : i32
      %add3A_723 = arith.constant 1 : i32
      %add3A_724 = arith.addi %add3A_722, %add3A_723 : i32
      %lt3A = arith.constant 128 : i32
      %lt3A_725 = arith.cmpi slt, %add3A_724, %lt3A : i32
      %convert_element_type3A = arith.extui %lt3A_725 : i1 to i32
      %cond3A = arith.constant 0 : i32
      %cond3A_726 = arith.cmpi ne, %convert_element_type3A, %cond3A : i32
      scf.if %cond3A_726 {
        %dma_wait3A_782 = arith.constant 0 : i32
        %dma_wait3A_783 = arith.constant 0 : i32
        %dma_wait3A_784 = tpu.memref_slice %arg7[%dma_wait3A_783] : memref<800xi32, #tpu.memory_space<vmem>> -> memref<200xi32, #tpu.memory_space<vmem>>
        %dma_wait3A_785 = arith.constant 0 : i32
        %dma_wait3A_786 = tpu.memref_slice %arg2[%dma_wait3A_782, %dma_wait3A_785] : memref<16384x200xi32, #tpu.memory_space<hbm>> -> memref<1x200xi32, #tpu.memory_space<hbm>>
        %dma_wait3A_787 = tpu.memref_squeeze %dma_wait3A_786 : memref<1x200xi32, #tpu.memory_space<hbm>> -> memref<200xi32, #tpu.memory_space<hbm>>
        %dma_wait3A_788 = arith.constant 0 : i32
        %dma_wait3A_789 = tpu.memref_slice %arg7[%dma_wait3A_788] : memref<800xi32, #tpu.memory_space<vmem>> -> memref<200xi32, #tpu.memory_space<vmem>>
        %dma_wait3A_790 = arith.constant 0 : i32
        %dma_wait3A_791 = tpu.memref_slice %arg2[%dma_wait3A_782, %dma_wait3A_790] : memref<16384x200xi32, #tpu.memory_space<hbm>> -> memref<1x200xi32, #tpu.memory_space<hbm>>
        %dma_wait3A_792 = tpu.memref_squeeze %dma_wait3A_791 : memref<1x200xi32, #tpu.memory_space<hbm>> -> memref<200xi32, #tpu.memory_space<hbm>>
        tpu.wait_dma2 semaphore(%arg14 : memref<!tpu.dma_semaphore, #tpu.memory_space<semaphore_mem>>) src(%dma_wait3A_792 : memref<200xi32, #tpu.memory_space<hbm>>) dst(%dma_wait3A_789 : memref<200xi32, #tpu.memory_space<vmem>>)
        %dma_wait3A_793 = arith.constant 0 : i32
        %dma_wait3A_794 = arith.constant 200 : i32
        %dma_wait3A_795 = tpu.memref_slice %arg7[%dma_wait3A_794] : memref<800xi32, #tpu.memory_space<vmem>> -> memref<200xi32, #tpu.memory_space<vmem>>
        %dma_wait3A_796 = arith.constant 0 : i32
        %dma_wait3A_797 = tpu.memref_slice %arg2[%dma_wait3A_793, %dma_wait3A_796] : memref<16384x200xi32, #tpu.memory_space<hbm>> -> memref<1x200xi32, #tpu.memory_space<hbm>>
        %dma_wait3A_798 = tpu.memref_squeeze %dma_wait3A_797 : memref<1x200xi32, #tpu.memory_space<hbm>> -> memref<200xi32, #tpu.memory_space<hbm>>
        %dma_wait3A_799 = arith.constant 200 : i32
        %dma_wait3A_800 = tpu.memref_slice %arg7[%dma_wait3A_799] : memref<800xi32, #tpu.memory_space<vmem>> -> memref<200xi32, #tpu.memory_space<vmem>>
        %dma_wait3A_801 = arith.constant 0 : i32
        %dma_wait3A_802 = tpu.memref_slice %arg2[%dma_wait3A_793, %dma_wait3A_801] : memref<16384x200xi32, #tpu.memory_space<hbm>> -> memref<1x200xi32, #tpu.memory_space<hbm>>
        %dma_wait3A_803 = tpu.memref_squeeze %dma_wait3A_802 : memref<1x200xi32, #tpu.memory_space<hbm>> -> memref<200xi32, #tpu.memory_space<hbm>>
        tpu.wait_dma2 semaphore(%arg14 : memref<!tpu.dma_semaphore, #tpu.memory_space<semaphore_mem>>) src(%dma_wait3A_803 : memref<200xi32, #tpu.memory_space<hbm>>) dst(%dma_wait3A_800 : memref<200xi32, #tpu.memory_space<vmem>>)
        %dma_wait3A_804 = arith.constant 0 : i32
        %dma_wait3A_805 = arith.constant 400 : i32
        %dma_wait3A_806 = tpu.memref_slice %arg7[%dma_wait3A_805] : memref<800xi32, #tpu.memory_space<vmem>> -> memref<200xi32, #tpu.memory_space<vmem>>
        %dma_wait3A_807 = arith.constant 0 : i32
        %dma_wait3A_808 = tpu.memref_slice %arg2[%dma_wait3A_804, %dma_wait3A_807] : memref<16384x200xi32, #tpu.memory_space<hbm>> -> memref<1x200xi32, #tpu.memory_space<hbm>>
        %dma_wait3A_809 = tpu.memref_squeeze %dma_wait3A_808 : memref<1x200xi32, #tpu.memory_space<hbm>> -> memref<200xi32, #tpu.memory_space<hbm>>
        %dma_wait3A_810 = arith.constant 400 : i32
        %dma_wait3A_811 = tpu.memref_slice %arg7[%dma_wait3A_810] : memref<800xi32, #tpu.memory_space<vmem>> -> memref<200xi32, #tpu.memory_space<vmem>>
        %dma_wait3A_812 = arith.constant 0 : i32
        %dma_wait3A_813 = tpu.memref_slice %arg2[%dma_wait3A_804, %dma_wait3A_812] : memref<16384x200xi32, #tpu.memory_space<hbm>> -> memref<1x200xi32, #tpu.memory_space<hbm>>
        %dma_wait3A_814 = tpu.memref_squeeze %dma_wait3A_813 : memref<1x200xi32, #tpu.memory_space<hbm>> -> memref<200xi32, #tpu.memory_space<hbm>>
        tpu.wait_dma2 semaphore(%arg14 : memref<!tpu.dma_semaphore, #tpu.memory_space<semaphore_mem>>) src(%dma_wait3A_814 : memref<200xi32, #tpu.memory_space<hbm>>) dst(%dma_wait3A_811 : memref<200xi32, #tpu.memory_space<vmem>>)
        %dma_wait3A_815 = arith.constant 0 : i32
        %dma_wait3A_816 = arith.constant 600 : i32
        %dma_wait3A_817 = tpu.memref_slice %arg7[%dma_wait3A_816] : memref<800xi32, #tpu.memory_space<vmem>> -> memref<200xi32, #tpu.memory_space<vmem>>
        %dma_wait3A_818 = arith.constant 0 : i32
        %dma_wait3A_819 = tpu.memref_slice %arg2[%dma_wait3A_815, %dma_wait3A_818] : memref<16384x200xi32, #tpu.memory_space<hbm>> -> memref<1x200xi32, #tpu.memory_space<hbm>>
        %dma_wait3A_820 = tpu.memref_squeeze %dma_wait3A_819 : memref<1x200xi32, #tpu.memory_space<hbm>> -> memref<200xi32, #tpu.memory_space<hbm>>
        %dma_wait3A_821 = arith.constant 600 : i32
        %dma_wait3A_822 = tpu.memref_slice %arg7[%dma_wait3A_821] : memref<800xi32, #tpu.memory_space<vmem>> -> memref<200xi32, #tpu.memory_space<vmem>>
        %dma_wait3A_823 = arith.constant 0 : i32
        %dma_wait3A_824 = tpu.memref_slice %arg2[%dma_wait3A_815, %dma_wait3A_823] : memref<16384x200xi32, #tpu.memory_space<hbm>> -> memref<1x200xi32, #tpu.memory_space<hbm>>
        %dma_wait3A_825 = tpu.memref_squeeze %dma_wait3A_824 : memref<1x200xi32, #tpu.memory_space<hbm>> -> memref<200xi32, #tpu.memory_space<hbm>>
        tpu.wait_dma2 semaphore(%arg14 : memref<!tpu.dma_semaphore, #tpu.memory_space<semaphore_mem>>) src(%dma_wait3A_825 : memref<200xi32, #tpu.memory_space<hbm>>) dst(%dma_wait3A_822 : memref<200xi32, #tpu.memory_space<vmem>>)
        %dma_wait3A_826 = arith.constant 0 : i32
        %dma_wait3A_827 = arith.constant 0 : i32
        %dma_wait3A_828 = tpu.memref_slice %arg3[%dma_wait3A_826, %dma_wait3A_827] : memref<16384x200xf32, #tpu.memory_space<hbm>> -> memref<4x200xf32, #tpu.memory_space<hbm>>
        %dma_wait3A_829 = arith.constant 0 : i32
        %dma_wait3A_830 = arith.constant 0 : i32
        %dma_wait3A_831 = tpu.memref_slice %arg3[%dma_wait3A_829, %dma_wait3A_830] : memref<16384x200xf32, #tpu.memory_space<hbm>> -> memref<4x200xf32, #tpu.memory_space<hbm>>
        tpu.wait_dma2 semaphore(%arg16 : memref<!tpu.dma_semaphore, #tpu.memory_space<semaphore_mem>>) src(%dma_wait3A_831 : memref<4x200xf32, #tpu.memory_space<hbm>>) dst(%arg9 : memref<4x200xf32, #tpu.memory_space<vmem>>)
        %get3A_832 = arith.constant 0 : index
        %get3A_833 = tpu.vector_load %arg7[%get3A_832] {strides = array<i32>} : memref<800xi32, #tpu.memory_space<vmem>>, vector<16xi32>,
        %get3A_834 = vector.shape_cast %get3A_833 : vector<16xi32> to vector<16xi32>
        %mul3A_835 = arith.constant 2 : i32
        %mul3A_836 = vector.broadcast %mul3A_835 : i32 to vector<16xi32>
        %mul3A_837 = arith.muli %get3A_834, %mul3A_836 : vector<16xi32>
        %swap3A_838 = arith.constant 0 : index
        %swap3A_839 = tpu.vector_load %arg7[%swap3A_838] {strides = array<i32>} : memref<800xi32, #tpu.memory_space<vmem>>, vector<16xi32>,
        %swap3A_840 = vector.shape_cast %swap3A_839 : vector<16xi32> to vector<16xi32>
        %swap3A_841 = vector.shape_cast %mul3A_837 : vector<16xi32> to vector<16xi32>
        tpu.vector_store %arg7[%swap3A_838], %swap3A_841 {strides = array<i32>} : memref<800xi32, #tpu.memory_space<vmem>>, vector<16xi32>,
        %get3A_842 = arith.constant 16 : index
        %get3A_843 = tpu.vector_load %arg7[%get3A_842] {strides = array<i32>} : memref<800xi32, #tpu.memory_space<vmem>>, vector<16xi32>,
        %get3A_844 = vector.shape_cast %get3A_843 : vector<16xi32> to vector<16xi32>
        %mul3A_845 = arith.constant 2 : i32
        %mul3A_846 = vector.broadcast %mul3A_845 : i32 to vector<16xi32>
        %mul3A_847 = arith.muli %get3A_844, %mul3A_846 : vector<16xi32>
        %swap3A_848 = arith.constant 16 : index
        %swap3A_849 = tpu.vector_load %arg7[%swap3A_848] {strides = array<i32>} : memref<800xi32, #tpu.memory_space<vmem>>, vector<16xi32>,
        %swap3A_850 = vector.shape_cast %swap3A_849 : vector<16xi32> to vector<16xi32>
        %swap3A_851 = vector.shape_cast %mul3A_847 : vector<16xi32> to vector<16xi32>
        tpu.vector_store %arg7[%swap3A_848], %swap3A_851 {strides = array<i32>} : memref<800xi32, #tpu.memory_space<vmem>>, vector<16xi32>,
        %get3A_852 = arith.constant 32 : index
        %get3A_853 = tpu.vector_load %arg7[%get3A_852] {strides = array<i32>} : memref<800xi32, #tpu.memory_space<vmem>>, vector<16xi32>,
        %get3A_854 = vector.shape_cast %get3A_853 : vector<16xi32> to vector<16xi32>
        %mul3A_855 = arith.constant 2 : i32
        %mul3A_856 = vector.broadcast %mul3A_855 : i32 to vector<16xi32>
        %mul3A_857 = arith.muli %get3A_854, %mul3A_856 : vector<16xi32>
        %swap3A_858 = arith.constant 32 : index
        %swap3A_859 = tpu.vector_load %arg7[%swap3A_858] {strides = array<i32>} : memref<800xi32, #tpu.memory_space<vmem>>, vector<16xi32>,
        %swap3A_860 = vector.shape_cast %swap3A_859 : vector<16xi32> to vector<16xi32>
        %swap3A_861 = vector.shape_cast %mul3A_857 : vector<16xi32> to vector<16xi32>
        tpu.vector_store %arg7[%swap3A_858], %swap3A_861 {strides = array<i32>} : memref<800xi32, #tpu.memory_space<vmem>>, vector<16xi32>,
        %get3A_862 = arith.constant 48 : index
        %get3A_863 = tpu.vector_load %arg7[%get3A_862] {strides = array<i32>} : memref<800xi32, #tpu.memory_space<vmem>>, vector<16xi32>,
        %get3A_864 = vector.shape_cast %get3A_863 : vector<16xi32> to vector<16xi32>
        %mul3A_865 = arith.constant 2 : i32
        %mul3A_866 = vector.broadcast %mul3A_865 : i32 to vector<16xi32>
        %mul3A_867 = arith.muli %get3A_864, %mul3A_866 : vector<16xi32>
        %swap3A_868 = arith.constant 48 : index
        %swap3A_869 = tpu.vector_load %arg7[%swap3A_868] {strides = array<i32>} : memref<800xi32, #tpu.memory_space<vmem>>, vector<16xi32>,
        %swap3A_870 = vector.shape_cast %swap3A_869 : vector<16xi32> to vector<16xi32>
        %swap3A_871 = vector.shape_cast %mul3A_867 : vector<16xi32> to vector<16xi32>
        tpu.vector_store %arg7[%swap3A_868], %swap3A_871 {strides = array<i32>} : memref<800xi32, #tpu.memory_space<vmem>>, vector<16xi32>,
        %get3A_872 = arith.constant 64 : index
        %get3A_873 = tpu.vector_load %arg7[%get3A_872] {strides = array<i32>} : memref<800xi32, #tpu.memory_space<vmem>>, vector<16xi32>,
        %get3A_874 = vector.shape_cast %get3A_873 : vector<16xi32> to vector<16xi32>
        %mul3A_875 = arith.constant 2 : i32
        %mul3A_876 = vector.broadcast %mul3A_875 : i32 to vector<16xi32>
        %mul3A_877 = arith.muli %get3A_874, %mul3A_876 : vector<16xi32>
        %swap3A_878 = arith.constant 64 : index
        %swap3A_879 = tpu.vector_load %arg7[%swap3A_878] {strides = array<i32>} : memref<800xi32, #tpu.memory_space<vmem>>, vector<16xi32>,
        %swap3A_880 = vector.shape_cast %swap3A_879 : vector<16xi32> to vector<16xi32>
        %swap3A_881 = vector.shape_cast %mul3A_877 : vector<16xi32> to vector<16xi32>
        tpu.vector_store %arg7[%swap3A_878], %swap3A_881 {strides = array<i32>} : memref<800xi32, #tpu.memory_space<vmem>>, vector<16xi32>,
        %get3A_882 = arith.constant 80 : index
        %get3A_883 = tpu.vector_load %arg7[%get3A_882] {strides = array<i32>} : memref<800xi32, #tpu.memory_space<vmem>>, vector<16xi32>,
        %get3A_884 = vector.shape_cast %get3A_883 : vector<16xi32> to vector<16xi32>
        %mul3A_885 = arith.constant 2 : i32
        %mul3A_886 = vector.broadcast %mul3A_885 : i32 to vector<16xi32>
        %mul3A_887 = arith.muli %get3A_884, %mul3A_886 : vector<16xi32>
        %swap3A_888 = arith.constant 80 : index
        %swap3A_889 = tpu.vector_load %arg7[%swap3A_888] {strides = array<i32>} : memref<800xi32, #tpu.memory_space<vmem>>, vector<16xi32>,
        %swap3A_890 = vector.shape_cast %swap3A_889 : vector<16xi32> to vector<16xi32>
        %swap3A_891 = vector.shape_cast %mul3A_887 : vector<16xi32> to vector<16xi32>
        tpu.vector_store %arg7[%swap3A_888], %swap3A_891 {strides = array<i32>} : memref<800xi32, #tpu.memory_space<vmem>>, vector<16xi32>,
        %get3A_892 = arith.constant 96 : index
        %get3A_893 = tpu.vector_load %arg7[%get3A_892] {strides = array<i32>} : memref<800xi32, #tpu.memory_space<vmem>>, vector<16xi32>,
        %get3A_894 = vector.shape_cast %get3A_893 : vector<16xi32> to vector<16xi32>
        %mul3A_895 = arith.constant 2 : i32
        %mul3A_896 = vector.broadcast %mul3A_895 : i32 to vector<16xi32>
        %mul3A_897 = arith.muli %get3A_894, %mul3A_896 : vector<16xi32>
        %swap3A_898 = arith.constant 96 : index
        %swap3A_899 = tpu.vector_load %arg7[%swap3A_898] {strides = array<i32>} : memref<800xi32, #tpu.memory_space<vmem>>, vector<16xi32>,
        %swap3A_900 = vector.shape_cast %swap3A_899 : vector<16xi32> to vector<16xi32>
        %swap3A_901 = vector.shape_cast %mul3A_897 : vector<16xi32> to vector<16xi32>
        tpu.vector_store %arg7[%swap3A_898], %swap3A_901 {strides = array<i32>} : memref<800xi32, #tpu.memory_space<vmem>>, vector<16xi32>,
        %get3A_902 = arith.constant 112 : index
        %get3A_903 = tpu.vector_load %arg7[%get3A_902] {strides = array<i32>} : memref<800xi32, #tpu.memory_space<vmem>>, vector<16xi32>,
        %get3A_904 = vector.shape_cast %get3A_903 : vector<16xi32> to vector<16xi32>
        %mul3A_905 = arith.constant 2 : i32
        %mul3A_906 = vector.broadcast %mul3A_905 : i32 to vector<16xi32>
        %mul3A_907 = arith.muli %get3A_904, %mul3A_906 : vector<16xi32>
        %swap3A_908 = arith.constant 112 : index
        %swap3A_909 = tpu.vector_load %arg7[%swap3A_908] {strides = array<i32>} : memref<800xi32, #tpu.memory_space<vmem>>, vector<16xi32>,
        %swap3A_910 = vector.shape_cast %swap3A_909 : vector<16xi32> to vector<16xi32>
        %swap3A_911 = vector.shape_cast %mul3A_907 : vector<16xi32> to vector<16xi32>
        tpu.vector_store %arg7[%swap3A_908], %swap3A_911 {strides = array<i32>} : memref<800xi32, #tpu.memory_space<vmem>>, vector<16xi32>,
        %get3A_912 = arith.constant 128 : index
        %get3A_913 = tpu.vector_load %arg7[%get3A_912] {strides = array<i32>} : memref<800xi32, #tpu.memory_space<vmem>>, vector<16xi32>,
        %get3A_914 = vector.shape_cast %get3A_913 : vector<16xi32> to vector<16xi32>
        %mul3A_915 = arith.constant 2 : i32
        %mul3A_916 = vector.broadcast %mul3A_915 : i32 to vector<16xi32>
        %mul3A_917 = arith.muli %get3A_914, %mul3A_916 : vector<16xi32>
        %swap3A_918 = arith.constant 128 : index
        %swap3A_919 = tpu.vector_load %arg7[%swap3A_918] {strides = array<i32>} : memref<800xi32, #tpu.memory_space<vmem>>, vector<16xi32>,
        %swap3A_920 = vector.shape_cast %swap3A_919 : vector<16xi32> to vector<16xi32>
        %swap3A_921 = vector.shape_cast %mul3A_917 : vector<16xi32> to vector<16xi32>
        tpu.vector_store %arg7[%swap3A_918], %swap3A_921 {strides = array<i32>} : memref<800xi32, #tpu.memory_space<vmem>>, vector<16xi32>,
        %get3A_922 = arith.constant 144 : index
        %get3A_923 = tpu.vector_load %arg7[%get3A_922] {strides = array<i32>} : memref<800xi32, #tpu.memory_space<vmem>>, vector<16xi32>,
        %get3A_924 = vector.shape_cast %get3A_923 : vector<16xi32> to vector<16xi32>
        %mul3A_925 = arith.constant 2 : i32
        %mul3A_926 = vector.broadcast %mul3A_925 : i32 to vector<16xi32>
        %mul3A_927 = arith.muli %get3A_924, %mul3A_926 : vector<16xi32>
        %swap3A_928 = arith.constant 144 : index
        %swap3A_929 = tpu.vector_load %arg7[%swap3A_928] {strides = array<i32>} : memref<800xi32, #tpu.memory_space<vmem>>, vector<16xi32>,
        %swap3A_930 = vector.shape_cast %swap3A_929 : vector<16xi32> to vector<16xi32>
        %swap3A_931 = vector.shape_cast %mul3A_927 : vector<16xi32> to vector<16xi32>
        tpu.vector_store %arg7[%swap3A_928], %swap3A_931 {strides = array<i32>} : memref<800xi32, #tpu.memory_space<vmem>>, vector<16xi32>,
        %get3A_932 = arith.constant 160 : index
        %get3A_933 = tpu.vector_load %arg7[%get3A_932] {strides = array<i32>} : memref<800xi32, #tpu.memory_space<vmem>>, vector<16xi32>,
        %get3A_934 = vector.shape_cast %get3A_933 : vector<16xi32> to vector<16xi32>
        %mul3A_935 = arith.constant 2 : i32
        %mul3A_936 = vector.broadcast %mul3A_935 : i32 to vector<16xi32>
        %mul3A_937 = arith.muli %get3A_934, %mul3A_936 : vector<16xi32>
        %swap3A_938 = arith.constant 160 : index
        %swap3A_939 = tpu.vector_load %arg7[%swap3A_938] {strides = array<i32>} : memref<800xi32, #tpu.memory_space<vmem>>, vector<16xi32>,
        %swap3A_940 = vector.shape_cast %swap3A_939 : vector<16xi32> to vector<16xi32>
        %swap3A_941 = vector.shape_cast %mul3A_937 : vector<16xi32> to vector<16xi32>
        tpu.vector_store %arg7[%swap3A_938], %swap3A_941 {strides = array<i32>} : memref<800xi32, #tpu.memory_space<vmem>>, vector<16xi32>,
        %get3A_942 = arith.constant 176 : index
        %get3A_943 = tpu.vector_load %arg7[%get3A_942] {strides = array<i32>} : memref<800xi32, #tpu.memory_space<vmem>>, vector<16xi32>,
        %get3A_944 = vector.shape_cast %get3A_943 : vector<16xi32> to vector<16xi32>
        %mul3A_945 = arith.constant 2 : i32
        %mul3A_946 = vector.broadcast %mul3A_945 : i32 to vector<16xi32>
        %mul3A_947 = arith.muli %get3A_944, %mul3A_946 : vector<16xi32>
        %swap3A_948 = arith.constant 176 : index
        %swap3A_949 = tpu.vector_load %arg7[%swap3A_948] {strides = array<i32>} : memref<800xi32, #tpu.memory_space<vmem>>, vector<16xi32>,
        %swap3A_950 = vector.shape_cast %swap3A_949 : vector<16xi32> to vector<16xi32>
        %swap3A_951 = vector.shape_cast %mul3A_947 : vector<16xi32> to vector<16xi32>
        tpu.vector_store %arg7[%swap3A_948], %swap3A_951 {strides = array<i32>} : memref<800xi32, #tpu.memory_space<vmem>>, vector<16xi32>,
        %get3A_952 = arith.constant 192 : index
        %get3A_953 = tpu.vector_load %arg7[%get3A_952] {strides = array<i32>} : memref<800xi32, #tpu.memory_space<vmem>>, vector<16xi32>,
        %get3A_954 = vector.shape_cast %get3A_953 : vector<16xi32> to vector<16xi32>
        %mul3A_955 = arith.constant 2 : i32
        %mul3A_956 = vector.broadcast %mul3A_955 : i32 to vector<16xi32>
        %mul3A_957 = arith.muli %get3A_954, %mul3A_956 : vector<16xi32>
        %swap3A_958 = arith.constant 192 : index
        %swap3A_959 = tpu.vector_load %arg7[%swap3A_958] {strides = array<i32>} : memref<800xi32, #tpu.memory_space<vmem>>, vector<16xi32>,
        %swap3A_960 = vector.shape_cast %swap3A_959 : vector<16xi32> to vector<16xi32>
        %swap3A_961 = vector.shape_cast %mul3A_957 : vector<16xi32> to vector<16xi32>
        tpu.vector_store %arg7[%swap3A_958], %swap3A_961 {strides = array<i32>} : memref<800xi32, #tpu.memory_space<vmem>>, vector<16xi32>,
        %get3A_962 = arith.constant 208 : index
        %get3A_963 = tpu.vector_load %arg7[%get3A_962] {strides = array<i32>} : memref<800xi32, #tpu.memory_space<vmem>>, vector<16xi32>,
        %get3A_964 = vector.shape_cast %get3A_963 : vector<16xi32> to vector<16xi32>
        %mul3A_965 = arith.constant 2 : i32
        %mul3A_966 = vector.broadcast %mul3A_965 : i32 to vector<16xi32>
        %mul3A_967 = arith.muli %get3A_964, %mul3A_966 : vector<16xi32>
        %swap3A_968 = arith.constant 208 : index
        %swap3A_969 = tpu.vector_load %arg7[%swap3A_968] {strides = array<i32>} : memref<800xi32, #tpu.memory_space<vmem>>, vector<16xi32>,
        %swap3A_970 = vector.shape_cast %swap3A_969 : vector<16xi32> to vector<16xi32>
        %swap3A_971 = vector.shape_cast %mul3A_967 : vector<16xi32> to vector<16xi32>
        tpu.vector_store %arg7[%swap3A_968], %swap3A_971 {strides = array<i32>} : memref<800xi32, #tpu.memory_space<vmem>>, vector<16xi32>,
        %get3A_972 = arith.constant 224 : index
        %get3A_973 = tpu.vector_load %arg7[%get3A_972] {strides = array<i32>} : memref<800xi32, #tpu.memory_space<vmem>>, vector<16xi32>,
        %get3A_974 = vector.shape_cast %get3A_973 : vector<16xi32> to vector<16xi32>
        %mul3A_975 = arith.constant 2 : i32
        %mul3A_976 = vector.broadcast %mul3A_975 : i32 to vector<16xi32>
        %mul3A_977 = arith.muli %get3A_974, %mul3A_976 : vector<16xi32>
        %swap3A_978 = arith.constant 224 : index
        %swap3A_979 = tpu.vector_load %arg7[%swap3A_978] {strides = array<i32>} : memref<800xi32, #tpu.memory_space<vmem>>, vector<16xi32>,
        %swap3A_980 = vector.shape_cast %swap3A_979 : vector<16xi32> to vector<16xi32>
        %swap3A_981 = vector.shape_cast %mul3A_977 : vector<16xi32> to vector<16xi32>
        tpu.vector_store %arg7[%swap3A_978], %swap3A_981 {strides = array<i32>} : memref<800xi32, #tpu.memory_space<vmem>>, vector<16xi32>,
        %get3A_982 = arith.constant 240 : index
        %get3A_983 = tpu.vector_load %arg7[%get3A_982] {strides = array<i32>} : memref<800xi32, #tpu.memory_space<vmem>>, vector<16xi32>,
        %get3A_984 = vector.shape_cast %get3A_983 : vector<16xi32> to vector<16xi32>
        %mul3A_985 = arith.constant 2 : i32
        %mul3A_986 = vector.broadcast %mul3A_985 : i32 to vector<16xi32>
        %mul3A_987 = arith.muli %get3A_984, %mul3A_986 : vector<16xi32>
        %swap3A_988 = arith.constant 240 : index
        %swap3A_989 = tpu.vector_load %arg7[%swap3A_988] {strides = array<i32>} : memref<800xi32, #tpu.memory_space<vmem>>, vector<16xi32>,
        %swap3A_990 = vector.shape_cast %swap3A_989 : vector<16xi32> to vector<16xi32>
        %swap3A_991 = vector.shape_cast %mul3A_987 : vector<16xi32> to vector<16xi32>
        tpu.vector_store %arg7[%swap3A_988], %swap3A_991 {strides = array<i32>} : memref<800xi32, #tpu.memory_space<vmem>>, vector<16xi32>,
        %get3A_992 = arith.constant 256 : index
        %get3A_993 = tpu.vector_load %arg7[%get3A_992] {strides = array<i32>} : memref<800xi32, #tpu.memory_space<vmem>>, vector<16xi32>,
        %get3A_994 = vector.shape_cast %get3A_993 : vector<16xi32> to vector<16xi32>
        %mul3A_995 = arith.constant 2 : i32
        %mul3A_996 = vector.broadcast %mul3A_995 : i32 to vector<16xi32>
        %mul3A_997 = arith.muli %get3A_994, %mul3A_996 : vector<16xi32>
        %swap3A_998 = arith.constant 256 : index
        %swap3A_999 = tpu.vector_load %arg7[%swap3A_998] {strides = array<i32>} : memref<800xi32, #tpu.memory_space<vmem>>, vector<16xi32>,
        %swap3A_1000 = vector.shape_cast %swap3A_999 : vector<16xi32> to vector<16xi32>
        %swap3A_1001 = vector.shape_cast %mul3A_997 : vector<16xi32> to vector<16xi32>
        tpu.vector_store %arg7[%swap3A_998], %swap3A_1001 {strides = array<i32>} : memref<800xi32, #tpu.memory_space<vmem>>, vector<16xi32>,
        %get3A_1002 = arith.constant 272 : index
        %get3A_1003 = tpu.vector_load %arg7[%get3A_1002] {strides = array<i32>} : memref<800xi32, #tpu.memory_space<vmem>>, vector<16xi32>,
        %get3A_1004 = vector.shape_cast %get3A_1003 : vector<16xi32> to vector<16xi32>
        %mul3A_1005 = arith.constant 2 : i32
        %mul3A_1006 = vector.broadcast %mul3A_1005 : i32 to vector<16xi32>
        %mul3A_1007 = arith.muli %get3A_1004, %mul3A_1006 : vector<16xi32>
        %swap3A_1008 = arith.constant 272 : index
        %swap3A_1009 = tpu.vector_load %arg7[%swap3A_1008] {strides = array<i32>} : memref<800xi32, #tpu.memory_space<vmem>>, vector<16xi32>,
        %swap3A_1010 = vector.shape_cast %swap3A_1009 : vector<16xi32> to vector<16xi32>
        %swap3A_1011 = vector.shape_cast %mul3A_1007 : vector<16xi32> to vector<16xi32>
        tpu.vector_store %arg7[%swap3A_1008], %swap3A_1011 {strides = array<i32>} : memref<800xi32, #tpu.memory_space<vmem>>, vector<16xi32>,
        %get3A_1012 = arith.constant 288 : index
        %get3A_1013 = tpu.vector_load %arg7[%get3A_1012] {strides = array<i32>} : memref<800xi32, #tpu.memory_space<vmem>>, vector<16xi32>,
        %get3A_1014 = vector.shape_cast %get3A_1013 : vector<16xi32> to vector<16xi32>
        %mul3A_1015 = arith.constant 2 : i32
        %mul3A_1016 = vector.broadcast %mul3A_1015 : i32 to vector<16xi32>
        %mul3A_1017 = arith.muli %get3A_1014, %mul3A_1016 : vector<16xi32>
        %swap3A_1018 = arith.constant 288 : index
        %swap3A_1019 = tpu.vector_load %arg7[%swap3A_1018] {strides = array<i32>} : memref<800xi32, #tpu.memory_space<vmem>>, vector<16xi32>,
        %swap3A_1020 = vector.shape_cast %swap3A_1019 : vector<16xi32> to vector<16xi32>
        %swap3A_1021 = vector.shape_cast %mul3A_1017 : vector<16xi32> to vector<16xi32>
        tpu.vector_store %arg7[%swap3A_1018], %swap3A_1021 {strides = array<i32>} : memref<800xi32, #tpu.memory_space<vmem>>, vector<16xi32>,
        %get3A_1022 = arith.constant 304 : index
        %get3A_1023 = tpu.vector_load %arg7[%get3A_1022] {strides = array<i32>} : memref<800xi32, #tpu.memory_space<vmem>>, vector<16xi32>,
        %get3A_1024 = vector.shape_cast %get3A_1023 : vector<16xi32> to vector<16xi32>
        %mul3A_1025 = arith.constant 2 : i32
        %mul3A_1026 = vector.broadcast %mul3A_1025 : i32 to vector<16xi32>
        %mul3A_1027 = arith.muli %get3A_1024, %mul3A_1026 : vector<16xi32>
        %swap3A_1028 = arith.constant 304 : index
        %swap3A_1029 = tpu.vector_load %arg7[%swap3A_1028] {strides = array<i32>} : memref<800xi32, #tpu.memory_space<vmem>>, vector<16xi32>,
        %swap3A_1030 = vector.shape_cast %swap3A_1029 : vector<16xi32> to vector<16xi32>
        %swap3A_1031 = vector.shape_cast %mul3A_1027 : vector<16xi32> to vector<16xi32>
        tpu.vector_store %arg7[%swap3A_1028], %swap3A_1031 {strides = array<i32>} : memref<800xi32, #tpu.memory_space<vmem>>, vector<16xi32>,
        %get3A_1032 = arith.constant 320 : index
        %get3A_1033 = tpu.vector_load %arg7[%get3A_1032] {strides = array<i32>} : memref<800xi32, #tpu.memory_space<vmem>>, vector<16xi32>,
        %get3A_1034 = vector.shape_cast %get3A_1033 : vector<16xi32> to vector<16xi32>
        %mul3A_1035 = arith.constant 2 : i32
        %mul3A_1036 = vector.broadcast %mul3A_1035 : i32 to vector<16xi32>
        %mul3A_1037 = arith.muli %get3A_1034, %mul3A_1036 : vector<16xi32>
        %swap3A_1038 = arith.constant 320 : index
        %swap3A_1039 = tpu.vector_load %arg7[%swap3A_1038] {strides = array<i32>} : memref<800xi32, #tpu.memory_space<vmem>>, vector<16xi32>,
        %swap3A_1040 = vector.shape_cast %swap3A_1039 : vector<16xi32> to vector<16xi32>
        %swap3A_1041 = vector.shape_cast %mul3A_1037 : vector<16xi32> to vector<16xi32>
        tpu.vector_store %arg7[%swap3A_1038], %swap3A_1041 {strides = array<i32>} : memref<800xi32, #tpu.memory_space<vmem>>, vector<16xi32>,
        %get3A_1042 = arith.constant 336 : index
        %get3A_1043 = tpu.vector_load %arg7[%get3A_1042] {strides = array<i32>} : memref<800xi32, #tpu.memory_space<vmem>>, vector<16xi32>,
        %get3A_1044 = vector.shape_cast %get3A_1043 : vector<16xi32> to vector<16xi32>
        %mul3A_1045 = arith.constant 2 : i32
        %mul3A_1046 = vector.broadcast %mul3A_1045 : i32 to vector<16xi32>
        %mul3A_1047 = arith.muli %get3A_1044, %mul3A_1046 : vector<16xi32>
        %swap3A_1048 = arith.constant 336 : index
        %swap3A_1049 = tpu.vector_load %arg7[%swap3A_1048] {strides = array<i32>} : memref<800xi32, #tpu.memory_space<vmem>>, vector<16xi32>,
        %swap3A_1050 = vector.shape_cast %swap3A_1049 : vector<16xi32> to vector<16xi32>
        %swap3A_1051 = vector.shape_cast %mul3A_1047 : vector<16xi32> to vector<16xi32>
        tpu.vector_store %arg7[%swap3A_1048], %swap3A_1051 {strides = array<i32>} : memref<800xi32, #tpu.memory_space<vmem>>, vector<16xi32>,
        %get3A_1052 = arith.constant 352 : index
        %get3A_1053 = tpu.vector_load %arg7[%get3A_1052] {strides = array<i32>} : memref<800xi32, #tpu.memory_space<vmem>>, vector<16xi32>,
        %get3A_1054 = vector.shape_cast %get3A_1053 : vector<16xi32> to vector<16xi32>
        %mul3A_1055 = arith.constant 2 : i32
        %mul3A_1056 = vector.broadcast %mul3A_1055 : i32 to vector<16xi32>
        %mul3A_1057 = arith.muli %get3A_1054, %mul3A_1056 : vector<16xi32>
        %swap3A_1058 = arith.constant 352 : index
        %swap3A_1059 = tpu.vector_load %arg7[%swap3A_1058] {strides = array<i32>} : memref<800xi32, #tpu.memory_space<vmem>>, vector<16xi32>,
        %swap3A_1060 = vector.shape_cast %swap3A_1059 : vector<16xi32> to vector<16xi32>
        %swap3A_1061 = vector.shape_cast %mul3A_1057 : vector<16xi32> to vector<16xi32>
        tpu.vector_store %arg7[%swap3A_1058], %swap3A_1061 {strides = array<i32>} : memref<800xi32, #tpu.memory_space<vmem>>, vector<16xi32>,
        %get3A_1062 = arith.constant 368 : index
        %get3A_1063 = tpu.vector_load %arg7[%get3A_1062] {strides = array<i32>} : memref<800xi32, #tpu.memory_space<vmem>>, vector<16xi32>,
        %get3A_1064 = vector.shape_cast %get3A_1063 : vector<16xi32> to vector<16xi32>
        %mul3A_1065 = arith.constant 2 : i32
        %mul3A_1066 = vector.broadcast %mul3A_1065 : i32 to vector<16xi32>
        %mul3A_1067 = arith.muli %get3A_1064, %mul3A_1066 : vector<16xi32>
        %swap3A_1068 = arith.constant 368 : index
        %swap3A_1069 = tpu.vector_load %arg7[%swap3A_1068] {strides = array<i32>} : memref<800xi32, #tpu.memory_space<vmem>>, vector<16xi32>,
        %swap3A_1070 = vector.shape_cast %swap3A_1069 : vector<16xi32> to vector<16xi32>
        %swap3A_1071 = vector.shape_cast %mul3A_1067 : vector<16xi32> to vector<16xi32>
        tpu.vector_store %arg7[%swap3A_1068], %swap3A_1071 {strides = array<i32>} : memref<800xi32, #tpu.memory_space<vmem>>, vector<16xi32>,
        %get3A_1072 = arith.constant 384 : index
        %get3A_1073 = tpu.vector_load %arg7[%get3A_1072] {strides = array<i32>} : memref<800xi32, #tpu.memory_space<vmem>>, vector<16xi32>,
        %get3A_1074 = vector.shape_cast %get3A_1073 : vector<16xi32> to vector<16xi32>
        %mul3A_1075 = arith.constant 2 : i32
        %mul3A_1076 = vector.broadcast %mul3A_1075 : i32 to vector<16xi32>
        %mul3A_1077 = arith.muli %get3A_1074, %mul3A_1076 : vector<16xi32>
        %swap3A_1078 = arith.constant 384 : index
        %swap3A_1079 = tpu.vector_load %arg7[%swap3A_1078] {strides = array<i32>} : memref<800xi32, #tpu.memory_space<vmem>>, vector<16xi32>,
        %swap3A_1080 = vector.shape_cast %swap3A_1079 : vector<16xi32> to vector<16xi32>
        %swap3A_1081 = vector.shape_cast %mul3A_1077 : vector<16xi32> to vector<16xi32>
        tpu.vector_store %arg7[%swap3A_1078], %swap3A_1081 {strides = array<i32>} : memref<800xi32, #tpu.memory_space<vmem>>, vector<16xi32>,
        %get3A_1082 = arith.constant 400 : index
        %get3A_1083 = tpu.vector_load %arg7[%get3A_1082] {strides = array<i32>} : memref<800xi32, #tpu.memory_space<vmem>>, vector<16xi32>,
        %get3A_1084 = vector.shape_cast %get3A_1083 : vector<16xi32> to vector<16xi32>
        %mul3A_1085 = arith.constant 2 : i32
        %mul3A_1086 = vector.broadcast %mul3A_1085 : i32 to vector<16xi32>
        %mul3A_1087 = arith.muli %get3A_1084, %mul3A_1086 : vector<16xi32>
        %swap3A_1088 = arith.constant 400 : index
        %swap3A_1089 = tpu.vector_load %arg7[%swap3A_1088] {strides = array<i32>} : memref<800xi32, #tpu.memory_space<vmem>>, vector<16xi32>,
        %swap3A_1090 = vector.shape_cast %swap3A_1089 : vector<16xi32> to vector<16xi32>
        %swap3A_1091 = vector.shape_cast %mul3A_1087 : vector<16xi32> to vector<16xi32>
        tpu.vector_store %arg7[%swap3A_1088], %swap3A_1091 {strides = array<i32>} : memref<800xi32, #tpu.memory_space<vmem>>, vector<16xi32>,
        %get3A_1092 = arith.constant 416 : index
        %get3A_1093 = tpu.vector_load %arg7[%get3A_1092] {strides = array<i32>} : memref<800xi32, #tpu.memory_space<vmem>>, vector<16xi32>,
        %get3A_1094 = vector.shape_cast %get3A_1093 : vector<16xi32> to vector<16xi32>
        %mul3A_1095 = arith.constant 2 : i32
        %mul3A_1096 = vector.broadcast %mul3A_1095 : i32 to vector<16xi32>
        %mul3A_1097 = arith.muli %get3A_1094, %mul3A_1096 : vector<16xi32>
        %swap3A_1098 = arith.constant 416 : index
        %swap3A_1099 = tpu.vector_load %arg7[%swap3A_1098] {strides = array<i32>} : memref<800xi32, #tpu.memory_space<vmem>>, vector<16xi32>,
        %swap3A_1100 = vector.shape_cast %swap3A_1099 : vector<16xi32> to vector<16xi32>
        %swap3A_1101 = vector.shape_cast %mul3A_1097 : vector<16xi32> to vector<16xi32>
        tpu.vector_store %arg7[%swap3A_1098], %swap3A_1101 {strides = array<i32>} : memref<800xi32, #tpu.memory_space<vmem>>, vector<16xi32>,
        %get3A_1102 = arith.constant 432 : index
        %get3A_1103 = tpu.vector_load %arg7[%get3A_1102] {strides = array<i32>} : memref<800xi32, #tpu.memory_space<vmem>>, vector<16xi32>,
        %get3A_1104 = vector.shape_cast %get3A_1103 : vector<16xi32> to vector<16xi32>
        %mul3A_1105 = arith.constant 2 : i32
        %mul3A_1106 = vector.broadcast %mul3A_1105 : i32 to vector<16xi32>
        %mul3A_1107 = arith.muli %get3A_1104, %mul3A_1106 : vector<16xi32>
        %swap3A_1108 = arith.constant 432 : index
        %swap3A_1109 = tpu.vector_load %arg7[%swap3A_1108] {strides = array<i32>} : memref<800xi32, #tpu.memory_space<vmem>>, vector<16xi32>,
        %swap3A_1110 = vector.shape_cast %swap3A_1109 : vector<16xi32> to vector<16xi32>
        %swap3A_1111 = vector.shape_cast %mul3A_1107 : vector<16xi32> to vector<16xi32>
        tpu.vector_store %arg7[%swap3A_1108], %swap3A_1111 {strides = array<i32>} : memref<800xi32, #tpu.memory_space<vmem>>, vector<16xi32>,
        %get3A_1112 = arith.constant 448 : index
        %get3A_1113 = tpu.vector_load %arg7[%get3A_1112] {strides = array<i32>} : memref<800xi32, #tpu.memory_space<vmem>>, vector<16xi32>,
        %get3A_1114 = vector.shape_cast %get3A_1113 : vector<16xi32> to vector<16xi32>
        %mul3A_1115 = arith.constant 2 : i32
        %mul3A_1116 = vector.broadcast %mul3A_1115 : i32 to vector<16xi32>
        %mul3A_1117 = arith.muli %get3A_1114, %mul3A_1116 : vector<16xi32>
        %swap3A_1118 = arith.constant 448 : index
        %swap3A_1119 = tpu.vector_load %arg7[%swap3A_1118] {strides = array<i32>} : memref<800xi32, #tpu.memory_space<vmem>>, vector<16xi32>,
        %swap3A_1120 = vector.shape_cast %swap3A_1119 : vector<16xi32> to vector<16xi32>
        %swap3A_1121 = vector.shape_cast %mul3A_1117 : vector<16xi32> to vector<16xi32>
        tpu.vector_store %arg7[%swap3A_1118], %swap3A_1121 {strides = array<i32>} : memref<800xi32, #tpu.memory_space<vmem>>, vector<16xi32>,
        %get3A_1122 = arith.constant 464 : index
        %get3A_1123 = tpu.vector_load %arg7[%get3A_1122] {strides = array<i32>} : memref<800xi32, #tpu.memory_space<vmem>>, vector<16xi32>,
        %get3A_1124 = vector.shape_cast %get3A_1123 : vector<16xi32> to vector<16xi32>
        %mul3A_1125 = arith.constant 2 : i32
        %mul3A_1126 = vector.broadcast %mul3A_1125 : i32 to vector<16xi32>
        %mul3A_1127 = arith.muli %get3A_1124, %mul3A_1126 : vector<16xi32>
        %swap3A_1128 = arith.constant 464 : index
        %swap3A_1129 = tpu.vector_load %arg7[%swap3A_1128] {strides = array<i32>} : memref<800xi32, #tpu.memory_space<vmem>>, vector<16xi32>,
        %swap3A_1130 = vector.shape_cast %swap3A_1129 : vector<16xi32> to vector<16xi32>
        %swap3A_1131 = vector.shape_cast %mul3A_1127 : vector<16xi32> to vector<16xi32>
        tpu.vector_store %arg7[%swap3A_1128], %swap3A_1131 {strides = array<i32>} : memref<800xi32, #tpu.memory_space<vmem>>, vector<16xi32>,
        %get3A_1132 = arith.constant 480 : index
        %get3A_1133 = tpu.vector_load %arg7[%get3A_1132] {strides = array<i32>} : memref<800xi32, #tpu.memory_space<vmem>>, vector<16xi32>,
        %get3A_1134 = vector.shape_cast %get3A_1133 : vector<16xi32> to vector<16xi32>
        %mul3A_1135 = arith.constant 2 : i32
        %mul3A_1136 = vector.broadcast %mul3A_1135 : i32 to vector<16xi32>
        %mul3A_1137 = arith.muli %get3A_1134, %mul3A_1136 : vector<16xi32>
        %swap3A_1138 = arith.constant 480 : index
        %swap3A_1139 = tpu.vector_load %arg7[%swap3A_1138] {strides = array<i32>} : memref<800xi32, #tpu.memory_space<vmem>>, vector<16xi32>,
        %swap3A_1140 = vector.shape_cast %swap3A_1139 : vector<16xi32> to vector<16xi32>
        %swap3A_1141 = vector.shape_cast %mul3A_1137 : vector<16xi32> to vector<16xi32>
        tpu.vector_store %arg7[%swap3A_1138], %swap3A_1141 {strides = array<i32>} : memref<800xi32, #tpu.memory_space<vmem>>, vector<16xi32>,
        %get3A_1142 = arith.constant 496 : index
        %get3A_1143 = tpu.vector_load %arg7[%get3A_1142] {strides = array<i32>} : memref<800xi32, #tpu.memory_space<vmem>>, vector<16xi32>,
        %get3A_1144 = vector.shape_cast %get3A_1143 : vector<16xi32> to vector<16xi32>
        %mul3A_1145 = arith.constant 2 : i32
        %mul3A_1146 = vector.broadcast %mul3A_1145 : i32 to vector<16xi32>
        %mul3A_1147 = arith.muli %get3A_1144, %mul3A_1146 : vector<16xi32>
        %swap3A_1148 = arith.constant 496 : index
        %swap3A_1149 = tpu.vector_load %arg7[%swap3A_1148] {strides = array<i32>} : memref<800xi32, #tpu.memory_space<vmem>>, vector<16xi32>,
        %swap3A_1150 = vector.shape_cast %swap3A_1149 : vector<16xi32> to vector<16xi32>
        %swap3A_1151 = vector.shape_cast %mul3A_1147 : vector<16xi32> to vector<16xi32>
        tpu.vector_store %arg7[%swap3A_1148], %swap3A_1151 {strides = array<i32>} : memref<800xi32, #tpu.memory_space<vmem>>, vector<16xi32>,
        %get3A_1152 = arith.constant 512 : index
        %get3A_1153 = tpu.vector_load %arg7[%get3A_1152] {strides = array<i32>} : memref<800xi32, #tpu.memory_space<vmem>>, vector<16xi32>,
        %get3A_1154 = vector.shape_cast %get3A_1153 : vector<16xi32> to vector<16xi32>
        %mul3A_1155 = arith.constant 2 : i32
        %mul3A_1156 = vector.broadcast %mul3A_1155 : i32 to vector<16xi32>
        %mul3A_1157 = arith.muli %get3A_1154, %mul3A_1156 : vector<16xi32>
        %swap3A_1158 = arith.constant 512 : index
        %swap3A_1159 = tpu.vector_load %arg7[%swap3A_1158] {strides = array<i32>} : memref<800xi32, #tpu.memory_space<vmem>>, vector<16xi32>,
        %swap3A_1160 = vector.shape_cast %swap3A_1159 : vector<16xi32> to vector<16xi32>
        %swap3A_1161 = vector.shape_cast %mul3A_1157 : vector<16xi32> to vector<16xi32>
        tpu.vector_store %arg7[%swap3A_1158], %swap3A_1161 {strides = array<i32>} : memref<800xi32, #tpu.memory_space<vmem>>, vector<16xi32>,
        %get3A_1162 = arith.constant 528 : index
        %get3A_1163 = tpu.vector_load %arg7[%get3A_1162] {strides = array<i32>} : memref<800xi32, #tpu.memory_space<vmem>>, vector<16xi32>,
        %get3A_1164 = vector.shape_cast %get3A_1163 : vector<16xi32> to vector<16xi32>
        %mul3A_1165 = arith.constant 2 : i32
        %mul3A_1166 = vector.broadcast %mul3A_1165 : i32 to vector<16xi32>
        %mul3A_1167 = arith.muli %get3A_1164, %mul3A_1166 : vector<16xi32>
        %swap3A_1168 = arith.constant 528 : index
        %swap3A_1169 = tpu.vector_load %arg7[%swap3A_1168] {strides = array<i32>} : memref<800xi32, #tpu.memory_space<vmem>>, vector<16xi32>,
        %swap3A_1170 = vector.shape_cast %swap3A_1169 : vector<16xi32> to vector<16xi32>
        %swap3A_1171 = vector.shape_cast %mul3A_1167 : vector<16xi32> to vector<16xi32>
        tpu.vector_store %arg7[%swap3A_1168], %swap3A_1171 {strides = array<i32>} : memref<800xi32, #tpu.memory_space<vmem>>, vector<16xi32>,
        %get3A_1172 = arith.constant 544 : index
        %get3A_1173 = tpu.vector_load %arg7[%get3A_1172] {strides = array<i32>} : memref<800xi32, #tpu.memory_space<vmem>>, vector<16xi32>,
        %get3A_1174 = vector.shape_cast %get3A_1173 : vector<16xi32> to vector<16xi32>
        %mul3A_1175 = arith.constant 2 : i32
        %mul3A_1176 = vector.broadcast %mul3A_1175 : i32 to vector<16xi32>
        %mul3A_1177 = arith.muli %get3A_1174, %mul3A_1176 : vector<16xi32>
        %swap3A_1178 = arith.constant 544 : index
        %swap3A_1179 = tpu.vector_load %arg7[%swap3A_1178] {strides = array<i32>} : memref<800xi32, #tpu.memory_space<vmem>>, vector<16xi32>,
        %swap3A_1180 = vector.shape_cast %swap3A_1179 : vector<16xi32> to vector<16xi32>
        %swap3A_1181 = vector.shape_cast %mul3A_1177 : vector<16xi32> to vector<16xi32>
        tpu.vector_store %arg7[%swap3A_1178], %swap3A_1181 {strides = array<i32>} : memref<800xi32, #tpu.memory_space<vmem>>, vector<16xi32>,
        %get3A_1182 = arith.constant 560 : index
        %get3A_1183 = tpu.vector_load %arg7[%get3A_1182] {strides = array<i32>} : memref<800xi32, #tpu.memory_space<vmem>>, vector<16xi32>,
        %get3A_1184 = vector.shape_cast %get3A_1183 : vector<16xi32> to vector<16xi32>
        %mul3A_1185 = arith.constant 2 : i32
        %mul3A_1186 = vector.broadcast %mul3A_1185 : i32 to vector<16xi32>
        %mul3A_1187 = arith.muli %get3A_1184, %mul3A_1186 : vector<16xi32>
        %swap3A_1188 = arith.constant 560 : index
        %swap3A_1189 = tpu.vector_load %arg7[%swap3A_1188] {strides = array<i32>} : memref<800xi32, #tpu.memory_space<vmem>>, vector<16xi32>,
        %swap3A_1190 = vector.shape_cast %swap3A_1189 : vector<16xi32> to vector<16xi32>
        %swap3A_1191 = vector.shape_cast %mul3A_1187 : vector<16xi32> to vector<16xi32>
        tpu.vector_store %arg7[%swap3A_1188], %swap3A_1191 {strides = array<i32>} : memref<800xi32, #tpu.memory_space<vmem>>, vector<16xi32>,
        %get3A_1192 = arith.constant 576 : index
        %get3A_1193 = tpu.vector_load %arg7[%get3A_1192] {strides = array<i32>} : memref<800xi32, #tpu.memory_space<vmem>>, vector<16xi32>,
        %get3A_1194 = vector.shape_cast %get3A_1193 : vector<16xi32> to vector<16xi32>
        %mul3A_1195 = arith.constant 2 : i32
        %mul3A_1196 = vector.broadcast %mul3A_1195 : i32 to vector<16xi32>
        %mul3A_1197 = arith.muli %get3A_1194, %mul3A_1196 : vector<16xi32>
        %swap3A_1198 = arith.constant 576 : index
        %swap3A_1199 = tpu.vector_load %arg7[%swap3A_1198] {strides = array<i32>} : memref<800xi32, #tpu.memory_space<vmem>>, vector<16xi32>,
        %swap3A_1200 = vector.shape_cast %swap3A_1199 : vector<16xi32> to vector<16xi32>
        %swap3A_1201 = vector.shape_cast %mul3A_1197 : vector<16xi32> to vector<16xi32>
        tpu.vector_store %arg7[%swap3A_1198], %swap3A_1201 {strides = array<i32>} : memref<800xi32, #tpu.memory_space<vmem>>, vector<16xi32>,
        %get3A_1202 = arith.constant 592 : index
        %get3A_1203 = tpu.vector_load %arg7[%get3A_1202] {strides = array<i32>} : memref<800xi32, #tpu.memory_space<vmem>>, vector<16xi32>,
        %get3A_1204 = vector.shape_cast %get3A_1203 : vector<16xi32> to vector<16xi32>
        %mul3A_1205 = arith.constant 2 : i32
        %mul3A_1206 = vector.broadcast %mul3A_1205 : i32 to vector<16xi32>
        %mul3A_1207 = arith.muli %get3A_1204, %mul3A_1206 : vector<16xi32>
        %swap3A_1208 = arith.constant 592 : index
        %swap3A_1209 = tpu.vector_load %arg7[%swap3A_1208] {strides = array<i32>} : memref<800xi32, #tpu.memory_space<vmem>>, vector<16xi32>,
        %swap3A_1210 = vector.shape_cast %swap3A_1209 : vector<16xi32> to vector<16xi32>
        %swap3A_1211 = vector.shape_cast %mul3A_1207 : vector<16xi32> to vector<16xi32>
        tpu.vector_store %arg7[%swap3A_1208], %swap3A_1211 {strides = array<i32>} : memref<800xi32, #tpu.memory_space<vmem>>, vector<16xi32>,
        %get3A_1212 = arith.constant 608 : index
        %get3A_1213 = tpu.vector_load %arg7[%get3A_1212] {strides = array<i32>} : memref<800xi32, #tpu.memory_space<vmem>>, vector<16xi32>,
        %get3A_1214 = vector.shape_cast %get3A_1213 : vector<16xi32> to vector<16xi32>
        %mul3A_1215 = arith.constant 2 : i32
        %mul3A_1216 = vector.broadcast %mul3A_1215 : i32 to vector<16xi32>
        %mul3A_1217 = arith.muli %get3A_1214, %mul3A_1216 : vector<16xi32>
        %swap3A_1218 = arith.constant 608 : index
        %swap3A_1219 = tpu.vector_load %arg7[%swap3A_1218] {strides = array<i32>} : memref<800xi32, #tpu.memory_space<vmem>>, vector<16xi32>,
        %swap3A_1220 = vector.shape_cast %swap3A_1219 : vector<16xi32> to vector<16xi32>
        %swap3A_1221 = vector.shape_cast %mul3A_1217 : vector<16xi32> to vector<16xi32>
        tpu.vector_store %arg7[%swap3A_1218], %swap3A_1221 {strides = array<i32>} : memref<800xi32, #tpu.memory_space<vmem>>, vector<16xi32>,
        %get3A_1222 = arith.constant 624 : index
        %get3A_1223 = tpu.vector_load %arg7[%get3A_1222] {strides = array<i32>} : memref<800xi32, #tpu.memory_space<vmem>>, vector<16xi32>,
        %get3A_1224 = vector.shape_cast %get3A_1223 : vector<16xi32> to vector<16xi32>
        %mul3A_1225 = arith.constant 2 : i32
        %mul3A_1226 = vector.broadcast %mul3A_1225 : i32 to vector<16xi32>
        %mul3A_1227 = arith.muli %get3A_1224, %mul3A_1226 : vector<16xi32>
        %swap3A_1228 = arith.constant 624 : index
        %swap3A_1229 = tpu.vector_load %arg7[%swap3A_1228] {strides = array<i32>} : memref<800xi32, #tpu.memory_space<vmem>>, vector<16xi32>,
        %swap3A_1230 = vector.shape_cast %swap3A_1229 : vector<16xi32> to vector<16xi32>
        %swap3A_1231 = vector.shape_cast %mul3A_1227 : vector<16xi32> to vector<16xi32>
        tpu.vector_store %arg7[%swap3A_1228], %swap3A_1231 {strides = array<i32>} : memref<800xi32, #tpu.memory_space<vmem>>, vector<16xi32>,
        %get3A_1232 = arith.constant 640 : index
        %get3A_1233 = tpu.vector_load %arg7[%get3A_1232] {strides = array<i32>} : memref<800xi32, #tpu.memory_space<vmem>>, vector<16xi32>,
        %get3A_1234 = vector.shape_cast %get3A_1233 : vector<16xi32> to vector<16xi32>
        %mul3A_1235 = arith.constant 2 : i32
        %mul3A_1236 = vector.broadcast %mul3A_1235 : i32 to vector<16xi32>
        %mul3A_1237 = arith.muli %get3A_1234, %mul3A_1236 : vector<16xi32>
        %swap3A_1238 = arith.constant 640 : index
        %swap3A_1239 = tpu.vector_load %arg7[%swap3A_1238] {strides = array<i32>} : memref<800xi32, #tpu.memory_space<vmem>>, vector<16xi32>,
        %swap3A_1240 = vector.shape_cast %swap3A_1239 : vector<16xi32> to vector<16xi32>
        %swap3A_1241 = vector.shape_cast %mul3A_1237 : vector<16xi32> to vector<16xi32>
        tpu.vector_store %arg7[%swap3A_1238], %swap3A_1241 {strides = array<i32>} : memref<800xi32, #tpu.memory_space<vmem>>, vector<16xi32>,
        %get3A_1242 = arith.constant 656 : index
        %get3A_1243 = tpu.vector_load %arg7[%get3A_1242] {strides = array<i32>} : memref<800xi32, #tpu.memory_space<vmem>>, vector<16xi32>,
        %get3A_1244 = vector.shape_cast %get3A_1243 : vector<16xi32> to vector<16xi32>
        %mul3A_1245 = arith.constant 2 : i32
        %mul3A_1246 = vector.broadcast %mul3A_1245 : i32 to vector<16xi32>
        %mul3A_1247 = arith.muli %get3A_1244, %mul3A_1246 : vector<16xi32>
        %swap3A_1248 = arith.constant 656 : index
        %swap3A_1249 = tpu.vector_load %arg7[%swap3A_1248] {strides = array<i32>} : memref<800xi32, #tpu.memory_space<vmem>>, vector<16xi32>,
        %swap3A_1250 = vector.shape_cast %swap3A_1249 : vector<16xi32> to vector<16xi32>
        %swap3A_1251 = vector.shape_cast %mul3A_1247 : vector<16xi32> to vector<16xi32>
        tpu.vector_store %arg7[%swap3A_1248], %swap3A_1251 {strides = array<i32>} : memref<800xi32, #tpu.memory_space<vmem>>, vector<16xi32>,
        %get3A_1252 = arith.constant 672 : index
        %get3A_1253 = tpu.vector_load %arg7[%get3A_1252] {strides = array<i32>} : memref<800xi32, #tpu.memory_space<vmem>>, vector<16xi32>,
        %get3A_1254 = vector.shape_cast %get3A_1253 : vector<16xi32> to vector<16xi32>
        %mul3A_1255 = arith.constant 2 : i32
        %mul3A_1256 = vector.broadcast %mul3A_1255 : i32 to vector<16xi32>
        %mul3A_1257 = arith.muli %get3A_1254, %mul3A_1256 : vector<16xi32>
        %swap3A_1258 = arith.constant 672 : index
        %swap3A_1259 = tpu.vector_load %arg7[%swap3A_1258] {strides = array<i32>} : memref<800xi32, #tpu.memory_space<vmem>>, vector<16xi32>,
        %swap3A_1260 = vector.shape_cast %swap3A_1259 : vector<16xi32> to vector<16xi32>
        %swap3A_1261 = vector.shape_cast %mul3A_1257 : vector<16xi32> to vector<16xi32>
        tpu.vector_store %arg7[%swap3A_1258], %swap3A_1261 {strides = array<i32>} : memref<800xi32, #tpu.memory_space<vmem>>, vector<16xi32>,
        %get3A_1262 = arith.constant 688 : index
        %get3A_1263 = tpu.vector_load %arg7[%get3A_1262] {strides = array<i32>} : memref<800xi32, #tpu.memory_space<vmem>>, vector<16xi32>,
        %get3A_1264 = vector.shape_cast %get3A_1263 : vector<16xi32> to vector<16xi32>
        %mul3A_1265 = arith.constant 2 : i32
        %mul3A_1266 = vector.broadcast %mul3A_1265 : i32 to vector<16xi32>
        %mul3A_1267 = arith.muli %get3A_1264, %mul3A_1266 : vector<16xi32>
        %swap3A_1268 = arith.constant 688 : index
        %swap3A_1269 = tpu.vector_load %arg7[%swap3A_1268] {strides = array<i32>} : memref<800xi32, #tpu.memory_space<vmem>>, vector<16xi32>,
        %swap3A_1270 = vector.shape_cast %swap3A_1269 : vector<16xi32> to vector<16xi32>
        %swap3A_1271 = vector.shape_cast %mul3A_1267 : vector<16xi32> to vector<16xi32>
        tpu.vector_store %arg7[%swap3A_1268], %swap3A_1271 {strides = array<i32>} : memref<800xi32, #tpu.memory_space<vmem>>, vector<16xi32>,
        %get3A_1272 = arith.constant 704 : index
        %get3A_1273 = tpu.vector_load %arg7[%get3A_1272] {strides = array<i32>} : memref<800xi32, #tpu.memory_space<vmem>>, vector<16xi32>,
        %get3A_1274 = vector.shape_cast %get3A_1273 : vector<16xi32> to vector<16xi32>
        %mul3A_1275 = arith.constant 2 : i32
        %mul3A_1276 = vector.broadcast %mul3A_1275 : i32 to vector<16xi32>
        %mul3A_1277 = arith.muli %get3A_1274, %mul3A_1276 : vector<16xi32>
        %swap3A_1278 = arith.constant 704 : index
        %swap3A_1279 = tpu.vector_load %arg7[%swap3A_1278] {strides = array<i32>} : memref<800xi32, #tpu.memory_space<vmem>>, vector<16xi32>,
        %swap3A_1280 = vector.shape_cast %swap3A_1279 : vector<16xi32> to vector<16xi32>
        %swap3A_1281 = vector.shape_cast %mul3A_1277 : vector<16xi32> to vector<16xi32>
        tpu.vector_store %arg7[%swap3A_1278], %swap3A_1281 {strides = array<i32>} : memref<800xi32, #tpu.memory_space<vmem>>, vector<16xi32>,
        %get3A_1282 = arith.constant 720 : index
        %get3A_1283 = tpu.vector_load %arg7[%get3A_1282] {strides = array<i32>} : memref<800xi32, #tpu.memory_space<vmem>>, vector<16xi32>,
        %get3A_1284 = vector.shape_cast %get3A_1283 : vector<16xi32> to vector<16xi32>
        %mul3A_1285 = arith.constant 2 : i32
        %mul3A_1286 = vector.broadcast %mul3A_1285 : i32 to vector<16xi32>
        %mul3A_1287 = arith.muli %get3A_1284, %mul3A_1286 : vector<16xi32>
        %swap3A_1288 = arith.constant 720 : index
        %swap3A_1289 = tpu.vector_load %arg7[%swap3A_1288] {strides = array<i32>} : memref<800xi32, #tpu.memory_space<vmem>>, vector<16xi32>,
        %swap3A_1290 = vector.shape_cast %swap3A_1289 : vector<16xi32> to vector<16xi32>
        %swap3A_1291 = vector.shape_cast %mul3A_1287 : vector<16xi32> to vector<16xi32>
        tpu.vector_store %arg7[%swap3A_1288], %swap3A_1291 {strides = array<i32>} : memref<800xi32, #tpu.memory_space<vmem>>, vector<16xi32>,
        %get3A_1292 = arith.constant 736 : index
        %get3A_1293 = tpu.vector_load %arg7[%get3A_1292] {strides = array<i32>} : memref<800xi32, #tpu.memory_space<vmem>>, vector<16xi32>,
        %get3A_1294 = vector.shape_cast %get3A_1293 : vector<16xi32> to vector<16xi32>
        %mul3A_1295 = arith.constant 2 : i32
        %mul3A_1296 = vector.broadcast %mul3A_1295 : i32 to vector<16xi32>
        %mul3A_1297 = arith.muli %get3A_1294, %mul3A_1296 : vector<16xi32>
        %swap3A_1298 = arith.constant 736 : index
        %swap3A_1299 = tpu.vector_load %arg7[%swap3A_1298] {strides = array<i32>} : memref<800xi32, #tpu.memory_space<vmem>>, vector<16xi32>,
        %swap3A_1300 = vector.shape_cast %swap3A_1299 : vector<16xi32> to vector<16xi32>
        %swap3A_1301 = vector.shape_cast %mul3A_1297 : vector<16xi32> to vector<16xi32>
        tpu.vector_store %arg7[%swap3A_1298], %swap3A_1301 {strides = array<i32>} : memref<800xi32, #tpu.memory_space<vmem>>, vector<16xi32>,
        %get3A_1302 = arith.constant 752 : index
        %get3A_1303 = tpu.vector_load %arg7[%get3A_1302] {strides = array<i32>} : memref<800xi32, #tpu.memory_space<vmem>>, vector<16xi32>,
        %get3A_1304 = vector.shape_cast %get3A_1303 : vector<16xi32> to vector<16xi32>
        %mul3A_1305 = arith.constant 2 : i32
        %mul3A_1306 = vector.broadcast %mul3A_1305 : i32 to vector<16xi32>
        %mul3A_1307 = arith.muli %get3A_1304, %mul3A_1306 : vector<16xi32>
        %swap3A_1308 = arith.constant 752 : index
        %swap3A_1309 = tpu.vector_load %arg7[%swap3A_1308] {strides = array<i32>} : memref<800xi32, #tpu.memory_space<vmem>>, vector<16xi32>,
        %swap3A_1310 = vector.shape_cast %swap3A_1309 : vector<16xi32> to vector<16xi32>
        %swap3A_1311 = vector.shape_cast %mul3A_1307 : vector<16xi32> to vector<16xi32>
        tpu.vector_store %arg7[%swap3A_1308], %swap3A_1311 {strides = array<i32>} : memref<800xi32, #tpu.memory_space<vmem>>, vector<16xi32>,
        %get3A_1312 = arith.constant 768 : index
        %get3A_1313 = tpu.vector_load %arg7[%get3A_1312] {strides = array<i32>} : memref<800xi32, #tpu.memory_space<vmem>>, vector<16xi32>,
        %get3A_1314 = vector.shape_cast %get3A_1313 : vector<16xi32> to vector<16xi32>
        %mul3A_1315 = arith.constant 2 : i32
        %mul3A_1316 = vector.broadcast %mul3A_1315 : i32 to vector<16xi32>
        %mul3A_1317 = arith.muli %get3A_1314, %mul3A_1316 : vector<16xi32>
        %swap3A_1318 = arith.constant 768 : index
        %swap3A_1319 = tpu.vector_load %arg7[%swap3A_1318] {strides = array<i32>} : memref<800xi32, #tpu.memory_space<vmem>>, vector<16xi32>,
        %swap3A_1320 = vector.shape_cast %swap3A_1319 : vector<16xi32> to vector<16xi32>
        %swap3A_1321 = vector.shape_cast %mul3A_1317 : vector<16xi32> to vector<16xi32>
        tpu.vector_store %arg7[%swap3A_1318], %swap3A_1321 {strides = array<i32>} : memref<800xi32, #tpu.memory_space<vmem>>, vector<16xi32>,
        %get3A_1322 = arith.constant 784 : index
        %get3A_1323 = tpu.vector_load %arg7[%get3A_1322] {strides = array<i32>} : memref<800xi32, #tpu.memory_space<vmem>>, vector<16xi32>,
        %get3A_1324 = vector.shape_cast %get3A_1323 : vector<16xi32> to vector<16xi32>
        %mul3A_1325 = arith.constant 2 : i32
        %mul3A_1326 = vector.broadcast %mul3A_1325 : i32 to vector<16xi32>
        %mul3A_1327 = arith.muli %get3A_1324, %mul3A_1326 : vector<16xi32>
        %swap3A_1328 = arith.constant 784 : index
        %swap3A_1329 = tpu.vector_load %arg7[%swap3A_1328] {strides = array<i32>} : memref<800xi32, #tpu.memory_space<vmem>>, vector<16xi32>,
        %swap3A_1330 = vector.shape_cast %swap3A_1329 : vector<16xi32> to vector<16xi32>
        %swap3A_1331 = vector.shape_cast %mul3A_1327 : vector<16xi32> to vector<16xi32>
        tpu.vector_store %arg7[%swap3A_1328], %swap3A_1331 {strides = array<i32>} : memref<800xi32, #tpu.memory_space<vmem>>, vector<16xi32>,
        %dma_start3A_1332 = arith.constant 0 : i32
        %dma_start3A_1333 = arith.constant 0 : i32
        %dma_start3A_1334 = tpu.memref_slice %arg11[%dma_start3A_1332, %dma_start3A_1333] : memref<800x64xf32, #tpu.memory_space<vmem>> -> memref<128x64xf32, #tpu.memory_space<vmem>>
        %dma_start3A_1335 = arith.constant 0 : i32
        %dma_start3A_1336 = tpu.memref_slice %arg7[%dma_start3A_1335] : memref<800xi32, #tpu.memory_space<vmem>> -> memref<128xi32, #tpu.memory_space<vmem>>
        %dma_start3A_1337 = arith.constant 0 : i32
        %dma_start3A_1338 = arith.constant 0 : i32
        %dma_start3A_1339 = tpu.memref_slice %arg4[%dma_start3A_1337, %dma_start3A_1338] : memref<2000000x64xf32, #tpu.memory_space<hbm>> -> memref<2000000x64xf32, #tpu.memory_space<hbm>>
        tpu.enqueue_indirect_dma source(%dma_start3A_1339 : memref<2000000x64xf32, #tpu.memory_space<hbm>>) target(%dma_start3A_1334 : memref<128x64xf32, #tpu.memory_space<vmem>>) offsets(%dma_start3A_1336 : memref<128xi32, #tpu.memory_space<vmem>>) semaphore(%arg18 : memref<!tpu.dma_semaphore, #tpu.memory_space<semaphore_mem>>)
        %dma_start3A_1340 = arith.constant 128 : i32
        %dma_start3A_1341 = arith.constant 0 : i32
        %dma_start3A_1342 = tpu.memref_slice %arg11[%dma_start3A_1340, %dma_start3A_1341] : memref<800x64xf32, #tpu.memory_space<vmem>> -> memref<128x64xf32, #tpu.memory_space<vmem>>
        %dma_start3A_1343 = arith.constant 128 : i32
        %dma_start3A_1344 = tpu.memref_slice %arg7[%dma_start3A_1343] : memref<800xi32, #tpu.memory_space<vmem>> -> memref<128xi32, #tpu.memory_space<vmem>>
        %dma_start3A_1345 = arith.constant 0 : i32
        %dma_start3A_1346 = arith.constant 0 : i32
        %dma_start3A_1347 = tpu.memref_slice %arg4[%dma_start3A_1345, %dma_start3A_1346] : memref<2000000x64xf32, #tpu.memory_space<hbm>> -> memref<2000000x64xf32, #tpu.memory_space<hbm>>
        tpu.enqueue_indirect_dma source(%dma_start3A_1347 : memref<2000000x64xf32, #tpu.memory_space<hbm>>) target(%dma_start3A_1342 : memref<128x64xf32, #tpu.memory_space<vmem>>) offsets(%dma_start3A_1344 : memref<128xi32, #tpu.memory_space<vmem>>) semaphore(%arg18 : memref<!tpu.dma_semaphore, #tpu.memory_space<semaphore_mem>>)
        %dma_start3A_1348 = arith.constant 256 : i32
        %dma_start3A_1349 = arith.constant 0 : i32
        %dma_start3A_1350 = tpu.memref_slice %arg11[%dma_start3A_1348, %dma_start3A_1349] : memref<800x64xf32, #tpu.memory_space<vmem>> -> memref<128x64xf32, #tpu.memory_space<vmem>>
        %dma_start3A_1351 = arith.constant 256 : i32
        %dma_start3A_1352 = tpu.memref_slice %arg7[%dma_start3A_1351] : memref<800xi32, #tpu.memory_space<vmem>> -> memref<128xi32, #tpu.memory_space<vmem>>
        %dma_start3A_1353 = arith.constant 0 : i32
        %dma_start3A_1354 = arith.constant 0 : i32
        %dma_start3A_1355 = tpu.memref_slice %arg4[%dma_start3A_1353, %dma_start3A_1354] : memref<2000000x64xf32, #tpu.memory_space<hbm>> -> memref<2000000x64xf32, #tpu.memory_space<hbm>>
        tpu.enqueue_indirect_dma source(%dma_start3A_1355 : memref<2000000x64xf32, #tpu.memory_space<hbm>>) target(%dma_start3A_1350 : memref<128x64xf32, #tpu.memory_space<vmem>>) offsets(%dma_start3A_1352 : memref<128xi32, #tpu.memory_space<vmem>>) semaphore(%arg18 : memref<!tpu.dma_semaphore, #tpu.memory_space<semaphore_mem>>)
        %dma_start3A_1356 = arith.constant 384 : i32
        %dma_start3A_1357 = arith.constant 0 : i32
        %dma_start3A_1358 = tpu.memref_slice %arg11[%dma_start3A_1356, %dma_start3A_1357] : memref<800x64xf32, #tpu.memory_space<vmem>> -> memref<128x64xf32, #tpu.memory_space<vmem>>
        %dma_start3A_1359 = arith.constant 384 : i32
        %dma_start3A_1360 = tpu.memref_slice %arg7[%dma_start3A_1359] : memref<800xi32, #tpu.memory_space<vmem>> -> memref<128xi32, #tpu.memory_space<vmem>>
        %dma_start3A_1361 = arith.constant 0 : i32
        %dma_start3A_1362 = arith.constant 0 : i32
        %dma_start3A_1363 = tpu.memref_slice %arg4[%dma_start3A_1361, %dma_start3A_1362] : memref<2000000x64xf32, #tpu.memory_space<hbm>> -> memref<2000000x64xf32, #tpu.memory_space<hbm>>
        tpu.enqueue_indirect_dma source(%dma_start3A_1363 : memref<2000000x64xf32, #tpu.memory_space<hbm>>) target(%dma_start3A_1358 : memref<128x64xf32, #tpu.memory_space<vmem>>) offsets(%dma_start3A_1360 : memref<128xi32, #tpu.memory_space<vmem>>) semaphore(%arg18 : memref<!tpu.dma_semaphore, #tpu.memory_space<semaphore_mem>>)
        %dma_start3A_1364 = arith.constant 512 : i32
        %dma_start3A_1365 = arith.constant 0 : i32
        %dma_start3A_1366 = tpu.memref_slice %arg11[%dma_start3A_1364, %dma_start3A_1365] : memref<800x64xf32, #tpu.memory_space<vmem>> -> memref<128x64xf32, #tpu.memory_space<vmem>>
        %dma_start3A_1367 = arith.constant 512 : i32
        %dma_start3A_1368 = tpu.memref_slice %arg7[%dma_start3A_1367] : memref<800xi32, #tpu.memory_space<vmem>> -> memref<128xi32, #tpu.memory_space<vmem>>
        %dma_start3A_1369 = arith.constant 0 : i32
        %dma_start3A_1370 = arith.constant 0 : i32
        %dma_start3A_1371 = tpu.memref_slice %arg4[%dma_start3A_1369, %dma_start3A_1370] : memref<2000000x64xf32, #tpu.memory_space<hbm>> -> memref<2000000x64xf32, #tpu.memory_space<hbm>>
        tpu.enqueue_indirect_dma source(%dma_start3A_1371 : memref<2000000x64xf32, #tpu.memory_space<hbm>>) target(%dma_start3A_1366 : memref<128x64xf32, #tpu.memory_space<vmem>>) offsets(%dma_start3A_1368 : memref<128xi32, #tpu.memory_space<vmem>>) semaphore(%arg18 : memref<!tpu.dma_semaphore, #tpu.memory_space<semaphore_mem>>)
        %dma_start3A_1372 = arith.constant 640 : i32
        %dma_start3A_1373 = arith.constant 0 : i32
        %dma_start3A_1374 = tpu.memref_slice %arg11[%dma_start3A_1372, %dma_start3A_1373] : memref<800x64xf32, #tpu.memory_space<vmem>> -> memref<128x64xf32, #tpu.memory_space<vmem>>
        %dma_start3A_1375 = arith.constant 640 : i32
        %dma_start3A_1376 = tpu.memref_slice %arg7[%dma_start3A_1375] : memref<800xi32, #tpu.memory_space<vmem>> -> memref<128xi32, #tpu.memory_space<vmem>>
        %dma_start3A_1377 = arith.constant 0 : i32
        %dma_start3A_1378 = arith.constant 0 : i32
        %dma_start3A_1379 = tpu.memref_slice %arg4[%dma_start3A_1377, %dma_start3A_1378] : memref<2000000x64xf32, #tpu.memory_space<hbm>> -> memref<2000000x64xf32, #tpu.memory_space<hbm>>
        tpu.enqueue_indirect_dma source(%dma_start3A_1379 : memref<2000000x64xf32, #tpu.memory_space<hbm>>) target(%dma_start3A_1374 : memref<128x64xf32, #tpu.memory_space<vmem>>) offsets(%dma_start3A_1376 : memref<128xi32, #tpu.memory_space<vmem>>) semaphore(%arg18 : memref<!tpu.dma_semaphore, #tpu.memory_space<semaphore_mem>>)
        %dma_start3A_1380 = arith.constant 768 : i32
        %dma_start3A_1381 = arith.constant 0 : i32
        %dma_start3A_1382 = tpu.memref_slice %arg11[%dma_start3A_1380, %dma_start3A_1381] : memref<800x64xf32, #tpu.memory_space<vmem>> -> memref<32x64xf32, #tpu.memory_space<vmem>>
        %dma_start3A_1383 = arith.constant 768 : i32
        %dma_start3A_1384 = tpu.memref_slice %arg7[%dma_start3A_1383] : memref<800xi32, #tpu.memory_space<vmem>> -> memref<32xi32, #tpu.memory_space<vmem>>
        %dma_start3A_1385 = arith.constant 0 : i32
        %dma_start3A_1386 = arith.constant 0 : i32
        %dma_start3A_1387 = tpu.memref_slice %arg4[%dma_start3A_1385, %dma_start3A_1386] : memref<2000000x64xf32, #tpu.memory_space<hbm>> -> memref<2000000x64xf32, #tpu.memory_space<hbm>>
        tpu.enqueue_indirect_dma source(%dma_start3A_1387 : memref<2000000x64xf32, #tpu.memory_space<hbm>>) target(%dma_start3A_1382 : memref<32x64xf32, #tpu.memory_space<vmem>>) offsets(%dma_start3A_1384 : memref<32xi32, #tpu.memory_space<vmem>>) semaphore(%arg18 : memref<!tpu.dma_semaphore, #tpu.memory_space<semaphore_mem>>)
      } else {
      }
      %dma_wait3A_727 = arith.constant 0 : i32
      %dma_wait3A_728 = arith.constant 0 : i32
      %dma_wait3A_729 = tpu.memref_slice %arg4[%dma_wait3A_727, %dma_wait3A_728] : memref<2000000x64xf32, #tpu.memory_space<hbm>> -> memref<800x64xf32, #tpu.memory_space<hbm>>
      %dma_wait3A_730 = arith.constant 0 : i32
      %dma_wait3A_731 = arith.constant 0 : i32
      %dma_wait3A_732 = tpu.memref_slice %arg4[%dma_wait3A_730, %dma_wait3A_731] : memref<2000000x64xf32, #tpu.memory_space<hbm>> -> memref<800x64xf32, #tpu.memory_space<hbm>>
      tpu.wait_dma2 semaphore(%arg17 : memref<!tpu.dma_semaphore, #tpu.memory_space<semaphore_mem>>) src(%dma_wait3A_732 : memref<800x64xf32, #tpu.memory_space<hbm>>) dst(%arg10 : memref<800x64xf32, #tpu.memory_space<vmem>>)
      %scan3A_733 = arith.constant 0 : i32
      %scan3A_734 = arith.constant 0 : i32
      %scan3A_735 = arith.constant 4 : i32
      %scan3A_736 = arith.addi %scan3A_734, %scan3A_735 : i32
      %scan3A_737 = arith.constant 1 : i32
      scf.for %scan3A_782 = %scan3A_734 to %scan3A_736 step %scan3A_737  : i32 {
        %mul3A_783 = arith.constant 200 : i32
        %mul3A_784 = arith.muli %scan3A_782, %mul3A_783 : i32
        %broadcast_in_dim3A = arith.constant 0.000000e+00 : f32
        %broadcast_in_dim3A_785 = vector.broadcast %broadcast_in_dim3A : f32 to vector<16xf32>
        %scan3A_786 = arith.constant 0 : i32
        %scan3A_787 = arith.constant 12 : i32
        %scan3A_788 = arith.addi %scan3A_786, %scan3A_787 : i32
        %scan3A_789 = arith.constant 1 : i32
        %scan3A_790:4 = scf.for %scan3A_1117 = %scan3A_786 to %scan3A_788 step %scan3A_789 iter_args(%scan3A_1118 = %broadcast_in_dim3A_785, %scan3A_1119 = %broadcast_in_dim3A_785, %scan3A_1120 = %broadcast_in_dim3A_785, %scan3A_1121 = %broadcast_in_dim3A_785) -> (vector<16xf32>, vector<16xf32>, vector<16xf32>, vector<16xf32>)  : i32 {
          %mul3A_1122 = arith.constant 16 : i32
          %mul3A_1123 = arith.muli %scan3A_1117, %mul3A_1122 : i32
          %get3A_1124 = arith.index_cast %scan3A_782 : i32 to index
          %get3A_1125 = arith.index_cast %mul3A_1123 : i32 to index
          %get3A_1126 = tpu.vector_load %arg8[%get3A_1124, %get3A_1125] {strides = array<i32>} : memref<4x200xf32, #tpu.memory_space<vmem>>, vector<1x16xf32>,
          %get3A_1127 = vector.shape_cast %get3A_1126 : vector<1x16xf32> to vector<16xf32>
          %slice3A_1128 = vector.extract_strided_slice %get3A_1127 {offsets = [0], sizes = [1], strides = [1]} : vector<16xf32> to vector<1xf32>
          %squeeze3A_1129 = vector.extract %slice3A_1128[0] : f32 from vector<1xf32>
          %add3A_1130 = arith.addi %mul3A_784, %mul3A_1123 : i32
          %add3A_1131 = arith.constant 0 : i32
          %add3A_1132 = arith.addi %add3A_1130, %add3A_1131 : i32
          %get3A_1133 = arith.index_cast %add3A_1132 : i32 to index
          %get3A_1134 = arith.constant 0 : index
          %get3A_1135 = tpu.vector_load %arg10[%get3A_1133, %get3A_1134] {strides = array<i32>} : memref<800x64xf32, #tpu.memory_space<vmem>>, vector<1x16xf32>,
          %get3A_1136 = vector.shape_cast %get3A_1135 : vector<1x16xf32> to vector<16xf32>
          %mul3A_1137 = vector.broadcast %squeeze3A_1129 : f32 to vector<16xf32>
          %mul3A_1138 = arith.mulf %mul3A_1137, %get3A_1136 : vector<16xf32>
          %add3A_1139 = arith.addf %scan3A_1118, %mul3A_1138 : vector<16xf32>
          %get3A_1140 = arith.index_cast %add3A_1132 : i32 to index
          %get3A_1141 = arith.constant 16 : index
          %get3A_1142 = tpu.vector_load %arg10[%get3A_1140, %get3A_1141] {strides = array<i32>} : memref<800x64xf32, #tpu.memory_space<vmem>>, vector<1x16xf32>,
          %get3A_1143 = vector.shape_cast %get3A_1142 : vector<1x16xf32> to vector<16xf32>
          %mul3A_1144 = vector.broadcast %squeeze3A_1129 : f32 to vector<16xf32>
          %mul3A_1145 = arith.mulf %mul3A_1144, %get3A_1143 : vector<16xf32>
          %add3A_1146 = arith.addf %scan3A_1119, %mul3A_1145 : vector<16xf32>
          %get3A_1147 = arith.index_cast %add3A_1132 : i32 to index
          %get3A_1148 = arith.constant 32 : index
          %get3A_1149 = tpu.vector_load %arg10[%get3A_1147, %get3A_1148] {strides = array<i32>} : memref<800x64xf32, #tpu.memory_space<vmem>>, vector<1x16xf32>,
          %get3A_1150 = vector.shape_cast %get3A_1149 : vector<1x16xf32> to vector<16xf32>
          %mul3A_1151 = vector.broadcast %squeeze3A_1129 : f32 to vector<16xf32>
          %mul3A_1152 = arith.mulf %mul3A_1151, %get3A_1150 : vector<16xf32>
          %add3A_1153 = arith.addf %scan3A_1120, %mul3A_1152 : vector<16xf32>
          %get3A_1154 = arith.index_cast %add3A_1132 : i32 to index
          %get3A_1155 = arith.constant 48 : index
          %get3A_1156 = tpu.vector_load %arg10[%get3A_1154, %get3A_1155] {strides = array<i32>} : memref<800x64xf32, #tpu.memory_space<vmem>>, vector<1x16xf32>,
          %get3A_1157 = vector.shape_cast %get3A_1156 : vector<1x16xf32> to vector<16xf32>
          %mul3A_1158 = vector.broadcast %squeeze3A_1129 : f32 to vector<16xf32>
          %mul3A_1159 = arith.mulf %mul3A_1158, %get3A_1157 : vector<16xf32>
          %add3A_1160 = arith.addf %scan3A_1121, %mul3A_1159 : vector<16xf32>
          %slice3A_1161 = vector.extract_strided_slice %get3A_1127 {offsets = [1], sizes = [1], strides = [1]} : vector<16xf32> to vector<1xf32>
          %squeeze3A_1162 = vector.extract %slice3A_1161[0] : f32 from vector<1xf32>
          %add3A_1163 = arith.addi %mul3A_784, %mul3A_1123 : i32
          %add3A_1164 = arith.constant 1 : i32
          %add3A_1165 = arith.addi %add3A_1163, %add3A_1164 : i32
          %get3A_1166 = arith.index_cast %add3A_1165 : i32 to index
          %get3A_1167 = arith.constant 0 : index
          %get3A_1168 = tpu.vector_load %arg10[%get3A_1166, %get3A_1167] {strides = array<i32>} : memref<800x64xf32, #tpu.memory_space<vmem>>, vector<1x16xf32>,
          %get3A_1169 = vector.shape_cast %get3A_1168 : vector<1x16xf32> to vector<16xf32>
          %mul3A_1170 = vector.broadcast %squeeze3A_1162 : f32 to vector<16xf32>
          %mul3A_1171 = arith.mulf %mul3A_1170, %get3A_1169 : vector<16xf32>
          %add3A_1172 = arith.addf %add3A_1139, %mul3A_1171 : vector<16xf32>
          %get3A_1173 = arith.index_cast %add3A_1165 : i32 to index
          %get3A_1174 = arith.constant 16 : index
          %get3A_1175 = tpu.vector_load %arg10[%get3A_1173, %get3A_1174] {strides = array<i32>} : memref<800x64xf32, #tpu.memory_space<vmem>>, vector<1x16xf32>,
          %get3A_1176 = vector.shape_cast %get3A_1175 : vector<1x16xf32> to vector<16xf32>
          %mul3A_1177 = vector.broadcast %squeeze3A_1162 : f32 to vector<16xf32>
          %mul3A_1178 = arith.mulf %mul3A_1177, %get3A_1176 : vector<16xf32>
          %add3A_1179 = arith.addf %add3A_1146, %mul3A_1178 : vector<16xf32>
          %get3A_1180 = arith.index_cast %add3A_1165 : i32 to index
          %get3A_1181 = arith.constant 32 : index
          %get3A_1182 = tpu.vector_load %arg10[%get3A_1180, %get3A_1181] {strides = array<i32>} : memref<800x64xf32, #tpu.memory_space<vmem>>, vector<1x16xf32>,
          %get3A_1183 = vector.shape_cast %get3A_1182 : vector<1x16xf32> to vector<16xf32>
          %mul3A_1184 = vector.broadcast %squeeze3A_1162 : f32 to vector<16xf32>
          %mul3A_1185 = arith.mulf %mul3A_1184, %get3A_1183 : vector<16xf32>
          %add3A_1186 = arith.addf %add3A_1153, %mul3A_1185 : vector<16xf32>
          %get3A_1187 = arith.index_cast %add3A_1165 : i32 to index
          %get3A_1188 = arith.constant 48 : index
          %get3A_1189 = tpu.vector_load %arg10[%get3A_1187, %get3A_1188] {strides = array<i32>} : memref<800x64xf32, #tpu.memory_space<vmem>>, vector<1x16xf32>,
          %get3A_1190 = vector.shape_cast %get3A_1189 : vector<1x16xf32> to vector<16xf32>
          %mul3A_1191 = vector.broadcast %squeeze3A_1162 : f32 to vector<16xf32>
          %mul3A_1192 = arith.mulf %mul3A_1191, %get3A_1190 : vector<16xf32>
          %add3A_1193 = arith.addf %add3A_1160, %mul3A_1192 : vector<16xf32>
          %slice3A_1194 = vector.extract_strided_slice %get3A_1127 {offsets = [2], sizes = [1], strides = [1]} : vector<16xf32> to vector<1xf32>
          %squeeze3A_1195 = vector.extract %slice3A_1194[0] : f32 from vector<1xf32>
          %add3A_1196 = arith.addi %mul3A_784, %mul3A_1123 : i32
          %add3A_1197 = arith.constant 2 : i32
          %add3A_1198 = arith.addi %add3A_1196, %add3A_1197 : i32
          %get3A_1199 = arith.index_cast %add3A_1198 : i32 to index
          %get3A_1200 = arith.constant 0 : index
          %get3A_1201 = tpu.vector_load %arg10[%get3A_1199, %get3A_1200] {strides = array<i32>} : memref<800x64xf32, #tpu.memory_space<vmem>>, vector<1x16xf32>,
          %get3A_1202 = vector.shape_cast %get3A_1201 : vector<1x16xf32> to vector<16xf32>
          %mul3A_1203 = vector.broadcast %squeeze3A_1195 : f32 to vector<16xf32>
          %mul3A_1204 = arith.mulf %mul3A_1203, %get3A_1202 : vector<16xf32>
          %add3A_1205 = arith.addf %add3A_1172, %mul3A_1204 : vector<16xf32>
          %get3A_1206 = arith.index_cast %add3A_1198 : i32 to index
          %get3A_1207 = arith.constant 16 : index
          %get3A_1208 = tpu.vector_load %arg10[%get3A_1206, %get3A_1207] {strides = array<i32>} : memref<800x64xf32, #tpu.memory_space<vmem>>, vector<1x16xf32>,
          %get3A_1209 = vector.shape_cast %get3A_1208 : vector<1x16xf32> to vector<16xf32>
          %mul3A_1210 = vector.broadcast %squeeze3A_1195 : f32 to vector<16xf32>
          %mul3A_1211 = arith.mulf %mul3A_1210, %get3A_1209 : vector<16xf32>
          %add3A_1212 = arith.addf %add3A_1179, %mul3A_1211 : vector<16xf32>
          %get3A_1213 = arith.index_cast %add3A_1198 : i32 to index
          %get3A_1214 = arith.constant 32 : index
          %get3A_1215 = tpu.vector_load %arg10[%get3A_1213, %get3A_1214] {strides = array<i32>} : memref<800x64xf32, #tpu.memory_space<vmem>>, vector<1x16xf32>,
          %get3A_1216 = vector.shape_cast %get3A_1215 : vector<1x16xf32> to vector<16xf32>
          %mul3A_1217 = vector.broadcast %squeeze3A_1195 : f32 to vector<16xf32>
          %mul3A_1218 = arith.mulf %mul3A_1217, %get3A_1216 : vector<16xf32>
          %add3A_1219 = arith.addf %add3A_1186, %mul3A_1218 : vector<16xf32>
          %get3A_1220 = arith.index_cast %add3A_1198 : i32 to index
          %get3A_1221 = arith.constant 48 : index
          %get3A_1222 = tpu.vector_load %arg10[%get3A_1220, %get3A_1221] {strides = array<i32>} : memref<800x64xf32, #tpu.memory_space<vmem>>, vector<1x16xf32>,
          %get3A_1223 = vector.shape_cast %get3A_1222 : vector<1x16xf32> to vector<16xf32>
          %mul3A_1224 = vector.broadcast %squeeze3A_1195 : f32 to vector<16xf32>
          %mul3A_1225 = arith.mulf %mul3A_1224, %get3A_1223 : vector<16xf32>
          %add3A_1226 = arith.addf %add3A_1193, %mul3A_1225 : vector<16xf32>
          %slice3A_1227 = vector.extract_strided_slice %get3A_1127 {offsets = [3], sizes = [1], strides = [1]} : vector<16xf32> to vector<1xf32>
          %squeeze3A_1228 = vector.extract %slice3A_1227[0] : f32 from vector<1xf32>
          %add3A_1229 = arith.addi %mul3A_784, %mul3A_1123 : i32
          %add3A_1230 = arith.constant 3 : i32
          %add3A_1231 = arith.addi %add3A_1229, %add3A_1230 : i32
          %get3A_1232 = arith.index_cast %add3A_1231 : i32 to index
          %get3A_1233 = arith.constant 0 : index
          %get3A_1234 = tpu.vector_load %arg10[%get3A_1232, %get3A_1233] {strides = array<i32>} : memref<800x64xf32, #tpu.memory_space<vmem>>, vector<1x16xf32>,
          %get3A_1235 = vector.shape_cast %get3A_1234 : vector<1x16xf32> to vector<16xf32>
          %mul3A_1236 = vector.broadcast %squeeze3A_1228 : f32 to vector<16xf32>
          %mul3A_1237 = arith.mulf %mul3A_1236, %get3A_1235 : vector<16xf32>
          %add3A_1238 = arith.addf %add3A_1205, %mul3A_1237 : vector<16xf32>
          %get3A_1239 = arith.index_cast %add3A_1231 : i32 to index
          %get3A_1240 = arith.constant 16 : index
          %get3A_1241 = tpu.vector_load %arg10[%get3A_1239, %get3A_1240] {strides = array<i32>} : memref<800x64xf32, #tpu.memory_space<vmem>>, vector<1x16xf32>,
          %get3A_1242 = vector.shape_cast %get3A_1241 : vector<1x16xf32> to vector<16xf32>
          %mul3A_1243 = vector.broadcast %squeeze3A_1228 : f32 to vector<16xf32>
          %mul3A_1244 = arith.mulf %mul3A_1243, %get3A_1242 : vector<16xf32>
          %add3A_1245 = arith.addf %add3A_1212, %mul3A_1244 : vector<16xf32>
          %get3A_1246 = arith.index_cast %add3A_1231 : i32 to index
          %get3A_1247 = arith.constant 32 : index
          %get3A_1248 = tpu.vector_load %arg10[%get3A_1246, %get3A_1247] {strides = array<i32>} : memref<800x64xf32, #tpu.memory_space<vmem>>, vector<1x16xf32>,
          %get3A_1249 = vector.shape_cast %get3A_1248 : vector<1x16xf32> to vector<16xf32>
          %mul3A_1250 = vector.broadcast %squeeze3A_1228 : f32 to vector<16xf32>
          %mul3A_1251 = arith.mulf %mul3A_1250, %get3A_1249 : vector<16xf32>
          %add3A_1252 = arith.addf %add3A_1219, %mul3A_1251 : vector<16xf32>
          %get3A_1253 = arith.index_cast %add3A_1231 : i32 to index
          %get3A_1254 = arith.constant 48 : index
          %get3A_1255 = tpu.vector_load %arg10[%get3A_1253, %get3A_1254] {strides = array<i32>} : memref<800x64xf32, #tpu.memory_space<vmem>>, vector<1x16xf32>,
          %get3A_1256 = vector.shape_cast %get3A_1255 : vector<1x16xf32> to vector<16xf32>
          %mul3A_1257 = vector.broadcast %squeeze3A_1228 : f32 to vector<16xf32>
          %mul3A_1258 = arith.mulf %mul3A_1257, %get3A_1256 : vector<16xf32>
          %add3A_1259 = arith.addf %add3A_1226, %mul3A_1258 : vector<16xf32>
          %slice3A_1260 = vector.extract_strided_slice %get3A_1127 {offsets = [4], sizes = [1], strides = [1]} : vector<16xf32> to vector<1xf32>
          %squeeze3A_1261 = vector.extract %slice3A_1260[0] : f32 from vector<1xf32>
          %add3A_1262 = arith.addi %mul3A_784, %mul3A_1123 : i32
          %add3A_1263 = arith.constant 4 : i32
          %add3A_1264 = arith.addi %add3A_1262, %add3A_1263 : i32
          %get3A_1265 = arith.index_cast %add3A_1264 : i32 to index
          %get3A_1266 = arith.constant 0 : index
          %get3A_1267 = tpu.vector_load %arg10[%get3A_1265, %get3A_1266] {strides = array<i32>} : memref<800x64xf32, #tpu.memory_space<vmem>>, vector<1x16xf32>,
          %get3A_1268 = vector.shape_cast %get3A_1267 : vector<1x16xf32> to vector<16xf32>
          %mul3A_1269 = vector.broadcast %squeeze3A_1261 : f32 to vector<16xf32>
          %mul3A_1270 = arith.mulf %mul3A_1269, %get3A_1268 : vector<16xf32>
          %add3A_1271 = arith.addf %add3A_1238, %mul3A_1270 : vector<16xf32>
          %get3A_1272 = arith.index_cast %add3A_1264 : i32 to index
          %get3A_1273 = arith.constant 16 : index
          %get3A_1274 = tpu.vector_load %arg10[%get3A_1272, %get3A_1273] {strides = array<i32>} : memref<800x64xf32, #tpu.memory_space<vmem>>, vector<1x16xf32>,
          %get3A_1275 = vector.shape_cast %get3A_1274 : vector<1x16xf32> to vector<16xf32>
          %mul3A_1276 = vector.broadcast %squeeze3A_1261 : f32 to vector<16xf32>
          %mul3A_1277 = arith.mulf %mul3A_1276, %get3A_1275 : vector<16xf32>
          %add3A_1278 = arith.addf %add3A_1245, %mul3A_1277 : vector<16xf32>
          %get3A_1279 = arith.index_cast %add3A_1264 : i32 to index
          %get3A_1280 = arith.constant 32 : index
          %get3A_1281 = tpu.vector_load %arg10[%get3A_1279, %get3A_1280] {strides = array<i32>} : memref<800x64xf32, #tpu.memory_space<vmem>>, vector<1x16xf32>,
          %get3A_1282 = vector.shape_cast %get3A_1281 : vector<1x16xf32> to vector<16xf32>
          %mul3A_1283 = vector.broadcast %squeeze3A_1261 : f32 to vector<16xf32>
          %mul3A_1284 = arith.mulf %mul3A_1283, %get3A_1282 : vector<16xf32>
          %add3A_1285 = arith.addf %add3A_1252, %mul3A_1284 : vector<16xf32>
          %get3A_1286 = arith.index_cast %add3A_1264 : i32 to index
          %get3A_1287 = arith.constant 48 : index
          %get3A_1288 = tpu.vector_load %arg10[%get3A_1286, %get3A_1287] {strides = array<i32>} : memref<800x64xf32, #tpu.memory_space<vmem>>, vector<1x16xf32>,
          %get3A_1289 = vector.shape_cast %get3A_1288 : vector<1x16xf32> to vector<16xf32>
          %mul3A_1290 = vector.broadcast %squeeze3A_1261 : f32 to vector<16xf32>
          %mul3A_1291 = arith.mulf %mul3A_1290, %get3A_1289 : vector<16xf32>
          %add3A_1292 = arith.addf %add3A_1259, %mul3A_1291 : vector<16xf32>
          %slice3A_1293 = vector.extract_strided_slice %get3A_1127 {offsets = [5], sizes = [1], strides = [1]} : vector<16xf32> to vector<1xf32>
          %squeeze3A_1294 = vector.extract %slice3A_1293[0] : f32 from vector<1xf32>
          %add3A_1295 = arith.addi %mul3A_784, %mul3A_1123 : i32
          %add3A_1296 = arith.constant 5 : i32
          %add3A_1297 = arith.addi %add3A_1295, %add3A_1296 : i32
          %get3A_1298 = arith.index_cast %add3A_1297 : i32 to index
          %get3A_1299 = arith.constant 0 : index
          %get3A_1300 = tpu.vector_load %arg10[%get3A_1298, %get3A_1299] {strides = array<i32>} : memref<800x64xf32, #tpu.memory_space<vmem>>, vector<1x16xf32>,
          %get3A_1301 = vector.shape_cast %get3A_1300 : vector<1x16xf32> to vector<16xf32>
          %mul3A_1302 = vector.broadcast %squeeze3A_1294 : f32 to vector<16xf32>
          %mul3A_1303 = arith.mulf %mul3A_1302, %get3A_1301 : vector<16xf32>
          %add3A_1304 = arith.addf %add3A_1271, %mul3A_1303 : vector<16xf32>
          %get3A_1305 = arith.index_cast %add3A_1297 : i32 to index
          %get3A_1306 = arith.constant 16 : index
          %get3A_1307 = tpu.vector_load %arg10[%get3A_1305, %get3A_1306] {strides = array<i32>} : memref<800x64xf32, #tpu.memory_space<vmem>>, vector<1x16xf32>,
          %get3A_1308 = vector.shape_cast %get3A_1307 : vector<1x16xf32> to vector<16xf32>
          %mul3A_1309 = vector.broadcast %squeeze3A_1294 : f32 to vector<16xf32>
          %mul3A_1310 = arith.mulf %mul3A_1309, %get3A_1308 : vector<16xf32>
          %add3A_1311 = arith.addf %add3A_1278, %mul3A_1310 : vector<16xf32>
          %get3A_1312 = arith.index_cast %add3A_1297 : i32 to index
          %get3A_1313 = arith.constant 32 : index
          %get3A_1314 = tpu.vector_load %arg10[%get3A_1312, %get3A_1313] {strides = array<i32>} : memref<800x64xf32, #tpu.memory_space<vmem>>, vector<1x16xf32>,
          %get3A_1315 = vector.shape_cast %get3A_1314 : vector<1x16xf32> to vector<16xf32>
          %mul3A_1316 = vector.broadcast %squeeze3A_1294 : f32 to vector<16xf32>
          %mul3A_1317 = arith.mulf %mul3A_1316, %get3A_1315 : vector<16xf32>
          %add3A_1318 = arith.addf %add3A_1285, %mul3A_1317 : vector<16xf32>
          %get3A_1319 = arith.index_cast %add3A_1297 : i32 to index
          %get3A_1320 = arith.constant 48 : index
          %get3A_1321 = tpu.vector_load %arg10[%get3A_1319, %get3A_1320] {strides = array<i32>} : memref<800x64xf32, #tpu.memory_space<vmem>>, vector<1x16xf32>,
          %get3A_1322 = vector.shape_cast %get3A_1321 : vector<1x16xf32> to vector<16xf32>
          %mul3A_1323 = vector.broadcast %squeeze3A_1294 : f32 to vector<16xf32>
          %mul3A_1324 = arith.mulf %mul3A_1323, %get3A_1322 : vector<16xf32>
          %add3A_1325 = arith.addf %add3A_1292, %mul3A_1324 : vector<16xf32>
          %slice3A_1326 = vector.extract_strided_slice %get3A_1127 {offsets = [6], sizes = [1], strides = [1]} : vector<16xf32> to vector<1xf32>
          %squeeze3A_1327 = vector.extract %slice3A_1326[0] : f32 from vector<1xf32>
          %add3A_1328 = arith.addi %mul3A_784, %mul3A_1123 : i32
          %add3A_1329 = arith.constant 6 : i32
          %add3A_1330 = arith.addi %add3A_1328, %add3A_1329 : i32
          %get3A_1331 = arith.index_cast %add3A_1330 : i32 to index
          %get3A_1332 = arith.constant 0 : index
          %get3A_1333 = tpu.vector_load %arg10[%get3A_1331, %get3A_1332] {strides = array<i32>} : memref<800x64xf32, #tpu.memory_space<vmem>>, vector<1x16xf32>,
          %get3A_1334 = vector.shape_cast %get3A_1333 : vector<1x16xf32> to vector<16xf32>
          %mul3A_1335 = vector.broadcast %squeeze3A_1327 : f32 to vector<16xf32>
          %mul3A_1336 = arith.mulf %mul3A_1335, %get3A_1334 : vector<16xf32>
          %add3A_1337 = arith.addf %add3A_1304, %mul3A_1336 : vector<16xf32>
          %get3A_1338 = arith.index_cast %add3A_1330 : i32 to index
          %get3A_1339 = arith.constant 16 : index
          %get3A_1340 = tpu.vector_load %arg10[%get3A_1338, %get3A_1339] {strides = array<i32>} : memref<800x64xf32, #tpu.memory_space<vmem>>, vector<1x16xf32>,
          %get3A_1341 = vector.shape_cast %get3A_1340 : vector<1x16xf32> to vector<16xf32>
          %mul3A_1342 = vector.broadcast %squeeze3A_1327 : f32 to vector<16xf32>
          %mul3A_1343 = arith.mulf %mul3A_1342, %get3A_1341 : vector<16xf32>
          %add3A_1344 = arith.addf %add3A_1311, %mul3A_1343 : vector<16xf32>
          %get3A_1345 = arith.index_cast %add3A_1330 : i32 to index
          %get3A_1346 = arith.constant 32 : index
          %get3A_1347 = tpu.vector_load %arg10[%get3A_1345, %get3A_1346] {strides = array<i32>} : memref<800x64xf32, #tpu.memory_space<vmem>>, vector<1x16xf32>,
          %get3A_1348 = vector.shape_cast %get3A_1347 : vector<1x16xf32> to vector<16xf32>
          %mul3A_1349 = vector.broadcast %squeeze3A_1327 : f32 to vector<16xf32>
          %mul3A_1350 = arith.mulf %mul3A_1349, %get3A_1348 : vector<16xf32>
          %add3A_1351 = arith.addf %add3A_1318, %mul3A_1350 : vector<16xf32>
          %get3A_1352 = arith.index_cast %add3A_1330 : i32 to index
          %get3A_1353 = arith.constant 48 : index
          %get3A_1354 = tpu.vector_load %arg10[%get3A_1352, %get3A_1353] {strides = array<i32>} : memref<800x64xf32, #tpu.memory_space<vmem>>, vector<1x16xf32>,
          %get3A_1355 = vector.shape_cast %get3A_1354 : vector<1x16xf32> to vector<16xf32>
          %mul3A_1356 = vector.broadcast %squeeze3A_1327 : f32 to vector<16xf32>
          %mul3A_1357 = arith.mulf %mul3A_1356, %get3A_1355 : vector<16xf32>
          %add3A_1358 = arith.addf %add3A_1325, %mul3A_1357 : vector<16xf32>
          %slice3A_1359 = vector.extract_strided_slice %get3A_1127 {offsets = [7], sizes = [1], strides = [1]} : vector<16xf32> to vector<1xf32>
          %squeeze3A_1360 = vector.extract %slice3A_1359[0] : f32 from vector<1xf32>
          %add3A_1361 = arith.addi %mul3A_784, %mul3A_1123 : i32
          %add3A_1362 = arith.constant 7 : i32
          %add3A_1363 = arith.addi %add3A_1361, %add3A_1362 : i32
          %get3A_1364 = arith.index_cast %add3A_1363 : i32 to index
          %get3A_1365 = arith.constant 0 : index
          %get3A_1366 = tpu.vector_load %arg10[%get3A_1364, %get3A_1365] {strides = array<i32>} : memref<800x64xf32, #tpu.memory_space<vmem>>, vector<1x16xf32>,
          %get3A_1367 = vector.shape_cast %get3A_1366 : vector<1x16xf32> to vector<16xf32>
          %mul3A_1368 = vector.broadcast %squeeze3A_1360 : f32 to vector<16xf32>
          %mul3A_1369 = arith.mulf %mul3A_1368, %get3A_1367 : vector<16xf32>
          %add3A_1370 = arith.addf %add3A_1337, %mul3A_1369 : vector<16xf32>
          %get3A_1371 = arith.index_cast %add3A_1363 : i32 to index
          %get3A_1372 = arith.constant 16 : index
          %get3A_1373 = tpu.vector_load %arg10[%get3A_1371, %get3A_1372] {strides = array<i32>} : memref<800x64xf32, #tpu.memory_space<vmem>>, vector<1x16xf32>,
          %get3A_1374 = vector.shape_cast %get3A_1373 : vector<1x16xf32> to vector<16xf32>
          %mul3A_1375 = vector.broadcast %squeeze3A_1360 : f32 to vector<16xf32>
          %mul3A_1376 = arith.mulf %mul3A_1375, %get3A_1374 : vector<16xf32>
          %add3A_1377 = arith.addf %add3A_1344, %mul3A_1376 : vector<16xf32>
          %get3A_1378 = arith.index_cast %add3A_1363 : i32 to index
          %get3A_1379 = arith.constant 32 : index
          %get3A_1380 = tpu.vector_load %arg10[%get3A_1378, %get3A_1379] {strides = array<i32>} : memref<800x64xf32, #tpu.memory_space<vmem>>, vector<1x16xf32>,
          %get3A_1381 = vector.shape_cast %get3A_1380 : vector<1x16xf32> to vector<16xf32>
          %mul3A_1382 = vector.broadcast %squeeze3A_1360 : f32 to vector<16xf32>
          %mul3A_1383 = arith.mulf %mul3A_1382, %get3A_1381 : vector<16xf32>
          %add3A_1384 = arith.addf %add3A_1351, %mul3A_1383 : vector<16xf32>
          %get3A_1385 = arith.index_cast %add3A_1363 : i32 to index
          %get3A_1386 = arith.constant 48 : index
          %get3A_1387 = tpu.vector_load %arg10[%get3A_1385, %get3A_1386] {strides = array<i32>} : memref<800x64xf32, #tpu.memory_space<vmem>>, vector<1x16xf32>,
          %get3A_1388 = vector.shape_cast %get3A_1387 : vector<1x16xf32> to vector<16xf32>
          %mul3A_1389 = vector.broadcast %squeeze3A_1360 : f32 to vector<16xf32>
          %mul3A_1390 = arith.mulf %mul3A_1389, %get3A_1388 : vector<16xf32>
          %add3A_1391 = arith.addf %add3A_1358, %mul3A_1390 : vector<16xf32>
          %slice3A_1392 = vector.extract_strided_slice %get3A_1127 {offsets = [8], sizes = [1], strides = [1]} : vector<16xf32> to vector<1xf32>
          %squeeze3A_1393 = vector.extract %slice3A_1392[0] : f32 from vector<1xf32>
          %add3A_1394 = arith.addi %mul3A_784, %mul3A_1123 : i32
          %add3A_1395 = arith.constant 8 : i32
          %add3A_1396 = arith.addi %add3A_1394, %add3A_1395 : i32
          %get3A_1397 = arith.index_cast %add3A_1396 : i32 to index
          %get3A_1398 = arith.constant 0 : index
          %get3A_1399 = tpu.vector_load %arg10[%get3A_1397, %get3A_1398] {strides = array<i32>} : memref<800x64xf32, #tpu.memory_space<vmem>>, vector<1x16xf32>,
          %get3A_1400 = vector.shape_cast %get3A_1399 : vector<1x16xf32> to vector<16xf32>
          %mul3A_1401 = vector.broadcast %squeeze3A_1393 : f32 to vector<16xf32>
          %mul3A_1402 = arith.mulf %mul3A_1401, %get3A_1400 : vector<16xf32>
          %add3A_1403 = arith.addf %add3A_1370, %mul3A_1402 : vector<16xf32>
          %get3A_1404 = arith.index_cast %add3A_1396 : i32 to index
          %get3A_1405 = arith.constant 16 : index
          %get3A_1406 = tpu.vector_load %arg10[%get3A_1404, %get3A_1405] {strides = array<i32>} : memref<800x64xf32, #tpu.memory_space<vmem>>, vector<1x16xf32>,
          %get3A_1407 = vector.shape_cast %get3A_1406 : vector<1x16xf32> to vector<16xf32>
          %mul3A_1408 = vector.broadcast %squeeze3A_1393 : f32 to vector<16xf32>
          %mul3A_1409 = arith.mulf %mul3A_1408, %get3A_1407 : vector<16xf32>
          %add3A_1410 = arith.addf %add3A_1377, %mul3A_1409 : vector<16xf32>
          %get3A_1411 = arith.index_cast %add3A_1396 : i32 to index
          %get3A_1412 = arith.constant 32 : index
          %get3A_1413 = tpu.vector_load %arg10[%get3A_1411, %get3A_1412] {strides = array<i32>} : memref<800x64xf32, #tpu.memory_space<vmem>>, vector<1x16xf32>,
          %get3A_1414 = vector.shape_cast %get3A_1413 : vector<1x16xf32> to vector<16xf32>
          %mul3A_1415 = vector.broadcast %squeeze3A_1393 : f32 to vector<16xf32>
          %mul3A_1416 = arith.mulf %mul3A_1415, %get3A_1414 : vector<16xf32>
          %add3A_1417 = arith.addf %add3A_1384, %mul3A_1416 : vector<16xf32>
          %get3A_1418 = arith.index_cast %add3A_1396 : i32 to index
          %get3A_1419 = arith.constant 48 : index
          %get3A_1420 = tpu.vector_load %arg10[%get3A_1418, %get3A_1419] {strides = array<i32>} : memref<800x64xf32, #tpu.memory_space<vmem>>, vector<1x16xf32>,
          %get3A_1421 = vector.shape_cast %get3A_1420 : vector<1x16xf32> to vector<16xf32>
          %mul3A_1422 = vector.broadcast %squeeze3A_1393 : f32 to vector<16xf32>
          %mul3A_1423 = arith.mulf %mul3A_1422, %get3A_1421 : vector<16xf32>
          %add3A_1424 = arith.addf %add3A_1391, %mul3A_1423 : vector<16xf32>
          %slice3A_1425 = vector.extract_strided_slice %get3A_1127 {offsets = [9], sizes = [1], strides = [1]} : vector<16xf32> to vector<1xf32>
          %squeeze3A_1426 = vector.extract %slice3A_1425[0] : f32 from vector<1xf32>
          %add3A_1427 = arith.addi %mul3A_784, %mul3A_1123 : i32
          %add3A_1428 = arith.constant 9 : i32
          %add3A_1429 = arith.addi %add3A_1427, %add3A_1428 : i32
          %get3A_1430 = arith.index_cast %add3A_1429 : i32 to index
          %get3A_1431 = arith.constant 0 : index
          %get3A_1432 = tpu.vector_load %arg10[%get3A_1430, %get3A_1431] {strides = array<i32>} : memref<800x64xf32, #tpu.memory_space<vmem>>, vector<1x16xf32>,
          %get3A_1433 = vector.shape_cast %get3A_1432 : vector<1x16xf32> to vector<16xf32>
          %mul3A_1434 = vector.broadcast %squeeze3A_1426 : f32 to vector<16xf32>
          %mul3A_1435 = arith.mulf %mul3A_1434, %get3A_1433 : vector<16xf32>
          %add3A_1436 = arith.addf %add3A_1403, %mul3A_1435 : vector<16xf32>
          %get3A_1437 = arith.index_cast %add3A_1429 : i32 to index
          %get3A_1438 = arith.constant 16 : index
          %get3A_1439 = tpu.vector_load %arg10[%get3A_1437, %get3A_1438] {strides = array<i32>} : memref<800x64xf32, #tpu.memory_space<vmem>>, vector<1x16xf32>,
          %get3A_1440 = vector.shape_cast %get3A_1439 : vector<1x16xf32> to vector<16xf32>
          %mul3A_1441 = vector.broadcast %squeeze3A_1426 : f32 to vector<16xf32>
          %mul3A_1442 = arith.mulf %mul3A_1441, %get3A_1440 : vector<16xf32>
          %add3A_1443 = arith.addf %add3A_1410, %mul3A_1442 : vector<16xf32>
          %get3A_1444 = arith.index_cast %add3A_1429 : i32 to index
          %get3A_1445 = arith.constant 32 : index
          %get3A_1446 = tpu.vector_load %arg10[%get3A_1444, %get3A_1445] {strides = array<i32>} : memref<800x64xf32, #tpu.memory_space<vmem>>, vector<1x16xf32>,
          %get3A_1447 = vector.shape_cast %get3A_1446 : vector<1x16xf32> to vector<16xf32>
          %mul3A_1448 = vector.broadcast %squeeze3A_1426 : f32 to vector<16xf32>
          %mul3A_1449 = arith.mulf %mul3A_1448, %get3A_1447 : vector<16xf32>
          %add3A_1450 = arith.addf %add3A_1417, %mul3A_1449 : vector<16xf32>
          %get3A_1451 = arith.index_cast %add3A_1429 : i32 to index
          %get3A_1452 = arith.constant 48 : index
          %get3A_1453 = tpu.vector_load %arg10[%get3A_1451, %get3A_1452] {strides = array<i32>} : memref<800x64xf32, #tpu.memory_space<vmem>>, vector<1x16xf32>,
          %get3A_1454 = vector.shape_cast %get3A_1453 : vector<1x16xf32> to vector<16xf32>
          %mul3A_1455 = vector.broadcast %squeeze3A_1426 : f32 to vector<16xf32>
          %mul3A_1456 = arith.mulf %mul3A_1455, %get3A_1454 : vector<16xf32>
          %add3A_1457 = arith.addf %add3A_1424, %mul3A_1456 : vector<16xf32>
          %slice3A_1458 = vector.extract_strided_slice %get3A_1127 {offsets = [10], sizes = [1], strides = [1]} : vector<16xf32> to vector<1xf32>
          %squeeze3A_1459 = vector.extract %slice3A_1458[0] : f32 from vector<1xf32>
          %add3A_1460 = arith.addi %mul3A_784, %mul3A_1123 : i32
          %add3A_1461 = arith.constant 10 : i32
          %add3A_1462 = arith.addi %add3A_1460, %add3A_1461 : i32
          %get3A_1463 = arith.index_cast %add3A_1462 : i32 to index
          %get3A_1464 = arith.constant 0 : index
          %get3A_1465 = tpu.vector_load %arg10[%get3A_1463, %get3A_1464] {strides = array<i32>} : memref<800x64xf32, #tpu.memory_space<vmem>>, vector<1x16xf32>,
          %get3A_1466 = vector.shape_cast %get3A_1465 : vector<1x16xf32> to vector<16xf32>
          %mul3A_1467 = vector.broadcast %squeeze3A_1459 : f32 to vector<16xf32>
          %mul3A_1468 = arith.mulf %mul3A_1467, %get3A_1466 : vector<16xf32>
          %add3A_1469 = arith.addf %add3A_1436, %mul3A_1468 : vector<16xf32>
          %get3A_1470 = arith.index_cast %add3A_1462 : i32 to index
          %get3A_1471 = arith.constant 16 : index
          %get3A_1472 = tpu.vector_load %arg10[%get3A_1470, %get3A_1471] {strides = array<i32>} : memref<800x64xf32, #tpu.memory_space<vmem>>, vector<1x16xf32>,
          %get3A_1473 = vector.shape_cast %get3A_1472 : vector<1x16xf32> to vector<16xf32>
          %mul3A_1474 = vector.broadcast %squeeze3A_1459 : f32 to vector<16xf32>
          %mul3A_1475 = arith.mulf %mul3A_1474, %get3A_1473 : vector<16xf32>
          %add3A_1476 = arith.addf %add3A_1443, %mul3A_1475 : vector<16xf32>
          %get3A_1477 = arith.index_cast %add3A_1462 : i32 to index
          %get3A_1478 = arith.constant 32 : index
          %get3A_1479 = tpu.vector_load %arg10[%get3A_1477, %get3A_1478] {strides = array<i32>} : memref<800x64xf32, #tpu.memory_space<vmem>>, vector<1x16xf32>,
          %get3A_1480 = vector.shape_cast %get3A_1479 : vector<1x16xf32> to vector<16xf32>
          %mul3A_1481 = vector.broadcast %squeeze3A_1459 : f32 to vector<16xf32>
          %mul3A_1482 = arith.mulf %mul3A_1481, %get3A_1480 : vector<16xf32>
          %add3A_1483 = arith.addf %add3A_1450, %mul3A_1482 : vector<16xf32>
          %get3A_1484 = arith.index_cast %add3A_1462 : i32 to index
          %get3A_1485 = arith.constant 48 : index
          %get3A_1486 = tpu.vector_load %arg10[%get3A_1484, %get3A_1485] {strides = array<i32>} : memref<800x64xf32, #tpu.memory_space<vmem>>, vector<1x16xf32>,
          %get3A_1487 = vector.shape_cast %get3A_1486 : vector<1x16xf32> to vector<16xf32>
          %mul3A_1488 = vector.broadcast %squeeze3A_1459 : f32 to vector<16xf32>
          %mul3A_1489 = arith.mulf %mul3A_1488, %get3A_1487 : vector<16xf32>
          %add3A_1490 = arith.addf %add3A_1457, %mul3A_1489 : vector<16xf32>
          %slice3A_1491 = vector.extract_strided_slice %get3A_1127 {offsets = [11], sizes = [1], strides = [1]} : vector<16xf32> to vector<1xf32>
          %squeeze3A_1492 = vector.extract %slice3A_1491[0] : f32 from vector<1xf32>
          %add3A_1493 = arith.addi %mul3A_784, %mul3A_1123 : i32
          %add3A_1494 = arith.constant 11 : i32
          %add3A_1495 = arith.addi %add3A_1493, %add3A_1494 : i32
          %get3A_1496 = arith.index_cast %add3A_1495 : i32 to index
          %get3A_1497 = arith.constant 0 : index
          %get3A_1498 = tpu.vector_load %arg10[%get3A_1496, %get3A_1497] {strides = array<i32>} : memref<800x64xf32, #tpu.memory_space<vmem>>, vector<1x16xf32>,
          %get3A_1499 = vector.shape_cast %get3A_1498 : vector<1x16xf32> to vector<16xf32>
          %mul3A_1500 = vector.broadcast %squeeze3A_1492 : f32 to vector<16xf32>
          %mul3A_1501 = arith.mulf %mul3A_1500, %get3A_1499 : vector<16xf32>
          %add3A_1502 = arith.addf %add3A_1469, %mul3A_1501 : vector<16xf32>
          %get3A_1503 = arith.index_cast %add3A_1495 : i32 to index
          %get3A_1504 = arith.constant 16 : index
          %get3A_1505 = tpu.vector_load %arg10[%get3A_1503, %get3A_1504] {strides = array<i32>} : memref<800x64xf32, #tpu.memory_space<vmem>>, vector<1x16xf32>,
          %get3A_1506 = vector.shape_cast %get3A_1505 : vector<1x16xf32> to vector<16xf32>
          %mul3A_1507 = vector.broadcast %squeeze3A_1492 : f32 to vector<16xf32>
          %mul3A_1508 = arith.mulf %mul3A_1507, %get3A_1506 : vector<16xf32>
          %add3A_1509 = arith.addf %add3A_1476, %mul3A_1508 : vector<16xf32>
          %get3A_1510 = arith.index_cast %add3A_1495 : i32 to index
          %get3A_1511 = arith.constant 32 : index
          %get3A_1512 = tpu.vector_load %arg10[%get3A_1510, %get3A_1511] {strides = array<i32>} : memref<800x64xf32, #tpu.memory_space<vmem>>, vector<1x16xf32>,
          %get3A_1513 = vector.shape_cast %get3A_1512 : vector<1x16xf32> to vector<16xf32>
          %mul3A_1514 = vector.broadcast %squeeze3A_1492 : f32 to vector<16xf32>
          %mul3A_1515 = arith.mulf %mul3A_1514, %get3A_1513 : vector<16xf32>
          %add3A_1516 = arith.addf %add3A_1483, %mul3A_1515 : vector<16xf32>
          %get3A_1517 = arith.index_cast %add3A_1495 : i32 to index
          %get3A_1518 = arith.constant 48 : index
          %get3A_1519 = tpu.vector_load %arg10[%get3A_1517, %get3A_1518] {strides = array<i32>} : memref<800x64xf32, #tpu.memory_space<vmem>>, vector<1x16xf32>,
          %get3A_1520 = vector.shape_cast %get3A_1519 : vector<1x16xf32> to vector<16xf32>
          %mul3A_1521 = vector.broadcast %squeeze3A_1492 : f32 to vector<16xf32>
          %mul3A_1522 = arith.mulf %mul3A_1521, %get3A_1520 : vector<16xf32>
          %add3A_1523 = arith.addf %add3A_1490, %mul3A_1522 : vector<16xf32>
          %slice3A_1524 = vector.extract_strided_slice %get3A_1127 {offsets = [12], sizes = [1], strides = [1]} : vector<16xf32> to vector<1xf32>
          %squeeze3A_1525 = vector.extract %slice3A_1524[0] : f32 from vector<1xf32>
          %add3A_1526 = arith.addi %mul3A_784, %mul3A_1123 : i32
          %add3A_1527 = arith.constant 12 : i32
          %add3A_1528 = arith.addi %add3A_1526, %add3A_1527 : i32
          %get3A_1529 = arith.index_cast %add3A_1528 : i32 to index
          %get3A_1530 = arith.constant 0 : index
          %get3A_1531 = tpu.vector_load %arg10[%get3A_1529, %get3A_1530] {strides = array<i32>} : memref<800x64xf32, #tpu.memory_space<vmem>>, vector<1x16xf32>,
          %get3A_1532 = vector.shape_cast %get3A_1531 : vector<1x16xf32> to vector<16xf32>
          %mul3A_1533 = vector.broadcast %squeeze3A_1525 : f32 to vector<16xf32>
          %mul3A_1534 = arith.mulf %mul3A_1533, %get3A_1532 : vector<16xf32>
          %add3A_1535 = arith.addf %add3A_1502, %mul3A_1534 : vector<16xf32>
          %get3A_1536 = arith.index_cast %add3A_1528 : i32 to index
          %get3A_1537 = arith.constant 16 : index
          %get3A_1538 = tpu.vector_load %arg10[%get3A_1536, %get3A_1537] {strides = array<i32>} : memref<800x64xf32, #tpu.memory_space<vmem>>, vector<1x16xf32>,
          %get3A_1539 = vector.shape_cast %get3A_1538 : vector<1x16xf32> to vector<16xf32>
          %mul3A_1540 = vector.broadcast %squeeze3A_1525 : f32 to vector<16xf32>
          %mul3A_1541 = arith.mulf %mul3A_1540, %get3A_1539 : vector<16xf32>
          %add3A_1542 = arith.addf %add3A_1509, %mul3A_1541 : vector<16xf32>
          %get3A_1543 = arith.index_cast %add3A_1528 : i32 to index
          %get3A_1544 = arith.constant 32 : index
          %get3A_1545 = tpu.vector_load %arg10[%get3A_1543, %get3A_1544] {strides = array<i32>} : memref<800x64xf32, #tpu.memory_space<vmem>>, vector<1x16xf32>,
          %get3A_1546 = vector.shape_cast %get3A_1545 : vector<1x16xf32> to vector<16xf32>
          %mul3A_1547 = vector.broadcast %squeeze3A_1525 : f32 to vector<16xf32>
          %mul3A_1548 = arith.mulf %mul3A_1547, %get3A_1546 : vector<16xf32>
          %add3A_1549 = arith.addf %add3A_1516, %mul3A_1548 : vector<16xf32>
          %get3A_1550 = arith.index_cast %add3A_1528 : i32 to index
          %get3A_1551 = arith.constant 48 : index
          %get3A_1552 = tpu.vector_load %arg10[%get3A_1550, %get3A_1551] {strides = array<i32>} : memref<800x64xf32, #tpu.memory_space<vmem>>, vector<1x16xf32>,
          %get3A_1553 = vector.shape_cast %get3A_1552 : vector<1x16xf32> to vector<16xf32>
          %mul3A_1554 = vector.broadcast %squeeze3A_1525 : f32 to vector<16xf32>
          %mul3A_1555 = arith.mulf %mul3A_1554, %get3A_1553 : vector<16xf32>
          %add3A_1556 = arith.addf %add3A_1523, %mul3A_1555 : vector<16xf32>
          %slice3A_1557 = vector.extract_strided_slice %get3A_1127 {offsets = [13], sizes = [1], strides = [1]} : vector<16xf32> to vector<1xf32>
          %squeeze3A_1558 = vector.extract %slice3A_1557[0] : f32 from vector<1xf32>
          %add3A_1559 = arith.addi %mul3A_784, %mul3A_1123 : i32
          %add3A_1560 = arith.constant 13 : i32
          %add3A_1561 = arith.addi %add3A_1559, %add3A_1560 : i32
          %get3A_1562 = arith.index_cast %add3A_1561 : i32 to index
          %get3A_1563 = arith.constant 0 : index
          %get3A_1564 = tpu.vector_load %arg10[%get3A_1562, %get3A_1563] {strides = array<i32>} : memref<800x64xf32, #tpu.memory_space<vmem>>, vector<1x16xf32>,
          %get3A_1565 = vector.shape_cast %get3A_1564 : vector<1x16xf32> to vector<16xf32>
          %mul3A_1566 = vector.broadcast %squeeze3A_1558 : f32 to vector<16xf32>
          %mul3A_1567 = arith.mulf %mul3A_1566, %get3A_1565 : vector<16xf32>
          %add3A_1568 = arith.addf %add3A_1535, %mul3A_1567 : vector<16xf32>
          %get3A_1569 = arith.index_cast %add3A_1561 : i32 to index
          %get3A_1570 = arith.constant 16 : index
          %get3A_1571 = tpu.vector_load %arg10[%get3A_1569, %get3A_1570] {strides = array<i32>} : memref<800x64xf32, #tpu.memory_space<vmem>>, vector<1x16xf32>,
          %get3A_1572 = vector.shape_cast %get3A_1571 : vector<1x16xf32> to vector<16xf32>
          %mul3A_1573 = vector.broadcast %squeeze3A_1558 : f32 to vector<16xf32>
          %mul3A_1574 = arith.mulf %mul3A_1573, %get3A_1572 : vector<16xf32>
          %add3A_1575 = arith.addf %add3A_1542, %mul3A_1574 : vector<16xf32>
          %get3A_1576 = arith.index_cast %add3A_1561 : i32 to index
          %get3A_1577 = arith.constant 32 : index
          %get3A_1578 = tpu.vector_load %arg10[%get3A_1576, %get3A_1577] {strides = array<i32>} : memref<800x64xf32, #tpu.memory_space<vmem>>, vector<1x16xf32>,
          %get3A_1579 = vector.shape_cast %get3A_1578 : vector<1x16xf32> to vector<16xf32>
          %mul3A_1580 = vector.broadcast %squeeze3A_1558 : f32 to vector<16xf32>
          %mul3A_1581 = arith.mulf %mul3A_1580, %get3A_1579 : vector<16xf32>
          %add3A_1582 = arith.addf %add3A_1549, %mul3A_1581 : vector<16xf32>
          %get3A_1583 = arith.index_cast %add3A_1561 : i32 to index
          %get3A_1584 = arith.constant 48 : index
          %get3A_1585 = tpu.vector_load %arg10[%get3A_1583, %get3A_1584] {strides = array<i32>} : memref<800x64xf32, #tpu.memory_space<vmem>>, vector<1x16xf32>,
          %get3A_1586 = vector.shape_cast %get3A_1585 : vector<1x16xf32> to vector<16xf32>
          %mul3A_1587 = vector.broadcast %squeeze3A_1558 : f32 to vector<16xf32>
          %mul3A_1588 = arith.mulf %mul3A_1587, %get3A_1586 : vector<16xf32>
          %add3A_1589 = arith.addf %add3A_1556, %mul3A_1588 : vector<16xf32>
          %slice3A_1590 = vector.extract_strided_slice %get3A_1127 {offsets = [14], sizes = [1], strides = [1]} : vector<16xf32> to vector<1xf32>
          %squeeze3A_1591 = vector.extract %slice3A_1590[0] : f32 from vector<1xf32>
          %add3A_1592 = arith.addi %mul3A_784, %mul3A_1123 : i32
          %add3A_1593 = arith.constant 14 : i32
          %add3A_1594 = arith.addi %add3A_1592, %add3A_1593 : i32
          %get3A_1595 = arith.index_cast %add3A_1594 : i32 to index
          %get3A_1596 = arith.constant 0 : index
          %get3A_1597 = tpu.vector_load %arg10[%get3A_1595, %get3A_1596] {strides = array<i32>} : memref<800x64xf32, #tpu.memory_space<vmem>>, vector<1x16xf32>,
          %get3A_1598 = vector.shape_cast %get3A_1597 : vector<1x16xf32> to vector<16xf32>
          %mul3A_1599 = vector.broadcast %squeeze3A_1591 : f32 to vector<16xf32>
          %mul3A_1600 = arith.mulf %mul3A_1599, %get3A_1598 : vector<16xf32>
          %add3A_1601 = arith.addf %add3A_1568, %mul3A_1600 : vector<16xf32>
          %get3A_1602 = arith.index_cast %add3A_1594 : i32 to index
          %get3A_1603 = arith.constant 16 : index
          %get3A_1604 = tpu.vector_load %arg10[%get3A_1602, %get3A_1603] {strides = array<i32>} : memref<800x64xf32, #tpu.memory_space<vmem>>, vector<1x16xf32>,
          %get3A_1605 = vector.shape_cast %get3A_1604 : vector<1x16xf32> to vector<16xf32>
          %mul3A_1606 = vector.broadcast %squeeze3A_1591 : f32 to vector<16xf32>
          %mul3A_1607 = arith.mulf %mul3A_1606, %get3A_1605 : vector<16xf32>
          %add3A_1608 = arith.addf %add3A_1575, %mul3A_1607 : vector<16xf32>
          %get3A_1609 = arith.index_cast %add3A_1594 : i32 to index
          %get3A_1610 = arith.constant 32 : index
          %get3A_1611 = tpu.vector_load %arg10[%get3A_1609, %get3A_1610] {strides = array<i32>} : memref<800x64xf32, #tpu.memory_space<vmem>>, vector<1x16xf32>,
          %get3A_1612 = vector.shape_cast %get3A_1611 : vector<1x16xf32> to vector<16xf32>
          %mul3A_1613 = vector.broadcast %squeeze3A_1591 : f32 to vector<16xf32>
          %mul3A_1614 = arith.mulf %mul3A_1613, %get3A_1612 : vector<16xf32>
          %add3A_1615 = arith.addf %add3A_1582, %mul3A_1614 : vector<16xf32>
          %get3A_1616 = arith.index_cast %add3A_1594 : i32 to index
          %get3A_1617 = arith.constant 48 : index
          %get3A_1618 = tpu.vector_load %arg10[%get3A_1616, %get3A_1617] {strides = array<i32>} : memref<800x64xf32, #tpu.memory_space<vmem>>, vector<1x16xf32>,
          %get3A_1619 = vector.shape_cast %get3A_1618 : vector<1x16xf32> to vector<16xf32>
          %mul3A_1620 = vector.broadcast %squeeze3A_1591 : f32 to vector<16xf32>
          %mul3A_1621 = arith.mulf %mul3A_1620, %get3A_1619 : vector<16xf32>
          %add3A_1622 = arith.addf %add3A_1589, %mul3A_1621 : vector<16xf32>
          %slice3A_1623 = vector.extract_strided_slice %get3A_1127 {offsets = [15], sizes = [1], strides = [1]} : vector<16xf32> to vector<1xf32>
          %squeeze3A_1624 = vector.extract %slice3A_1623[0] : f32 from vector<1xf32>
          %add3A_1625 = arith.addi %mul3A_784, %mul3A_1123 : i32
          %add3A_1626 = arith.constant 15 : i32
          %add3A_1627 = arith.addi %add3A_1625, %add3A_1626 : i32
          %get3A_1628 = arith.index_cast %add3A_1627 : i32 to index
          %get3A_1629 = arith.constant 0 : index
          %get3A_1630 = tpu.vector_load %arg10[%get3A_1628, %get3A_1629] {strides = array<i32>} : memref<800x64xf32, #tpu.memory_space<vmem>>, vector<1x16xf32>,
          %get3A_1631 = vector.shape_cast %get3A_1630 : vector<1x16xf32> to vector<16xf32>
          %mul3A_1632 = vector.broadcast %squeeze3A_1624 : f32 to vector<16xf32>
          %mul3A_1633 = arith.mulf %mul3A_1632, %get3A_1631 : vector<16xf32>
          %add3A_1634 = arith.addf %add3A_1601, %mul3A_1633 : vector<16xf32>
          %get3A_1635 = arith.index_cast %add3A_1627 : i32 to index
          %get3A_1636 = arith.constant 16 : index
          %get3A_1637 = tpu.vector_load %arg10[%get3A_1635, %get3A_1636] {strides = array<i32>} : memref<800x64xf32, #tpu.memory_space<vmem>>, vector<1x16xf32>,
          %get3A_1638 = vector.shape_cast %get3A_1637 : vector<1x16xf32> to vector<16xf32>
          %mul3A_1639 = vector.broadcast %squeeze3A_1624 : f32 to vector<16xf32>
          %mul3A_1640 = arith.mulf %mul3A_1639, %get3A_1638 : vector<16xf32>
          %add3A_1641 = arith.addf %add3A_1608, %mul3A_1640 : vector<16xf32>
          %get3A_1642 = arith.index_cast %add3A_1627 : i32 to index
          %get3A_1643 = arith.constant 32 : index
          %get3A_1644 = tpu.vector_load %arg10[%get3A_1642, %get3A_1643] {strides = array<i32>} : memref<800x64xf32, #tpu.memory_space<vmem>>, vector<1x16xf32>,
          %get3A_1645 = vector.shape_cast %get3A_1644 : vector<1x16xf32> to vector<16xf32>
          %mul3A_1646 = vector.broadcast %squeeze3A_1624 : f32 to vector<16xf32>
          %mul3A_1647 = arith.mulf %mul3A_1646, %get3A_1645 : vector<16xf32>
          %add3A_1648 = arith.addf %add3A_1615, %mul3A_1647 : vector<16xf32>
          %get3A_1649 = arith.index_cast %add3A_1627 : i32 to index
          %get3A_1650 = arith.constant 48 : index
          %get3A_1651 = tpu.vector_load %arg10[%get3A_1649, %get3A_1650] {strides = array<i32>} : memref<800x64xf32, #tpu.memory_space<vmem>>, vector<1x16xf32>,
          %get3A_1652 = vector.shape_cast %get3A_1651 : vector<1x16xf32> to vector<16xf32>
          %mul3A_1653 = vector.broadcast %squeeze3A_1624 : f32 to vector<16xf32>
          %mul3A_1654 = arith.mulf %mul3A_1653, %get3A_1652 : vector<16xf32>
          %add3A_1655 = arith.addf %add3A_1622, %mul3A_1654 : vector<16xf32>
          scf.yield %add3A_1634, %add3A_1641, %add3A_1648, %add3A_1655 : vector<16xf32>, vector<16xf32>, vector<16xf32>, vector<16xf32>
        }
        %scan3A_791 = arith.constant 12 : i32
        %get3A_792 = arith.index_cast %scan3A_782 : i32 to index
        %get3A_793 = arith.constant 184 : index
        %get3A_794 = tpu.vector_load %arg8[%get3A_792, %get3A_793] {strides = array<i32>} : memref<4x200xf32, #tpu.memory_space<vmem>>, vector<1x16xf32>,
        %get3A_795 = vector.shape_cast %get3A_794 : vector<1x16xf32> to vector<16xf32>
        %slice3A = vector.extract_strided_slice %get3A_795 {offsets = [8], sizes = [1], strides = [1]} : vector<16xf32> to vector<1xf32>
        %squeeze3A = vector.extract %slice3A[0] : f32 from vector<1xf32>
        %add3A_796 = arith.constant 184 : i32
        %add3A_797 = arith.addi %mul3A_784, %add3A_796 : i32
        %add3A_798 = arith.constant 16 : i32
        %add3A_799 = arith.addi %add3A_797, %add3A_798 : i32
        %sub3A = arith.constant 8 : i32
        %sub3A_800 = arith.subi %add3A_799, %sub3A : i32
        %add3A_801 = arith.constant 0 : i32
        %add3A_802 = arith.addi %sub3A_800, %add3A_801 : i32
        %get3A_803 = arith.index_cast %add3A_802 : i32 to index
        %get3A_804 = arith.constant 0 : index
        %get3A_805 = tpu.vector_load %arg10[%get3A_803, %get3A_804] {strides = array<i32>} : memref<800x64xf32, #tpu.memory_space<vmem>>, vector<1x16xf32>,
        %get3A_806 = vector.shape_cast %get3A_805 : vector<1x16xf32> to vector<16xf32>
        %mul3A_807 = vector.broadcast %squeeze3A : f32 to vector<16xf32>
        %mul3A_808 = arith.mulf %mul3A_807, %get3A_806 : vector<16xf32>
        %add3A_809 = arith.addf %scan3A_790#0, %mul3A_808 : vector<16xf32>
        %get3A_810 = arith.index_cast %add3A_802 : i32 to index
        %get3A_811 = arith.constant 16 : index
        %get3A_812 = tpu.vector_load %arg10[%get3A_810, %get3A_811] {strides = array<i32>} : memref<800x64xf32, #tpu.memory_space<vmem>>, vector<1x16xf32>,
        %get3A_813 = vector.shape_cast %get3A_812 : vector<1x16xf32> to vector<16xf32>
        %mul3A_814 = vector.broadcast %squeeze3A : f32 to vector<16xf32>
        %mul3A_815 = arith.mulf %mul3A_814, %get3A_813 : vector<16xf32>
        %add3A_816 = arith.addf %scan3A_790#1, %mul3A_815 : vector<16xf32>
        %get3A_817 = arith.index_cast %add3A_802 : i32 to index
        %get3A_818 = arith.constant 32 : index
        %get3A_819 = tpu.vector_load %arg10[%get3A_817, %get3A_818] {strides = array<i32>} : memref<800x64xf32, #tpu.memory_space<vmem>>, vector<1x16xf32>,
        %get3A_820 = vector.shape_cast %get3A_819 : vector<1x16xf32> to vector<16xf32>
        %mul3A_821 = vector.broadcast %squeeze3A : f32 to vector<16xf32>
        %mul3A_822 = arith.mulf %mul3A_821, %get3A_820 : vector<16xf32>
        %add3A_823 = arith.addf %scan3A_790#2, %mul3A_822 : vector<16xf32>
        %get3A_824 = arith.index_cast %add3A_802 : i32 to index
        %get3A_825 = arith.constant 48 : index
        %get3A_826 = tpu.vector_load %arg10[%get3A_824, %get3A_825] {strides = array<i32>} : memref<800x64xf32, #tpu.memory_space<vmem>>, vector<1x16xf32>,
        %get3A_827 = vector.shape_cast %get3A_826 : vector<1x16xf32> to vector<16xf32>
        %mul3A_828 = vector.broadcast %squeeze3A : f32 to vector<16xf32>
        %mul3A_829 = arith.mulf %mul3A_828, %get3A_827 : vector<16xf32>
        %add3A_830 = arith.addf %scan3A_790#3, %mul3A_829 : vector<16xf32>
        %slice3A_831 = vector.extract_strided_slice %get3A_795 {offsets = [9], sizes = [1], strides = [1]} : vector<16xf32> to vector<1xf32>
        %squeeze3A_832 = vector.extract %slice3A_831[0] : f32 from vector<1xf32>
        %add3A_833 = arith.constant 184 : i32
        %add3A_834 = arith.addi %mul3A_784, %add3A_833 : i32
        %add3A_835 = arith.constant 16 : i32
        %add3A_836 = arith.addi %add3A_834, %add3A_835 : i32
        %sub3A_837 = arith.constant 8 : i32
        %sub3A_838 = arith.subi %add3A_836, %sub3A_837 : i32
        %add3A_839 = arith.constant 1 : i32
        %add3A_840 = arith.addi %sub3A_838, %add3A_839 : i32
        %get3A_841 = arith.index_cast %add3A_840 : i32 to index
        %get3A_842 = arith.constant 0 : index
        %get3A_843 = tpu.vector_load %arg10[%get3A_841, %get3A_842] {strides = array<i32>} : memref<800x64xf32, #tpu.memory_space<vmem>>, vector<1x16xf32>,
        %get3A_844 = vector.shape_cast %get3A_843 : vector<1x16xf32> to vector<16xf32>
        %mul3A_845 = vector.broadcast %squeeze3A_832 : f32 to vector<16xf32>
        %mul3A_846 = arith.mulf %mul3A_845, %get3A_844 : vector<16xf32>
        %add3A_847 = arith.addf %add3A_809, %mul3A_846 : vector<16xf32>
        %get3A_848 = arith.index_cast %add3A_840 : i32 to index
        %get3A_849 = arith.constant 16 : index
        %get3A_850 = tpu.vector_load %arg10[%get3A_848, %get3A_849] {strides = array<i32>} : memref<800x64xf32, #tpu.memory_space<vmem>>, vector<1x16xf32>,
        %get3A_851 = vector.shape_cast %get3A_850 : vector<1x16xf32> to vector<16xf32>
        %mul3A_852 = vector.broadcast %squeeze3A_832 : f32 to vector<16xf32>
        %mul3A_853 = arith.mulf %mul3A_852, %get3A_851 : vector<16xf32>
        %add3A_854 = arith.addf %add3A_816, %mul3A_853 : vector<16xf32>
        %get3A_855 = arith.index_cast %add3A_840 : i32 to index
        %get3A_856 = arith.constant 32 : index
        %get3A_857 = tpu.vector_load %arg10[%get3A_855, %get3A_856] {strides = array<i32>} : memref<800x64xf32, #tpu.memory_space<vmem>>, vector<1x16xf32>,
        %get3A_858 = vector.shape_cast %get3A_857 : vector<1x16xf32> to vector<16xf32>
        %mul3A_859 = vector.broadcast %squeeze3A_832 : f32 to vector<16xf32>
        %mul3A_860 = arith.mulf %mul3A_859, %get3A_858 : vector<16xf32>
        %add3A_861 = arith.addf %add3A_823, %mul3A_860 : vector<16xf32>
        %get3A_862 = arith.index_cast %add3A_840 : i32 to index
        %get3A_863 = arith.constant 48 : index
        %get3A_864 = tpu.vector_load %arg10[%get3A_862, %get3A_863] {strides = array<i32>} : memref<800x64xf32, #tpu.memory_space<vmem>>, vector<1x16xf32>,
        %get3A_865 = vector.shape_cast %get3A_864 : vector<1x16xf32> to vector<16xf32>
        %mul3A_866 = vector.broadcast %squeeze3A_832 : f32 to vector<16xf32>
        %mul3A_867 = arith.mulf %mul3A_866, %get3A_865 : vector<16xf32>
        %add3A_868 = arith.addf %add3A_830, %mul3A_867 : vector<16xf32>
        %slice3A_869 = vector.extract_strided_slice %get3A_795 {offsets = [10], sizes = [1], strides = [1]} : vector<16xf32> to vector<1xf32>
        %squeeze3A_870 = vector.extract %slice3A_869[0] : f32 from vector<1xf32>
        %add3A_871 = arith.constant 184 : i32
        %add3A_872 = arith.addi %mul3A_784, %add3A_871 : i32
        %add3A_873 = arith.constant 16 : i32
        %add3A_874 = arith.addi %add3A_872, %add3A_873 : i32
        %sub3A_875 = arith.constant 8 : i32
        %sub3A_876 = arith.subi %add3A_874, %sub3A_875 : i32
        %add3A_877 = arith.constant 2 : i32
        %add3A_878 = arith.addi %sub3A_876, %add3A_877 : i32
        %get3A_879 = arith.index_cast %add3A_878 : i32 to index
        %get3A_880 = arith.constant 0 : index
        %get3A_881 = tpu.vector_load %arg10[%get3A_879, %get3A_880] {strides = array<i32>} : memref<800x64xf32, #tpu.memory_space<vmem>>, vector<1x16xf32>,
        %get3A_882 = vector.shape_cast %get3A_881 : vector<1x16xf32> to vector<16xf32>
        %mul3A_883 = vector.broadcast %squeeze3A_870 : f32 to vector<16xf32>
        %mul3A_884 = arith.mulf %mul3A_883, %get3A_882 : vector<16xf32>
        %add3A_885 = arith.addf %add3A_847, %mul3A_884 : vector<16xf32>
        %get3A_886 = arith.index_cast %add3A_878 : i32 to index
        %get3A_887 = arith.constant 16 : index
        %get3A_888 = tpu.vector_load %arg10[%get3A_886, %get3A_887] {strides = array<i32>} : memref<800x64xf32, #tpu.memory_space<vmem>>, vector<1x16xf32>,
        %get3A_889 = vector.shape_cast %get3A_888 : vector<1x16xf32> to vector<16xf32>
        %mul3A_890 = vector.broadcast %squeeze3A_870 : f32 to vector<16xf32>
        %mul3A_891 = arith.mulf %mul3A_890, %get3A_889 : vector<16xf32>
        %add3A_892 = arith.addf %add3A_854, %mul3A_891 : vector<16xf32>
        %get3A_893 = arith.index_cast %add3A_878 : i32 to index
        %get3A_894 = arith.constant 32 : index
        %get3A_895 = tpu.vector_load %arg10[%get3A_893, %get3A_894] {strides = array<i32>} : memref<800x64xf32, #tpu.memory_space<vmem>>, vector<1x16xf32>,
        %get3A_896 = vector.shape_cast %get3A_895 : vector<1x16xf32> to vector<16xf32>
        %mul3A_897 = vector.broadcast %squeeze3A_870 : f32 to vector<16xf32>
        %mul3A_898 = arith.mulf %mul3A_897, %get3A_896 : vector<16xf32>
        %add3A_899 = arith.addf %add3A_861, %mul3A_898 : vector<16xf32>
        %get3A_900 = arith.index_cast %add3A_878 : i32 to index
        %get3A_901 = arith.constant 48 : index
        %get3A_902 = tpu.vector_load %arg10[%get3A_900, %get3A_901] {strides = array<i32>} : memref<800x64xf32, #tpu.memory_space<vmem>>, vector<1x16xf32>,
        %get3A_903 = vector.shape_cast %get3A_902 : vector<1x16xf32> to vector<16xf32>
        %mul3A_904 = vector.broadcast %squeeze3A_870 : f32 to vector<16xf32>
        %mul3A_905 = arith.mulf %mul3A_904, %get3A_903 : vector<16xf32>
        %add3A_906 = arith.addf %add3A_868, %mul3A_905 : vector<16xf32>
        %slice3A_907 = vector.extract_strided_slice %get3A_795 {offsets = [11], sizes = [1], strides = [1]} : vector<16xf32> to vector<1xf32>
        %squeeze3A_908 = vector.extract %slice3A_907[0] : f32 from vector<1xf32>
        %add3A_909 = arith.constant 184 : i32
        %add3A_910 = arith.addi %mul3A_784, %add3A_909 : i32
        %add3A_911 = arith.constant 16 : i32
        %add3A_912 = arith.addi %add3A_910, %add3A_911 : i32
        %sub3A_913 = arith.constant 8 : i32
        %sub3A_914 = arith.subi %add3A_912, %sub3A_913 : i32
        %add3A_915 = arith.constant 3 : i32
        %add3A_916 = arith.addi %sub3A_914, %add3A_915 : i32
        %get3A_917 = arith.index_cast %add3A_916 : i32 to index
        %get3A_918 = arith.constant 0 : index
        %get3A_919 = tpu.vector_load %arg10[%get3A_917, %get3A_918] {strides = array<i32>} : memref<800x64xf32, #tpu.memory_space<vmem>>, vector<1x16xf32>,
        %get3A_920 = vector.shape_cast %get3A_919 : vector<1x16xf32> to vector<16xf32>
        %mul3A_921 = vector.broadcast %squeeze3A_908 : f32 to vector<16xf32>
        %mul3A_922 = arith.mulf %mul3A_921, %get3A_920 : vector<16xf32>
        %add3A_923 = arith.addf %add3A_885, %mul3A_922 : vector<16xf32>
        %get3A_924 = arith.index_cast %add3A_916 : i32 to index
        %get3A_925 = arith.constant 16 : index
        %get3A_926 = tpu.vector_load %arg10[%get3A_924, %get3A_925] {strides = array<i32>} : memref<800x64xf32, #tpu.memory_space<vmem>>, vector<1x16xf32>,
        %get3A_927 = vector.shape_cast %get3A_926 : vector<1x16xf32> to vector<16xf32>
        %mul3A_928 = vector.broadcast %squeeze3A_908 : f32 to vector<16xf32>
        %mul3A_929 = arith.mulf %mul3A_928, %get3A_927 : vector<16xf32>
        %add3A_930 = arith.addf %add3A_892, %mul3A_929 : vector<16xf32>
        %get3A_931 = arith.index_cast %add3A_916 : i32 to index
        %get3A_932 = arith.constant 32 : index
        %get3A_933 = tpu.vector_load %arg10[%get3A_931, %get3A_932] {strides = array<i32>} : memref<800x64xf32, #tpu.memory_space<vmem>>, vector<1x16xf32>,
        %get3A_934 = vector.shape_cast %get3A_933 : vector<1x16xf32> to vector<16xf32>
        %mul3A_935 = vector.broadcast %squeeze3A_908 : f32 to vector<16xf32>
        %mul3A_936 = arith.mulf %mul3A_935, %get3A_934 : vector<16xf32>
        %add3A_937 = arith.addf %add3A_899, %mul3A_936 : vector<16xf32>
        %get3A_938 = arith.index_cast %add3A_916 : i32 to index
        %get3A_939 = arith.constant 48 : index
        %get3A_940 = tpu.vector_load %arg10[%get3A_938, %get3A_939] {strides = array<i32>} : memref<800x64xf32, #tpu.memory_space<vmem>>, vector<1x16xf32>,
        %get3A_941 = vector.shape_cast %get3A_940 : vector<1x16xf32> to vector<16xf32>
        %mul3A_942 = vector.broadcast %squeeze3A_908 : f32 to vector<16xf32>
        %mul3A_943 = arith.mulf %mul3A_942, %get3A_941 : vector<16xf32>
        %add3A_944 = arith.addf %add3A_906, %mul3A_943 : vector<16xf32>
        %slice3A_945 = vector.extract_strided_slice %get3A_795 {offsets = [12], sizes = [1], strides = [1]} : vector<16xf32> to vector<1xf32>
        %squeeze3A_946 = vector.extract %slice3A_945[0] : f32 from vector<1xf32>
        %add3A_947 = arith.constant 184 : i32
        %add3A_948 = arith.addi %mul3A_784, %add3A_947 : i32
        %add3A_949 = arith.constant 16 : i32
        %add3A_950 = arith.addi %add3A_948, %add3A_949 : i32
        %sub3A_951 = arith.constant 8 : i32
        %sub3A_952 = arith.subi %add3A_950, %sub3A_951 : i32
        %add3A_953 = arith.constant 4 : i32
        %add3A_954 = arith.addi %sub3A_952, %add3A_953 : i32
        %get3A_955 = arith.index_cast %add3A_954 : i32 to index
        %get3A_956 = arith.constant 0 : index
        %get3A_957 = tpu.vector_load %arg10[%get3A_955, %get3A_956] {strides = array<i32>} : memref<800x64xf32, #tpu.memory_space<vmem>>, vector<1x16xf32>,
        %get3A_958 = vector.shape_cast %get3A_957 : vector<1x16xf32> to vector<16xf32>
        %mul3A_959 = vector.broadcast %squeeze3A_946 : f32 to vector<16xf32>
        %mul3A_960 = arith.mulf %mul3A_959, %get3A_958 : vector<16xf32>
        %add3A_961 = arith.addf %add3A_923, %mul3A_960 : vector<16xf32>
        %get3A_962 = arith.index_cast %add3A_954 : i32 to index
        %get3A_963 = arith.constant 16 : index
        %get3A_964 = tpu.vector_load %arg10[%get3A_962, %get3A_963] {strides = array<i32>} : memref<800x64xf32, #tpu.memory_space<vmem>>, vector<1x16xf32>,
        %get3A_965 = vector.shape_cast %get3A_964 : vector<1x16xf32> to vector<16xf32>
        %mul3A_966 = vector.broadcast %squeeze3A_946 : f32 to vector<16xf32>
        %mul3A_967 = arith.mulf %mul3A_966, %get3A_965 : vector<16xf32>
        %add3A_968 = arith.addf %add3A_930, %mul3A_967 : vector<16xf32>
        %get3A_969 = arith.index_cast %add3A_954 : i32 to index
        %get3A_970 = arith.constant 32 : index
        %get3A_971 = tpu.vector_load %arg10[%get3A_969, %get3A_970] {strides = array<i32>} : memref<800x64xf32, #tpu.memory_space<vmem>>, vector<1x16xf32>,
        %get3A_972 = vector.shape_cast %get3A_971 : vector<1x16xf32> to vector<16xf32>
        %mul3A_973 = vector.broadcast %squeeze3A_946 : f32 to vector<16xf32>
        %mul3A_974 = arith.mulf %mul3A_973, %get3A_972 : vector<16xf32>
        %add3A_975 = arith.addf %add3A_937, %mul3A_974 : vector<16xf32>
        %get3A_976 = arith.index_cast %add3A_954 : i32 to index
        %get3A_977 = arith.constant 48 : index
        %get3A_978 = tpu.vector_load %arg10[%get3A_976, %get3A_977] {strides = array<i32>} : memref<800x64xf32, #tpu.memory_space<vmem>>, vector<1x16xf32>,
        %get3A_979 = vector.shape_cast %get3A_978 : vector<1x16xf32> to vector<16xf32>
        %mul3A_980 = vector.broadcast %squeeze3A_946 : f32 to vector<16xf32>
        %mul3A_981 = arith.mulf %mul3A_980, %get3A_979 : vector<16xf32>
        %add3A_982 = arith.addf %add3A_944, %mul3A_981 : vector<16xf32>
        %slice3A_983 = vector.extract_strided_slice %get3A_795 {offsets = [13], sizes = [1], strides = [1]} : vector<16xf32> to vector<1xf32>
        %squeeze3A_984 = vector.extract %slice3A_983[0] : f32 from vector<1xf32>
        %add3A_985 = arith.constant 184 : i32
        %add3A_986 = arith.addi %mul3A_784, %add3A_985 : i32
        %add3A_987 = arith.constant 16 : i32
        %add3A_988 = arith.addi %add3A_986, %add3A_987 : i32
        %sub3A_989 = arith.constant 8 : i32
        %sub3A_990 = arith.subi %add3A_988, %sub3A_989 : i32
        %add3A_991 = arith.constant 5 : i32
        %add3A_992 = arith.addi %sub3A_990, %add3A_991 : i32
        %get3A_993 = arith.index_cast %add3A_992 : i32 to index
        %get3A_994 = arith.constant 0 : index
        %get3A_995 = tpu.vector_load %arg10[%get3A_993, %get3A_994] {strides = array<i32>} : memref<800x64xf32, #tpu.memory_space<vmem>>, vector<1x16xf32>,
        %get3A_996 = vector.shape_cast %get3A_995 : vector<1x16xf32> to vector<16xf32>
        %mul3A_997 = vector.broadcast %squeeze3A_984 : f32 to vector<16xf32>
        %mul3A_998 = arith.mulf %mul3A_997, %get3A_996 : vector<16xf32>
        %add3A_999 = arith.addf %add3A_961, %mul3A_998 : vector<16xf32>
        %get3A_1000 = arith.index_cast %add3A_992 : i32 to index
        %get3A_1001 = arith.constant 16 : index
        %get3A_1002 = tpu.vector_load %arg10[%get3A_1000, %get3A_1001] {strides = array<i32>} : memref<800x64xf32, #tpu.memory_space<vmem>>, vector<1x16xf32>,
        %get3A_1003 = vector.shape_cast %get3A_1002 : vector<1x16xf32> to vector<16xf32>
        %mul3A_1004 = vector.broadcast %squeeze3A_984 : f32 to vector<16xf32>
        %mul3A_1005 = arith.mulf %mul3A_1004, %get3A_1003 : vector<16xf32>
        %add3A_1006 = arith.addf %add3A_968, %mul3A_1005 : vector<16xf32>
        %get3A_1007 = arith.index_cast %add3A_992 : i32 to index
        %get3A_1008 = arith.constant 32 : index
        %get3A_1009 = tpu.vector_load %arg10[%get3A_1007, %get3A_1008] {strides = array<i32>} : memref<800x64xf32, #tpu.memory_space<vmem>>, vector<1x16xf32>,
        %get3A_1010 = vector.shape_cast %get3A_1009 : vector<1x16xf32> to vector<16xf32>
        %mul3A_1011 = vector.broadcast %squeeze3A_984 : f32 to vector<16xf32>
        %mul3A_1012 = arith.mulf %mul3A_1011, %get3A_1010 : vector<16xf32>
        %add3A_1013 = arith.addf %add3A_975, %mul3A_1012 : vector<16xf32>
        %get3A_1014 = arith.index_cast %add3A_992 : i32 to index
        %get3A_1015 = arith.constant 48 : index
        %get3A_1016 = tpu.vector_load %arg10[%get3A_1014, %get3A_1015] {strides = array<i32>} : memref<800x64xf32, #tpu.memory_space<vmem>>, vector<1x16xf32>,
        %get3A_1017 = vector.shape_cast %get3A_1016 : vector<1x16xf32> to vector<16xf32>
        %mul3A_1018 = vector.broadcast %squeeze3A_984 : f32 to vector<16xf32>
        %mul3A_1019 = arith.mulf %mul3A_1018, %get3A_1017 : vector<16xf32>
        %add3A_1020 = arith.addf %add3A_982, %mul3A_1019 : vector<16xf32>
        %slice3A_1021 = vector.extract_strided_slice %get3A_795 {offsets = [14], sizes = [1], strides = [1]} : vector<16xf32> to vector<1xf32>
        %squeeze3A_1022 = vector.extract %slice3A_1021[0] : f32 from vector<1xf32>
        %add3A_1023 = arith.constant 184 : i32
        %add3A_1024 = arith.addi %mul3A_784, %add3A_1023 : i32
        %add3A_1025 = arith.constant 16 : i32
        %add3A_1026 = arith.addi %add3A_1024, %add3A_1025 : i32
        %sub3A_1027 = arith.constant 8 : i32
        %sub3A_1028 = arith.subi %add3A_1026, %sub3A_1027 : i32
        %add3A_1029 = arith.constant 6 : i32
        %add3A_1030 = arith.addi %sub3A_1028, %add3A_1029 : i32
        %get3A_1031 = arith.index_cast %add3A_1030 : i32 to index
        %get3A_1032 = arith.constant 0 : index
        %get3A_1033 = tpu.vector_load %arg10[%get3A_1031, %get3A_1032] {strides = array<i32>} : memref<800x64xf32, #tpu.memory_space<vmem>>, vector<1x16xf32>,
        %get3A_1034 = vector.shape_cast %get3A_1033 : vector<1x16xf32> to vector<16xf32>
        %mul3A_1035 = vector.broadcast %squeeze3A_1022 : f32 to vector<16xf32>
        %mul3A_1036 = arith.mulf %mul3A_1035, %get3A_1034 : vector<16xf32>
        %add3A_1037 = arith.addf %add3A_999, %mul3A_1036 : vector<16xf32>
        %get3A_1038 = arith.index_cast %add3A_1030 : i32 to index
        %get3A_1039 = arith.constant 16 : index
        %get3A_1040 = tpu.vector_load %arg10[%get3A_1038, %get3A_1039] {strides = array<i32>} : memref<800x64xf32, #tpu.memory_space<vmem>>, vector<1x16xf32>,
        %get3A_1041 = vector.shape_cast %get3A_1040 : vector<1x16xf32> to vector<16xf32>
        %mul3A_1042 = vector.broadcast %squeeze3A_1022 : f32 to vector<16xf32>
        %mul3A_1043 = arith.mulf %mul3A_1042, %get3A_1041 : vector<16xf32>
        %add3A_1044 = arith.addf %add3A_1006, %mul3A_1043 : vector<16xf32>
        %get3A_1045 = arith.index_cast %add3A_1030 : i32 to index
        %get3A_1046 = arith.constant 32 : index
        %get3A_1047 = tpu.vector_load %arg10[%get3A_1045, %get3A_1046] {strides = array<i32>} : memref<800x64xf32, #tpu.memory_space<vmem>>, vector<1x16xf32>,
        %get3A_1048 = vector.shape_cast %get3A_1047 : vector<1x16xf32> to vector<16xf32>
        %mul3A_1049 = vector.broadcast %squeeze3A_1022 : f32 to vector<16xf32>
        %mul3A_1050 = arith.mulf %mul3A_1049, %get3A_1048 : vector<16xf32>
        %add3A_1051 = arith.addf %add3A_1013, %mul3A_1050 : vector<16xf32>
        %get3A_1052 = arith.index_cast %add3A_1030 : i32 to index
        %get3A_1053 = arith.constant 48 : index
        %get3A_1054 = tpu.vector_load %arg10[%get3A_1052, %get3A_1053] {strides = array<i32>} : memref<800x64xf32, #tpu.memory_space<vmem>>, vector<1x16xf32>,
        %get3A_1055 = vector.shape_cast %get3A_1054 : vector<1x16xf32> to vector<16xf32>
        %mul3A_1056 = vector.broadcast %squeeze3A_1022 : f32 to vector<16xf32>
        %mul3A_1057 = arith.mulf %mul3A_1056, %get3A_1055 : vector<16xf32>
        %add3A_1058 = arith.addf %add3A_1020, %mul3A_1057 : vector<16xf32>
        %slice3A_1059 = vector.extract_strided_slice %get3A_795 {offsets = [15], sizes = [1], strides = [1]} : vector<16xf32> to vector<1xf32>
        %squeeze3A_1060 = vector.extract %slice3A_1059[0] : f32 from vector<1xf32>
        %add3A_1061 = arith.constant 184 : i32
        %add3A_1062 = arith.addi %mul3A_784, %add3A_1061 : i32
        %add3A_1063 = arith.constant 16 : i32
        %add3A_1064 = arith.addi %add3A_1062, %add3A_1063 : i32
        %sub3A_1065 = arith.constant 8 : i32
        %sub3A_1066 = arith.subi %add3A_1064, %sub3A_1065 : i32
        %add3A_1067 = arith.constant 7 : i32
        %add3A_1068 = arith.addi %sub3A_1066, %add3A_1067 : i32
        %get3A_1069 = arith.index_cast %add3A_1068 : i32 to index
        %get3A_1070 = arith.constant 0 : index
        %get3A_1071 = tpu.vector_load %arg10[%get3A_1069, %get3A_1070] {strides = array<i32>} : memref<800x64xf32, #tpu.memory_space<vmem>>, vector<1x16xf32>,
        %get3A_1072 = vector.shape_cast %get3A_1071 : vector<1x16xf32> to vector<16xf32>
        %mul3A_1073 = vector.broadcast %squeeze3A_1060 : f32 to vector<16xf32>
        %mul3A_1074 = arith.mulf %mul3A_1073, %get3A_1072 : vector<16xf32>
        %add3A_1075 = arith.addf %add3A_1037, %mul3A_1074 : vector<16xf32>
        %get3A_1076 = arith.index_cast %add3A_1068 : i32 to index
        %get3A_1077 = arith.constant 16 : index
        %get3A_1078 = tpu.vector_load %arg10[%get3A_1076, %get3A_1077] {strides = array<i32>} : memref<800x64xf32, #tpu.memory_space<vmem>>, vector<1x16xf32>,
        %get3A_1079 = vector.shape_cast %get3A_1078 : vector<1x16xf32> to vector<16xf32>
        %mul3A_1080 = vector.broadcast %squeeze3A_1060 : f32 to vector<16xf32>
        %mul3A_1081 = arith.mulf %mul3A_1080, %get3A_1079 : vector<16xf32>
        %add3A_1082 = arith.addf %add3A_1044, %mul3A_1081 : vector<16xf32>
        %get3A_1083 = arith.index_cast %add3A_1068 : i32 to index
        %get3A_1084 = arith.constant 32 : index
        %get3A_1085 = tpu.vector_load %arg10[%get3A_1083, %get3A_1084] {strides = array<i32>} : memref<800x64xf32, #tpu.memory_space<vmem>>, vector<1x16xf32>,
        %get3A_1086 = vector.shape_cast %get3A_1085 : vector<1x16xf32> to vector<16xf32>
        %mul3A_1087 = vector.broadcast %squeeze3A_1060 : f32 to vector<16xf32>
        %mul3A_1088 = arith.mulf %mul3A_1087, %get3A_1086 : vector<16xf32>
        %add3A_1089 = arith.addf %add3A_1051, %mul3A_1088 : vector<16xf32>
        %get3A_1090 = arith.index_cast %add3A_1068 : i32 to index
        %get3A_1091 = arith.constant 48 : index
        %get3A_1092 = tpu.vector_load %arg10[%get3A_1090, %get3A_1091] {strides = array<i32>} : memref<800x64xf32, #tpu.memory_space<vmem>>, vector<1x16xf32>,
        %get3A_1093 = vector.shape_cast %get3A_1092 : vector<1x16xf32> to vector<16xf32>
        %mul3A_1094 = vector.broadcast %squeeze3A_1060 : f32 to vector<16xf32>
        %mul3A_1095 = arith.mulf %mul3A_1094, %get3A_1093 : vector<16xf32>
        %add3A_1096 = arith.addf %add3A_1058, %mul3A_1095 : vector<16xf32>
        %swap3A_1097 = arith.index_cast %scan3A_782 : i32 to index
        %swap3A_1098 = arith.constant 0 : index
        %swap3A_1099 = tpu.vector_load %arg12[%swap3A_1097, %swap3A_1098] {strides = array<i32>} : memref<4x64xf32, #tpu.memory_space<vmem>>, vector<1x16xf32>,
        %swap3A_1100 = vector.shape_cast %swap3A_1099 : vector<1x16xf32> to vector<16xf32>
        %swap3A_1101 = vector.shape_cast %add3A_1075 : vector<16xf32> to vector<1x16xf32>
        tpu.vector_store %arg12[%swap3A_1097, %swap3A_1098], %swap3A_1101 {strides = array<i32>} : memref<4x64xf32, #tpu.memory_space<vmem>>, vector<1x16xf32>,
        %swap3A_1102 = arith.index_cast %scan3A_782 : i32 to index
        %swap3A_1103 = arith.constant 16 : index
        %swap3A_1104 = tpu.vector_load %arg12[%swap3A_1102, %swap3A_1103] {strides = array<i32>} : memref<4x64xf32, #tpu.memory_space<vmem>>, vector<1x16xf32>,
        %swap3A_1105 = vector.shape_cast %swap3A_1104 : vector<1x16xf32> to vector<16xf32>
        %swap3A_1106 = vector.shape_cast %add3A_1082 : vector<16xf32> to vector<1x16xf32>
        tpu.vector_store %arg12[%swap3A_1102, %swap3A_1103], %swap3A_1106 {strides = array<i32>} : memref<4x64xf32, #tpu.memory_space<vmem>>, vector<1x16xf32>,
        %swap3A_1107 = arith.index_cast %scan3A_782 : i32 to index
        %swap3A_1108 = arith.constant 32 : index
        %swap3A_1109 = tpu.vector_load %arg12[%swap3A_1107, %swap3A_1108] {strides = array<i32>} : memref<4x64xf32, #tpu.memory_space<vmem>>, vector<1x16xf32>,
        %swap3A_1110 = vector.shape_cast %swap3A_1109 : vector<1x16xf32> to vector<16xf32>
        %swap3A_1111 = vector.shape_cast %add3A_1089 : vector<16xf32> to vector<1x16xf32>
        tpu.vector_store %arg12[%swap3A_1107, %swap3A_1108], %swap3A_1111 {strides = array<i32>} : memref<4x64xf32, #tpu.memory_space<vmem>>, vector<1x16xf32>,
        %swap3A_1112 = arith.index_cast %scan3A_782 : i32 to index
        %swap3A_1113 = arith.constant 48 : index
        %swap3A_1114 = tpu.vector_load %arg12[%swap3A_1112, %swap3A_1113] {strides = array<i32>} : memref<4x64xf32, #tpu.memory_space<vmem>>, vector<1x16xf32>,
        %swap3A_1115 = vector.shape_cast %swap3A_1114 : vector<1x16xf32> to vector<16xf32>
        %swap3A_1116 = vector.shape_cast %add3A_1096 : vector<16xf32> to vector<1x16xf32>
        tpu.vector_store %arg12[%swap3A_1112, %swap3A_1113], %swap3A_1116 {strides = array<i32>} : memref<4x64xf32, #tpu.memory_space<vmem>>, vector<1x16xf32>,
      }
      %scan3A_738 = arith.constant 4 : i32
      %mul3A_739 = arith.constant 4 : i32
      %mul3A_740 = arith.muli %add3A_722, %mul3A_739 : i32
      %add3A_741 = arith.addi %mul3A_2, %mul3A_740 : i32
      "tpu.region"() ({
        %run_scoped3A = tpu.sem_alloc : memref<!tpu.dma_semaphore, #tpu.memory_space<semaphore_mem>>
        %dma_start3A_782 = arith.constant 0 : i32
        %dma_start3A_783 = tpu.memref_slice %arg5[%add3A_741, %dma_start3A_782] : memref<16384x64xf32, #tpu.memory_space<hbm>> -> memref<4x64xf32, #tpu.memory_space<hbm>>
        %dma_start3A_784 = arith.constant 0 : i32
        %dma_start3A_785 = tpu.memref_slice %arg5[%add3A_741, %dma_start3A_784] : memref<16384x64xf32, #tpu.memory_space<hbm>> -> memref<4x64xf32, #tpu.memory_space<hbm>>
        tpu.enqueue_dma source(%arg12 : memref<4x64xf32, #tpu.memory_space<vmem>>) target(%dma_start3A_785 : memref<4x64xf32, #tpu.memory_space<hbm>>) target_semaphore(%run_scoped3A : memref<!tpu.dma_semaphore, #tpu.memory_space<semaphore_mem>>)
        %dma_wait3A_786 = arith.constant 0 : i32
        %dma_wait3A_787 = tpu.memref_slice %arg5[%add3A_741, %dma_wait3A_786] : memref<16384x64xf32, #tpu.memory_space<hbm>> -> memref<4x64xf32, #tpu.memory_space<hbm>>
        %dma_wait3A_788 = arith.constant 0 : i32
        %dma_wait3A_789 = tpu.memref_slice %arg5[%add3A_741, %dma_wait3A_788] : memref<16384x64xf32, #tpu.memory_space<hbm>> -> memref<4x64xf32, #tpu.memory_space<hbm>>
        tpu.wait_dma2 semaphore(%run_scoped3A : memref<!tpu.dma_semaphore, #tpu.memory_space<semaphore_mem>>) src(%arg12 : memref<4x64xf32, #tpu.memory_space<vmem>>) dst(%dma_wait3A_789 : memref<4x64xf32, #tpu.memory_space<hbm>>)
        tpu.yield
      }) : () -> ()
      %add3A_742 = arith.constant 2 : i32
      %add3A_743 = arith.addi %add3A_722, %add3A_742 : i32
      %lt3A_744 = arith.constant 128 : i32
      %lt3A_745 = arith.cmpi slt, %add3A_743, %lt3A_744 : i32
      %convert_element_type3A_746 = arith.extui %lt3A_745 : i1 to i32
      %cond3A_747 = arith.constant 0 : i32
      %cond3A_748 = arith.cmpi ne, %convert_element_type3A_746, %cond3A_747 : i32
      scf.if %cond3A_748 {
        %add3A_782 = arith.constant 2 : i32
        %add3A_783 = arith.addi %add3A_722, %add3A_782 : i32
        %mul3A_784 = arith.constant 4 : i32
        %mul3A_785 = arith.muli %add3A_783, %mul3A_784 : i32
        %add3A_786 = arith.addi %mul3A_2, %mul3A_785 : i32
        %add3A_787 = arith.constant 0 : i32
        %add3A_788 = arith.addi %add3A_786, %add3A_787 : i32
        %dma_start3A_789 = arith.constant 0 : i32
        %dma_start3A_790 = tpu.memref_slice %arg6[%dma_start3A_789] : memref<800xi32, #tpu.memory_space<vmem>> -> memref<200xi32, #tpu.memory_space<vmem>>
        %dma_start3A_791 = arith.constant 0 : i32
        %dma_start3A_792 = tpu.memref_slice %arg2[%add3A_788, %dma_start3A_791] : memref<16384x200xi32, #tpu.memory_space<hbm>> -> memref<1x200xi32, #tpu.memory_space<hbm>>
        %dma_start3A_793 = tpu.memref_squeeze %dma_start3A_792 : memref<1x200xi32, #tpu.memory_space<hbm>> -> memref<200xi32, #tpu.memory_space<hbm>>
        %dma_start3A_794 = arith.constant 0 : i32
        %dma_start3A_795 = tpu.memref_slice %arg6[%dma_start3A_794] : memref<800xi32, #tpu.memory_space<vmem>> -> memref<200xi32, #tpu.memory_space<vmem>>
        %dma_start3A_796 = arith.constant 0 : i32
        %dma_start3A_797 = tpu.memref_slice %arg2[%add3A_788, %dma_start3A_796] : memref<16384x200xi32, #tpu.memory_space<hbm>> -> memref<1x200xi32, #tpu.memory_space<hbm>>
        %dma_start3A_798 = tpu.memref_squeeze %dma_start3A_797 : memref<1x200xi32, #tpu.memory_space<hbm>> -> memref<200xi32, #tpu.memory_space<hbm>>
        tpu.enqueue_dma source(%dma_start3A_798 : memref<200xi32, #tpu.memory_space<hbm>>) target(%dma_start3A_795 : memref<200xi32, #tpu.memory_space<vmem>>) target_semaphore(%arg13 : memref<!tpu.dma_semaphore, #tpu.memory_space<semaphore_mem>>)
        %add3A_799 = arith.constant 1 : i32
        %add3A_800 = arith.addi %add3A_786, %add3A_799 : i32
        %dma_start3A_801 = arith.constant 200 : i32
        %dma_start3A_802 = tpu.memref_slice %arg6[%dma_start3A_801] : memref<800xi32, #tpu.memory_space<vmem>> -> memref<200xi32, #tpu.memory_space<vmem>>
        %dma_start3A_803 = arith.constant 0 : i32
        %dma_start3A_804 = tpu.memref_slice %arg2[%add3A_800, %dma_start3A_803] : memref<16384x200xi32, #tpu.memory_space<hbm>> -> memref<1x200xi32, #tpu.memory_space<hbm>>
        %dma_start3A_805 = tpu.memref_squeeze %dma_start3A_804 : memref<1x200xi32, #tpu.memory_space<hbm>> -> memref<200xi32, #tpu.memory_space<hbm>>
        %dma_start3A_806 = arith.constant 200 : i32
        %dma_start3A_807 = tpu.memref_slice %arg6[%dma_start3A_806] : memref<800xi32, #tpu.memory_space<vmem>> -> memref<200xi32, #tpu.memory_space<vmem>>
        %dma_start3A_808 = arith.constant 0 : i32
        %dma_start3A_809 = tpu.memref_slice %arg2[%add3A_800, %dma_start3A_808] : memref<16384x200xi32, #tpu.memory_space<hbm>> -> memref<1x200xi32, #tpu.memory_space<hbm>>
        %dma_start3A_810 = tpu.memref_squeeze %dma_start3A_809 : memref<1x200xi32, #tpu.memory_space<hbm>> -> memref<200xi32, #tpu.memory_space<hbm>>
        tpu.enqueue_dma source(%dma_start3A_810 : memref<200xi32, #tpu.memory_space<hbm>>) target(%dma_start3A_807 : memref<200xi32, #tpu.memory_space<vmem>>) target_semaphore(%arg13 : memref<!tpu.dma_semaphore, #tpu.memory_space<semaphore_mem>>)
        %add3A_811 = arith.constant 2 : i32
        %add3A_812 = arith.addi %add3A_786, %add3A_811 : i32
        %dma_start3A_813 = arith.constant 400 : i32
        %dma_start3A_814 = tpu.memref_slice %arg6[%dma_start3A_813] : memref<800xi32, #tpu.memory_space<vmem>> -> memref<200xi32, #tpu.memory_space<vmem>>
        %dma_start3A_815 = arith.constant 0 : i32
        %dma_start3A_816 = tpu.memref_slice %arg2[%add3A_812, %dma_start3A_815] : memref<16384x200xi32, #tpu.memory_space<hbm>> -> memref<1x200xi32, #tpu.memory_space<hbm>>
        %dma_start3A_817 = tpu.memref_squeeze %dma_start3A_816 : memref<1x200xi32, #tpu.memory_space<hbm>> -> memref<200xi32, #tpu.memory_space<hbm>>
        %dma_start3A_818 = arith.constant 400 : i32
        %dma_start3A_819 = tpu.memref_slice %arg6[%dma_start3A_818] : memref<800xi32, #tpu.memory_space<vmem>> -> memref<200xi32, #tpu.memory_space<vmem>>
        %dma_start3A_820 = arith.constant 0 : i32
        %dma_start3A_821 = tpu.memref_slice %arg2[%add3A_812, %dma_start3A_820] : memref<16384x200xi32, #tpu.memory_space<hbm>> -> memref<1x200xi32, #tpu.memory_space<hbm>>
        %dma_start3A_822 = tpu.memref_squeeze %dma_start3A_821 : memref<1x200xi32, #tpu.memory_space<hbm>> -> memref<200xi32, #tpu.memory_space<hbm>>
        tpu.enqueue_dma source(%dma_start3A_822 : memref<200xi32, #tpu.memory_space<hbm>>) target(%dma_start3A_819 : memref<200xi32, #tpu.memory_space<vmem>>) target_semaphore(%arg13 : memref<!tpu.dma_semaphore, #tpu.memory_space<semaphore_mem>>)
        %add3A_823 = arith.constant 3 : i32
        %add3A_824 = arith.addi %add3A_786, %add3A_823 : i32
        %dma_start3A_825 = arith.constant 600 : i32
        %dma_start3A_826 = tpu.memref_slice %arg6[%dma_start3A_825] : memref<800xi32, #tpu.memory_space<vmem>> -> memref<200xi32, #tpu.memory_space<vmem>>
        %dma_start3A_827 = arith.constant 0 : i32
        %dma_start3A_828 = tpu.memref_slice %arg2[%add3A_824, %dma_start3A_827] : memref<16384x200xi32, #tpu.memory_space<hbm>> -> memref<1x200xi32, #tpu.memory_space<hbm>>
        %dma_start3A_829 = tpu.memref_squeeze %dma_start3A_828 : memref<1x200xi32, #tpu.memory_space<hbm>> -> memref<200xi32, #tpu.memory_space<hbm>>
        %dma_start3A_830 = arith.constant 600 : i32
        %dma_start3A_831 = tpu.memref_slice %arg6[%dma_start3A_830] : memref<800xi32, #tpu.memory_space<vmem>> -> memref<200xi32, #tpu.memory_space<vmem>>
        %dma_start3A_832 = arith.constant 0 : i32
        %dma_start3A_833 = tpu.memref_slice %arg2[%add3A_824, %dma_start3A_832] : memref<16384x200xi32, #tpu.memory_space<hbm>> -> memref<1x200xi32, #tpu.memory_space<hbm>>
        %dma_start3A_834 = tpu.memref_squeeze %dma_start3A_833 : memref<1x200xi32, #tpu.memory_space<hbm>> -> memref<200xi32, #tpu.memory_space<hbm>>
        tpu.enqueue_dma source(%dma_start3A_834 : memref<200xi32, #tpu.memory_space<hbm>>) target(%dma_start3A_831 : memref<200xi32, #tpu.memory_space<vmem>>) target_semaphore(%arg13 : memref<!tpu.dma_semaphore, #tpu.memory_space<semaphore_mem>>)
        %dma_start3A_835 = arith.constant 0 : i32
        %dma_start3A_836 = tpu.memref_slice %arg3[%add3A_786, %dma_start3A_835] : memref<16384x200xf32, #tpu.memory_space<hbm>> -> memref<4x200xf32, #tpu.memory_space<hbm>>
        %dma_start3A_837 = arith.constant 0 : i32
        %dma_start3A_838 = tpu.memref_slice %arg3[%add3A_786, %dma_start3A_837] : memref<16384x200xf32, #tpu.memory_space<hbm>> -> memref<4x200xf32, #tpu.memory_space<hbm>>
        tpu.enqueue_dma source(%dma_start3A_838 : memref<4x200xf32, #tpu.memory_space<hbm>>) target(%arg8 : memref<4x200xf32, #tpu.memory_space<vmem>>) target_semaphore(%arg15 : memref<!tpu.dma_semaphore, #tpu.memory_space<semaphore_mem>>)
      } else {
      }
      %mul3A_749 = arith.constant 2 : i32
      %mul3A_750 = arith.muli %mul3A_749, %scan3A_718 : i32
      %add3A_751 = arith.constant 1 : i32
      %add3A_752 = arith.addi %mul3A_750, %add3A_751 : i32
      %add3A_753 = arith.constant 1 : i32
      %add3A_754 = arith.addi %add3A_752, %add3A_753 : i32
      %lt3A_755 = arith.constant 128 : i32
      %lt3A_756 = arith.cmpi slt, %add3A_754, %lt3A_755 : i32
      %convert_element_type3A_757 = arith.extui %lt3A_756 : i1 to i32
      %cond3A_758 = arith.constant 0 : i32
      %cond3A_759 = arith.cmpi ne, %convert_element_type3A_757, %cond3A_758 : i32
      scf.if %cond3A_759 {
        %dma_wait3A_782 = arith.constant 0 : i32
        %dma_wait3A_783 = arith.constant 0 : i32
        %dma_wait3A_784 = tpu.memref_slice %arg6[%dma_wait3A_783] : memref<800xi32, #tpu.memory_space<vmem>> -> memref<200xi32, #tpu.memory_space<vmem>>
        %dma_wait3A_785 = arith.constant 0 : i32
        %dma_wait3A_786 = tpu.memref_slice %arg2[%dma_wait3A_782, %dma_wait3A_785] : memref<16384x200xi32, #tpu.memory_space<hbm>> -> memref<1x200xi32, #tpu.memory_space<hbm>>
        %dma_wait3A_787 = tpu.memref_squeeze %dma_wait3A_786 : memref<1x200xi32, #tpu.memory_space<hbm>> -> memref<200xi32, #tpu.memory_space<hbm>>
        %dma_wait3A_788 = arith.constant 0 : i32
        %dma_wait3A_789 = tpu.memref_slice %arg6[%dma_wait3A_788] : memref<800xi32, #tpu.memory_space<vmem>> -> memref<200xi32, #tpu.memory_space<vmem>>
        %dma_wait3A_790 = arith.constant 0 : i32
        %dma_wait3A_791 = tpu.memref_slice %arg2[%dma_wait3A_782, %dma_wait3A_790] : memref<16384x200xi32, #tpu.memory_space<hbm>> -> memref<1x200xi32, #tpu.memory_space<hbm>>
        %dma_wait3A_792 = tpu.memref_squeeze %dma_wait3A_791 : memref<1x200xi32, #tpu.memory_space<hbm>> -> memref<200xi32, #tpu.memory_space<hbm>>
        tpu.wait_dma2 semaphore(%arg13 : memref<!tpu.dma_semaphore, #tpu.memory_space<semaphore_mem>>) src(%dma_wait3A_792 : memref<200xi32, #tpu.memory_space<hbm>>) dst(%dma_wait3A_789 : memref<200xi32, #tpu.memory_space<vmem>>)
        %dma_wait3A_793 = arith.constant 0 : i32
        %dma_wait3A_794 = arith.constant 200 : i32
        %dma_wait3A_795 = tpu.memref_slice %arg6[%dma_wait3A_794] : memref<800xi32, #tpu.memory_space<vmem>> -> memref<200xi32, #tpu.memory_space<vmem>>
        %dma_wait3A_796 = arith.constant 0 : i32
        %dma_wait3A_797 = tpu.memref_slice %arg2[%dma_wait3A_793, %dma_wait3A_796] : memref<16384x200xi32, #tpu.memory_space<hbm>> -> memref<1x200xi32, #tpu.memory_space<hbm>>
        %dma_wait3A_798 = tpu.memref_squeeze %dma_wait3A_797 : memref<1x200xi32, #tpu.memory_space<hbm>> -> memref<200xi32, #tpu.memory_space<hbm>>
        %dma_wait3A_799 = arith.constant 200 : i32
        %dma_wait3A_800 = tpu.memref_slice %arg6[%dma_wait3A_799] : memref<800xi32, #tpu.memory_space<vmem>> -> memref<200xi32, #tpu.memory_space<vmem>>
        %dma_wait3A_801 = arith.constant 0 : i32
        %dma_wait3A_802 = tpu.memref_slice %arg2[%dma_wait3A_793, %dma_wait3A_801] : memref<16384x200xi32, #tpu.memory_space<hbm>> -> memref<1x200xi32, #tpu.memory_space<hbm>>
        %dma_wait3A_803 = tpu.memref_squeeze %dma_wait3A_802 : memref<1x200xi32, #tpu.memory_space<hbm>> -> memref<200xi32, #tpu.memory_space<hbm>>
        tpu.wait_dma2 semaphore(%arg13 : memref<!tpu.dma_semaphore, #tpu.memory_space<semaphore_mem>>) src(%dma_wait3A_803 : memref<200xi32, #tpu.memory_space<hbm>>) dst(%dma_wait3A_800 : memref<200xi32, #tpu.memory_space<vmem>>)
        %dma_wait3A_804 = arith.constant 0 : i32
        %dma_wait3A_805 = arith.constant 400 : i32
        %dma_wait3A_806 = tpu.memref_slice %arg6[%dma_wait3A_805] : memref<800xi32, #tpu.memory_space<vmem>> -> memref<200xi32, #tpu.memory_space<vmem>>
        %dma_wait3A_807 = arith.constant 0 : i32
        %dma_wait3A_808 = tpu.memref_slice %arg2[%dma_wait3A_804, %dma_wait3A_807] : memref<16384x200xi32, #tpu.memory_space<hbm>> -> memref<1x200xi32, #tpu.memory_space<hbm>>
        %dma_wait3A_809 = tpu.memref_squeeze %dma_wait3A_808 : memref<1x200xi32, #tpu.memory_space<hbm>> -> memref<200xi32, #tpu.memory_space<hbm>>
        %dma_wait3A_810 = arith.constant 400 : i32
        %dma_wait3A_811 = tpu.memref_slice %arg6[%dma_wait3A_810] : memref<800xi32, #tpu.memory_space<vmem>> -> memref<200xi32, #tpu.memory_space<vmem>>
        %dma_wait3A_812 = arith.constant 0 : i32
        %dma_wait3A_813 = tpu.memref_slice %arg2[%dma_wait3A_804, %dma_wait3A_812] : memref<16384x200xi32, #tpu.memory_space<hbm>> -> memref<1x200xi32, #tpu.memory_space<hbm>>
        %dma_wait3A_814 = tpu.memref_squeeze %dma_wait3A_813 : memref<1x200xi32, #tpu.memory_space<hbm>> -> memref<200xi32, #tpu.memory_space<hbm>>
        tpu.wait_dma2 semaphore(%arg13 : memref<!tpu.dma_semaphore, #tpu.memory_space<semaphore_mem>>) src(%dma_wait3A_814 : memref<200xi32, #tpu.memory_space<hbm>>) dst(%dma_wait3A_811 : memref<200xi32, #tpu.memory_space<vmem>>)
        %dma_wait3A_815 = arith.constant 0 : i32
        %dma_wait3A_816 = arith.constant 600 : i32
        %dma_wait3A_817 = tpu.memref_slice %arg6[%dma_wait3A_816] : memref<800xi32, #tpu.memory_space<vmem>> -> memref<200xi32, #tpu.memory_space<vmem>>
        %dma_wait3A_818 = arith.constant 0 : i32
        %dma_wait3A_819 = tpu.memref_slice %arg2[%dma_wait3A_815, %dma_wait3A_818] : memref<16384x200xi32, #tpu.memory_space<hbm>> -> memref<1x200xi32, #tpu.memory_space<hbm>>
        %dma_wait3A_820 = tpu.memref_squeeze %dma_wait3A_819 : memref<1x200xi32, #tpu.memory_space<hbm>> -> memref<200xi32, #tpu.memory_space<hbm>>
        %dma_wait3A_821 = arith.constant 600 : i32
        %dma_wait3A_822 = tpu.memref_slice %arg6[%dma_wait3A_821] : memref<800xi32, #tpu.memory_space<vmem>> -> memref<200xi32, #tpu.memory_space<vmem>>
        %dma_wait3A_823 = arith.constant 0 : i32
        %dma_wait3A_824 = tpu.memref_slice %arg2[%dma_wait3A_815, %dma_wait3A_823] : memref<16384x200xi32, #tpu.memory_space<hbm>> -> memref<1x200xi32, #tpu.memory_space<hbm>>
        %dma_wait3A_825 = tpu.memref_squeeze %dma_wait3A_824 : memref<1x200xi32, #tpu.memory_space<hbm>> -> memref<200xi32, #tpu.memory_space<hbm>>
        tpu.wait_dma2 semaphore(%arg13 : memref<!tpu.dma_semaphore, #tpu.memory_space<semaphore_mem>>) src(%dma_wait3A_825 : memref<200xi32, #tpu.memory_space<hbm>>) dst(%dma_wait3A_822 : memref<200xi32, #tpu.memory_space<vmem>>)
        %dma_wait3A_826 = arith.constant 0 : i32
        %dma_wait3A_827 = arith.constant 0 : i32
        %dma_wait3A_828 = tpu.memref_slice %arg3[%dma_wait3A_826, %dma_wait3A_827] : memref<16384x200xf32, #tpu.memory_space<hbm>> -> memref<4x200xf32, #tpu.memory_space<hbm>>
        %dma_wait3A_829 = arith.constant 0 : i32
        %dma_wait3A_830 = arith.constant 0 : i32
        %dma_wait3A_831 = tpu.memref_slice %arg3[%dma_wait3A_829, %dma_wait3A_830] : memref<16384x200xf32, #tpu.memory_space<hbm>> -> memref<4x200xf32, #tpu.memory_space<hbm>>
        tpu.wait_dma2 semaphore(%arg15 : memref<!tpu.dma_semaphore, #tpu.memory_space<semaphore_mem>>) src(%dma_wait3A_831 : memref<4x200xf32, #tpu.memory_space<hbm>>) dst(%arg8 : memref<4x200xf32, #tpu.memory_space<vmem>>)
        %get3A_832 = arith.constant 0 : index
        %get3A_833 = tpu.vector_load %arg6[%get3A_832] {strides = array<i32>} : memref<800xi32, #tpu.memory_space<vmem>>, vector<16xi32>,
        %get3A_834 = vector.shape_cast %get3A_833 : vector<16xi32> to vector<16xi32>
        %mul3A_835 = arith.constant 2 : i32
        %mul3A_836 = vector.broadcast %mul3A_835 : i32 to vector<16xi32>
        %mul3A_837 = arith.muli %get3A_834, %mul3A_836 : vector<16xi32>
        %swap3A_838 = arith.constant 0 : index
        %swap3A_839 = tpu.vector_load %arg6[%swap3A_838] {strides = array<i32>} : memref<800xi32, #tpu.memory_space<vmem>>, vector<16xi32>,
        %swap3A_840 = vector.shape_cast %swap3A_839 : vector<16xi32> to vector<16xi32>
        %swap3A_841 = vector.shape_cast %mul3A_837 : vector<16xi32> to vector<16xi32>
        tpu.vector_store %arg6[%swap3A_838], %swap3A_841 {strides = array<i32>} : memref<800xi32, #tpu.memory_space<vmem>>, vector<16xi32>,
        %get3A_842 = arith.constant 16 : index
        %get3A_843 = tpu.vector_load %arg6[%get3A_842] {strides = array<i32>} : memref<800xi32, #tpu.memory_space<vmem>>, vector<16xi32>,
        %get3A_844 = vector.shape_cast %get3A_843 : vector<16xi32> to vector<16xi32>
        %mul3A_845 = arith.constant 2 : i32
        %mul3A_846 = vector.broadcast %mul3A_845 : i32 to vector<16xi32>
        %mul3A_847 = arith.muli %get3A_844, %mul3A_846 : vector<16xi32>
        %swap3A_848 = arith.constant 16 : index
        %swap3A_849 = tpu.vector_load %arg6[%swap3A_848] {strides = array<i32>} : memref<800xi32, #tpu.memory_space<vmem>>, vector<16xi32>,
        %swap3A_850 = vector.shape_cast %swap3A_849 : vector<16xi32> to vector<16xi32>
        %swap3A_851 = vector.shape_cast %mul3A_847 : vector<16xi32> to vector<16xi32>
        tpu.vector_store %arg6[%swap3A_848], %swap3A_851 {strides = array<i32>} : memref<800xi32, #tpu.memory_space<vmem>>, vector<16xi32>,
        %get3A_852 = arith.constant 32 : index
        %get3A_853 = tpu.vector_load %arg6[%get3A_852] {strides = array<i32>} : memref<800xi32, #tpu.memory_space<vmem>>, vector<16xi32>,
        %get3A_854 = vector.shape_cast %get3A_853 : vector<16xi32> to vector<16xi32>
        %mul3A_855 = arith.constant 2 : i32
        %mul3A_856 = vector.broadcast %mul3A_855 : i32 to vector<16xi32>
        %mul3A_857 = arith.muli %get3A_854, %mul3A_856 : vector<16xi32>
        %swap3A_858 = arith.constant 32 : index
        %swap3A_859 = tpu.vector_load %arg6[%swap3A_858] {strides = array<i32>} : memref<800xi32, #tpu.memory_space<vmem>>, vector<16xi32>,
        %swap3A_860 = vector.shape_cast %swap3A_859 : vector<16xi32> to vector<16xi32>
        %swap3A_861 = vector.shape_cast %mul3A_857 : vector<16xi32> to vector<16xi32>
        tpu.vector_store %arg6[%swap3A_858], %swap3A_861 {strides = array<i32>} : memref<800xi32, #tpu.memory_space<vmem>>, vector<16xi32>,
        %get3A_862 = arith.constant 48 : index
        %get3A_863 = tpu.vector_load %arg6[%get3A_862] {strides = array<i32>} : memref<800xi32, #tpu.memory_space<vmem>>, vector<16xi32>,
        %get3A_864 = vector.shape_cast %get3A_863 : vector<16xi32> to vector<16xi32>
        %mul3A_865 = arith.constant 2 : i32
        %mul3A_866 = vector.broadcast %mul3A_865 : i32 to vector<16xi32>
        %mul3A_867 = arith.muli %get3A_864, %mul3A_866 : vector<16xi32>
        %swap3A_868 = arith.constant 48 : index
        %swap3A_869 = tpu.vector_load %arg6[%swap3A_868] {strides = array<i32>} : memref<800xi32, #tpu.memory_space<vmem>>, vector<16xi32>,
        %swap3A_870 = vector.shape_cast %swap3A_869 : vector<16xi32> to vector<16xi32>
        %swap3A_871 = vector.shape_cast %mul3A_867 : vector<16xi32> to vector<16xi32>
        tpu.vector_store %arg6[%swap3A_868], %swap3A_871 {strides = array<i32>} : memref<800xi32, #tpu.memory_space<vmem>>, vector<16xi32>,
        %get3A_872 = arith.constant 64 : index
        %get3A_873 = tpu.vector_load %arg6[%get3A_872] {strides = array<i32>} : memref<800xi32, #tpu.memory_space<vmem>>, vector<16xi32>,
        %get3A_874 = vector.shape_cast %get3A_873 : vector<16xi32> to vector<16xi32>
        %mul3A_875 = arith.constant 2 : i32
        %mul3A_876 = vector.broadcast %mul3A_875 : i32 to vector<16xi32>
        %mul3A_877 = arith.muli %get3A_874, %mul3A_876 : vector<16xi32>
        %swap3A_878 = arith.constant 64 : index
        %swap3A_879 = tpu.vector_load %arg6[%swap3A_878] {strides = array<i32>} : memref<800xi32, #tpu.memory_space<vmem>>, vector<16xi32>,
        %swap3A_880 = vector.shape_cast %swap3A_879 : vector<16xi32> to vector<16xi32>
        %swap3A_881 = vector.shape_cast %mul3A_877 : vector<16xi32> to vector<16xi32>
        tpu.vector_store %arg6[%swap3A_878], %swap3A_881 {strides = array<i32>} : memref<800xi32, #tpu.memory_space<vmem>>, vector<16xi32>,
        %get3A_882 = arith.constant 80 : index
        %get3A_883 = tpu.vector_load %arg6[%get3A_882] {strides = array<i32>} : memref<800xi32, #tpu.memory_space<vmem>>, vector<16xi32>,
        %get3A_884 = vector.shape_cast %get3A_883 : vector<16xi32> to vector<16xi32>
        %mul3A_885 = arith.constant 2 : i32
        %mul3A_886 = vector.broadcast %mul3A_885 : i32 to vector<16xi32>
        %mul3A_887 = arith.muli %get3A_884, %mul3A_886 : vector<16xi32>
        %swap3A_888 = arith.constant 80 : index
        %swap3A_889 = tpu.vector_load %arg6[%swap3A_888] {strides = array<i32>} : memref<800xi32, #tpu.memory_space<vmem>>, vector<16xi32>,
        %swap3A_890 = vector.shape_cast %swap3A_889 : vector<16xi32> to vector<16xi32>
        %swap3A_891 = vector.shape_cast %mul3A_887 : vector<16xi32> to vector<16xi32>
        tpu.vector_store %arg6[%swap3A_888], %swap3A_891 {strides = array<i32>} : memref<800xi32, #tpu.memory_space<vmem>>, vector<16xi32>,
        %get3A_892 = arith.constant 96 : index
        %get3A_893 = tpu.vector_load %arg6[%get3A_892] {strides = array<i32>} : memref<800xi32, #tpu.memory_space<vmem>>, vector<16xi32>,
        %get3A_894 = vector.shape_cast %get3A_893 : vector<16xi32> to vector<16xi32>
        %mul3A_895 = arith.constant 2 : i32
        %mul3A_896 = vector.broadcast %mul3A_895 : i32 to vector<16xi32>
        %mul3A_897 = arith.muli %get3A_894, %mul3A_896 : vector<16xi32>
        %swap3A_898 = arith.constant 96 : index
        %swap3A_899 = tpu.vector_load %arg6[%swap3A_898] {strides = array<i32>} : memref<800xi32, #tpu.memory_space<vmem>>, vector<16xi32>,
        %swap3A_900 = vector.shape_cast %swap3A_899 : vector<16xi32> to vector<16xi32>
        %swap3A_901 = vector.shape_cast %mul3A_897 : vector<16xi32> to vector<16xi32>
        tpu.vector_store %arg6[%swap3A_898], %swap3A_901 {strides = array<i32>} : memref<800xi32, #tpu.memory_space<vmem>>, vector<16xi32>,
        %get3A_902 = arith.constant 112 : index
        %get3A_903 = tpu.vector_load %arg6[%get3A_902] {strides = array<i32>} : memref<800xi32, #tpu.memory_space<vmem>>, vector<16xi32>,
        %get3A_904 = vector.shape_cast %get3A_903 : vector<16xi32> to vector<16xi32>
        %mul3A_905 = arith.constant 2 : i32
        %mul3A_906 = vector.broadcast %mul3A_905 : i32 to vector<16xi32>
        %mul3A_907 = arith.muli %get3A_904, %mul3A_906 : vector<16xi32>
        %swap3A_908 = arith.constant 112 : index
        %swap3A_909 = tpu.vector_load %arg6[%swap3A_908] {strides = array<i32>} : memref<800xi32, #tpu.memory_space<vmem>>, vector<16xi32>,
        %swap3A_910 = vector.shape_cast %swap3A_909 : vector<16xi32> to vector<16xi32>
        %swap3A_911 = vector.shape_cast %mul3A_907 : vector<16xi32> to vector<16xi32>
        tpu.vector_store %arg6[%swap3A_908], %swap3A_911 {strides = array<i32>} : memref<800xi32, #tpu.memory_space<vmem>>, vector<16xi32>,
        %get3A_912 = arith.constant 128 : index
        %get3A_913 = tpu.vector_load %arg6[%get3A_912] {strides = array<i32>} : memref<800xi32, #tpu.memory_space<vmem>>, vector<16xi32>,
        %get3A_914 = vector.shape_cast %get3A_913 : vector<16xi32> to vector<16xi32>
        %mul3A_915 = arith.constant 2 : i32
        %mul3A_916 = vector.broadcast %mul3A_915 : i32 to vector<16xi32>
        %mul3A_917 = arith.muli %get3A_914, %mul3A_916 : vector<16xi32>
        %swap3A_918 = arith.constant 128 : index
        %swap3A_919 = tpu.vector_load %arg6[%swap3A_918] {strides = array<i32>} : memref<800xi32, #tpu.memory_space<vmem>>, vector<16xi32>,
        %swap3A_920 = vector.shape_cast %swap3A_919 : vector<16xi32> to vector<16xi32>
        %swap3A_921 = vector.shape_cast %mul3A_917 : vector<16xi32> to vector<16xi32>
        tpu.vector_store %arg6[%swap3A_918], %swap3A_921 {strides = array<i32>} : memref<800xi32, #tpu.memory_space<vmem>>, vector<16xi32>,
        %get3A_922 = arith.constant 144 : index
        %get3A_923 = tpu.vector_load %arg6[%get3A_922] {strides = array<i32>} : memref<800xi32, #tpu.memory_space<vmem>>, vector<16xi32>,
        %get3A_924 = vector.shape_cast %get3A_923 : vector<16xi32> to vector<16xi32>
        %mul3A_925 = arith.constant 2 : i32
        %mul3A_926 = vector.broadcast %mul3A_925 : i32 to vector<16xi32>
        %mul3A_927 = arith.muli %get3A_924, %mul3A_926 : vector<16xi32>
        %swap3A_928 = arith.constant 144 : index
        %swap3A_929 = tpu.vector_load %arg6[%swap3A_928] {strides = array<i32>} : memref<800xi32, #tpu.memory_space<vmem>>, vector<16xi32>,
        %swap3A_930 = vector.shape_cast %swap3A_929 : vector<16xi32> to vector<16xi32>
        %swap3A_931 = vector.shape_cast %mul3A_927 : vector<16xi32> to vector<16xi32>
        tpu.vector_store %arg6[%swap3A_928], %swap3A_931 {strides = array<i32>} : memref<800xi32, #tpu.memory_space<vmem>>, vector<16xi32>,
        %get3A_932 = arith.constant 160 : index
        %get3A_933 = tpu.vector_load %arg6[%get3A_932] {strides = array<i32>} : memref<800xi32, #tpu.memory_space<vmem>>, vector<16xi32>,
        %get3A_934 = vector.shape_cast %get3A_933 : vector<16xi32> to vector<16xi32>
        %mul3A_935 = arith.constant 2 : i32
        %mul3A_936 = vector.broadcast %mul3A_935 : i32 to vector<16xi32>
        %mul3A_937 = arith.muli %get3A_934, %mul3A_936 : vector<16xi32>
        %swap3A_938 = arith.constant 160 : index
        %swap3A_939 = tpu.vector_load %arg6[%swap3A_938] {strides = array<i32>} : memref<800xi32, #tpu.memory_space<vmem>>, vector<16xi32>,
        %swap3A_940 = vector.shape_cast %swap3A_939 : vector<16xi32> to vector<16xi32>
        %swap3A_941 = vector.shape_cast %mul3A_937 : vector<16xi32> to vector<16xi32>
        tpu.vector_store %arg6[%swap3A_938], %swap3A_941 {strides = array<i32>} : memref<800xi32, #tpu.memory_space<vmem>>, vector<16xi32>,
        %get3A_942 = arith.constant 176 : index
        %get3A_943 = tpu.vector_load %arg6[%get3A_942] {strides = array<i32>} : memref<800xi32, #tpu.memory_space<vmem>>, vector<16xi32>,
        %get3A_944 = vector.shape_cast %get3A_943 : vector<16xi32> to vector<16xi32>
        %mul3A_945 = arith.constant 2 : i32
        %mul3A_946 = vector.broadcast %mul3A_945 : i32 to vector<16xi32>
        %mul3A_947 = arith.muli %get3A_944, %mul3A_946 : vector<16xi32>
        %swap3A_948 = arith.constant 176 : index
        %swap3A_949 = tpu.vector_load %arg6[%swap3A_948] {strides = array<i32>} : memref<800xi32, #tpu.memory_space<vmem>>, vector<16xi32>,
        %swap3A_950 = vector.shape_cast %swap3A_949 : vector<16xi32> to vector<16xi32>
        %swap3A_951 = vector.shape_cast %mul3A_947 : vector<16xi32> to vector<16xi32>
        tpu.vector_store %arg6[%swap3A_948], %swap3A_951 {strides = array<i32>} : memref<800xi32, #tpu.memory_space<vmem>>, vector<16xi32>,
        %get3A_952 = arith.constant 192 : index
        %get3A_953 = tpu.vector_load %arg6[%get3A_952] {strides = array<i32>} : memref<800xi32, #tpu.memory_space<vmem>>, vector<16xi32>,
        %get3A_954 = vector.shape_cast %get3A_953 : vector<16xi32> to vector<16xi32>
        %mul3A_955 = arith.constant 2 : i32
        %mul3A_956 = vector.broadcast %mul3A_955 : i32 to vector<16xi32>
        %mul3A_957 = arith.muli %get3A_954, %mul3A_956 : vector<16xi32>
        %swap3A_958 = arith.constant 192 : index
        %swap3A_959 = tpu.vector_load %arg6[%swap3A_958] {strides = array<i32>} : memref<800xi32, #tpu.memory_space<vmem>>, vector<16xi32>,
        %swap3A_960 = vector.shape_cast %swap3A_959 : vector<16xi32> to vector<16xi32>
        %swap3A_961 = vector.shape_cast %mul3A_957 : vector<16xi32> to vector<16xi32>
        tpu.vector_store %arg6[%swap3A_958], %swap3A_961 {strides = array<i32>} : memref<800xi32, #tpu.memory_space<vmem>>, vector<16xi32>,
        %get3A_962 = arith.constant 208 : index
        %get3A_963 = tpu.vector_load %arg6[%get3A_962] {strides = array<i32>} : memref<800xi32, #tpu.memory_space<vmem>>, vector<16xi32>,
        %get3A_964 = vector.shape_cast %get3A_963 : vector<16xi32> to vector<16xi32>
        %mul3A_965 = arith.constant 2 : i32
        %mul3A_966 = vector.broadcast %mul3A_965 : i32 to vector<16xi32>
        %mul3A_967 = arith.muli %get3A_964, %mul3A_966 : vector<16xi32>
        %swap3A_968 = arith.constant 208 : index
        %swap3A_969 = tpu.vector_load %arg6[%swap3A_968] {strides = array<i32>} : memref<800xi32, #tpu.memory_space<vmem>>, vector<16xi32>,
        %swap3A_970 = vector.shape_cast %swap3A_969 : vector<16xi32> to vector<16xi32>
        %swap3A_971 = vector.shape_cast %mul3A_967 : vector<16xi32> to vector<16xi32>
        tpu.vector_store %arg6[%swap3A_968], %swap3A_971 {strides = array<i32>} : memref<800xi32, #tpu.memory_space<vmem>>, vector<16xi32>,
        %get3A_972 = arith.constant 224 : index
        %get3A_973 = tpu.vector_load %arg6[%get3A_972] {strides = array<i32>} : memref<800xi32, #tpu.memory_space<vmem>>, vector<16xi32>,
        %get3A_974 = vector.shape_cast %get3A_973 : vector<16xi32> to vector<16xi32>
        %mul3A_975 = arith.constant 2 : i32
        %mul3A_976 = vector.broadcast %mul3A_975 : i32 to vector<16xi32>
        %mul3A_977 = arith.muli %get3A_974, %mul3A_976 : vector<16xi32>
        %swap3A_978 = arith.constant 224 : index
        %swap3A_979 = tpu.vector_load %arg6[%swap3A_978] {strides = array<i32>} : memref<800xi32, #tpu.memory_space<vmem>>, vector<16xi32>,
        %swap3A_980 = vector.shape_cast %swap3A_979 : vector<16xi32> to vector<16xi32>
        %swap3A_981 = vector.shape_cast %mul3A_977 : vector<16xi32> to vector<16xi32>
        tpu.vector_store %arg6[%swap3A_978], %swap3A_981 {strides = array<i32>} : memref<800xi32, #tpu.memory_space<vmem>>, vector<16xi32>,
        %get3A_982 = arith.constant 240 : index
        %get3A_983 = tpu.vector_load %arg6[%get3A_982] {strides = array<i32>} : memref<800xi32, #tpu.memory_space<vmem>>, vector<16xi32>,
        %get3A_984 = vector.shape_cast %get3A_983 : vector<16xi32> to vector<16xi32>
        %mul3A_985 = arith.constant 2 : i32
        %mul3A_986 = vector.broadcast %mul3A_985 : i32 to vector<16xi32>
        %mul3A_987 = arith.muli %get3A_984, %mul3A_986 : vector<16xi32>
        %swap3A_988 = arith.constant 240 : index
        %swap3A_989 = tpu.vector_load %arg6[%swap3A_988] {strides = array<i32>} : memref<800xi32, #tpu.memory_space<vmem>>, vector<16xi32>,
        %swap3A_990 = vector.shape_cast %swap3A_989 : vector<16xi32> to vector<16xi32>
        %swap3A_991 = vector.shape_cast %mul3A_987 : vector<16xi32> to vector<16xi32>
        tpu.vector_store %arg6[%swap3A_988], %swap3A_991 {strides = array<i32>} : memref<800xi32, #tpu.memory_space<vmem>>, vector<16xi32>,
        %get3A_992 = arith.constant 256 : index
        %get3A_993 = tpu.vector_load %arg6[%get3A_992] {strides = array<i32>} : memref<800xi32, #tpu.memory_space<vmem>>, vector<16xi32>,
        %get3A_994 = vector.shape_cast %get3A_993 : vector<16xi32> to vector<16xi32>
        %mul3A_995 = arith.constant 2 : i32
        %mul3A_996 = vector.broadcast %mul3A_995 : i32 to vector<16xi32>
        %mul3A_997 = arith.muli %get3A_994, %mul3A_996 : vector<16xi32>
        %swap3A_998 = arith.constant 256 : index
        %swap3A_999 = tpu.vector_load %arg6[%swap3A_998] {strides = array<i32>} : memref<800xi32, #tpu.memory_space<vmem>>, vector<16xi32>,
        %swap3A_1000 = vector.shape_cast %swap3A_999 : vector<16xi32> to vector<16xi32>
        %swap3A_1001 = vector.shape_cast %mul3A_997 : vector<16xi32> to vector<16xi32>
        tpu.vector_store %arg6[%swap3A_998], %swap3A_1001 {strides = array<i32>} : memref<800xi32, #tpu.memory_space<vmem>>, vector<16xi32>,
        %get3A_1002 = arith.constant 272 : index
        %get3A_1003 = tpu.vector_load %arg6[%get3A_1002] {strides = array<i32>} : memref<800xi32, #tpu.memory_space<vmem>>, vector<16xi32>,
        %get3A_1004 = vector.shape_cast %get3A_1003 : vector<16xi32> to vector<16xi32>
        %mul3A_1005 = arith.constant 2 : i32
        %mul3A_1006 = vector.broadcast %mul3A_1005 : i32 to vector<16xi32>
        %mul3A_1007 = arith.muli %get3A_1004, %mul3A_1006 : vector<16xi32>
        %swap3A_1008 = arith.constant 272 : index
        %swap3A_1009 = tpu.vector_load %arg6[%swap3A_1008] {strides = array<i32>} : memref<800xi32, #tpu.memory_space<vmem>>, vector<16xi32>,
        %swap3A_1010 = vector.shape_cast %swap3A_1009 : vector<16xi32> to vector<16xi32>
        %swap3A_1011 = vector.shape_cast %mul3A_1007 : vector<16xi32> to vector<16xi32>
        tpu.vector_store %arg6[%swap3A_1008], %swap3A_1011 {strides = array<i32>} : memref<800xi32, #tpu.memory_space<vmem>>, vector<16xi32>,
        %get3A_1012 = arith.constant 288 : index
        %get3A_1013 = tpu.vector_load %arg6[%get3A_1012] {strides = array<i32>} : memref<800xi32, #tpu.memory_space<vmem>>, vector<16xi32>,
        %get3A_1014 = vector.shape_cast %get3A_1013 : vector<16xi32> to vector<16xi32>
        %mul3A_1015 = arith.constant 2 : i32
        %mul3A_1016 = vector.broadcast %mul3A_1015 : i32 to vector<16xi32>
        %mul3A_1017 = arith.muli %get3A_1014, %mul3A_1016 : vector<16xi32>
        %swap3A_1018 = arith.constant 288 : index
        %swap3A_1019 = tpu.vector_load %arg6[%swap3A_1018] {strides = array<i32>} : memref<800xi32, #tpu.memory_space<vmem>>, vector<16xi32>,
        %swap3A_1020 = vector.shape_cast %swap3A_1019 : vector<16xi32> to vector<16xi32>
        %swap3A_1021 = vector.shape_cast %mul3A_1017 : vector<16xi32> to vector<16xi32>
        tpu.vector_store %arg6[%swap3A_1018], %swap3A_1021 {strides = array<i32>} : memref<800xi32, #tpu.memory_space<vmem>>, vector<16xi32>,
        %get3A_1022 = arith.constant 304 : index
        %get3A_1023 = tpu.vector_load %arg6[%get3A_1022] {strides = array<i32>} : memref<800xi32, #tpu.memory_space<vmem>>, vector<16xi32>,
        %get3A_1024 = vector.shape_cast %get3A_1023 : vector<16xi32> to vector<16xi32>
        %mul3A_1025 = arith.constant 2 : i32
        %mul3A_1026 = vector.broadcast %mul3A_1025 : i32 to vector<16xi32>
        %mul3A_1027 = arith.muli %get3A_1024, %mul3A_1026 : vector<16xi32>
        %swap3A_1028 = arith.constant 304 : index
        %swap3A_1029 = tpu.vector_load %arg6[%swap3A_1028] {strides = array<i32>} : memref<800xi32, #tpu.memory_space<vmem>>, vector<16xi32>,
        %swap3A_1030 = vector.shape_cast %swap3A_1029 : vector<16xi32> to vector<16xi32>
        %swap3A_1031 = vector.shape_cast %mul3A_1027 : vector<16xi32> to vector<16xi32>
        tpu.vector_store %arg6[%swap3A_1028], %swap3A_1031 {strides = array<i32>} : memref<800xi32, #tpu.memory_space<vmem>>, vector<16xi32>,
        %get3A_1032 = arith.constant 320 : index
        %get3A_1033 = tpu.vector_load %arg6[%get3A_1032] {strides = array<i32>} : memref<800xi32, #tpu.memory_space<vmem>>, vector<16xi32>,
        %get3A_1034 = vector.shape_cast %get3A_1033 : vector<16xi32> to vector<16xi32>
        %mul3A_1035 = arith.constant 2 : i32
        %mul3A_1036 = vector.broadcast %mul3A_1035 : i32 to vector<16xi32>
        %mul3A_1037 = arith.muli %get3A_1034, %mul3A_1036 : vector<16xi32>
        %swap3A_1038 = arith.constant 320 : index
        %swap3A_1039 = tpu.vector_load %arg6[%swap3A_1038] {strides = array<i32>} : memref<800xi32, #tpu.memory_space<vmem>>, vector<16xi32>,
        %swap3A_1040 = vector.shape_cast %swap3A_1039 : vector<16xi32> to vector<16xi32>
        %swap3A_1041 = vector.shape_cast %mul3A_1037 : vector<16xi32> to vector<16xi32>
        tpu.vector_store %arg6[%swap3A_1038], %swap3A_1041 {strides = array<i32>} : memref<800xi32, #tpu.memory_space<vmem>>, vector<16xi32>,
        %get3A_1042 = arith.constant 336 : index
        %get3A_1043 = tpu.vector_load %arg6[%get3A_1042] {strides = array<i32>} : memref<800xi32, #tpu.memory_space<vmem>>, vector<16xi32>,
        %get3A_1044 = vector.shape_cast %get3A_1043 : vector<16xi32> to vector<16xi32>
        %mul3A_1045 = arith.constant 2 : i32
        %mul3A_1046 = vector.broadcast %mul3A_1045 : i32 to vector<16xi32>
        %mul3A_1047 = arith.muli %get3A_1044, %mul3A_1046 : vector<16xi32>
        %swap3A_1048 = arith.constant 336 : index
        %swap3A_1049 = tpu.vector_load %arg6[%swap3A_1048] {strides = array<i32>} : memref<800xi32, #tpu.memory_space<vmem>>, vector<16xi32>,
        %swap3A_1050 = vector.shape_cast %swap3A_1049 : vector<16xi32> to vector<16xi32>
        %swap3A_1051 = vector.shape_cast %mul3A_1047 : vector<16xi32> to vector<16xi32>
        tpu.vector_store %arg6[%swap3A_1048], %swap3A_1051 {strides = array<i32>} : memref<800xi32, #tpu.memory_space<vmem>>, vector<16xi32>,
        %get3A_1052 = arith.constant 352 : index
        %get3A_1053 = tpu.vector_load %arg6[%get3A_1052] {strides = array<i32>} : memref<800xi32, #tpu.memory_space<vmem>>, vector<16xi32>,
        %get3A_1054 = vector.shape_cast %get3A_1053 : vector<16xi32> to vector<16xi32>
        %mul3A_1055 = arith.constant 2 : i32
        %mul3A_1056 = vector.broadcast %mul3A_1055 : i32 to vector<16xi32>
        %mul3A_1057 = arith.muli %get3A_1054, %mul3A_1056 : vector<16xi32>
        %swap3A_1058 = arith.constant 352 : index
        %swap3A_1059 = tpu.vector_load %arg6[%swap3A_1058] {strides = array<i32>} : memref<800xi32, #tpu.memory_space<vmem>>, vector<16xi32>,
        %swap3A_1060 = vector.shape_cast %swap3A_1059 : vector<16xi32> to vector<16xi32>
        %swap3A_1061 = vector.shape_cast %mul3A_1057 : vector<16xi32> to vector<16xi32>
        tpu.vector_store %arg6[%swap3A_1058], %swap3A_1061 {strides = array<i32>} : memref<800xi32, #tpu.memory_space<vmem>>, vector<16xi32>,
        %get3A_1062 = arith.constant 368 : index
        %get3A_1063 = tpu.vector_load %arg6[%get3A_1062] {strides = array<i32>} : memref<800xi32, #tpu.memory_space<vmem>>, vector<16xi32>,
        %get3A_1064 = vector.shape_cast %get3A_1063 : vector<16xi32> to vector<16xi32>
        %mul3A_1065 = arith.constant 2 : i32
        %mul3A_1066 = vector.broadcast %mul3A_1065 : i32 to vector<16xi32>
        %mul3A_1067 = arith.muli %get3A_1064, %mul3A_1066 : vector<16xi32>
        %swap3A_1068 = arith.constant 368 : index
        %swap3A_1069 = tpu.vector_load %arg6[%swap3A_1068] {strides = array<i32>} : memref<800xi32, #tpu.memory_space<vmem>>, vector<16xi32>,
        %swap3A_1070 = vector.shape_cast %swap3A_1069 : vector<16xi32> to vector<16xi32>
        %swap3A_1071 = vector.shape_cast %mul3A_1067 : vector<16xi32> to vector<16xi32>
        tpu.vector_store %arg6[%swap3A_1068], %swap3A_1071 {strides = array<i32>} : memref<800xi32, #tpu.memory_space<vmem>>, vector<16xi32>,
        %get3A_1072 = arith.constant 384 : index
        %get3A_1073 = tpu.vector_load %arg6[%get3A_1072] {strides = array<i32>} : memref<800xi32, #tpu.memory_space<vmem>>, vector<16xi32>,
        %get3A_1074 = vector.shape_cast %get3A_1073 : vector<16xi32> to vector<16xi32>
        %mul3A_1075 = arith.constant 2 : i32
        %mul3A_1076 = vector.broadcast %mul3A_1075 : i32 to vector<16xi32>
        %mul3A_1077 = arith.muli %get3A_1074, %mul3A_1076 : vector<16xi32>
        %swap3A_1078 = arith.constant 384 : index
        %swap3A_1079 = tpu.vector_load %arg6[%swap3A_1078] {strides = array<i32>} : memref<800xi32, #tpu.memory_space<vmem>>, vector<16xi32>,
        %swap3A_1080 = vector.shape_cast %swap3A_1079 : vector<16xi32> to vector<16xi32>
        %swap3A_1081 = vector.shape_cast %mul3A_1077 : vector<16xi32> to vector<16xi32>
        tpu.vector_store %arg6[%swap3A_1078], %swap3A_1081 {strides = array<i32>} : memref<800xi32, #tpu.memory_space<vmem>>, vector<16xi32>,
        %get3A_1082 = arith.constant 400 : index
        %get3A_1083 = tpu.vector_load %arg6[%get3A_1082] {strides = array<i32>} : memref<800xi32, #tpu.memory_space<vmem>>, vector<16xi32>,
        %get3A_1084 = vector.shape_cast %get3A_1083 : vector<16xi32> to vector<16xi32>
        %mul3A_1085 = arith.constant 2 : i32
        %mul3A_1086 = vector.broadcast %mul3A_1085 : i32 to vector<16xi32>
        %mul3A_1087 = arith.muli %get3A_1084, %mul3A_1086 : vector<16xi32>
        %swap3A_1088 = arith.constant 400 : index
        %swap3A_1089 = tpu.vector_load %arg6[%swap3A_1088] {strides = array<i32>} : memref<800xi32, #tpu.memory_space<vmem>>, vector<16xi32>,
        %swap3A_1090 = vector.shape_cast %swap3A_1089 : vector<16xi32> to vector<16xi32>
        %swap3A_1091 = vector.shape_cast %mul3A_1087 : vector<16xi32> to vector<16xi32>
        tpu.vector_store %arg6[%swap3A_1088], %swap3A_1091 {strides = array<i32>} : memref<800xi32, #tpu.memory_space<vmem>>, vector<16xi32>,
        %get3A_1092 = arith.constant 416 : index
        %get3A_1093 = tpu.vector_load %arg6[%get3A_1092] {strides = array<i32>} : memref<800xi32, #tpu.memory_space<vmem>>, vector<16xi32>,
        %get3A_1094 = vector.shape_cast %get3A_1093 : vector<16xi32> to vector<16xi32>
        %mul3A_1095 = arith.constant 2 : i32
        %mul3A_1096 = vector.broadcast %mul3A_1095 : i32 to vector<16xi32>
        %mul3A_1097 = arith.muli %get3A_1094, %mul3A_1096 : vector<16xi32>
        %swap3A_1098 = arith.constant 416 : index
        %swap3A_1099 = tpu.vector_load %arg6[%swap3A_1098] {strides = array<i32>} : memref<800xi32, #tpu.memory_space<vmem>>, vector<16xi32>,
        %swap3A_1100 = vector.shape_cast %swap3A_1099 : vector<16xi32> to vector<16xi32>
        %swap3A_1101 = vector.shape_cast %mul3A_1097 : vector<16xi32> to vector<16xi32>
        tpu.vector_store %arg6[%swap3A_1098], %swap3A_1101 {strides = array<i32>} : memref<800xi32, #tpu.memory_space<vmem>>, vector<16xi32>,
        %get3A_1102 = arith.constant 432 : index
        %get3A_1103 = tpu.vector_load %arg6[%get3A_1102] {strides = array<i32>} : memref<800xi32, #tpu.memory_space<vmem>>, vector<16xi32>,
        %get3A_1104 = vector.shape_cast %get3A_1103 : vector<16xi32> to vector<16xi32>
        %mul3A_1105 = arith.constant 2 : i32
        %mul3A_1106 = vector.broadcast %mul3A_1105 : i32 to vector<16xi32>
        %mul3A_1107 = arith.muli %get3A_1104, %mul3A_1106 : vector<16xi32>
        %swap3A_1108 = arith.constant 432 : index
        %swap3A_1109 = tpu.vector_load %arg6[%swap3A_1108] {strides = array<i32>} : memref<800xi32, #tpu.memory_space<vmem>>, vector<16xi32>,
        %swap3A_1110 = vector.shape_cast %swap3A_1109 : vector<16xi32> to vector<16xi32>
        %swap3A_1111 = vector.shape_cast %mul3A_1107 : vector<16xi32> to vector<16xi32>
        tpu.vector_store %arg6[%swap3A_1108], %swap3A_1111 {strides = array<i32>} : memref<800xi32, #tpu.memory_space<vmem>>, vector<16xi32>,
        %get3A_1112 = arith.constant 448 : index
        %get3A_1113 = tpu.vector_load %arg6[%get3A_1112] {strides = array<i32>} : memref<800xi32, #tpu.memory_space<vmem>>, vector<16xi32>,
        %get3A_1114 = vector.shape_cast %get3A_1113 : vector<16xi32> to vector<16xi32>
        %mul3A_1115 = arith.constant 2 : i32
        %mul3A_1116 = vector.broadcast %mul3A_1115 : i32 to vector<16xi32>
        %mul3A_1117 = arith.muli %get3A_1114, %mul3A_1116 : vector<16xi32>
        %swap3A_1118 = arith.constant 448 : index
        %swap3A_1119 = tpu.vector_load %arg6[%swap3A_1118] {strides = array<i32>} : memref<800xi32, #tpu.memory_space<vmem>>, vector<16xi32>,
        %swap3A_1120 = vector.shape_cast %swap3A_1119 : vector<16xi32> to vector<16xi32>
        %swap3A_1121 = vector.shape_cast %mul3A_1117 : vector<16xi32> to vector<16xi32>
        tpu.vector_store %arg6[%swap3A_1118], %swap3A_1121 {strides = array<i32>} : memref<800xi32, #tpu.memory_space<vmem>>, vector<16xi32>,
        %get3A_1122 = arith.constant 464 : index
        %get3A_1123 = tpu.vector_load %arg6[%get3A_1122] {strides = array<i32>} : memref<800xi32, #tpu.memory_space<vmem>>, vector<16xi32>,
        %get3A_1124 = vector.shape_cast %get3A_1123 : vector<16xi32> to vector<16xi32>
        %mul3A_1125 = arith.constant 2 : i32
        %mul3A_1126 = vector.broadcast %mul3A_1125 : i32 to vector<16xi32>
        %mul3A_1127 = arith.muli %get3A_1124, %mul3A_1126 : vector<16xi32>
        %swap3A_1128 = arith.constant 464 : index
        %swap3A_1129 = tpu.vector_load %arg6[%swap3A_1128] {strides = array<i32>} : memref<800xi32, #tpu.memory_space<vmem>>, vector<16xi32>,
        %swap3A_1130 = vector.shape_cast %swap3A_1129 : vector<16xi32> to vector<16xi32>
        %swap3A_1131 = vector.shape_cast %mul3A_1127 : vector<16xi32> to vector<16xi32>
        tpu.vector_store %arg6[%swap3A_1128], %swap3A_1131 {strides = array<i32>} : memref<800xi32, #tpu.memory_space<vmem>>, vector<16xi32>,
        %get3A_1132 = arith.constant 480 : index
        %get3A_1133 = tpu.vector_load %arg6[%get3A_1132] {strides = array<i32>} : memref<800xi32, #tpu.memory_space<vmem>>, vector<16xi32>,
        %get3A_1134 = vector.shape_cast %get3A_1133 : vector<16xi32> to vector<16xi32>
        %mul3A_1135 = arith.constant 2 : i32
        %mul3A_1136 = vector.broadcast %mul3A_1135 : i32 to vector<16xi32>
        %mul3A_1137 = arith.muli %get3A_1134, %mul3A_1136 : vector<16xi32>
        %swap3A_1138 = arith.constant 480 : index
        %swap3A_1139 = tpu.vector_load %arg6[%swap3A_1138] {strides = array<i32>} : memref<800xi32, #tpu.memory_space<vmem>>, vector<16xi32>,
        %swap3A_1140 = vector.shape_cast %swap3A_1139 : vector<16xi32> to vector<16xi32>
        %swap3A_1141 = vector.shape_cast %mul3A_1137 : vector<16xi32> to vector<16xi32>
        tpu.vector_store %arg6[%swap3A_1138], %swap3A_1141 {strides = array<i32>} : memref<800xi32, #tpu.memory_space<vmem>>, vector<16xi32>,
        %get3A_1142 = arith.constant 496 : index
        %get3A_1143 = tpu.vector_load %arg6[%get3A_1142] {strides = array<i32>} : memref<800xi32, #tpu.memory_space<vmem>>, vector<16xi32>,
        %get3A_1144 = vector.shape_cast %get3A_1143 : vector<16xi32> to vector<16xi32>
        %mul3A_1145 = arith.constant 2 : i32
        %mul3A_1146 = vector.broadcast %mul3A_1145 : i32 to vector<16xi32>
        %mul3A_1147 = arith.muli %get3A_1144, %mul3A_1146 : vector<16xi32>
        %swap3A_1148 = arith.constant 496 : index
        %swap3A_1149 = tpu.vector_load %arg6[%swap3A_1148] {strides = array<i32>} : memref<800xi32, #tpu.memory_space<vmem>>, vector<16xi32>,
        %swap3A_1150 = vector.shape_cast %swap3A_1149 : vector<16xi32> to vector<16xi32>
        %swap3A_1151 = vector.shape_cast %mul3A_1147 : vector<16xi32> to vector<16xi32>
        tpu.vector_store %arg6[%swap3A_1148], %swap3A_1151 {strides = array<i32>} : memref<800xi32, #tpu.memory_space<vmem>>, vector<16xi32>,
        %get3A_1152 = arith.constant 512 : index
        %get3A_1153 = tpu.vector_load %arg6[%get3A_1152] {strides = array<i32>} : memref<800xi32, #tpu.memory_space<vmem>>, vector<16xi32>,
        %get3A_1154 = vector.shape_cast %get3A_1153 : vector<16xi32> to vector<16xi32>
        %mul3A_1155 = arith.constant 2 : i32
        %mul3A_1156 = vector.broadcast %mul3A_1155 : i32 to vector<16xi32>
        %mul3A_1157 = arith.muli %get3A_1154, %mul3A_1156 : vector<16xi32>
        %swap3A_1158 = arith.constant 512 : index
        %swap3A_1159 = tpu.vector_load %arg6[%swap3A_1158] {strides = array<i32>} : memref<800xi32, #tpu.memory_space<vmem>>, vector<16xi32>,
        %swap3A_1160 = vector.shape_cast %swap3A_1159 : vector<16xi32> to vector<16xi32>
        %swap3A_1161 = vector.shape_cast %mul3A_1157 : vector<16xi32> to vector<16xi32>
        tpu.vector_store %arg6[%swap3A_1158], %swap3A_1161 {strides = array<i32>} : memref<800xi32, #tpu.memory_space<vmem>>, vector<16xi32>,
        %get3A_1162 = arith.constant 528 : index
        %get3A_1163 = tpu.vector_load %arg6[%get3A_1162] {strides = array<i32>} : memref<800xi32, #tpu.memory_space<vmem>>, vector<16xi32>,
        %get3A_1164 = vector.shape_cast %get3A_1163 : vector<16xi32> to vector<16xi32>
        %mul3A_1165 = arith.constant 2 : i32
        %mul3A_1166 = vector.broadcast %mul3A_1165 : i32 to vector<16xi32>
        %mul3A_1167 = arith.muli %get3A_1164, %mul3A_1166 : vector<16xi32>
        %swap3A_1168 = arith.constant 528 : index
        %swap3A_1169 = tpu.vector_load %arg6[%swap3A_1168] {strides = array<i32>} : memref<800xi32, #tpu.memory_space<vmem>>, vector<16xi32>,
        %swap3A_1170 = vector.shape_cast %swap3A_1169 : vector<16xi32> to vector<16xi32>
        %swap3A_1171 = vector.shape_cast %mul3A_1167 : vector<16xi32> to vector<16xi32>
        tpu.vector_store %arg6[%swap3A_1168], %swap3A_1171 {strides = array<i32>} : memref<800xi32, #tpu.memory_space<vmem>>, vector<16xi32>,
        %get3A_1172 = arith.constant 544 : index
        %get3A_1173 = tpu.vector_load %arg6[%get3A_1172] {strides = array<i32>} : memref<800xi32, #tpu.memory_space<vmem>>, vector<16xi32>,
        %get3A_1174 = vector.shape_cast %get3A_1173 : vector<16xi32> to vector<16xi32>
        %mul3A_1175 = arith.constant 2 : i32
        %mul3A_1176 = vector.broadcast %mul3A_1175 : i32 to vector<16xi32>
        %mul3A_1177 = arith.muli %get3A_1174, %mul3A_1176 : vector<16xi32>
        %swap3A_1178 = arith.constant 544 : index
        %swap3A_1179 = tpu.vector_load %arg6[%swap3A_1178] {strides = array<i32>} : memref<800xi32, #tpu.memory_space<vmem>>, vector<16xi32>,
        %swap3A_1180 = vector.shape_cast %swap3A_1179 : vector<16xi32> to vector<16xi32>
        %swap3A_1181 = vector.shape_cast %mul3A_1177 : vector<16xi32> to vector<16xi32>
        tpu.vector_store %arg6[%swap3A_1178], %swap3A_1181 {strides = array<i32>} : memref<800xi32, #tpu.memory_space<vmem>>, vector<16xi32>,
        %get3A_1182 = arith.constant 560 : index
        %get3A_1183 = tpu.vector_load %arg6[%get3A_1182] {strides = array<i32>} : memref<800xi32, #tpu.memory_space<vmem>>, vector<16xi32>,
        %get3A_1184 = vector.shape_cast %get3A_1183 : vector<16xi32> to vector<16xi32>
        %mul3A_1185 = arith.constant 2 : i32
        %mul3A_1186 = vector.broadcast %mul3A_1185 : i32 to vector<16xi32>
        %mul3A_1187 = arith.muli %get3A_1184, %mul3A_1186 : vector<16xi32>
        %swap3A_1188 = arith.constant 560 : index
        %swap3A_1189 = tpu.vector_load %arg6[%swap3A_1188] {strides = array<i32>} : memref<800xi32, #tpu.memory_space<vmem>>, vector<16xi32>,
        %swap3A_1190 = vector.shape_cast %swap3A_1189 : vector<16xi32> to vector<16xi32>
        %swap3A_1191 = vector.shape_cast %mul3A_1187 : vector<16xi32> to vector<16xi32>
        tpu.vector_store %arg6[%swap3A_1188], %swap3A_1191 {strides = array<i32>} : memref<800xi32, #tpu.memory_space<vmem>>, vector<16xi32>,
        %get3A_1192 = arith.constant 576 : index
        %get3A_1193 = tpu.vector_load %arg6[%get3A_1192] {strides = array<i32>} : memref<800xi32, #tpu.memory_space<vmem>>, vector<16xi32>,
        %get3A_1194 = vector.shape_cast %get3A_1193 : vector<16xi32> to vector<16xi32>
        %mul3A_1195 = arith.constant 2 : i32
        %mul3A_1196 = vector.broadcast %mul3A_1195 : i32 to vector<16xi32>
        %mul3A_1197 = arith.muli %get3A_1194, %mul3A_1196 : vector<16xi32>
        %swap3A_1198 = arith.constant 576 : index
        %swap3A_1199 = tpu.vector_load %arg6[%swap3A_1198] {strides = array<i32>} : memref<800xi32, #tpu.memory_space<vmem>>, vector<16xi32>,
        %swap3A_1200 = vector.shape_cast %swap3A_1199 : vector<16xi32> to vector<16xi32>
        %swap3A_1201 = vector.shape_cast %mul3A_1197 : vector<16xi32> to vector<16xi32>
        tpu.vector_store %arg6[%swap3A_1198], %swap3A_1201 {strides = array<i32>} : memref<800xi32, #tpu.memory_space<vmem>>, vector<16xi32>,
        %get3A_1202 = arith.constant 592 : index
        %get3A_1203 = tpu.vector_load %arg6[%get3A_1202] {strides = array<i32>} : memref<800xi32, #tpu.memory_space<vmem>>, vector<16xi32>,
        %get3A_1204 = vector.shape_cast %get3A_1203 : vector<16xi32> to vector<16xi32>
        %mul3A_1205 = arith.constant 2 : i32
        %mul3A_1206 = vector.broadcast %mul3A_1205 : i32 to vector<16xi32>
        %mul3A_1207 = arith.muli %get3A_1204, %mul3A_1206 : vector<16xi32>
        %swap3A_1208 = arith.constant 592 : index
        %swap3A_1209 = tpu.vector_load %arg6[%swap3A_1208] {strides = array<i32>} : memref<800xi32, #tpu.memory_space<vmem>>, vector<16xi32>,
        %swap3A_1210 = vector.shape_cast %swap3A_1209 : vector<16xi32> to vector<16xi32>
        %swap3A_1211 = vector.shape_cast %mul3A_1207 : vector<16xi32> to vector<16xi32>
        tpu.vector_store %arg6[%swap3A_1208], %swap3A_1211 {strides = array<i32>} : memref<800xi32, #tpu.memory_space<vmem>>, vector<16xi32>,
        %get3A_1212 = arith.constant 608 : index
        %get3A_1213 = tpu.vector_load %arg6[%get3A_1212] {strides = array<i32>} : memref<800xi32, #tpu.memory_space<vmem>>, vector<16xi32>,
        %get3A_1214 = vector.shape_cast %get3A_1213 : vector<16xi32> to vector<16xi32>
        %mul3A_1215 = arith.constant 2 : i32
        %mul3A_1216 = vector.broadcast %mul3A_1215 : i32 to vector<16xi32>
        %mul3A_1217 = arith.muli %get3A_1214, %mul3A_1216 : vector<16xi32>
        %swap3A_1218 = arith.constant 608 : index
        %swap3A_1219 = tpu.vector_load %arg6[%swap3A_1218] {strides = array<i32>} : memref<800xi32, #tpu.memory_space<vmem>>, vector<16xi32>,
        %swap3A_1220 = vector.shape_cast %swap3A_1219 : vector<16xi32> to vector<16xi32>
        %swap3A_1221 = vector.shape_cast %mul3A_1217 : vector<16xi32> to vector<16xi32>
        tpu.vector_store %arg6[%swap3A_1218], %swap3A_1221 {strides = array<i32>} : memref<800xi32, #tpu.memory_space<vmem>>, vector<16xi32>,
        %get3A_1222 = arith.constant 624 : index
        %get3A_1223 = tpu.vector_load %arg6[%get3A_1222] {strides = array<i32>} : memref<800xi32, #tpu.memory_space<vmem>>, vector<16xi32>,
        %get3A_1224 = vector.shape_cast %get3A_1223 : vector<16xi32> to vector<16xi32>
        %mul3A_1225 = arith.constant 2 : i32
        %mul3A_1226 = vector.broadcast %mul3A_1225 : i32 to vector<16xi32>
        %mul3A_1227 = arith.muli %get3A_1224, %mul3A_1226 : vector<16xi32>
        %swap3A_1228 = arith.constant 624 : index
        %swap3A_1229 = tpu.vector_load %arg6[%swap3A_1228] {strides = array<i32>} : memref<800xi32, #tpu.memory_space<vmem>>, vector<16xi32>,
        %swap3A_1230 = vector.shape_cast %swap3A_1229 : vector<16xi32> to vector<16xi32>
        %swap3A_1231 = vector.shape_cast %mul3A_1227 : vector<16xi32> to vector<16xi32>
        tpu.vector_store %arg6[%swap3A_1228], %swap3A_1231 {strides = array<i32>} : memref<800xi32, #tpu.memory_space<vmem>>, vector<16xi32>,
        %get3A_1232 = arith.constant 640 : index
        %get3A_1233 = tpu.vector_load %arg6[%get3A_1232] {strides = array<i32>} : memref<800xi32, #tpu.memory_space<vmem>>, vector<16xi32>,
        %get3A_1234 = vector.shape_cast %get3A_1233 : vector<16xi32> to vector<16xi32>
        %mul3A_1235 = arith.constant 2 : i32
        %mul3A_1236 = vector.broadcast %mul3A_1235 : i32 to vector<16xi32>
        %mul3A_1237 = arith.muli %get3A_1234, %mul3A_1236 : vector<16xi32>
        %swap3A_1238 = arith.constant 640 : index
        %swap3A_1239 = tpu.vector_load %arg6[%swap3A_1238] {strides = array<i32>} : memref<800xi32, #tpu.memory_space<vmem>>, vector<16xi32>,
        %swap3A_1240 = vector.shape_cast %swap3A_1239 : vector<16xi32> to vector<16xi32>
        %swap3A_1241 = vector.shape_cast %mul3A_1237 : vector<16xi32> to vector<16xi32>
        tpu.vector_store %arg6[%swap3A_1238], %swap3A_1241 {strides = array<i32>} : memref<800xi32, #tpu.memory_space<vmem>>, vector<16xi32>,
        %get3A_1242 = arith.constant 656 : index
        %get3A_1243 = tpu.vector_load %arg6[%get3A_1242] {strides = array<i32>} : memref<800xi32, #tpu.memory_space<vmem>>, vector<16xi32>,
        %get3A_1244 = vector.shape_cast %get3A_1243 : vector<16xi32> to vector<16xi32>
        %mul3A_1245 = arith.constant 2 : i32
        %mul3A_1246 = vector.broadcast %mul3A_1245 : i32 to vector<16xi32>
        %mul3A_1247 = arith.muli %get3A_1244, %mul3A_1246 : vector<16xi32>
        %swap3A_1248 = arith.constant 656 : index
        %swap3A_1249 = tpu.vector_load %arg6[%swap3A_1248] {strides = array<i32>} : memref<800xi32, #tpu.memory_space<vmem>>, vector<16xi32>,
        %swap3A_1250 = vector.shape_cast %swap3A_1249 : vector<16xi32> to vector<16xi32>
        %swap3A_1251 = vector.shape_cast %mul3A_1247 : vector<16xi32> to vector<16xi32>
        tpu.vector_store %arg6[%swap3A_1248], %swap3A_1251 {strides = array<i32>} : memref<800xi32, #tpu.memory_space<vmem>>, vector<16xi32>,
        %get3A_1252 = arith.constant 672 : index
        %get3A_1253 = tpu.vector_load %arg6[%get3A_1252] {strides = array<i32>} : memref<800xi32, #tpu.memory_space<vmem>>, vector<16xi32>,
        %get3A_1254 = vector.shape_cast %get3A_1253 : vector<16xi32> to vector<16xi32>
        %mul3A_1255 = arith.constant 2 : i32
        %mul3A_1256 = vector.broadcast %mul3A_1255 : i32 to vector<16xi32>
        %mul3A_1257 = arith.muli %get3A_1254, %mul3A_1256 : vector<16xi32>
        %swap3A_1258 = arith.constant 672 : index
        %swap3A_1259 = tpu.vector_load %arg6[%swap3A_1258] {strides = array<i32>} : memref<800xi32, #tpu.memory_space<vmem>>, vector<16xi32>,
        %swap3A_1260 = vector.shape_cast %swap3A_1259 : vector<16xi32> to vector<16xi32>
        %swap3A_1261 = vector.shape_cast %mul3A_1257 : vector<16xi32> to vector<16xi32>
        tpu.vector_store %arg6[%swap3A_1258], %swap3A_1261 {strides = array<i32>} : memref<800xi32, #tpu.memory_space<vmem>>, vector<16xi32>,
        %get3A_1262 = arith.constant 688 : index
        %get3A_1263 = tpu.vector_load %arg6[%get3A_1262] {strides = array<i32>} : memref<800xi32, #tpu.memory_space<vmem>>, vector<16xi32>,
        %get3A_1264 = vector.shape_cast %get3A_1263 : vector<16xi32> to vector<16xi32>
        %mul3A_1265 = arith.constant 2 : i32
        %mul3A_1266 = vector.broadcast %mul3A_1265 : i32 to vector<16xi32>
        %mul3A_1267 = arith.muli %get3A_1264, %mul3A_1266 : vector<16xi32>
        %swap3A_1268 = arith.constant 688 : index
        %swap3A_1269 = tpu.vector_load %arg6[%swap3A_1268] {strides = array<i32>} : memref<800xi32, #tpu.memory_space<vmem>>, vector<16xi32>,
        %swap3A_1270 = vector.shape_cast %swap3A_1269 : vector<16xi32> to vector<16xi32>
        %swap3A_1271 = vector.shape_cast %mul3A_1267 : vector<16xi32> to vector<16xi32>
        tpu.vector_store %arg6[%swap3A_1268], %swap3A_1271 {strides = array<i32>} : memref<800xi32, #tpu.memory_space<vmem>>, vector<16xi32>,
        %get3A_1272 = arith.constant 704 : index
        %get3A_1273 = tpu.vector_load %arg6[%get3A_1272] {strides = array<i32>} : memref<800xi32, #tpu.memory_space<vmem>>, vector<16xi32>,
        %get3A_1274 = vector.shape_cast %get3A_1273 : vector<16xi32> to vector<16xi32>
        %mul3A_1275 = arith.constant 2 : i32
        %mul3A_1276 = vector.broadcast %mul3A_1275 : i32 to vector<16xi32>
        %mul3A_1277 = arith.muli %get3A_1274, %mul3A_1276 : vector<16xi32>
        %swap3A_1278 = arith.constant 704 : index
        %swap3A_1279 = tpu.vector_load %arg6[%swap3A_1278] {strides = array<i32>} : memref<800xi32, #tpu.memory_space<vmem>>, vector<16xi32>,
        %swap3A_1280 = vector.shape_cast %swap3A_1279 : vector<16xi32> to vector<16xi32>
        %swap3A_1281 = vector.shape_cast %mul3A_1277 : vector<16xi32> to vector<16xi32>
        tpu.vector_store %arg6[%swap3A_1278], %swap3A_1281 {strides = array<i32>} : memref<800xi32, #tpu.memory_space<vmem>>, vector<16xi32>,
        %get3A_1282 = arith.constant 720 : index
        %get3A_1283 = tpu.vector_load %arg6[%get3A_1282] {strides = array<i32>} : memref<800xi32, #tpu.memory_space<vmem>>, vector<16xi32>,
        %get3A_1284 = vector.shape_cast %get3A_1283 : vector<16xi32> to vector<16xi32>
        %mul3A_1285 = arith.constant 2 : i32
        %mul3A_1286 = vector.broadcast %mul3A_1285 : i32 to vector<16xi32>
        %mul3A_1287 = arith.muli %get3A_1284, %mul3A_1286 : vector<16xi32>
        %swap3A_1288 = arith.constant 720 : index
        %swap3A_1289 = tpu.vector_load %arg6[%swap3A_1288] {strides = array<i32>} : memref<800xi32, #tpu.memory_space<vmem>>, vector<16xi32>,
        %swap3A_1290 = vector.shape_cast %swap3A_1289 : vector<16xi32> to vector<16xi32>
        %swap3A_1291 = vector.shape_cast %mul3A_1287 : vector<16xi32> to vector<16xi32>
        tpu.vector_store %arg6[%swap3A_1288], %swap3A_1291 {strides = array<i32>} : memref<800xi32, #tpu.memory_space<vmem>>, vector<16xi32>,
        %get3A_1292 = arith.constant 736 : index
        %get3A_1293 = tpu.vector_load %arg6[%get3A_1292] {strides = array<i32>} : memref<800xi32, #tpu.memory_space<vmem>>, vector<16xi32>,
        %get3A_1294 = vector.shape_cast %get3A_1293 : vector<16xi32> to vector<16xi32>
        %mul3A_1295 = arith.constant 2 : i32
        %mul3A_1296 = vector.broadcast %mul3A_1295 : i32 to vector<16xi32>
        %mul3A_1297 = arith.muli %get3A_1294, %mul3A_1296 : vector<16xi32>
        %swap3A_1298 = arith.constant 736 : index
        %swap3A_1299 = tpu.vector_load %arg6[%swap3A_1298] {strides = array<i32>} : memref<800xi32, #tpu.memory_space<vmem>>, vector<16xi32>,
        %swap3A_1300 = vector.shape_cast %swap3A_1299 : vector<16xi32> to vector<16xi32>
        %swap3A_1301 = vector.shape_cast %mul3A_1297 : vector<16xi32> to vector<16xi32>
        tpu.vector_store %arg6[%swap3A_1298], %swap3A_1301 {strides = array<i32>} : memref<800xi32, #tpu.memory_space<vmem>>, vector<16xi32>,
        %get3A_1302 = arith.constant 752 : index
        %get3A_1303 = tpu.vector_load %arg6[%get3A_1302] {strides = array<i32>} : memref<800xi32, #tpu.memory_space<vmem>>, vector<16xi32>,
        %get3A_1304 = vector.shape_cast %get3A_1303 : vector<16xi32> to vector<16xi32>
        %mul3A_1305 = arith.constant 2 : i32
        %mul3A_1306 = vector.broadcast %mul3A_1305 : i32 to vector<16xi32>
        %mul3A_1307 = arith.muli %get3A_1304, %mul3A_1306 : vector<16xi32>
        %swap3A_1308 = arith.constant 752 : index
        %swap3A_1309 = tpu.vector_load %arg6[%swap3A_1308] {strides = array<i32>} : memref<800xi32, #tpu.memory_space<vmem>>, vector<16xi32>,
        %swap3A_1310 = vector.shape_cast %swap3A_1309 : vector<16xi32> to vector<16xi32>
        %swap3A_1311 = vector.shape_cast %mul3A_1307 : vector<16xi32> to vector<16xi32>
        tpu.vector_store %arg6[%swap3A_1308], %swap3A_1311 {strides = array<i32>} : memref<800xi32, #tpu.memory_space<vmem>>, vector<16xi32>,
        %get3A_1312 = arith.constant 768 : index
        %get3A_1313 = tpu.vector_load %arg6[%get3A_1312] {strides = array<i32>} : memref<800xi32, #tpu.memory_space<vmem>>, vector<16xi32>,
        %get3A_1314 = vector.shape_cast %get3A_1313 : vector<16xi32> to vector<16xi32>
        %mul3A_1315 = arith.constant 2 : i32
        %mul3A_1316 = vector.broadcast %mul3A_1315 : i32 to vector<16xi32>
        %mul3A_1317 = arith.muli %get3A_1314, %mul3A_1316 : vector<16xi32>
        %swap3A_1318 = arith.constant 768 : index
        %swap3A_1319 = tpu.vector_load %arg6[%swap3A_1318] {strides = array<i32>} : memref<800xi32, #tpu.memory_space<vmem>>, vector<16xi32>,
        %swap3A_1320 = vector.shape_cast %swap3A_1319 : vector<16xi32> to vector<16xi32>
        %swap3A_1321 = vector.shape_cast %mul3A_1317 : vector<16xi32> to vector<16xi32>
        tpu.vector_store %arg6[%swap3A_1318], %swap3A_1321 {strides = array<i32>} : memref<800xi32, #tpu.memory_space<vmem>>, vector<16xi32>,
        %get3A_1322 = arith.constant 784 : index
        %get3A_1323 = tpu.vector_load %arg6[%get3A_1322] {strides = array<i32>} : memref<800xi32, #tpu.memory_space<vmem>>, vector<16xi32>,
        %get3A_1324 = vector.shape_cast %get3A_1323 : vector<16xi32> to vector<16xi32>
        %mul3A_1325 = arith.constant 2 : i32
        %mul3A_1326 = vector.broadcast %mul3A_1325 : i32 to vector<16xi32>
        %mul3A_1327 = arith.muli %get3A_1324, %mul3A_1326 : vector<16xi32>
        %swap3A_1328 = arith.constant 784 : index
        %swap3A_1329 = tpu.vector_load %arg6[%swap3A_1328] {strides = array<i32>} : memref<800xi32, #tpu.memory_space<vmem>>, vector<16xi32>,
        %swap3A_1330 = vector.shape_cast %swap3A_1329 : vector<16xi32> to vector<16xi32>
        %swap3A_1331 = vector.shape_cast %mul3A_1327 : vector<16xi32> to vector<16xi32>
        tpu.vector_store %arg6[%swap3A_1328], %swap3A_1331 {strides = array<i32>} : memref<800xi32, #tpu.memory_space<vmem>>, vector<16xi32>,
        %dma_start3A_1332 = arith.constant 0 : i32
        %dma_start3A_1333 = arith.constant 0 : i32
        %dma_start3A_1334 = tpu.memref_slice %arg10[%dma_start3A_1332, %dma_start3A_1333] : memref<800x64xf32, #tpu.memory_space<vmem>> -> memref<128x64xf32, #tpu.memory_space<vmem>>
        %dma_start3A_1335 = arith.constant 0 : i32
        %dma_start3A_1336 = tpu.memref_slice %arg6[%dma_start3A_1335] : memref<800xi32, #tpu.memory_space<vmem>> -> memref<128xi32, #tpu.memory_space<vmem>>
        %dma_start3A_1337 = arith.constant 0 : i32
        %dma_start3A_1338 = arith.constant 0 : i32
        %dma_start3A_1339 = tpu.memref_slice %arg4[%dma_start3A_1337, %dma_start3A_1338] : memref<2000000x64xf32, #tpu.memory_space<hbm>> -> memref<2000000x64xf32, #tpu.memory_space<hbm>>
        tpu.enqueue_indirect_dma source(%dma_start3A_1339 : memref<2000000x64xf32, #tpu.memory_space<hbm>>) target(%dma_start3A_1334 : memref<128x64xf32, #tpu.memory_space<vmem>>) offsets(%dma_start3A_1336 : memref<128xi32, #tpu.memory_space<vmem>>) semaphore(%arg17 : memref<!tpu.dma_semaphore, #tpu.memory_space<semaphore_mem>>)
        %dma_start3A_1340 = arith.constant 128 : i32
        %dma_start3A_1341 = arith.constant 0 : i32
        %dma_start3A_1342 = tpu.memref_slice %arg10[%dma_start3A_1340, %dma_start3A_1341] : memref<800x64xf32, #tpu.memory_space<vmem>> -> memref<128x64xf32, #tpu.memory_space<vmem>>
        %dma_start3A_1343 = arith.constant 128 : i32
        %dma_start3A_1344 = tpu.memref_slice %arg6[%dma_start3A_1343] : memref<800xi32, #tpu.memory_space<vmem>> -> memref<128xi32, #tpu.memory_space<vmem>>
        %dma_start3A_1345 = arith.constant 0 : i32
        %dma_start3A_1346 = arith.constant 0 : i32
        %dma_start3A_1347 = tpu.memref_slice %arg4[%dma_start3A_1345, %dma_start3A_1346] : memref<2000000x64xf32, #tpu.memory_space<hbm>> -> memref<2000000x64xf32, #tpu.memory_space<hbm>>
        tpu.enqueue_indirect_dma source(%dma_start3A_1347 : memref<2000000x64xf32, #tpu.memory_space<hbm>>) target(%dma_start3A_1342 : memref<128x64xf32, #tpu.memory_space<vmem>>) offsets(%dma_start3A_1344 : memref<128xi32, #tpu.memory_space<vmem>>) semaphore(%arg17 : memref<!tpu.dma_semaphore, #tpu.memory_space<semaphore_mem>>)
        %dma_start3A_1348 = arith.constant 256 : i32
        %dma_start3A_1349 = arith.constant 0 : i32
        %dma_start3A_1350 = tpu.memref_slice %arg10[%dma_start3A_1348, %dma_start3A_1349] : memref<800x64xf32, #tpu.memory_space<vmem>> -> memref<128x64xf32, #tpu.memory_space<vmem>>
        %dma_start3A_1351 = arith.constant 256 : i32
        %dma_start3A_1352 = tpu.memref_slice %arg6[%dma_start3A_1351] : memref<800xi32, #tpu.memory_space<vmem>> -> memref<128xi32, #tpu.memory_space<vmem>>
        %dma_start3A_1353 = arith.constant 0 : i32
        %dma_start3A_1354 = arith.constant 0 : i32
        %dma_start3A_1355 = tpu.memref_slice %arg4[%dma_start3A_1353, %dma_start3A_1354] : memref<2000000x64xf32, #tpu.memory_space<hbm>> -> memref<2000000x64xf32, #tpu.memory_space<hbm>>
        tpu.enqueue_indirect_dma source(%dma_start3A_1355 : memref<2000000x64xf32, #tpu.memory_space<hbm>>) target(%dma_start3A_1350 : memref<128x64xf32, #tpu.memory_space<vmem>>) offsets(%dma_start3A_1352 : memref<128xi32, #tpu.memory_space<vmem>>) semaphore(%arg17 : memref<!tpu.dma_semaphore, #tpu.memory_space<semaphore_mem>>)
        %dma_start3A_1356 = arith.constant 384 : i32
        %dma_start3A_1357 = arith.constant 0 : i32
        %dma_start3A_1358 = tpu.memref_slice %arg10[%dma_start3A_1356, %dma_start3A_1357] : memref<800x64xf32, #tpu.memory_space<vmem>> -> memref<128x64xf32, #tpu.memory_space<vmem>>
        %dma_start3A_1359 = arith.constant 384 : i32
        %dma_start3A_1360 = tpu.memref_slice %arg6[%dma_start3A_1359] : memref<800xi32, #tpu.memory_space<vmem>> -> memref<128xi32, #tpu.memory_space<vmem>>
        %dma_start3A_1361 = arith.constant 0 : i32
        %dma_start3A_1362 = arith.constant 0 : i32
        %dma_start3A_1363 = tpu.memref_slice %arg4[%dma_start3A_1361, %dma_start3A_1362] : memref<2000000x64xf32, #tpu.memory_space<hbm>> -> memref<2000000x64xf32, #tpu.memory_space<hbm>>
        tpu.enqueue_indirect_dma source(%dma_start3A_1363 : memref<2000000x64xf32, #tpu.memory_space<hbm>>) target(%dma_start3A_1358 : memref<128x64xf32, #tpu.memory_space<vmem>>) offsets(%dma_start3A_1360 : memref<128xi32, #tpu.memory_space<vmem>>) semaphore(%arg17 : memref<!tpu.dma_semaphore, #tpu.memory_space<semaphore_mem>>)
        %dma_start3A_1364 = arith.constant 512 : i32
        %dma_start3A_1365 = arith.constant 0 : i32
        %dma_start3A_1366 = tpu.memref_slice %arg10[%dma_start3A_1364, %dma_start3A_1365] : memref<800x64xf32, #tpu.memory_space<vmem>> -> memref<128x64xf32, #tpu.memory_space<vmem>>
        %dma_start3A_1367 = arith.constant 512 : i32
        %dma_start3A_1368 = tpu.memref_slice %arg6[%dma_start3A_1367] : memref<800xi32, #tpu.memory_space<vmem>> -> memref<128xi32, #tpu.memory_space<vmem>>
        %dma_start3A_1369 = arith.constant 0 : i32
        %dma_start3A_1370 = arith.constant 0 : i32
        %dma_start3A_1371 = tpu.memref_slice %arg4[%dma_start3A_1369, %dma_start3A_1370] : memref<2000000x64xf32, #tpu.memory_space<hbm>> -> memref<2000000x64xf32, #tpu.memory_space<hbm>>
        tpu.enqueue_indirect_dma source(%dma_start3A_1371 : memref<2000000x64xf32, #tpu.memory_space<hbm>>) target(%dma_start3A_1366 : memref<128x64xf32, #tpu.memory_space<vmem>>) offsets(%dma_start3A_1368 : memref<128xi32, #tpu.memory_space<vmem>>) semaphore(%arg17 : memref<!tpu.dma_semaphore, #tpu.memory_space<semaphore_mem>>)
        %dma_start3A_1372 = arith.constant 640 : i32
        %dma_start3A_1373 = arith.constant 0 : i32
        %dma_start3A_1374 = tpu.memref_slice %arg10[%dma_start3A_1372, %dma_start3A_1373] : memref<800x64xf32, #tpu.memory_space<vmem>> -> memref<128x64xf32, #tpu.memory_space<vmem>>
        %dma_start3A_1375 = arith.constant 640 : i32
        %dma_start3A_1376 = tpu.memref_slice %arg6[%dma_start3A_1375] : memref<800xi32, #tpu.memory_space<vmem>> -> memref<128xi32, #tpu.memory_space<vmem>>
        %dma_start3A_1377 = arith.constant 0 : i32
        %dma_start3A_1378 = arith.constant 0 : i32
        %dma_start3A_1379 = tpu.memref_slice %arg4[%dma_start3A_1377, %dma_start3A_1378] : memref<2000000x64xf32, #tpu.memory_space<hbm>> -> memref<2000000x64xf32, #tpu.memory_space<hbm>>
        tpu.enqueue_indirect_dma source(%dma_start3A_1379 : memref<2000000x64xf32, #tpu.memory_space<hbm>>) target(%dma_start3A_1374 : memref<128x64xf32, #tpu.memory_space<vmem>>) offsets(%dma_start3A_1376 : memref<128xi32, #tpu.memory_space<vmem>>) semaphore(%arg17 : memref<!tpu.dma_semaphore, #tpu.memory_space<semaphore_mem>>)
        %dma_start3A_1380 = arith.constant 768 : i32
        %dma_start3A_1381 = arith.constant 0 : i32
        %dma_start3A_1382 = tpu.memref_slice %arg10[%dma_start3A_1380, %dma_start3A_1381] : memref<800x64xf32, #tpu.memory_space<vmem>> -> memref<32x64xf32, #tpu.memory_space<vmem>>
        %dma_start3A_1383 = arith.constant 768 : i32
        %dma_start3A_1384 = tpu.memref_slice %arg6[%dma_start3A_1383] : memref<800xi32, #tpu.memory_space<vmem>> -> memref<32xi32, #tpu.memory_space<vmem>>
        %dma_start3A_1385 = arith.constant 0 : i32
        %dma_start3A_1386 = arith.constant 0 : i32
        %dma_start3A_1387 = tpu.memref_slice %arg4[%dma_start3A_1385, %dma_start3A_1386] : memref<2000000x64xf32, #tpu.memory_space<hbm>> -> memref<2000000x64xf32, #tpu.memory_space<hbm>>
        tpu.enqueue_indirect_dma source(%dma_start3A_1387 : memref<2000000x64xf32, #tpu.memory_space<hbm>>) target(%dma_start3A_1382 : memref<32x64xf32, #tpu.memory_space<vmem>>) offsets(%dma_start3A_1384 : memref<32xi32, #tpu.memory_space<vmem>>) semaphore(%arg17 : memref<!tpu.dma_semaphore, #tpu.memory_space<semaphore_mem>>)
      } else {
      }
      %dma_wait3A_760 = arith.constant 0 : i32
      %dma_wait3A_761 = arith.constant 0 : i32
      %dma_wait3A_762 = tpu.memref_slice %arg4[%dma_wait3A_760, %dma_wait3A_761] : memref<2000000x64xf32, #tpu.memory_space<hbm>> -> memref<800x64xf32, #tpu.memory_space<hbm>>
      %dma_wait3A_763 = arith.constant 0 : i32
      %dma_wait3A_764 = arith.constant 0 : i32
      %dma_wait3A_765 = tpu.memref_slice %arg4[%dma_wait3A_763, %dma_wait3A_764] : memref<2000000x64xf32, #tpu.memory_space<hbm>> -> memref<800x64xf32, #tpu.memory_space<hbm>>
      tpu.wait_dma2 semaphore(%arg18 : memref<!tpu.dma_semaphore, #tpu.memory_space<semaphore_mem>>) src(%dma_wait3A_765 : memref<800x64xf32, #tpu.memory_space<hbm>>) dst(%arg11 : memref<800x64xf32, #tpu.memory_space<vmem>>)
      %scan3A_766 = arith.constant 0 : i32
      %scan3A_767 = arith.constant 0 : i32
      %scan3A_768 = arith.constant 4 : i32
      %scan3A_769 = arith.addi %scan3A_767, %scan3A_768 : i32
      %scan3A_770 = arith.constant 1 : i32
      scf.for %scan3A_782 = %scan3A_767 to %scan3A_769 step %scan3A_770  : i32 {
        %mul3A_783 = arith.constant 200 : i32
        %mul3A_784 = arith.muli %scan3A_782, %mul3A_783 : i32
        %broadcast_in_dim3A = arith.constant 0.000000e+00 : f32
        %broadcast_in_dim3A_785 = vector.broadcast %broadcast_in_dim3A : f32 to vector<16xf32>
        %scan3A_786 = arith.constant 0 : i32
        %scan3A_787 = arith.constant 12 : i32
        %scan3A_788 = arith.addi %scan3A_786, %scan3A_787 : i32
        %scan3A_789 = arith.constant 1 : i32
        %scan3A_790:4 = scf.for %scan3A_1117 = %scan3A_786 to %scan3A_788 step %scan3A_789 iter_args(%scan3A_1118 = %broadcast_in_dim3A_785, %scan3A_1119 = %broadcast_in_dim3A_785, %scan3A_1120 = %broadcast_in_dim3A_785, %scan3A_1121 = %broadcast_in_dim3A_785) -> (vector<16xf32>, vector<16xf32>, vector<16xf32>, vector<16xf32>)  : i32 {
          %mul3A_1122 = arith.constant 16 : i32
          %mul3A_1123 = arith.muli %scan3A_1117, %mul3A_1122 : i32
          %get3A_1124 = arith.index_cast %scan3A_782 : i32 to index
          %get3A_1125 = arith.index_cast %mul3A_1123 : i32 to index
          %get3A_1126 = tpu.vector_load %arg9[%get3A_1124, %get3A_1125] {strides = array<i32>} : memref<4x200xf32, #tpu.memory_space<vmem>>, vector<1x16xf32>,
          %get3A_1127 = vector.shape_cast %get3A_1126 : vector<1x16xf32> to vector<16xf32>
          %slice3A_1128 = vector.extract_strided_slice %get3A_1127 {offsets = [0], sizes = [1], strides = [1]} : vector<16xf32> to vector<1xf32>
          %squeeze3A_1129 = vector.extract %slice3A_1128[0] : f32 from vector<1xf32>
          %add3A_1130 = arith.addi %mul3A_784, %mul3A_1123 : i32
          %add3A_1131 = arith.constant 0 : i32
          %add3A_1132 = arith.addi %add3A_1130, %add3A_1131 : i32
          %get3A_1133 = arith.index_cast %add3A_1132 : i32 to index
          %get3A_1134 = arith.constant 0 : index
          %get3A_1135 = tpu.vector_load %arg11[%get3A_1133, %get3A_1134] {strides = array<i32>} : memref<800x64xf32, #tpu.memory_space<vmem>>, vector<1x16xf32>,
          %get3A_1136 = vector.shape_cast %get3A_1135 : vector<1x16xf32> to vector<16xf32>
          %mul3A_1137 = vector.broadcast %squeeze3A_1129 : f32 to vector<16xf32>
          %mul3A_1138 = arith.mulf %mul3A_1137, %get3A_1136 : vector<16xf32>
          %add3A_1139 = arith.addf %scan3A_1118, %mul3A_1138 : vector<16xf32>
          %get3A_1140 = arith.index_cast %add3A_1132 : i32 to index
          %get3A_1141 = arith.constant 16 : index
          %get3A_1142 = tpu.vector_load %arg11[%get3A_1140, %get3A_1141] {strides = array<i32>} : memref<800x64xf32, #tpu.memory_space<vmem>>, vector<1x16xf32>,
          %get3A_1143 = vector.shape_cast %get3A_1142 : vector<1x16xf32> to vector<16xf32>
          %mul3A_1144 = vector.broadcast %squeeze3A_1129 : f32 to vector<16xf32>
          %mul3A_1145 = arith.mulf %mul3A_1144, %get3A_1143 : vector<16xf32>
          %add3A_1146 = arith.addf %scan3A_1119, %mul3A_1145 : vector<16xf32>
          %get3A_1147 = arith.index_cast %add3A_1132 : i32 to index
          %get3A_1148 = arith.constant 32 : index
          %get3A_1149 = tpu.vector_load %arg11[%get3A_1147, %get3A_1148] {strides = array<i32>} : memref<800x64xf32, #tpu.memory_space<vmem>>, vector<1x16xf32>,
          %get3A_1150 = vector.shape_cast %get3A_1149 : vector<1x16xf32> to vector<16xf32>
          %mul3A_1151 = vector.broadcast %squeeze3A_1129 : f32 to vector<16xf32>
          %mul3A_1152 = arith.mulf %mul3A_1151, %get3A_1150 : vector<16xf32>
          %add3A_1153 = arith.addf %scan3A_1120, %mul3A_1152 : vector<16xf32>
          %get3A_1154 = arith.index_cast %add3A_1132 : i32 to index
          %get3A_1155 = arith.constant 48 : index
          %get3A_1156 = tpu.vector_load %arg11[%get3A_1154, %get3A_1155] {strides = array<i32>} : memref<800x64xf32, #tpu.memory_space<vmem>>, vector<1x16xf32>,
          %get3A_1157 = vector.shape_cast %get3A_1156 : vector<1x16xf32> to vector<16xf32>
          %mul3A_1158 = vector.broadcast %squeeze3A_1129 : f32 to vector<16xf32>
          %mul3A_1159 = arith.mulf %mul3A_1158, %get3A_1157 : vector<16xf32>
          %add3A_1160 = arith.addf %scan3A_1121, %mul3A_1159 : vector<16xf32>
          %slice3A_1161 = vector.extract_strided_slice %get3A_1127 {offsets = [1], sizes = [1], strides = [1]} : vector<16xf32> to vector<1xf32>
          %squeeze3A_1162 = vector.extract %slice3A_1161[0] : f32 from vector<1xf32>
          %add3A_1163 = arith.addi %mul3A_784, %mul3A_1123 : i32
          %add3A_1164 = arith.constant 1 : i32
          %add3A_1165 = arith.addi %add3A_1163, %add3A_1164 : i32
          %get3A_1166 = arith.index_cast %add3A_1165 : i32 to index
          %get3A_1167 = arith.constant 0 : index
          %get3A_1168 = tpu.vector_load %arg11[%get3A_1166, %get3A_1167] {strides = array<i32>} : memref<800x64xf32, #tpu.memory_space<vmem>>, vector<1x16xf32>,
          %get3A_1169 = vector.shape_cast %get3A_1168 : vector<1x16xf32> to vector<16xf32>
          %mul3A_1170 = vector.broadcast %squeeze3A_1162 : f32 to vector<16xf32>
          %mul3A_1171 = arith.mulf %mul3A_1170, %get3A_1169 : vector<16xf32>
          %add3A_1172 = arith.addf %add3A_1139, %mul3A_1171 : vector<16xf32>
          %get3A_1173 = arith.index_cast %add3A_1165 : i32 to index
          %get3A_1174 = arith.constant 16 : index
          %get3A_1175 = tpu.vector_load %arg11[%get3A_1173, %get3A_1174] {strides = array<i32>} : memref<800x64xf32, #tpu.memory_space<vmem>>, vector<1x16xf32>,
          %get3A_1176 = vector.shape_cast %get3A_1175 : vector<1x16xf32> to vector<16xf32>
          %mul3A_1177 = vector.broadcast %squeeze3A_1162 : f32 to vector<16xf32>
          %mul3A_1178 = arith.mulf %mul3A_1177, %get3A_1176 : vector<16xf32>
          %add3A_1179 = arith.addf %add3A_1146, %mul3A_1178 : vector<16xf32>
          %get3A_1180 = arith.index_cast %add3A_1165 : i32 to index
          %get3A_1181 = arith.constant 32 : index
          %get3A_1182 = tpu.vector_load %arg11[%get3A_1180, %get3A_1181] {strides = array<i32>} : memref<800x64xf32, #tpu.memory_space<vmem>>, vector<1x16xf32>,
          %get3A_1183 = vector.shape_cast %get3A_1182 : vector<1x16xf32> to vector<16xf32>
          %mul3A_1184 = vector.broadcast %squeeze3A_1162 : f32 to vector<16xf32>
          %mul3A_1185 = arith.mulf %mul3A_1184, %get3A_1183 : vector<16xf32>
          %add3A_1186 = arith.addf %add3A_1153, %mul3A_1185 : vector<16xf32>
          %get3A_1187 = arith.index_cast %add3A_1165 : i32 to index
          %get3A_1188 = arith.constant 48 : index
          %get3A_1189 = tpu.vector_load %arg11[%get3A_1187, %get3A_1188] {strides = array<i32>} : memref<800x64xf32, #tpu.memory_space<vmem>>, vector<1x16xf32>,
          %get3A_1190 = vector.shape_cast %get3A_1189 : vector<1x16xf32> to vector<16xf32>
          %mul3A_1191 = vector.broadcast %squeeze3A_1162 : f32 to vector<16xf32>
          %mul3A_1192 = arith.mulf %mul3A_1191, %get3A_1190 : vector<16xf32>
          %add3A_1193 = arith.addf %add3A_1160, %mul3A_1192 : vector<16xf32>
          %slice3A_1194 = vector.extract_strided_slice %get3A_1127 {offsets = [2], sizes = [1], strides = [1]} : vector<16xf32> to vector<1xf32>
          %squeeze3A_1195 = vector.extract %slice3A_1194[0] : f32 from vector<1xf32>
          %add3A_1196 = arith.addi %mul3A_784, %mul3A_1123 : i32
          %add3A_1197 = arith.constant 2 : i32
          %add3A_1198 = arith.addi %add3A_1196, %add3A_1197 : i32
          %get3A_1199 = arith.index_cast %add3A_1198 : i32 to index
          %get3A_1200 = arith.constant 0 : index
          %get3A_1201 = tpu.vector_load %arg11[%get3A_1199, %get3A_1200] {strides = array<i32>} : memref<800x64xf32, #tpu.memory_space<vmem>>, vector<1x16xf32>,
          %get3A_1202 = vector.shape_cast %get3A_1201 : vector<1x16xf32> to vector<16xf32>
          %mul3A_1203 = vector.broadcast %squeeze3A_1195 : f32 to vector<16xf32>
          %mul3A_1204 = arith.mulf %mul3A_1203, %get3A_1202 : vector<16xf32>
          %add3A_1205 = arith.addf %add3A_1172, %mul3A_1204 : vector<16xf32>
          %get3A_1206 = arith.index_cast %add3A_1198 : i32 to index
          %get3A_1207 = arith.constant 16 : index
          %get3A_1208 = tpu.vector_load %arg11[%get3A_1206, %get3A_1207] {strides = array<i32>} : memref<800x64xf32, #tpu.memory_space<vmem>>, vector<1x16xf32>,
          %get3A_1209 = vector.shape_cast %get3A_1208 : vector<1x16xf32> to vector<16xf32>
          %mul3A_1210 = vector.broadcast %squeeze3A_1195 : f32 to vector<16xf32>
          %mul3A_1211 = arith.mulf %mul3A_1210, %get3A_1209 : vector<16xf32>
          %add3A_1212 = arith.addf %add3A_1179, %mul3A_1211 : vector<16xf32>
          %get3A_1213 = arith.index_cast %add3A_1198 : i32 to index
          %get3A_1214 = arith.constant 32 : index
          %get3A_1215 = tpu.vector_load %arg11[%get3A_1213, %get3A_1214] {strides = array<i32>} : memref<800x64xf32, #tpu.memory_space<vmem>>, vector<1x16xf32>,
          %get3A_1216 = vector.shape_cast %get3A_1215 : vector<1x16xf32> to vector<16xf32>
          %mul3A_1217 = vector.broadcast %squeeze3A_1195 : f32 to vector<16xf32>
          %mul3A_1218 = arith.mulf %mul3A_1217, %get3A_1216 : vector<16xf32>
          %add3A_1219 = arith.addf %add3A_1186, %mul3A_1218 : vector<16xf32>
          %get3A_1220 = arith.index_cast %add3A_1198 : i32 to index
          %get3A_1221 = arith.constant 48 : index
          %get3A_1222 = tpu.vector_load %arg11[%get3A_1220, %get3A_1221] {strides = array<i32>} : memref<800x64xf32, #tpu.memory_space<vmem>>, vector<1x16xf32>,
          %get3A_1223 = vector.shape_cast %get3A_1222 : vector<1x16xf32> to vector<16xf32>
          %mul3A_1224 = vector.broadcast %squeeze3A_1195 : f32 to vector<16xf32>
          %mul3A_1225 = arith.mulf %mul3A_1224, %get3A_1223 : vector<16xf32>
          %add3A_1226 = arith.addf %add3A_1193, %mul3A_1225 : vector<16xf32>
          %slice3A_1227 = vector.extract_strided_slice %get3A_1127 {offsets = [3], sizes = [1], strides = [1]} : vector<16xf32> to vector<1xf32>
          %squeeze3A_1228 = vector.extract %slice3A_1227[0] : f32 from vector<1xf32>
          %add3A_1229 = arith.addi %mul3A_784, %mul3A_1123 : i32
          %add3A_1230 = arith.constant 3 : i32
          %add3A_1231 = arith.addi %add3A_1229, %add3A_1230 : i32
          %get3A_1232 = arith.index_cast %add3A_1231 : i32 to index
          %get3A_1233 = arith.constant 0 : index
          %get3A_1234 = tpu.vector_load %arg11[%get3A_1232, %get3A_1233] {strides = array<i32>} : memref<800x64xf32, #tpu.memory_space<vmem>>, vector<1x16xf32>,
          %get3A_1235 = vector.shape_cast %get3A_1234 : vector<1x16xf32> to vector<16xf32>
          %mul3A_1236 = vector.broadcast %squeeze3A_1228 : f32 to vector<16xf32>
          %mul3A_1237 = arith.mulf %mul3A_1236, %get3A_1235 : vector<16xf32>
          %add3A_1238 = arith.addf %add3A_1205, %mul3A_1237 : vector<16xf32>
          %get3A_1239 = arith.index_cast %add3A_1231 : i32 to index
          %get3A_1240 = arith.constant 16 : index
          %get3A_1241 = tpu.vector_load %arg11[%get3A_1239, %get3A_1240] {strides = array<i32>} : memref<800x64xf32, #tpu.memory_space<vmem>>, vector<1x16xf32>,
          %get3A_1242 = vector.shape_cast %get3A_1241 : vector<1x16xf32> to vector<16xf32>
          %mul3A_1243 = vector.broadcast %squeeze3A_1228 : f32 to vector<16xf32>
          %mul3A_1244 = arith.mulf %mul3A_1243, %get3A_1242 : vector<16xf32>
          %add3A_1245 = arith.addf %add3A_1212, %mul3A_1244 : vector<16xf32>
          %get3A_1246 = arith.index_cast %add3A_1231 : i32 to index
          %get3A_1247 = arith.constant 32 : index
          %get3A_1248 = tpu.vector_load %arg11[%get3A_1246, %get3A_1247] {strides = array<i32>} : memref<800x64xf32, #tpu.memory_space<vmem>>, vector<1x16xf32>,
          %get3A_1249 = vector.shape_cast %get3A_1248 : vector<1x16xf32> to vector<16xf32>
          %mul3A_1250 = vector.broadcast %squeeze3A_1228 : f32 to vector<16xf32>
          %mul3A_1251 = arith.mulf %mul3A_1250, %get3A_1249 : vector<16xf32>
          %add3A_1252 = arith.addf %add3A_1219, %mul3A_1251 : vector<16xf32>
          %get3A_1253 = arith.index_cast %add3A_1231 : i32 to index
          %get3A_1254 = arith.constant 48 : index
          %get3A_1255 = tpu.vector_load %arg11[%get3A_1253, %get3A_1254] {strides = array<i32>} : memref<800x64xf32, #tpu.memory_space<vmem>>, vector<1x16xf32>,
          %get3A_1256 = vector.shape_cast %get3A_1255 : vector<1x16xf32> to vector<16xf32>
          %mul3A_1257 = vector.broadcast %squeeze3A_1228 : f32 to vector<16xf32>
          %mul3A_1258 = arith.mulf %mul3A_1257, %get3A_1256 : vector<16xf32>
          %add3A_1259 = arith.addf %add3A_1226, %mul3A_1258 : vector<16xf32>
          %slice3A_1260 = vector.extract_strided_slice %get3A_1127 {offsets = [4], sizes = [1], strides = [1]} : vector<16xf32> to vector<1xf32>
          %squeeze3A_1261 = vector.extract %slice3A_1260[0] : f32 from vector<1xf32>
          %add3A_1262 = arith.addi %mul3A_784, %mul3A_1123 : i32
          %add3A_1263 = arith.constant 4 : i32
          %add3A_1264 = arith.addi %add3A_1262, %add3A_1263 : i32
          %get3A_1265 = arith.index_cast %add3A_1264 : i32 to index
          %get3A_1266 = arith.constant 0 : index
          %get3A_1267 = tpu.vector_load %arg11[%get3A_1265, %get3A_1266] {strides = array<i32>} : memref<800x64xf32, #tpu.memory_space<vmem>>, vector<1x16xf32>,
          %get3A_1268 = vector.shape_cast %get3A_1267 : vector<1x16xf32> to vector<16xf32>
          %mul3A_1269 = vector.broadcast %squeeze3A_1261 : f32 to vector<16xf32>
          %mul3A_1270 = arith.mulf %mul3A_1269, %get3A_1268 : vector<16xf32>
          %add3A_1271 = arith.addf %add3A_1238, %mul3A_1270 : vector<16xf32>
          %get3A_1272 = arith.index_cast %add3A_1264 : i32 to index
          %get3A_1273 = arith.constant 16 : index
          %get3A_1274 = tpu.vector_load %arg11[%get3A_1272, %get3A_1273] {strides = array<i32>} : memref<800x64xf32, #tpu.memory_space<vmem>>, vector<1x16xf32>,
          %get3A_1275 = vector.shape_cast %get3A_1274 : vector<1x16xf32> to vector<16xf32>
          %mul3A_1276 = vector.broadcast %squeeze3A_1261 : f32 to vector<16xf32>
          %mul3A_1277 = arith.mulf %mul3A_1276, %get3A_1275 : vector<16xf32>
          %add3A_1278 = arith.addf %add3A_1245, %mul3A_1277 : vector<16xf32>
          %get3A_1279 = arith.index_cast %add3A_1264 : i32 to index
          %get3A_1280 = arith.constant 32 : index
          %get3A_1281 = tpu.vector_load %arg11[%get3A_1279, %get3A_1280] {strides = array<i32>} : memref<800x64xf32, #tpu.memory_space<vmem>>, vector<1x16xf32>,
          %get3A_1282 = vector.shape_cast %get3A_1281 : vector<1x16xf32> to vector<16xf32>
          %mul3A_1283 = vector.broadcast %squeeze3A_1261 : f32 to vector<16xf32>
          %mul3A_1284 = arith.mulf %mul3A_1283, %get3A_1282 : vector<16xf32>
          %add3A_1285 = arith.addf %add3A_1252, %mul3A_1284 : vector<16xf32>
          %get3A_1286 = arith.index_cast %add3A_1264 : i32 to index
          %get3A_1287 = arith.constant 48 : index
          %get3A_1288 = tpu.vector_load %arg11[%get3A_1286, %get3A_1287] {strides = array<i32>} : memref<800x64xf32, #tpu.memory_space<vmem>>, vector<1x16xf32>,
          %get3A_1289 = vector.shape_cast %get3A_1288 : vector<1x16xf32> to vector<16xf32>
          %mul3A_1290 = vector.broadcast %squeeze3A_1261 : f32 to vector<16xf32>
          %mul3A_1291 = arith.mulf %mul3A_1290, %get3A_1289 : vector<16xf32>
          %add3A_1292 = arith.addf %add3A_1259, %mul3A_1291 : vector<16xf32>
          %slice3A_1293 = vector.extract_strided_slice %get3A_1127 {offsets = [5], sizes = [1], strides = [1]} : vector<16xf32> to vector<1xf32>
          %squeeze3A_1294 = vector.extract %slice3A_1293[0] : f32 from vector<1xf32>
          %add3A_1295 = arith.addi %mul3A_784, %mul3A_1123 : i32
          %add3A_1296 = arith.constant 5 : i32
          %add3A_1297 = arith.addi %add3A_1295, %add3A_1296 : i32
          %get3A_1298 = arith.index_cast %add3A_1297 : i32 to index
          %get3A_1299 = arith.constant 0 : index
          %get3A_1300 = tpu.vector_load %arg11[%get3A_1298, %get3A_1299] {strides = array<i32>} : memref<800x64xf32, #tpu.memory_space<vmem>>, vector<1x16xf32>,
          %get3A_1301 = vector.shape_cast %get3A_1300 : vector<1x16xf32> to vector<16xf32>
          %mul3A_1302 = vector.broadcast %squeeze3A_1294 : f32 to vector<16xf32>
          %mul3A_1303 = arith.mulf %mul3A_1302, %get3A_1301 : vector<16xf32>
          %add3A_1304 = arith.addf %add3A_1271, %mul3A_1303 : vector<16xf32>
          %get3A_1305 = arith.index_cast %add3A_1297 : i32 to index
          %get3A_1306 = arith.constant 16 : index
          %get3A_1307 = tpu.vector_load %arg11[%get3A_1305, %get3A_1306] {strides = array<i32>} : memref<800x64xf32, #tpu.memory_space<vmem>>, vector<1x16xf32>,
          %get3A_1308 = vector.shape_cast %get3A_1307 : vector<1x16xf32> to vector<16xf32>
          %mul3A_1309 = vector.broadcast %squeeze3A_1294 : f32 to vector<16xf32>
          %mul3A_1310 = arith.mulf %mul3A_1309, %get3A_1308 : vector<16xf32>
          %add3A_1311 = arith.addf %add3A_1278, %mul3A_1310 : vector<16xf32>
          %get3A_1312 = arith.index_cast %add3A_1297 : i32 to index
          %get3A_1313 = arith.constant 32 : index
          %get3A_1314 = tpu.vector_load %arg11[%get3A_1312, %get3A_1313] {strides = array<i32>} : memref<800x64xf32, #tpu.memory_space<vmem>>, vector<1x16xf32>,
          %get3A_1315 = vector.shape_cast %get3A_1314 : vector<1x16xf32> to vector<16xf32>
          %mul3A_1316 = vector.broadcast %squeeze3A_1294 : f32 to vector<16xf32>
          %mul3A_1317 = arith.mulf %mul3A_1316, %get3A_1315 : vector<16xf32>
          %add3A_1318 = arith.addf %add3A_1285, %mul3A_1317 : vector<16xf32>
          %get3A_1319 = arith.index_cast %add3A_1297 : i32 to index
          %get3A_1320 = arith.constant 48 : index
          %get3A_1321 = tpu.vector_load %arg11[%get3A_1319, %get3A_1320] {strides = array<i32>} : memref<800x64xf32, #tpu.memory_space<vmem>>, vector<1x16xf32>,
          %get3A_1322 = vector.shape_cast %get3A_1321 : vector<1x16xf32> to vector<16xf32>
          %mul3A_1323 = vector.broadcast %squeeze3A_1294 : f32 to vector<16xf32>
          %mul3A_1324 = arith.mulf %mul3A_1323, %get3A_1322 : vector<16xf32>
          %add3A_1325 = arith.addf %add3A_1292, %mul3A_1324 : vector<16xf32>
          %slice3A_1326 = vector.extract_strided_slice %get3A_1127 {offsets = [6], sizes = [1], strides = [1]} : vector<16xf32> to vector<1xf32>
          %squeeze3A_1327 = vector.extract %slice3A_1326[0] : f32 from vector<1xf32>
          %add3A_1328 = arith.addi %mul3A_784, %mul3A_1123 : i32
          %add3A_1329 = arith.constant 6 : i32
          %add3A_1330 = arith.addi %add3A_1328, %add3A_1329 : i32
          %get3A_1331 = arith.index_cast %add3A_1330 : i32 to index
          %get3A_1332 = arith.constant 0 : index
          %get3A_1333 = tpu.vector_load %arg11[%get3A_1331, %get3A_1332] {strides = array<i32>} : memref<800x64xf32, #tpu.memory_space<vmem>>, vector<1x16xf32>,
          %get3A_1334 = vector.shape_cast %get3A_1333 : vector<1x16xf32> to vector<16xf32>
          %mul3A_1335 = vector.broadcast %squeeze3A_1327 : f32 to vector<16xf32>
          %mul3A_1336 = arith.mulf %mul3A_1335, %get3A_1334 : vector<16xf32>
          %add3A_1337 = arith.addf %add3A_1304, %mul3A_1336 : vector<16xf32>
          %get3A_1338 = arith.index_cast %add3A_1330 : i32 to index
          %get3A_1339 = arith.constant 16 : index
          %get3A_1340 = tpu.vector_load %arg11[%get3A_1338, %get3A_1339] {strides = array<i32>} : memref<800x64xf32, #tpu.memory_space<vmem>>, vector<1x16xf32>,
          %get3A_1341 = vector.shape_cast %get3A_1340 : vector<1x16xf32> to vector<16xf32>
          %mul3A_1342 = vector.broadcast %squeeze3A_1327 : f32 to vector<16xf32>
          %mul3A_1343 = arith.mulf %mul3A_1342, %get3A_1341 : vector<16xf32>
          %add3A_1344 = arith.addf %add3A_1311, %mul3A_1343 : vector<16xf32>
          %get3A_1345 = arith.index_cast %add3A_1330 : i32 to index
          %get3A_1346 = arith.constant 32 : index
          %get3A_1347 = tpu.vector_load %arg11[%get3A_1345, %get3A_1346] {strides = array<i32>} : memref<800x64xf32, #tpu.memory_space<vmem>>, vector<1x16xf32>,
          %get3A_1348 = vector.shape_cast %get3A_1347 : vector<1x16xf32> to vector<16xf32>
          %mul3A_1349 = vector.broadcast %squeeze3A_1327 : f32 to vector<16xf32>
          %mul3A_1350 = arith.mulf %mul3A_1349, %get3A_1348 : vector<16xf32>
          %add3A_1351 = arith.addf %add3A_1318, %mul3A_1350 : vector<16xf32>
          %get3A_1352 = arith.index_cast %add3A_1330 : i32 to index
          %get3A_1353 = arith.constant 48 : index
          %get3A_1354 = tpu.vector_load %arg11[%get3A_1352, %get3A_1353] {strides = array<i32>} : memref<800x64xf32, #tpu.memory_space<vmem>>, vector<1x16xf32>,
          %get3A_1355 = vector.shape_cast %get3A_1354 : vector<1x16xf32> to vector<16xf32>
          %mul3A_1356 = vector.broadcast %squeeze3A_1327 : f32 to vector<16xf32>
          %mul3A_1357 = arith.mulf %mul3A_1356, %get3A_1355 : vector<16xf32>
          %add3A_1358 = arith.addf %add3A_1325, %mul3A_1357 : vector<16xf32>
          %slice3A_1359 = vector.extract_strided_slice %get3A_1127 {offsets = [7], sizes = [1], strides = [1]} : vector<16xf32> to vector<1xf32>
          %squeeze3A_1360 = vector.extract %slice3A_1359[0] : f32 from vector<1xf32>
          %add3A_1361 = arith.addi %mul3A_784, %mul3A_1123 : i32
          %add3A_1362 = arith.constant 7 : i32
          %add3A_1363 = arith.addi %add3A_1361, %add3A_1362 : i32
          %get3A_1364 = arith.index_cast %add3A_1363 : i32 to index
          %get3A_1365 = arith.constant 0 : index
          %get3A_1366 = tpu.vector_load %arg11[%get3A_1364, %get3A_1365] {strides = array<i32>} : memref<800x64xf32, #tpu.memory_space<vmem>>, vector<1x16xf32>,
          %get3A_1367 = vector.shape_cast %get3A_1366 : vector<1x16xf32> to vector<16xf32>
          %mul3A_1368 = vector.broadcast %squeeze3A_1360 : f32 to vector<16xf32>
          %mul3A_1369 = arith.mulf %mul3A_1368, %get3A_1367 : vector<16xf32>
          %add3A_1370 = arith.addf %add3A_1337, %mul3A_1369 : vector<16xf32>
          %get3A_1371 = arith.index_cast %add3A_1363 : i32 to index
          %get3A_1372 = arith.constant 16 : index
          %get3A_1373 = tpu.vector_load %arg11[%get3A_1371, %get3A_1372] {strides = array<i32>} : memref<800x64xf32, #tpu.memory_space<vmem>>, vector<1x16xf32>,
          %get3A_1374 = vector.shape_cast %get3A_1373 : vector<1x16xf32> to vector<16xf32>
          %mul3A_1375 = vector.broadcast %squeeze3A_1360 : f32 to vector<16xf32>
          %mul3A_1376 = arith.mulf %mul3A_1375, %get3A_1374 : vector<16xf32>
          %add3A_1377 = arith.addf %add3A_1344, %mul3A_1376 : vector<16xf32>
          %get3A_1378 = arith.index_cast %add3A_1363 : i32 to index
          %get3A_1379 = arith.constant 32 : index
          %get3A_1380 = tpu.vector_load %arg11[%get3A_1378, %get3A_1379] {strides = array<i32>} : memref<800x64xf32, #tpu.memory_space<vmem>>, vector<1x16xf32>,
          %get3A_1381 = vector.shape_cast %get3A_1380 : vector<1x16xf32> to vector<16xf32>
          %mul3A_1382 = vector.broadcast %squeeze3A_1360 : f32 to vector<16xf32>
          %mul3A_1383 = arith.mulf %mul3A_1382, %get3A_1381 : vector<16xf32>
          %add3A_1384 = arith.addf %add3A_1351, %mul3A_1383 : vector<16xf32>
          %get3A_1385 = arith.index_cast %add3A_1363 : i32 to index
          %get3A_1386 = arith.constant 48 : index
          %get3A_1387 = tpu.vector_load %arg11[%get3A_1385, %get3A_1386] {strides = array<i32>} : memref<800x64xf32, #tpu.memory_space<vmem>>, vector<1x16xf32>,
          %get3A_1388 = vector.shape_cast %get3A_1387 : vector<1x16xf32> to vector<16xf32>
          %mul3A_1389 = vector.broadcast %squeeze3A_1360 : f32 to vector<16xf32>
          %mul3A_1390 = arith.mulf %mul3A_1389, %get3A_1388 : vector<16xf32>
          %add3A_1391 = arith.addf %add3A_1358, %mul3A_1390 : vector<16xf32>
          %slice3A_1392 = vector.extract_strided_slice %get3A_1127 {offsets = [8], sizes = [1], strides = [1]} : vector<16xf32> to vector<1xf32>
          %squeeze3A_1393 = vector.extract %slice3A_1392[0] : f32 from vector<1xf32>
          %add3A_1394 = arith.addi %mul3A_784, %mul3A_1123 : i32
          %add3A_1395 = arith.constant 8 : i32
          %add3A_1396 = arith.addi %add3A_1394, %add3A_1395 : i32
          %get3A_1397 = arith.index_cast %add3A_1396 : i32 to index
          %get3A_1398 = arith.constant 0 : index
          %get3A_1399 = tpu.vector_load %arg11[%get3A_1397, %get3A_1398] {strides = array<i32>} : memref<800x64xf32, #tpu.memory_space<vmem>>, vector<1x16xf32>,
          %get3A_1400 = vector.shape_cast %get3A_1399 : vector<1x16xf32> to vector<16xf32>
          %mul3A_1401 = vector.broadcast %squeeze3A_1393 : f32 to vector<16xf32>
          %mul3A_1402 = arith.mulf %mul3A_1401, %get3A_1400 : vector<16xf32>
          %add3A_1403 = arith.addf %add3A_1370, %mul3A_1402 : vector<16xf32>
          %get3A_1404 = arith.index_cast %add3A_1396 : i32 to index
          %get3A_1405 = arith.constant 16 : index
          %get3A_1406 = tpu.vector_load %arg11[%get3A_1404, %get3A_1405] {strides = array<i32>} : memref<800x64xf32, #tpu.memory_space<vmem>>, vector<1x16xf32>,
          %get3A_1407 = vector.shape_cast %get3A_1406 : vector<1x16xf32> to vector<16xf32>
          %mul3A_1408 = vector.broadcast %squeeze3A_1393 : f32 to vector<16xf32>
          %mul3A_1409 = arith.mulf %mul3A_1408, %get3A_1407 : vector<16xf32>
          %add3A_1410 = arith.addf %add3A_1377, %mul3A_1409 : vector<16xf32>
          %get3A_1411 = arith.index_cast %add3A_1396 : i32 to index
          %get3A_1412 = arith.constant 32 : index
          %get3A_1413 = tpu.vector_load %arg11[%get3A_1411, %get3A_1412] {strides = array<i32>} : memref<800x64xf32, #tpu.memory_space<vmem>>, vector<1x16xf32>,
          %get3A_1414 = vector.shape_cast %get3A_1413 : vector<1x16xf32> to vector<16xf32>
          %mul3A_1415 = vector.broadcast %squeeze3A_1393 : f32 to vector<16xf32>
          %mul3A_1416 = arith.mulf %mul3A_1415, %get3A_1414 : vector<16xf32>
          %add3A_1417 = arith.addf %add3A_1384, %mul3A_1416 : vector<16xf32>
          %get3A_1418 = arith.index_cast %add3A_1396 : i32 to index
          %get3A_1419 = arith.constant 48 : index
          %get3A_1420 = tpu.vector_load %arg11[%get3A_1418, %get3A_1419] {strides = array<i32>} : memref<800x64xf32, #tpu.memory_space<vmem>>, vector<1x16xf32>,
          %get3A_1421 = vector.shape_cast %get3A_1420 : vector<1x16xf32> to vector<16xf32>
          %mul3A_1422 = vector.broadcast %squeeze3A_1393 : f32 to vector<16xf32>
          %mul3A_1423 = arith.mulf %mul3A_1422, %get3A_1421 : vector<16xf32>
          %add3A_1424 = arith.addf %add3A_1391, %mul3A_1423 : vector<16xf32>
          %slice3A_1425 = vector.extract_strided_slice %get3A_1127 {offsets = [9], sizes = [1], strides = [1]} : vector<16xf32> to vector<1xf32>
          %squeeze3A_1426 = vector.extract %slice3A_1425[0] : f32 from vector<1xf32>
          %add3A_1427 = arith.addi %mul3A_784, %mul3A_1123 : i32
          %add3A_1428 = arith.constant 9 : i32
          %add3A_1429 = arith.addi %add3A_1427, %add3A_1428 : i32
          %get3A_1430 = arith.index_cast %add3A_1429 : i32 to index
          %get3A_1431 = arith.constant 0 : index
          %get3A_1432 = tpu.vector_load %arg11[%get3A_1430, %get3A_1431] {strides = array<i32>} : memref<800x64xf32, #tpu.memory_space<vmem>>, vector<1x16xf32>,
          %get3A_1433 = vector.shape_cast %get3A_1432 : vector<1x16xf32> to vector<16xf32>
          %mul3A_1434 = vector.broadcast %squeeze3A_1426 : f32 to vector<16xf32>
          %mul3A_1435 = arith.mulf %mul3A_1434, %get3A_1433 : vector<16xf32>
          %add3A_1436 = arith.addf %add3A_1403, %mul3A_1435 : vector<16xf32>
          %get3A_1437 = arith.index_cast %add3A_1429 : i32 to index
          %get3A_1438 = arith.constant 16 : index
          %get3A_1439 = tpu.vector_load %arg11[%get3A_1437, %get3A_1438] {strides = array<i32>} : memref<800x64xf32, #tpu.memory_space<vmem>>, vector<1x16xf32>,
          %get3A_1440 = vector.shape_cast %get3A_1439 : vector<1x16xf32> to vector<16xf32>
          %mul3A_1441 = vector.broadcast %squeeze3A_1426 : f32 to vector<16xf32>
          %mul3A_1442 = arith.mulf %mul3A_1441, %get3A_1440 : vector<16xf32>
          %add3A_1443 = arith.addf %add3A_1410, %mul3A_1442 : vector<16xf32>
          %get3A_1444 = arith.index_cast %add3A_1429 : i32 to index
          %get3A_1445 = arith.constant 32 : index
          %get3A_1446 = tpu.vector_load %arg11[%get3A_1444, %get3A_1445] {strides = array<i32>} : memref<800x64xf32, #tpu.memory_space<vmem>>, vector<1x16xf32>,
          %get3A_1447 = vector.shape_cast %get3A_1446 : vector<1x16xf32> to vector<16xf32>
          %mul3A_1448 = vector.broadcast %squeeze3A_1426 : f32 to vector<16xf32>
          %mul3A_1449 = arith.mulf %mul3A_1448, %get3A_1447 : vector<16xf32>
          %add3A_1450 = arith.addf %add3A_1417, %mul3A_1449 : vector<16xf32>
          %get3A_1451 = arith.index_cast %add3A_1429 : i32 to index
          %get3A_1452 = arith.constant 48 : index
          %get3A_1453 = tpu.vector_load %arg11[%get3A_1451, %get3A_1452] {strides = array<i32>} : memref<800x64xf32, #tpu.memory_space<vmem>>, vector<1x16xf32>,
          %get3A_1454 = vector.shape_cast %get3A_1453 : vector<1x16xf32> to vector<16xf32>
          %mul3A_1455 = vector.broadcast %squeeze3A_1426 : f32 to vector<16xf32>
          %mul3A_1456 = arith.mulf %mul3A_1455, %get3A_1454 : vector<16xf32>
          %add3A_1457 = arith.addf %add3A_1424, %mul3A_1456 : vector<16xf32>
          %slice3A_1458 = vector.extract_strided_slice %get3A_1127 {offsets = [10], sizes = [1], strides = [1]} : vector<16xf32> to vector<1xf32>
          %squeeze3A_1459 = vector.extract %slice3A_1458[0] : f32 from vector<1xf32>
          %add3A_1460 = arith.addi %mul3A_784, %mul3A_1123 : i32
          %add3A_1461 = arith.constant 10 : i32
          %add3A_1462 = arith.addi %add3A_1460, %add3A_1461 : i32
          %get3A_1463 = arith.index_cast %add3A_1462 : i32 to index
          %get3A_1464 = arith.constant 0 : index
          %get3A_1465 = tpu.vector_load %arg11[%get3A_1463, %get3A_1464] {strides = array<i32>} : memref<800x64xf32, #tpu.memory_space<vmem>>, vector<1x16xf32>,
          %get3A_1466 = vector.shape_cast %get3A_1465 : vector<1x16xf32> to vector<16xf32>
          %mul3A_1467 = vector.broadcast %squeeze3A_1459 : f32 to vector<16xf32>
          %mul3A_1468 = arith.mulf %mul3A_1467, %get3A_1466 : vector<16xf32>
          %add3A_1469 = arith.addf %add3A_1436, %mul3A_1468 : vector<16xf32>
          %get3A_1470 = arith.index_cast %add3A_1462 : i32 to index
          %get3A_1471 = arith.constant 16 : index
          %get3A_1472 = tpu.vector_load %arg11[%get3A_1470, %get3A_1471] {strides = array<i32>} : memref<800x64xf32, #tpu.memory_space<vmem>>, vector<1x16xf32>,
          %get3A_1473 = vector.shape_cast %get3A_1472 : vector<1x16xf32> to vector<16xf32>
          %mul3A_1474 = vector.broadcast %squeeze3A_1459 : f32 to vector<16xf32>
          %mul3A_1475 = arith.mulf %mul3A_1474, %get3A_1473 : vector<16xf32>
          %add3A_1476 = arith.addf %add3A_1443, %mul3A_1475 : vector<16xf32>
          %get3A_1477 = arith.index_cast %add3A_1462 : i32 to index
          %get3A_1478 = arith.constant 32 : index
          %get3A_1479 = tpu.vector_load %arg11[%get3A_1477, %get3A_1478] {strides = array<i32>} : memref<800x64xf32, #tpu.memory_space<vmem>>, vector<1x16xf32>,
          %get3A_1480 = vector.shape_cast %get3A_1479 : vector<1x16xf32> to vector<16xf32>
          %mul3A_1481 = vector.broadcast %squeeze3A_1459 : f32 to vector<16xf32>
          %mul3A_1482 = arith.mulf %mul3A_1481, %get3A_1480 : vector<16xf32>
          %add3A_1483 = arith.addf %add3A_1450, %mul3A_1482 : vector<16xf32>
          %get3A_1484 = arith.index_cast %add3A_1462 : i32 to index
          %get3A_1485 = arith.constant 48 : index
          %get3A_1486 = tpu.vector_load %arg11[%get3A_1484, %get3A_1485] {strides = array<i32>} : memref<800x64xf32, #tpu.memory_space<vmem>>, vector<1x16xf32>,
          %get3A_1487 = vector.shape_cast %get3A_1486 : vector<1x16xf32> to vector<16xf32>
          %mul3A_1488 = vector.broadcast %squeeze3A_1459 : f32 to vector<16xf32>
          %mul3A_1489 = arith.mulf %mul3A_1488, %get3A_1487 : vector<16xf32>
          %add3A_1490 = arith.addf %add3A_1457, %mul3A_1489 : vector<16xf32>
          %slice3A_1491 = vector.extract_strided_slice %get3A_1127 {offsets = [11], sizes = [1], strides = [1]} : vector<16xf32> to vector<1xf32>
          %squeeze3A_1492 = vector.extract %slice3A_1491[0] : f32 from vector<1xf32>
          %add3A_1493 = arith.addi %mul3A_784, %mul3A_1123 : i32
          %add3A_1494 = arith.constant 11 : i32
          %add3A_1495 = arith.addi %add3A_1493, %add3A_1494 : i32
          %get3A_1496 = arith.index_cast %add3A_1495 : i32 to index
          %get3A_1497 = arith.constant 0 : index
          %get3A_1498 = tpu.vector_load %arg11[%get3A_1496, %get3A_1497] {strides = array<i32>} : memref<800x64xf32, #tpu.memory_space<vmem>>, vector<1x16xf32>,
          %get3A_1499 = vector.shape_cast %get3A_1498 : vector<1x16xf32> to vector<16xf32>
          %mul3A_1500 = vector.broadcast %squeeze3A_1492 : f32 to vector<16xf32>
          %mul3A_1501 = arith.mulf %mul3A_1500, %get3A_1499 : vector<16xf32>
          %add3A_1502 = arith.addf %add3A_1469, %mul3A_1501 : vector<16xf32>
          %get3A_1503 = arith.index_cast %add3A_1495 : i32 to index
          %get3A_1504 = arith.constant 16 : index
          %get3A_1505 = tpu.vector_load %arg11[%get3A_1503, %get3A_1504] {strides = array<i32>} : memref<800x64xf32, #tpu.memory_space<vmem>>, vector<1x16xf32>,
          %get3A_1506 = vector.shape_cast %get3A_1505 : vector<1x16xf32> to vector<16xf32>
          %mul3A_1507 = vector.broadcast %squeeze3A_1492 : f32 to vector<16xf32>
          %mul3A_1508 = arith.mulf %mul3A_1507, %get3A_1506 : vector<16xf32>
          %add3A_1509 = arith.addf %add3A_1476, %mul3A_1508 : vector<16xf32>
          %get3A_1510 = arith.index_cast %add3A_1495 : i32 to index
          %get3A_1511 = arith.constant 32 : index
          %get3A_1512 = tpu.vector_load %arg11[%get3A_1510, %get3A_1511] {strides = array<i32>} : memref<800x64xf32, #tpu.memory_space<vmem>>, vector<1x16xf32>,
          %get3A_1513 = vector.shape_cast %get3A_1512 : vector<1x16xf32> to vector<16xf32>
          %mul3A_1514 = vector.broadcast %squeeze3A_1492 : f32 to vector<16xf32>
          %mul3A_1515 = arith.mulf %mul3A_1514, %get3A_1513 : vector<16xf32>
          %add3A_1516 = arith.addf %add3A_1483, %mul3A_1515 : vector<16xf32>
          %get3A_1517 = arith.index_cast %add3A_1495 : i32 to index
          %get3A_1518 = arith.constant 48 : index
          %get3A_1519 = tpu.vector_load %arg11[%get3A_1517, %get3A_1518] {strides = array<i32>} : memref<800x64xf32, #tpu.memory_space<vmem>>, vector<1x16xf32>,
          %get3A_1520 = vector.shape_cast %get3A_1519 : vector<1x16xf32> to vector<16xf32>
          %mul3A_1521 = vector.broadcast %squeeze3A_1492 : f32 to vector<16xf32>
          %mul3A_1522 = arith.mulf %mul3A_1521, %get3A_1520 : vector<16xf32>
          %add3A_1523 = arith.addf %add3A_1490, %mul3A_1522 : vector<16xf32>
          %slice3A_1524 = vector.extract_strided_slice %get3A_1127 {offsets = [12], sizes = [1], strides = [1]} : vector<16xf32> to vector<1xf32>
          %squeeze3A_1525 = vector.extract %slice3A_1524[0] : f32 from vector<1xf32>
          %add3A_1526 = arith.addi %mul3A_784, %mul3A_1123 : i32
          %add3A_1527 = arith.constant 12 : i32
          %add3A_1528 = arith.addi %add3A_1526, %add3A_1527 : i32
          %get3A_1529 = arith.index_cast %add3A_1528 : i32 to index
          %get3A_1530 = arith.constant 0 : index
          %get3A_1531 = tpu.vector_load %arg11[%get3A_1529, %get3A_1530] {strides = array<i32>} : memref<800x64xf32, #tpu.memory_space<vmem>>, vector<1x16xf32>,
          %get3A_1532 = vector.shape_cast %get3A_1531 : vector<1x16xf32> to vector<16xf32>
          %mul3A_1533 = vector.broadcast %squeeze3A_1525 : f32 to vector<16xf32>
          %mul3A_1534 = arith.mulf %mul3A_1533, %get3A_1532 : vector<16xf32>
          %add3A_1535 = arith.addf %add3A_1502, %mul3A_1534 : vector<16xf32>
          %get3A_1536 = arith.index_cast %add3A_1528 : i32 to index
          %get3A_1537 = arith.constant 16 : index
          %get3A_1538 = tpu.vector_load %arg11[%get3A_1536, %get3A_1537] {strides = array<i32>} : memref<800x64xf32, #tpu.memory_space<vmem>>, vector<1x16xf32>,
          %get3A_1539 = vector.shape_cast %get3A_1538 : vector<1x16xf32> to vector<16xf32>
          %mul3A_1540 = vector.broadcast %squeeze3A_1525 : f32 to vector<16xf32>
          %mul3A_1541 = arith.mulf %mul3A_1540, %get3A_1539 : vector<16xf32>
          %add3A_1542 = arith.addf %add3A_1509, %mul3A_1541 : vector<16xf32>
          %get3A_1543 = arith.index_cast %add3A_1528 : i32 to index
          %get3A_1544 = arith.constant 32 : index
          %get3A_1545 = tpu.vector_load %arg11[%get3A_1543, %get3A_1544] {strides = array<i32>} : memref<800x64xf32, #tpu.memory_space<vmem>>, vector<1x16xf32>,
          %get3A_1546 = vector.shape_cast %get3A_1545 : vector<1x16xf32> to vector<16xf32>
          %mul3A_1547 = vector.broadcast %squeeze3A_1525 : f32 to vector<16xf32>
          %mul3A_1548 = arith.mulf %mul3A_1547, %get3A_1546 : vector<16xf32>
          %add3A_1549 = arith.addf %add3A_1516, %mul3A_1548 : vector<16xf32>
          %get3A_1550 = arith.index_cast %add3A_1528 : i32 to index
          %get3A_1551 = arith.constant 48 : index
          %get3A_1552 = tpu.vector_load %arg11[%get3A_1550, %get3A_1551] {strides = array<i32>} : memref<800x64xf32, #tpu.memory_space<vmem>>, vector<1x16xf32>,
          %get3A_1553 = vector.shape_cast %get3A_1552 : vector<1x16xf32> to vector<16xf32>
          %mul3A_1554 = vector.broadcast %squeeze3A_1525 : f32 to vector<16xf32>
          %mul3A_1555 = arith.mulf %mul3A_1554, %get3A_1553 : vector<16xf32>
          %add3A_1556 = arith.addf %add3A_1523, %mul3A_1555 : vector<16xf32>
          %slice3A_1557 = vector.extract_strided_slice %get3A_1127 {offsets = [13], sizes = [1], strides = [1]} : vector<16xf32> to vector<1xf32>
          %squeeze3A_1558 = vector.extract %slice3A_1557[0] : f32 from vector<1xf32>
          %add3A_1559 = arith.addi %mul3A_784, %mul3A_1123 : i32
          %add3A_1560 = arith.constant 13 : i32
          %add3A_1561 = arith.addi %add3A_1559, %add3A_1560 : i32
          %get3A_1562 = arith.index_cast %add3A_1561 : i32 to index
          %get3A_1563 = arith.constant 0 : index
          %get3A_1564 = tpu.vector_load %arg11[%get3A_1562, %get3A_1563] {strides = array<i32>} : memref<800x64xf32, #tpu.memory_space<vmem>>, vector<1x16xf32>,
          %get3A_1565 = vector.shape_cast %get3A_1564 : vector<1x16xf32> to vector<16xf32>
          %mul3A_1566 = vector.broadcast %squeeze3A_1558 : f32 to vector<16xf32>
          %mul3A_1567 = arith.mulf %mul3A_1566, %get3A_1565 : vector<16xf32>
          %add3A_1568 = arith.addf %add3A_1535, %mul3A_1567 : vector<16xf32>
          %get3A_1569 = arith.index_cast %add3A_1561 : i32 to index
          %get3A_1570 = arith.constant 16 : index
          %get3A_1571 = tpu.vector_load %arg11[%get3A_1569, %get3A_1570] {strides = array<i32>} : memref<800x64xf32, #tpu.memory_space<vmem>>, vector<1x16xf32>,
          %get3A_1572 = vector.shape_cast %get3A_1571 : vector<1x16xf32> to vector<16xf32>
          %mul3A_1573 = vector.broadcast %squeeze3A_1558 : f32 to vector<16xf32>
          %mul3A_1574 = arith.mulf %mul3A_1573, %get3A_1572 : vector<16xf32>
          %add3A_1575 = arith.addf %add3A_1542, %mul3A_1574 : vector<16xf32>
          %get3A_1576 = arith.index_cast %add3A_1561 : i32 to index
          %get3A_1577 = arith.constant 32 : index
          %get3A_1578 = tpu.vector_load %arg11[%get3A_1576, %get3A_1577] {strides = array<i32>} : memref<800x64xf32, #tpu.memory_space<vmem>>, vector<1x16xf32>,
          %get3A_1579 = vector.shape_cast %get3A_1578 : vector<1x16xf32> to vector<16xf32>
          %mul3A_1580 = vector.broadcast %squeeze3A_1558 : f32 to vector<16xf32>
          %mul3A_1581 = arith.mulf %mul3A_1580, %get3A_1579 : vector<16xf32>
          %add3A_1582 = arith.addf %add3A_1549, %mul3A_1581 : vector<16xf32>
          %get3A_1583 = arith.index_cast %add3A_1561 : i32 to index
          %get3A_1584 = arith.constant 48 : index
          %get3A_1585 = tpu.vector_load %arg11[%get3A_1583, %get3A_1584] {strides = array<i32>} : memref<800x64xf32, #tpu.memory_space<vmem>>, vector<1x16xf32>,
          %get3A_1586 = vector.shape_cast %get3A_1585 : vector<1x16xf32> to vector<16xf32>
          %mul3A_1587 = vector.broadcast %squeeze3A_1558 : f32 to vector<16xf32>
          %mul3A_1588 = arith.mulf %mul3A_1587, %get3A_1586 : vector<16xf32>
          %add3A_1589 = arith.addf %add3A_1556, %mul3A_1588 : vector<16xf32>
          %slice3A_1590 = vector.extract_strided_slice %get3A_1127 {offsets = [14], sizes = [1], strides = [1]} : vector<16xf32> to vector<1xf32>
          %squeeze3A_1591 = vector.extract %slice3A_1590[0] : f32 from vector<1xf32>
          %add3A_1592 = arith.addi %mul3A_784, %mul3A_1123 : i32
          %add3A_1593 = arith.constant 14 : i32
          %add3A_1594 = arith.addi %add3A_1592, %add3A_1593 : i32
          %get3A_1595 = arith.index_cast %add3A_1594 : i32 to index
          %get3A_1596 = arith.constant 0 : index
          %get3A_1597 = tpu.vector_load %arg11[%get3A_1595, %get3A_1596] {strides = array<i32>} : memref<800x64xf32, #tpu.memory_space<vmem>>, vector<1x16xf32>,
          %get3A_1598 = vector.shape_cast %get3A_1597 : vector<1x16xf32> to vector<16xf32>
          %mul3A_1599 = vector.broadcast %squeeze3A_1591 : f32 to vector<16xf32>
          %mul3A_1600 = arith.mulf %mul3A_1599, %get3A_1598 : vector<16xf32>
          %add3A_1601 = arith.addf %add3A_1568, %mul3A_1600 : vector<16xf32>
          %get3A_1602 = arith.index_cast %add3A_1594 : i32 to index
          %get3A_1603 = arith.constant 16 : index
          %get3A_1604 = tpu.vector_load %arg11[%get3A_1602, %get3A_1603] {strides = array<i32>} : memref<800x64xf32, #tpu.memory_space<vmem>>, vector<1x16xf32>,
          %get3A_1605 = vector.shape_cast %get3A_1604 : vector<1x16xf32> to vector<16xf32>
          %mul3A_1606 = vector.broadcast %squeeze3A_1591 : f32 to vector<16xf32>
          %mul3A_1607 = arith.mulf %mul3A_1606, %get3A_1605 : vector<16xf32>
          %add3A_1608 = arith.addf %add3A_1575, %mul3A_1607 : vector<16xf32>
          %get3A_1609 = arith.index_cast %add3A_1594 : i32 to index
          %get3A_1610 = arith.constant 32 : index
          %get3A_1611 = tpu.vector_load %arg11[%get3A_1609, %get3A_1610] {strides = array<i32>} : memref<800x64xf32, #tpu.memory_space<vmem>>, vector<1x16xf32>,
          %get3A_1612 = vector.shape_cast %get3A_1611 : vector<1x16xf32> to vector<16xf32>
          %mul3A_1613 = vector.broadcast %squeeze3A_1591 : f32 to vector<16xf32>
          %mul3A_1614 = arith.mulf %mul3A_1613, %get3A_1612 : vector<16xf32>
          %add3A_1615 = arith.addf %add3A_1582, %mul3A_1614 : vector<16xf32>
          %get3A_1616 = arith.index_cast %add3A_1594 : i32 to index
          %get3A_1617 = arith.constant 48 : index
          %get3A_1618 = tpu.vector_load %arg11[%get3A_1616, %get3A_1617] {strides = array<i32>} : memref<800x64xf32, #tpu.memory_space<vmem>>, vector<1x16xf32>,
          %get3A_1619 = vector.shape_cast %get3A_1618 : vector<1x16xf32> to vector<16xf32>
          %mul3A_1620 = vector.broadcast %squeeze3A_1591 : f32 to vector<16xf32>
          %mul3A_1621 = arith.mulf %mul3A_1620, %get3A_1619 : vector<16xf32>
          %add3A_1622 = arith.addf %add3A_1589, %mul3A_1621 : vector<16xf32>
          %slice3A_1623 = vector.extract_strided_slice %get3A_1127 {offsets = [15], sizes = [1], strides = [1]} : vector<16xf32> to vector<1xf32>
          %squeeze3A_1624 = vector.extract %slice3A_1623[0] : f32 from vector<1xf32>
          %add3A_1625 = arith.addi %mul3A_784, %mul3A_1123 : i32
          %add3A_1626 = arith.constant 15 : i32
          %add3A_1627 = arith.addi %add3A_1625, %add3A_1626 : i32
          %get3A_1628 = arith.index_cast %add3A_1627 : i32 to index
          %get3A_1629 = arith.constant 0 : index
          %get3A_1630 = tpu.vector_load %arg11[%get3A_1628, %get3A_1629] {strides = array<i32>} : memref<800x64xf32, #tpu.memory_space<vmem>>, vector<1x16xf32>,
          %get3A_1631 = vector.shape_cast %get3A_1630 : vector<1x16xf32> to vector<16xf32>
          %mul3A_1632 = vector.broadcast %squeeze3A_1624 : f32 to vector<16xf32>
          %mul3A_1633 = arith.mulf %mul3A_1632, %get3A_1631 : vector<16xf32>
          %add3A_1634 = arith.addf %add3A_1601, %mul3A_1633 : vector<16xf32>
          %get3A_1635 = arith.index_cast %add3A_1627 : i32 to index
          %get3A_1636 = arith.constant 16 : index
          %get3A_1637 = tpu.vector_load %arg11[%get3A_1635, %get3A_1636] {strides = array<i32>} : memref<800x64xf32, #tpu.memory_space<vmem>>, vector<1x16xf32>,
          %get3A_1638 = vector.shape_cast %get3A_1637 : vector<1x16xf32> to vector<16xf32>
          %mul3A_1639 = vector.broadcast %squeeze3A_1624 : f32 to vector<16xf32>
          %mul3A_1640 = arith.mulf %mul3A_1639, %get3A_1638 : vector<16xf32>
          %add3A_1641 = arith.addf %add3A_1608, %mul3A_1640 : vector<16xf32>
          %get3A_1642 = arith.index_cast %add3A_1627 : i32 to index
          %get3A_1643 = arith.constant 32 : index
          %get3A_1644 = tpu.vector_load %arg11[%get3A_1642, %get3A_1643] {strides = array<i32>} : memref<800x64xf32, #tpu.memory_space<vmem>>, vector<1x16xf32>,
          %get3A_1645 = vector.shape_cast %get3A_1644 : vector<1x16xf32> to vector<16xf32>
          %mul3A_1646 = vector.broadcast %squeeze3A_1624 : f32 to vector<16xf32>
          %mul3A_1647 = arith.mulf %mul3A_1646, %get3A_1645 : vector<16xf32>
          %add3A_1648 = arith.addf %add3A_1615, %mul3A_1647 : vector<16xf32>
          %get3A_1649 = arith.index_cast %add3A_1627 : i32 to index
          %get3A_1650 = arith.constant 48 : index
          %get3A_1651 = tpu.vector_load %arg11[%get3A_1649, %get3A_1650] {strides = array<i32>} : memref<800x64xf32, #tpu.memory_space<vmem>>, vector<1x16xf32>,
          %get3A_1652 = vector.shape_cast %get3A_1651 : vector<1x16xf32> to vector<16xf32>
          %mul3A_1653 = vector.broadcast %squeeze3A_1624 : f32 to vector<16xf32>
          %mul3A_1654 = arith.mulf %mul3A_1653, %get3A_1652 : vector<16xf32>
          %add3A_1655 = arith.addf %add3A_1622, %mul3A_1654 : vector<16xf32>
          scf.yield %add3A_1634, %add3A_1641, %add3A_1648, %add3A_1655 : vector<16xf32>, vector<16xf32>, vector<16xf32>, vector<16xf32>
        }
        %scan3A_791 = arith.constant 12 : i32
        %get3A_792 = arith.index_cast %scan3A_782 : i32 to index
        %get3A_793 = arith.constant 184 : index
        %get3A_794 = tpu.vector_load %arg9[%get3A_792, %get3A_793] {strides = array<i32>} : memref<4x200xf32, #tpu.memory_space<vmem>>, vector<1x16xf32>,
        %get3A_795 = vector.shape_cast %get3A_794 : vector<1x16xf32> to vector<16xf32>
        %slice3A = vector.extract_strided_slice %get3A_795 {offsets = [8], sizes = [1], strides = [1]} : vector<16xf32> to vector<1xf32>
        %squeeze3A = vector.extract %slice3A[0] : f32 from vector<1xf32>
        %add3A_796 = arith.constant 184 : i32
        %add3A_797 = arith.addi %mul3A_784, %add3A_796 : i32
        %add3A_798 = arith.constant 16 : i32
        %add3A_799 = arith.addi %add3A_797, %add3A_798 : i32
        %sub3A = arith.constant 8 : i32
        %sub3A_800 = arith.subi %add3A_799, %sub3A : i32
        %add3A_801 = arith.constant 0 : i32
        %add3A_802 = arith.addi %sub3A_800, %add3A_801 : i32
        %get3A_803 = arith.index_cast %add3A_802 : i32 to index
        %get3A_804 = arith.constant 0 : index
        %get3A_805 = tpu.vector_load %arg11[%get3A_803, %get3A_804] {strides = array<i32>} : memref<800x64xf32, #tpu.memory_space<vmem>>, vector<1x16xf32>,
        %get3A_806 = vector.shape_cast %get3A_805 : vector<1x16xf32> to vector<16xf32>
        %mul3A_807 = vector.broadcast %squeeze3A : f32 to vector<16xf32>
        %mul3A_808 = arith.mulf %mul3A_807, %get3A_806 : vector<16xf32>
        %add3A_809 = arith.addf %scan3A_790#0, %mul3A_808 : vector<16xf32>
        %get3A_810 = arith.index_cast %add3A_802 : i32 to index
        %get3A_811 = arith.constant 16 : index
        %get3A_812 = tpu.vector_load %arg11[%get3A_810, %get3A_811] {strides = array<i32>} : memref<800x64xf32, #tpu.memory_space<vmem>>, vector<1x16xf32>,
        %get3A_813 = vector.shape_cast %get3A_812 : vector<1x16xf32> to vector<16xf32>
        %mul3A_814 = vector.broadcast %squeeze3A : f32 to vector<16xf32>
        %mul3A_815 = arith.mulf %mul3A_814, %get3A_813 : vector<16xf32>
        %add3A_816 = arith.addf %scan3A_790#1, %mul3A_815 : vector<16xf32>
        %get3A_817 = arith.index_cast %add3A_802 : i32 to index
        %get3A_818 = arith.constant 32 : index
        %get3A_819 = tpu.vector_load %arg11[%get3A_817, %get3A_818] {strides = array<i32>} : memref<800x64xf32, #tpu.memory_space<vmem>>, vector<1x16xf32>,
        %get3A_820 = vector.shape_cast %get3A_819 : vector<1x16xf32> to vector<16xf32>
        %mul3A_821 = vector.broadcast %squeeze3A : f32 to vector<16xf32>
        %mul3A_822 = arith.mulf %mul3A_821, %get3A_820 : vector<16xf32>
        %add3A_823 = arith.addf %scan3A_790#2, %mul3A_822 : vector<16xf32>
        %get3A_824 = arith.index_cast %add3A_802 : i32 to index
        %get3A_825 = arith.constant 48 : index
        %get3A_826 = tpu.vector_load %arg11[%get3A_824, %get3A_825] {strides = array<i32>} : memref<800x64xf32, #tpu.memory_space<vmem>>, vector<1x16xf32>,
        %get3A_827 = vector.shape_cast %get3A_826 : vector<1x16xf32> to vector<16xf32>
        %mul3A_828 = vector.broadcast %squeeze3A : f32 to vector<16xf32>
        %mul3A_829 = arith.mulf %mul3A_828, %get3A_827 : vector<16xf32>
        %add3A_830 = arith.addf %scan3A_790#3, %mul3A_829 : vector<16xf32>
        %slice3A_831 = vector.extract_strided_slice %get3A_795 {offsets = [9], sizes = [1], strides = [1]} : vector<16xf32> to vector<1xf32>
        %squeeze3A_832 = vector.extract %slice3A_831[0] : f32 from vector<1xf32>
        %add3A_833 = arith.constant 184 : i32
        %add3A_834 = arith.addi %mul3A_784, %add3A_833 : i32
        %add3A_835 = arith.constant 16 : i32
        %add3A_836 = arith.addi %add3A_834, %add3A_835 : i32
        %sub3A_837 = arith.constant 8 : i32
        %sub3A_838 = arith.subi %add3A_836, %sub3A_837 : i32
        %add3A_839 = arith.constant 1 : i32
        %add3A_840 = arith.addi %sub3A_838, %add3A_839 : i32
        %get3A_841 = arith.index_cast %add3A_840 : i32 to index
        %get3A_842 = arith.constant 0 : index
        %get3A_843 = tpu.vector_load %arg11[%get3A_841, %get3A_842] {strides = array<i32>} : memref<800x64xf32, #tpu.memory_space<vmem>>, vector<1x16xf32>,
        %get3A_844 = vector.shape_cast %get3A_843 : vector<1x16xf32> to vector<16xf32>
        %mul3A_845 = vector.broadcast %squeeze3A_832 : f32 to vector<16xf32>
        %mul3A_846 = arith.mulf %mul3A_845, %get3A_844 : vector<16xf32>
        %add3A_847 = arith.addf %add3A_809, %mul3A_846 : vector<16xf32>
        %get3A_848 = arith.index_cast %add3A_840 : i32 to index
        %get3A_849 = arith.constant 16 : index
        %get3A_850 = tpu.vector_load %arg11[%get3A_848, %get3A_849] {strides = array<i32>} : memref<800x64xf32, #tpu.memory_space<vmem>>, vector<1x16xf32>,
        %get3A_851 = vector.shape_cast %get3A_850 : vector<1x16xf32> to vector<16xf32>
        %mul3A_852 = vector.broadcast %squeeze3A_832 : f32 to vector<16xf32>
        %mul3A_853 = arith.mulf %mul3A_852, %get3A_851 : vector<16xf32>
        %add3A_854 = arith.addf %add3A_816, %mul3A_853 : vector<16xf32>
        %get3A_855 = arith.index_cast %add3A_840 : i32 to index
        %get3A_856 = arith.constant 32 : index
        %get3A_857 = tpu.vector_load %arg11[%get3A_855, %get3A_856] {strides = array<i32>} : memref<800x64xf32, #tpu.memory_space<vmem>>, vector<1x16xf32>,
        %get3A_858 = vector.shape_cast %get3A_857 : vector<1x16xf32> to vector<16xf32>
        %mul3A_859 = vector.broadcast %squeeze3A_832 : f32 to vector<16xf32>
        %mul3A_860 = arith.mulf %mul3A_859, %get3A_858 : vector<16xf32>
        %add3A_861 = arith.addf %add3A_823, %mul3A_860 : vector<16xf32>
        %get3A_862 = arith.index_cast %add3A_840 : i32 to index
        %get3A_863 = arith.constant 48 : index
        %get3A_864 = tpu.vector_load %arg11[%get3A_862, %get3A_863] {strides = array<i32>} : memref<800x64xf32, #tpu.memory_space<vmem>>, vector<1x16xf32>,
        %get3A_865 = vector.shape_cast %get3A_864 : vector<1x16xf32> to vector<16xf32>
        %mul3A_866 = vector.broadcast %squeeze3A_832 : f32 to vector<16xf32>
        %mul3A_867 = arith.mulf %mul3A_866, %get3A_865 : vector<16xf32>
        %add3A_868 = arith.addf %add3A_830, %mul3A_867 : vector<16xf32>
        %slice3A_869 = vector.extract_strided_slice %get3A_795 {offsets = [10], sizes = [1], strides = [1]} : vector<16xf32> to vector<1xf32>
        %squeeze3A_870 = vector.extract %slice3A_869[0] : f32 from vector<1xf32>
        %add3A_871 = arith.constant 184 : i32
        %add3A_872 = arith.addi %mul3A_784, %add3A_871 : i32
        %add3A_873 = arith.constant 16 : i32
        %add3A_874 = arith.addi %add3A_872, %add3A_873 : i32
        %sub3A_875 = arith.constant 8 : i32
        %sub3A_876 = arith.subi %add3A_874, %sub3A_875 : i32
        %add3A_877 = arith.constant 2 : i32
        %add3A_878 = arith.addi %sub3A_876, %add3A_877 : i32
        %get3A_879 = arith.index_cast %add3A_878 : i32 to index
        %get3A_880 = arith.constant 0 : index
        %get3A_881 = tpu.vector_load %arg11[%get3A_879, %get3A_880] {strides = array<i32>} : memref<800x64xf32, #tpu.memory_space<vmem>>, vector<1x16xf32>,
        %get3A_882 = vector.shape_cast %get3A_881 : vector<1x16xf32> to vector<16xf32>
        %mul3A_883 = vector.broadcast %squeeze3A_870 : f32 to vector<16xf32>
        %mul3A_884 = arith.mulf %mul3A_883, %get3A_882 : vector<16xf32>
        %add3A_885 = arith.addf %add3A_847, %mul3A_884 : vector<16xf32>
        %get3A_886 = arith.index_cast %add3A_878 : i32 to index
        %get3A_887 = arith.constant 16 : index
        %get3A_888 = tpu.vector_load %arg11[%get3A_886, %get3A_887] {strides = array<i32>} : memref<800x64xf32, #tpu.memory_space<vmem>>, vector<1x16xf32>,
        %get3A_889 = vector.shape_cast %get3A_888 : vector<1x16xf32> to vector<16xf32>
        %mul3A_890 = vector.broadcast %squeeze3A_870 : f32 to vector<16xf32>
        %mul3A_891 = arith.mulf %mul3A_890, %get3A_889 : vector<16xf32>
        %add3A_892 = arith.addf %add3A_854, %mul3A_891 : vector<16xf32>
        %get3A_893 = arith.index_cast %add3A_878 : i32 to index
        %get3A_894 = arith.constant 32 : index
        %get3A_895 = tpu.vector_load %arg11[%get3A_893, %get3A_894] {strides = array<i32>} : memref<800x64xf32, #tpu.memory_space<vmem>>, vector<1x16xf32>,
        %get3A_896 = vector.shape_cast %get3A_895 : vector<1x16xf32> to vector<16xf32>
        %mul3A_897 = vector.broadcast %squeeze3A_870 : f32 to vector<16xf32>
        %mul3A_898 = arith.mulf %mul3A_897, %get3A_896 : vector<16xf32>
        %add3A_899 = arith.addf %add3A_861, %mul3A_898 : vector<16xf32>
        %get3A_900 = arith.index_cast %add3A_878 : i32 to index
        %get3A_901 = arith.constant 48 : index
        %get3A_902 = tpu.vector_load %arg11[%get3A_900, %get3A_901] {strides = array<i32>} : memref<800x64xf32, #tpu.memory_space<vmem>>, vector<1x16xf32>,
        %get3A_903 = vector.shape_cast %get3A_902 : vector<1x16xf32> to vector<16xf32>
        %mul3A_904 = vector.broadcast %squeeze3A_870 : f32 to vector<16xf32>
        %mul3A_905 = arith.mulf %mul3A_904, %get3A_903 : vector<16xf32>
        %add3A_906 = arith.addf %add3A_868, %mul3A_905 : vector<16xf32>
        %slice3A_907 = vector.extract_strided_slice %get3A_795 {offsets = [11], sizes = [1], strides = [1]} : vector<16xf32> to vector<1xf32>
        %squeeze3A_908 = vector.extract %slice3A_907[0] : f32 from vector<1xf32>
        %add3A_909 = arith.constant 184 : i32
        %add3A_910 = arith.addi %mul3A_784, %add3A_909 : i32
        %add3A_911 = arith.constant 16 : i32
        %add3A_912 = arith.addi %add3A_910, %add3A_911 : i32
        %sub3A_913 = arith.constant 8 : i32
        %sub3A_914 = arith.subi %add3A_912, %sub3A_913 : i32
        %add3A_915 = arith.constant 3 : i32
        %add3A_916 = arith.addi %sub3A_914, %add3A_915 : i32
        %get3A_917 = arith.index_cast %add3A_916 : i32 to index
        %get3A_918 = arith.constant 0 : index
        %get3A_919 = tpu.vector_load %arg11[%get3A_917, %get3A_918] {strides = array<i32>} : memref<800x64xf32, #tpu.memory_space<vmem>>, vector<1x16xf32>,
        %get3A_920 = vector.shape_cast %get3A_919 : vector<1x16xf32> to vector<16xf32>
        %mul3A_921 = vector.broadcast %squeeze3A_908 : f32 to vector<16xf32>
        %mul3A_922 = arith.mulf %mul3A_921, %get3A_920 : vector<16xf32>
        %add3A_923 = arith.addf %add3A_885, %mul3A_922 : vector<16xf32>
        %get3A_924 = arith.index_cast %add3A_916 : i32 to index
        %get3A_925 = arith.constant 16 : index
        %get3A_926 = tpu.vector_load %arg11[%get3A_924, %get3A_925] {strides = array<i32>} : memref<800x64xf32, #tpu.memory_space<vmem>>, vector<1x16xf32>,
        %get3A_927 = vector.shape_cast %get3A_926 : vector<1x16xf32> to vector<16xf32>
        %mul3A_928 = vector.broadcast %squeeze3A_908 : f32 to vector<16xf32>
        %mul3A_929 = arith.mulf %mul3A_928, %get3A_927 : vector<16xf32>
        %add3A_930 = arith.addf %add3A_892, %mul3A_929 : vector<16xf32>
        %get3A_931 = arith.index_cast %add3A_916 : i32 to index
        %get3A_932 = arith.constant 32 : index
        %get3A_933 = tpu.vector_load %arg11[%get3A_931, %get3A_932] {strides = array<i32>} : memref<800x64xf32, #tpu.memory_space<vmem>>, vector<1x16xf32>,
        %get3A_934 = vector.shape_cast %get3A_933 : vector<1x16xf32> to vector<16xf32>
        %mul3A_935 = vector.broadcast %squeeze3A_908 : f32 to vector<16xf32>
        %mul3A_936 = arith.mulf %mul3A_935, %get3A_934 : vector<16xf32>
        %add3A_937 = arith.addf %add3A_899, %mul3A_936 : vector<16xf32>
        %get3A_938 = arith.index_cast %add3A_916 : i32 to index
        %get3A_939 = arith.constant 48 : index
        %get3A_940 = tpu.vector_load %arg11[%get3A_938, %get3A_939] {strides = array<i32>} : memref<800x64xf32, #tpu.memory_space<vmem>>, vector<1x16xf32>,
        %get3A_941 = vector.shape_cast %get3A_940 : vector<1x16xf32> to vector<16xf32>
        %mul3A_942 = vector.broadcast %squeeze3A_908 : f32 to vector<16xf32>
        %mul3A_943 = arith.mulf %mul3A_942, %get3A_941 : vector<16xf32>
        %add3A_944 = arith.addf %add3A_906, %mul3A_943 : vector<16xf32>
        %slice3A_945 = vector.extract_strided_slice %get3A_795 {offsets = [12], sizes = [1], strides = [1]} : vector<16xf32> to vector<1xf32>
        %squeeze3A_946 = vector.extract %slice3A_945[0] : f32 from vector<1xf32>
        %add3A_947 = arith.constant 184 : i32
        %add3A_948 = arith.addi %mul3A_784, %add3A_947 : i32
        %add3A_949 = arith.constant 16 : i32
        %add3A_950 = arith.addi %add3A_948, %add3A_949 : i32
        %sub3A_951 = arith.constant 8 : i32
        %sub3A_952 = arith.subi %add3A_950, %sub3A_951 : i32
        %add3A_953 = arith.constant 4 : i32
        %add3A_954 = arith.addi %sub3A_952, %add3A_953 : i32
        %get3A_955 = arith.index_cast %add3A_954 : i32 to index
        %get3A_956 = arith.constant 0 : index
        %get3A_957 = tpu.vector_load %arg11[%get3A_955, %get3A_956] {strides = array<i32>} : memref<800x64xf32, #tpu.memory_space<vmem>>, vector<1x16xf32>,
        %get3A_958 = vector.shape_cast %get3A_957 : vector<1x16xf32> to vector<16xf32>
        %mul3A_959 = vector.broadcast %squeeze3A_946 : f32 to vector<16xf32>
        %mul3A_960 = arith.mulf %mul3A_959, %get3A_958 : vector<16xf32>
        %add3A_961 = arith.addf %add3A_923, %mul3A_960 : vector<16xf32>
        %get3A_962 = arith.index_cast %add3A_954 : i32 to index
        %get3A_963 = arith.constant 16 : index
        %get3A_964 = tpu.vector_load %arg11[%get3A_962, %get3A_963] {strides = array<i32>} : memref<800x64xf32, #tpu.memory_space<vmem>>, vector<1x16xf32>,
        %get3A_965 = vector.shape_cast %get3A_964 : vector<1x16xf32> to vector<16xf32>
        %mul3A_966 = vector.broadcast %squeeze3A_946 : f32 to vector<16xf32>
        %mul3A_967 = arith.mulf %mul3A_966, %get3A_965 : vector<16xf32>
        %add3A_968 = arith.addf %add3A_930, %mul3A_967 : vector<16xf32>
        %get3A_969 = arith.index_cast %add3A_954 : i32 to index
        %get3A_970 = arith.constant 32 : index
        %get3A_971 = tpu.vector_load %arg11[%get3A_969, %get3A_970] {strides = array<i32>} : memref<800x64xf32, #tpu.memory_space<vmem>>, vector<1x16xf32>,
        %get3A_972 = vector.shape_cast %get3A_971 : vector<1x16xf32> to vector<16xf32>
        %mul3A_973 = vector.broadcast %squeeze3A_946 : f32 to vector<16xf32>
        %mul3A_974 = arith.mulf %mul3A_973, %get3A_972 : vector<16xf32>
        %add3A_975 = arith.addf %add3A_937, %mul3A_974 : vector<16xf32>
        %get3A_976 = arith.index_cast %add3A_954 : i32 to index
        %get3A_977 = arith.constant 48 : index
        %get3A_978 = tpu.vector_load %arg11[%get3A_976, %get3A_977] {strides = array<i32>} : memref<800x64xf32, #tpu.memory_space<vmem>>, vector<1x16xf32>,
        %get3A_979 = vector.shape_cast %get3A_978 : vector<1x16xf32> to vector<16xf32>
        %mul3A_980 = vector.broadcast %squeeze3A_946 : f32 to vector<16xf32>
        %mul3A_981 = arith.mulf %mul3A_980, %get3A_979 : vector<16xf32>
        %add3A_982 = arith.addf %add3A_944, %mul3A_981 : vector<16xf32>
        %slice3A_983 = vector.extract_strided_slice %get3A_795 {offsets = [13], sizes = [1], strides = [1]} : vector<16xf32> to vector<1xf32>
        %squeeze3A_984 = vector.extract %slice3A_983[0] : f32 from vector<1xf32>
        %add3A_985 = arith.constant 184 : i32
        %add3A_986 = arith.addi %mul3A_784, %add3A_985 : i32
        %add3A_987 = arith.constant 16 : i32
        %add3A_988 = arith.addi %add3A_986, %add3A_987 : i32
        %sub3A_989 = arith.constant 8 : i32
        %sub3A_990 = arith.subi %add3A_988, %sub3A_989 : i32
        %add3A_991 = arith.constant 5 : i32
        %add3A_992 = arith.addi %sub3A_990, %add3A_991 : i32
        %get3A_993 = arith.index_cast %add3A_992 : i32 to index
        %get3A_994 = arith.constant 0 : index
        %get3A_995 = tpu.vector_load %arg11[%get3A_993, %get3A_994] {strides = array<i32>} : memref<800x64xf32, #tpu.memory_space<vmem>>, vector<1x16xf32>,
        %get3A_996 = vector.shape_cast %get3A_995 : vector<1x16xf32> to vector<16xf32>
        %mul3A_997 = vector.broadcast %squeeze3A_984 : f32 to vector<16xf32>
        %mul3A_998 = arith.mulf %mul3A_997, %get3A_996 : vector<16xf32>
        %add3A_999 = arith.addf %add3A_961, %mul3A_998 : vector<16xf32>
        %get3A_1000 = arith.index_cast %add3A_992 : i32 to index
        %get3A_1001 = arith.constant 16 : index
        %get3A_1002 = tpu.vector_load %arg11[%get3A_1000, %get3A_1001] {strides = array<i32>} : memref<800x64xf32, #tpu.memory_space<vmem>>, vector<1x16xf32>,
        %get3A_1003 = vector.shape_cast %get3A_1002 : vector<1x16xf32> to vector<16xf32>
        %mul3A_1004 = vector.broadcast %squeeze3A_984 : f32 to vector<16xf32>
        %mul3A_1005 = arith.mulf %mul3A_1004, %get3A_1003 : vector<16xf32>
        %add3A_1006 = arith.addf %add3A_968, %mul3A_1005 : vector<16xf32>
        %get3A_1007 = arith.index_cast %add3A_992 : i32 to index
        %get3A_1008 = arith.constant 32 : index
        %get3A_1009 = tpu.vector_load %arg11[%get3A_1007, %get3A_1008] {strides = array<i32>} : memref<800x64xf32, #tpu.memory_space<vmem>>, vector<1x16xf32>,
        %get3A_1010 = vector.shape_cast %get3A_1009 : vector<1x16xf32> to vector<16xf32>
        %mul3A_1011 = vector.broadcast %squeeze3A_984 : f32 to vector<16xf32>
        %mul3A_1012 = arith.mulf %mul3A_1011, %get3A_1010 : vector<16xf32>
        %add3A_1013 = arith.addf %add3A_975, %mul3A_1012 : vector<16xf32>
        %get3A_1014 = arith.index_cast %add3A_992 : i32 to index
        %get3A_1015 = arith.constant 48 : index
        %get3A_1016 = tpu.vector_load %arg11[%get3A_1014, %get3A_1015] {strides = array<i32>} : memref<800x64xf32, #tpu.memory_space<vmem>>, vector<1x16xf32>,
        %get3A_1017 = vector.shape_cast %get3A_1016 : vector<1x16xf32> to vector<16xf32>
        %mul3A_1018 = vector.broadcast %squeeze3A_984 : f32 to vector<16xf32>
        %mul3A_1019 = arith.mulf %mul3A_1018, %get3A_1017 : vector<16xf32>
        %add3A_1020 = arith.addf %add3A_982, %mul3A_1019 : vector<16xf32>
        %slice3A_1021 = vector.extract_strided_slice %get3A_795 {offsets = [14], sizes = [1], strides = [1]} : vector<16xf32> to vector<1xf32>
        %squeeze3A_1022 = vector.extract %slice3A_1021[0] : f32 from vector<1xf32>
        %add3A_1023 = arith.constant 184 : i32
        %add3A_1024 = arith.addi %mul3A_784, %add3A_1023 : i32
        %add3A_1025 = arith.constant 16 : i32
        %add3A_1026 = arith.addi %add3A_1024, %add3A_1025 : i32
        %sub3A_1027 = arith.constant 8 : i32
        %sub3A_1028 = arith.subi %add3A_1026, %sub3A_1027 : i32
        %add3A_1029 = arith.constant 6 : i32
        %add3A_1030 = arith.addi %sub3A_1028, %add3A_1029 : i32
        %get3A_1031 = arith.index_cast %add3A_1030 : i32 to index
        %get3A_1032 = arith.constant 0 : index
        %get3A_1033 = tpu.vector_load %arg11[%get3A_1031, %get3A_1032] {strides = array<i32>} : memref<800x64xf32, #tpu.memory_space<vmem>>, vector<1x16xf32>,
        %get3A_1034 = vector.shape_cast %get3A_1033 : vector<1x16xf32> to vector<16xf32>
        %mul3A_1035 = vector.broadcast %squeeze3A_1022 : f32 to vector<16xf32>
        %mul3A_1036 = arith.mulf %mul3A_1035, %get3A_1034 : vector<16xf32>
        %add3A_1037 = arith.addf %add3A_999, %mul3A_1036 : vector<16xf32>
        %get3A_1038 = arith.index_cast %add3A_1030 : i32 to index
        %get3A_1039 = arith.constant 16 : index
        %get3A_1040 = tpu.vector_load %arg11[%get3A_1038, %get3A_1039] {strides = array<i32>} : memref<800x64xf32, #tpu.memory_space<vmem>>, vector<1x16xf32>,
        %get3A_1041 = vector.shape_cast %get3A_1040 : vector<1x16xf32> to vector<16xf32>
        %mul3A_1042 = vector.broadcast %squeeze3A_1022 : f32 to vector<16xf32>
        %mul3A_1043 = arith.mulf %mul3A_1042, %get3A_1041 : vector<16xf32>
        %add3A_1044 = arith.addf %add3A_1006, %mul3A_1043 : vector<16xf32>
        %get3A_1045 = arith.index_cast %add3A_1030 : i32 to index
        %get3A_1046 = arith.constant 32 : index
        %get3A_1047 = tpu.vector_load %arg11[%get3A_1045, %get3A_1046] {strides = array<i32>} : memref<800x64xf32, #tpu.memory_space<vmem>>, vector<1x16xf32>,
        %get3A_1048 = vector.shape_cast %get3A_1047 : vector<1x16xf32> to vector<16xf32>
        %mul3A_1049 = vector.broadcast %squeeze3A_1022 : f32 to vector<16xf32>
        %mul3A_1050 = arith.mulf %mul3A_1049, %get3A_1048 : vector<16xf32>
        %add3A_1051 = arith.addf %add3A_1013, %mul3A_1050 : vector<16xf32>
        %get3A_1052 = arith.index_cast %add3A_1030 : i32 to index
        %get3A_1053 = arith.constant 48 : index
        %get3A_1054 = tpu.vector_load %arg11[%get3A_1052, %get3A_1053] {strides = array<i32>} : memref<800x64xf32, #tpu.memory_space<vmem>>, vector<1x16xf32>,
        %get3A_1055 = vector.shape_cast %get3A_1054 : vector<1x16xf32> to vector<16xf32>
        %mul3A_1056 = vector.broadcast %squeeze3A_1022 : f32 to vector<16xf32>
        %mul3A_1057 = arith.mulf %mul3A_1056, %get3A_1055 : vector<16xf32>
        %add3A_1058 = arith.addf %add3A_1020, %mul3A_1057 : vector<16xf32>
        %slice3A_1059 = vector.extract_strided_slice %get3A_795 {offsets = [15], sizes = [1], strides = [1]} : vector<16xf32> to vector<1xf32>
        %squeeze3A_1060 = vector.extract %slice3A_1059[0] : f32 from vector<1xf32>
        %add3A_1061 = arith.constant 184 : i32
        %add3A_1062 = arith.addi %mul3A_784, %add3A_1061 : i32
        %add3A_1063 = arith.constant 16 : i32
        %add3A_1064 = arith.addi %add3A_1062, %add3A_1063 : i32
        %sub3A_1065 = arith.constant 8 : i32
        %sub3A_1066 = arith.subi %add3A_1064, %sub3A_1065 : i32
        %add3A_1067 = arith.constant 7 : i32
        %add3A_1068 = arith.addi %sub3A_1066, %add3A_1067 : i32
        %get3A_1069 = arith.index_cast %add3A_1068 : i32 to index
        %get3A_1070 = arith.constant 0 : index
        %get3A_1071 = tpu.vector_load %arg11[%get3A_1069, %get3A_1070] {strides = array<i32>} : memref<800x64xf32, #tpu.memory_space<vmem>>, vector<1x16xf32>,
        %get3A_1072 = vector.shape_cast %get3A_1071 : vector<1x16xf32> to vector<16xf32>
        %mul3A_1073 = vector.broadcast %squeeze3A_1060 : f32 to vector<16xf32>
        %mul3A_1074 = arith.mulf %mul3A_1073, %get3A_1072 : vector<16xf32>
        %add3A_1075 = arith.addf %add3A_1037, %mul3A_1074 : vector<16xf32>
        %get3A_1076 = arith.index_cast %add3A_1068 : i32 to index
        %get3A_1077 = arith.constant 16 : index
        %get3A_1078 = tpu.vector_load %arg11[%get3A_1076, %get3A_1077] {strides = array<i32>} : memref<800x64xf32, #tpu.memory_space<vmem>>, vector<1x16xf32>,
        %get3A_1079 = vector.shape_cast %get3A_1078 : vector<1x16xf32> to vector<16xf32>
        %mul3A_1080 = vector.broadcast %squeeze3A_1060 : f32 to vector<16xf32>
        %mul3A_1081 = arith.mulf %mul3A_1080, %get3A_1079 : vector<16xf32>
        %add3A_1082 = arith.addf %add3A_1044, %mul3A_1081 : vector<16xf32>
        %get3A_1083 = arith.index_cast %add3A_1068 : i32 to index
        %get3A_1084 = arith.constant 32 : index
        %get3A_1085 = tpu.vector_load %arg11[%get3A_1083, %get3A_1084] {strides = array<i32>} : memref<800x64xf32, #tpu.memory_space<vmem>>, vector<1x16xf32>,
        %get3A_1086 = vector.shape_cast %get3A_1085 : vector<1x16xf32> to vector<16xf32>
        %mul3A_1087 = vector.broadcast %squeeze3A_1060 : f32 to vector<16xf32>
        %mul3A_1088 = arith.mulf %mul3A_1087, %get3A_1086 : vector<16xf32>
        %add3A_1089 = arith.addf %add3A_1051, %mul3A_1088 : vector<16xf32>
        %get3A_1090 = arith.index_cast %add3A_1068 : i32 to index
        %get3A_1091 = arith.constant 48 : index
        %get3A_1092 = tpu.vector_load %arg11[%get3A_1090, %get3A_1091] {strides = array<i32>} : memref<800x64xf32, #tpu.memory_space<vmem>>, vector<1x16xf32>,
        %get3A_1093 = vector.shape_cast %get3A_1092 : vector<1x16xf32> to vector<16xf32>
        %mul3A_1094 = vector.broadcast %squeeze3A_1060 : f32 to vector<16xf32>
        %mul3A_1095 = arith.mulf %mul3A_1094, %get3A_1093 : vector<16xf32>
        %add3A_1096 = arith.addf %add3A_1058, %mul3A_1095 : vector<16xf32>
        %swap3A_1097 = arith.index_cast %scan3A_782 : i32 to index
        %swap3A_1098 = arith.constant 0 : index
        %swap3A_1099 = tpu.vector_load %arg12[%swap3A_1097, %swap3A_1098] {strides = array<i32>} : memref<4x64xf32, #tpu.memory_space<vmem>>, vector<1x16xf32>,
        %swap3A_1100 = vector.shape_cast %swap3A_1099 : vector<1x16xf32> to vector<16xf32>
        %swap3A_1101 = vector.shape_cast %add3A_1075 : vector<16xf32> to vector<1x16xf32>
        tpu.vector_store %arg12[%swap3A_1097, %swap3A_1098], %swap3A_1101 {strides = array<i32>} : memref<4x64xf32, #tpu.memory_space<vmem>>, vector<1x16xf32>,
        %swap3A_1102 = arith.index_cast %scan3A_782 : i32 to index
        %swap3A_1103 = arith.constant 16 : index
        %swap3A_1104 = tpu.vector_load %arg12[%swap3A_1102, %swap3A_1103] {strides = array<i32>} : memref<4x64xf32, #tpu.memory_space<vmem>>, vector<1x16xf32>,
        %swap3A_1105 = vector.shape_cast %swap3A_1104 : vector<1x16xf32> to vector<16xf32>
        %swap3A_1106 = vector.shape_cast %add3A_1082 : vector<16xf32> to vector<1x16xf32>
        tpu.vector_store %arg12[%swap3A_1102, %swap3A_1103], %swap3A_1106 {strides = array<i32>} : memref<4x64xf32, #tpu.memory_space<vmem>>, vector<1x16xf32>,
        %swap3A_1107 = arith.index_cast %scan3A_782 : i32 to index
        %swap3A_1108 = arith.constant 32 : index
        %swap3A_1109 = tpu.vector_load %arg12[%swap3A_1107, %swap3A_1108] {strides = array<i32>} : memref<4x64xf32, #tpu.memory_space<vmem>>, vector<1x16xf32>,
        %swap3A_1110 = vector.shape_cast %swap3A_1109 : vector<1x16xf32> to vector<16xf32>
        %swap3A_1111 = vector.shape_cast %add3A_1089 : vector<16xf32> to vector<1x16xf32>
        tpu.vector_store %arg12[%swap3A_1107, %swap3A_1108], %swap3A_1111 {strides = array<i32>} : memref<4x64xf32, #tpu.memory_space<vmem>>, vector<1x16xf32>,
        %swap3A_1112 = arith.index_cast %scan3A_782 : i32 to index
        %swap3A_1113 = arith.constant 48 : index
        %swap3A_1114 = tpu.vector_load %arg12[%swap3A_1112, %swap3A_1113] {strides = array<i32>} : memref<4x64xf32, #tpu.memory_space<vmem>>, vector<1x16xf32>,
        %swap3A_1115 = vector.shape_cast %swap3A_1114 : vector<1x16xf32> to vector<16xf32>
        %swap3A_1116 = vector.shape_cast %add3A_1096 : vector<16xf32> to vector<1x16xf32>
        tpu.vector_store %arg12[%swap3A_1112, %swap3A_1113], %swap3A_1116 {strides = array<i32>} : memref<4x64xf32, #tpu.memory_space<vmem>>, vector<1x16xf32>,
      }
      %scan3A_771 = arith.constant 4 : i32
      %mul3A_772 = arith.constant 4 : i32
      %mul3A_773 = arith.muli %add3A_752, %mul3A_772 : i32
      %add3A_774 = arith.addi %mul3A_2, %mul3A_773 : i32
      "tpu.region"() ({
        %run_scoped3A = tpu.sem_alloc : memref<!tpu.dma_semaphore, #tpu.memory_space<semaphore_mem>>
        %dma_start3A_782 = arith.constant 0 : i32
        %dma_start3A_783 = tpu.memref_slice %arg5[%add3A_774, %dma_start3A_782] : memref<16384x64xf32, #tpu.memory_space<hbm>> -> memref<4x64xf32, #tpu.memory_space<hbm>>
        %dma_start3A_784 = arith.constant 0 : i32
        %dma_start3A_785 = tpu.memref_slice %arg5[%add3A_774, %dma_start3A_784] : memref<16384x64xf32, #tpu.memory_space<hbm>> -> memref<4x64xf32, #tpu.memory_space<hbm>>
        tpu.enqueue_dma source(%arg12 : memref<4x64xf32, #tpu.memory_space<vmem>>) target(%dma_start3A_785 : memref<4x64xf32, #tpu.memory_space<hbm>>) target_semaphore(%run_scoped3A : memref<!tpu.dma_semaphore, #tpu.memory_space<semaphore_mem>>)
        %dma_wait3A_786 = arith.constant 0 : i32
        %dma_wait3A_787 = tpu.memref_slice %arg5[%add3A_774, %dma_wait3A_786] : memref<16384x64xf32, #tpu.memory_space<hbm>> -> memref<4x64xf32, #tpu.memory_space<hbm>>
        %dma_wait3A_788 = arith.constant 0 : i32
        %dma_wait3A_789 = tpu.memref_slice %arg5[%add3A_774, %dma_wait3A_788] : memref<16384x64xf32, #tpu.memory_space<hbm>> -> memref<4x64xf32, #tpu.memory_space<hbm>>
        tpu.wait_dma2 semaphore(%run_scoped3A : memref<!tpu.dma_semaphore, #tpu.memory_space<semaphore_mem>>) src(%arg12 : memref<4x64xf32, #tpu.memory_space<vmem>>) dst(%dma_wait3A_789 : memref<4x64xf32, #tpu.memory_space<hbm>>)
        tpu.yield
      }) : () -> ()
      %add3A_775 = arith.constant 2 : i32
      %add3A_776 = arith.addi %add3A_752, %add3A_775 : i32
      %lt3A_777 = arith.constant 128 : i32
      %lt3A_778 = arith.cmpi slt, %add3A_776, %lt3A_777 : i32
      %convert_element_type3A_779 = arith.extui %lt3A_778 : i1 to i32
      %cond3A_780 = arith.constant 0 : i32
      %cond3A_781 = arith.cmpi ne, %convert_element_type3A_779, %cond3A_780 : i32
      scf.if %cond3A_781 {
        %add3A_782 = arith.constant 2 : i32
        %add3A_783 = arith.addi %add3A_752, %add3A_782 : i32
        %mul3A_784 = arith.constant 4 : i32
        %mul3A_785 = arith.muli %add3A_783, %mul3A_784 : i32
        %add3A_786 = arith.addi %mul3A_2, %mul3A_785 : i32
        %add3A_787 = arith.constant 0 : i32
        %add3A_788 = arith.addi %add3A_786, %add3A_787 : i32
        %dma_start3A_789 = arith.constant 0 : i32
        %dma_start3A_790 = tpu.memref_slice %arg7[%dma_start3A_789] : memref<800xi32, #tpu.memory_space<vmem>> -> memref<200xi32, #tpu.memory_space<vmem>>
        %dma_start3A_791 = arith.constant 0 : i32
        %dma_start3A_792 = tpu.memref_slice %arg2[%add3A_788, %dma_start3A_791] : memref<16384x200xi32, #tpu.memory_space<hbm>> -> memref<1x200xi32, #tpu.memory_space<hbm>>
        %dma_start3A_793 = tpu.memref_squeeze %dma_start3A_792 : memref<1x200xi32, #tpu.memory_space<hbm>> -> memref<200xi32, #tpu.memory_space<hbm>>
        %dma_start3A_794 = arith.constant 0 : i32
        %dma_start3A_795 = tpu.memref_slice %arg7[%dma_start3A_794] : memref<800xi32, #tpu.memory_space<vmem>> -> memref<200xi32, #tpu.memory_space<vmem>>
        %dma_start3A_796 = arith.constant 0 : i32
        %dma_start3A_797 = tpu.memref_slice %arg2[%add3A_788, %dma_start3A_796] : memref<16384x200xi32, #tpu.memory_space<hbm>> -> memref<1x200xi32, #tpu.memory_space<hbm>>
        %dma_start3A_798 = tpu.memref_squeeze %dma_start3A_797 : memref<1x200xi32, #tpu.memory_space<hbm>> -> memref<200xi32, #tpu.memory_space<hbm>>
        tpu.enqueue_dma source(%dma_start3A_798 : memref<200xi32, #tpu.memory_space<hbm>>) target(%dma_start3A_795 : memref<200xi32, #tpu.memory_space<vmem>>) target_semaphore(%arg14 : memref<!tpu.dma_semaphore, #tpu.memory_space<semaphore_mem>>)
        %add3A_799 = arith.constant 1 : i32
        %add3A_800 = arith.addi %add3A_786, %add3A_799 : i32
        %dma_start3A_801 = arith.constant 200 : i32
        %dma_start3A_802 = tpu.memref_slice %arg7[%dma_start3A_801] : memref<800xi32, #tpu.memory_space<vmem>> -> memref<200xi32, #tpu.memory_space<vmem>>
        %dma_start3A_803 = arith.constant 0 : i32
        %dma_start3A_804 = tpu.memref_slice %arg2[%add3A_800, %dma_start3A_803] : memref<16384x200xi32, #tpu.memory_space<hbm>> -> memref<1x200xi32, #tpu.memory_space<hbm>>
        %dma_start3A_805 = tpu.memref_squeeze %dma_start3A_804 : memref<1x200xi32, #tpu.memory_space<hbm>> -> memref<200xi32, #tpu.memory_space<hbm>>
        %dma_start3A_806 = arith.constant 200 : i32
        %dma_start3A_807 = tpu.memref_slice %arg7[%dma_start3A_806] : memref<800xi32, #tpu.memory_space<vmem>> -> memref<200xi32, #tpu.memory_space<vmem>>
        %dma_start3A_808 = arith.constant 0 : i32
        %dma_start3A_809 = tpu.memref_slice %arg2[%add3A_800, %dma_start3A_808] : memref<16384x200xi32, #tpu.memory_space<hbm>> -> memref<1x200xi32, #tpu.memory_space<hbm>>
        %dma_start3A_810 = tpu.memref_squeeze %dma_start3A_809 : memref<1x200xi32, #tpu.memory_space<hbm>> -> memref<200xi32, #tpu.memory_space<hbm>>
        tpu.enqueue_dma source(%dma_start3A_810 : memref<200xi32, #tpu.memory_space<hbm>>) target(%dma_start3A_807 : memref<200xi32, #tpu.memory_space<vmem>>) target_semaphore(%arg14 : memref<!tpu.dma_semaphore, #tpu.memory_space<semaphore_mem>>)
        %add3A_811 = arith.constant 2 : i32
        %add3A_812 = arith.addi %add3A_786, %add3A_811 : i32
        %dma_start3A_813 = arith.constant 400 : i32
        %dma_start3A_814 = tpu.memref_slice %arg7[%dma_start3A_813] : memref<800xi32, #tpu.memory_space<vmem>> -> memref<200xi32, #tpu.memory_space<vmem>>
        %dma_start3A_815 = arith.constant 0 : i32
        %dma_start3A_816 = tpu.memref_slice %arg2[%add3A_812, %dma_start3A_815] : memref<16384x200xi32, #tpu.memory_space<hbm>> -> memref<1x200xi32, #tpu.memory_space<hbm>>
        %dma_start3A_817 = tpu.memref_squeeze %dma_start3A_816 : memref<1x200xi32, #tpu.memory_space<hbm>> -> memref<200xi32, #tpu.memory_space<hbm>>
        %dma_start3A_818 = arith.constant 400 : i32
        %dma_start3A_819 = tpu.memref_slice %arg7[%dma_start3A_818] : memref<800xi32, #tpu.memory_space<vmem>> -> memref<200xi32, #tpu.memory_space<vmem>>
        %dma_start3A_820 = arith.constant 0 : i32
        %dma_start3A_821 = tpu.memref_slice %arg2[%add3A_812, %dma_start3A_820] : memref<16384x200xi32, #tpu.memory_space<hbm>> -> memref<1x200xi32, #tpu.memory_space<hbm>>
        %dma_start3A_822 = tpu.memref_squeeze %dma_start3A_821 : memref<1x200xi32, #tpu.memory_space<hbm>> -> memref<200xi32, #tpu.memory_space<hbm>>
        tpu.enqueue_dma source(%dma_start3A_822 : memref<200xi32, #tpu.memory_space<hbm>>) target(%dma_start3A_819 : memref<200xi32, #tpu.memory_space<vmem>>) target_semaphore(%arg14 : memref<!tpu.dma_semaphore, #tpu.memory_space<semaphore_mem>>)
        %add3A_823 = arith.constant 3 : i32
        %add3A_824 = arith.addi %add3A_786, %add3A_823 : i32
        %dma_start3A_825 = arith.constant 600 : i32
        %dma_start3A_826 = tpu.memref_slice %arg7[%dma_start3A_825] : memref<800xi32, #tpu.memory_space<vmem>> -> memref<200xi32, #tpu.memory_space<vmem>>
        %dma_start3A_827 = arith.constant 0 : i32
        %dma_start3A_828 = tpu.memref_slice %arg2[%add3A_824, %dma_start3A_827] : memref<16384x200xi32, #tpu.memory_space<hbm>> -> memref<1x200xi32, #tpu.memory_space<hbm>>
        %dma_start3A_829 = tpu.memref_squeeze %dma_start3A_828 : memref<1x200xi32, #tpu.memory_space<hbm>> -> memref<200xi32, #tpu.memory_space<hbm>>
        %dma_start3A_830 = arith.constant 600 : i32
        %dma_start3A_831 = tpu.memref_slice %arg7[%dma_start3A_830] : memref<800xi32, #tpu.memory_space<vmem>> -> memref<200xi32, #tpu.memory_space<vmem>>
        %dma_start3A_832 = arith.constant 0 : i32
        %dma_start3A_833 = tpu.memref_slice %arg2[%add3A_824, %dma_start3A_832] : memref<16384x200xi32, #tpu.memory_space<hbm>> -> memref<1x200xi32, #tpu.memory_space<hbm>>
        %dma_start3A_834 = tpu.memref_squeeze %dma_start3A_833 : memref<1x200xi32, #tpu.memory_space<hbm>> -> memref<200xi32, #tpu.memory_space<hbm>>
        tpu.enqueue_dma source(%dma_start3A_834 : memref<200xi32, #tpu.memory_space<hbm>>) target(%dma_start3A_831 : memref<200xi32, #tpu.memory_space<vmem>>) target_semaphore(%arg14 : memref<!tpu.dma_semaphore, #tpu.memory_space<semaphore_mem>>)
        %dma_start3A_835 = arith.constant 0 : i32
        %dma_start3A_836 = tpu.memref_slice %arg3[%add3A_786, %dma_start3A_835] : memref<16384x200xf32, #tpu.memory_space<hbm>> -> memref<4x200xf32, #tpu.memory_space<hbm>>
        %dma_start3A_837 = arith.constant 0 : i32
        %dma_start3A_838 = tpu.memref_slice %arg3[%add3A_786, %dma_start3A_837] : memref<16384x200xf32, #tpu.memory_space<hbm>> -> memref<4x200xf32, #tpu.memory_space<hbm>>
        tpu.enqueue_dma source(%dma_start3A_838 : memref<4x200xf32, #tpu.memory_space<hbm>>) target(%arg9 : memref<4x200xf32, #tpu.memory_space<vmem>>) target_semaphore(%arg16 : memref<!tpu.dma_semaphore, #tpu.memory_space<semaphore_mem>>)
      } else {
      }
    }
    %scan3A_717 = arith.constant 64 : i32
    return
  }
}

</mosaic_0001>

<sc_bundles>
// kernel: kernel.3.cloned.1.call-start
scs
__scs_entry_jumppad:
0x0: {  	(pc) =	sbr.rel $0x88, $3  }
0x1: {  	(tag) =	ssettag $0x0;
	lr =	simm.s32 $0x1  }
0x2: {  	[smem:$0x3F9E] =	sst lr;
	_ =	strace $0xD0000000  }
0x3: {  	_ = 	snop  }
0x4: {  	_ = 	snop  }
0x5: {  	_ = 	snop  }
0x6: {  	_ = 	snop  }
0x7: {  	_ = 	snop  }
__scs_overlays_trampoline_lowered:
0x8: {  	[smem:$0x3FAD] =	sst s0  }
0x9: {  	[smem:$0x3FAE] =	sst s1  }
0xa: {  	[smem:$0x3FAF] =	sst s2  }
0xb: {  	[smem:$0x3FB0] =	sst s3  }
0xc: {  	[smem:$0x3FB1] =	sst s4  }
0xd: {  	[smem:$0x3FB2] =	sst s5  }
0xe: {  	[smem:$0x3FB3] =	sst s6  }
0xf: {  	[smem:$0x3FB4] =	sst s7  }
0x10: {  	[smem:$0x3FB5] =	sst s8  }
0x11: {  	[smem:$0x3FB6] =	sst s9;
	s0 =	simm.s32 @!p0 $0x0  }
0x12: {  	s1 =	sld [smem:$0x3F9C];
	s0 =	simm.s32 @p0 $0x1  }
0x13: {  	[smem:$0x3FB7] =	sst s0;
	s0 =	simm.s32 @!p1 $0x0  }
0x14: {  	s2 =	sld [smem:$0x3F9B];
	s0 =	simm.s32 @p1 $0x1  }
0x15: {  	[smem:$0x3FB8] =	sst s0;
	s0 =	simm.s32 @!p2 $0x0  }
0x16: {  	s3 =	sld [smem:$0x3FDB];
	s0 =	simm.s32 @p2 $0x1  }
0x17: {  	s4 =	simm.s32 $0x1BF5;
	[smem:$0x3FBA] =	sst s0  }
0x18: {  	s0 =	sld [smem:$0x3F9D];
	_ =	swait.ge [sflag:s4], $0x0  }
0x19: {  	s7 =	sld [smem:$0x3F9E]  }
0x1a: {  	s8 =	sadd.s32 $0xFFFFE003, lr  }
0x1b: {  	s9 =	sadd.s32 $0xFFFFFEF7, lr;
	s5 =	simm.s32 $0xFFFFFFFF;
	p2 =	slt.u32 s8, $0xFFFFF086  }
0x1c: {  	p1 =	slt.u32 s9, $0xF7A;
	s5 =	simm.s32 @!p2 $0x0  }
0x1d: {  	s5 =	simm.s32 @p1 $0x1;
	p0 =	seq.s32 s7, s2  }
0x1e: {  	s7 =	smul.u32 @!p0 $0xF7A, s2;
	p2 =	seq.s32 @!p0 s5, $0x0  }
0x1f: {  	s9 =	smul.u32 $0xF7A, s1;
	s8 =	simm.s32 @!p0 $0x1BF5;
	p2 =	por !p2, p0  }
0x20: {  	[sflag:s8] =	ssyncset.s32 @!p0 $0xFFFFF086;
	s6 =	sadd.s32 @!p0 s3, s7;
	s7 =	simm.s32 @!p0 $0x108  }
0x21: {  	s3 =	sadd.s32 s3, s9;
	s6 =	sadd.s32 @!p0 $0x88, s6;
	s7 =	simm.s32 @p2 $0x1082  }
0x22: {  	[simem:s7], [sflag:s8] =	dma.local @!p0 [hbm:s6], $0xF7A  }
0x23: {  	s9 =	sor.u32 $0xD0000000, s2;
	s6 =	simm.s32 $0x108;
	_ =	swait.ge @!p0 [sflag:s8], $0x0  }
0x24: {  	s3 =	sadd.s32 $0x88, s3;
	s6 =	simm.s32 @!p1 $0x1082;
	[sflag:s4] =	ssyncset.s32 $0xFFFFF086  }
0x25: {  	[simem:s6], [sflag:s4] =	dma.local [hbm:s3], $0xF7A  }
0x26: {  	[smem:$0x3F9E] =	sst s1;
	(tag) =	ssettag s2;
	_ =	strace s9  }
0x27: {  	s1 =	sld [smem:$0x3FAE]  }
0x28: {  	s2 =	sld [smem:$0x3FAF]  }
0x29: {  	s4 =	sld [smem:$0x3FB1]  }
0x2a: {  	p0 =	seq.s32 s5, $0x0;
	s5 =	sld [smem:$0x3FB2]  }
0x2b: {  	s6 =	sld [smem:$0x3FB3]  }
0x2c: {  	s7 =	sld [smem:$0x3FB4]  }
0x2d: {  	s3 =	simm.s32 $0x108;
	s8 =	sld [smem:$0x3FB5]  }
0x2e: {  	s3 =	simm.s32 @!p0 $0x1082;
	s9 =	sld [smem:$0x3FB6]  }
0x2f: {  	lr =	sadd.s32 s0, s3;
	s0 =	sld [smem:$0x3FAD]  }
0x30: {  	s3 =	sld [smem:$0x3FB0]  }
0x31: {  	[smem:$0x3FB9] =	sst s10  }
0x32: {  	s10 =	sld [smem:$0x3FB7];
	_ =	sdelay $0x3  }
0x33: {  	p0 =	seq.s32 s10, $0x1;
	s10 =	sld [smem:$0x3FB9];
	_ =	sdelay $0x3  }
0x34: {  	[smem:$0x3FB9] =	sst s10  }
0x35: {  	s10 =	sld [smem:$0x3FB8];
	_ =	sdelay $0x3  }
0x36: {  	p1 =	seq.s32 s10, $0x1;
	s10 =	sld [smem:$0x3FB9];
	_ =	sdelay $0x3  }
0x37: {  	[smem:$0x3FB9] =	sst s10  }
0x38: {  	s10 =	sld [smem:$0x3FBA]  }
0x39: {  	_ = 	snop;
	(pc) =	sbr.ind lr, $3  }
0x3a: {  	_ = 	snop  }
0x3b: {  	_ = 	snop  }
0x3c: {  	p2 =	seq.s32 s10, $0x1;
	s10 =	sld [smem:$0x3FB9]  }
0x3d: {  	_ =	shalt  }
0x3e: {  	_ =	shalt  }
0x3f: {  	_ =	shalt  }
0x40: {  	_ =	shalt  }
0x41: {  	_ =	shalt  }
0x42: {  	_ =	shalt  }
0x43: {  	_ =	shalt  }
0x44: {  	_ =	shalt  }
0x45: {  	_ =	shalt  }
0x46: {  	_ =	shalt  }
0x47: {  	_ =	shalt  }
0x48: {  	_ =	shalt  }
0x49: {  	_ =	shalt  }
0x4a: {  	_ =	shalt  }
0x4b: {  	_ =	shalt  }
0x4c: {  	_ =	shalt  }
0x4d: {  	_ =	shalt  }
0x4e: {  	_ =	shalt  }
0x4f: {  	_ =	shalt  }
0x50: {  	_ =	shalt  }
0x51: {  	_ =	shalt  }
0x52: {  	_ =	shalt  }
0x53: {  	_ =	shalt  }
0x54: {  	_ =	shalt  }
0x55: {  	_ =	shalt  }
0x56: {  	_ =	shalt  }
0x57: {  	_ =	shalt  }
0x58: {  	_ =	shalt  }
0x59: {  	_ =	shalt  }
0x5a: {  	_ =	shalt  }
0x5b: {  	_ =	shalt  }
0x5c: {  	_ =	shalt  }
0x5d: {  	_ =	shalt  }
0x5e: {  	_ =	shalt  }
0x5f: {  	_ =	shalt  }
0x60: {  	_ =	shalt  }
0x61: {  	_ =	shalt  }
0x62: {  	_ =	shalt  }
0x63: {  	_ =	shalt  }
0x64: {  	_ =	shalt  }
0x65: {  	_ =	shalt  }
0x66: {  	_ =	shalt  }
0x67: {  	_ =	shalt  }
0x68: {  	_ =	shalt  }
0x69: {  	_ =	shalt  }
0x6a: {  	_ =	shalt  }
0x6b: {  	_ =	shalt  }
0x6c: {  	_ =	shalt  }
0x6d: {  	_ =	shalt  }
0x6e: {  	_ =	shalt  }
0x6f: {  	_ =	shalt  }
0x70: {  	_ =	shalt  }
0x71: {  	_ =	shalt  }
0x72: {  	_ =	shalt  }
0x73: {  	_ =	shalt  }
0x74: {  	_ =	shalt  }
0x75: {  	_ =	shalt  }
0x76: {  	_ =	shalt  }
0x77: {  	_ =	shalt  }
0x78: {  	_ =	shalt  }
0x79: {  	_ =	shalt  }
0x7a: {  	_ =	shalt  }
0x7b: {  	_ =	shalt  }
0x7c: {  	_ =	shalt  }
0x7d: {  	_ =	shalt  }
0x7e: {  	_ =	shalt  }
0x7f: {  	_ =	shalt  }
0x80: {  	_ =	shalt  }
0x81: {  	_ =	shalt  }
0x82: {  	_ =	shalt  }
0x83: {  	_ =	shalt  }
0x84: {  	_ =	shalt  }
0x85: {  	_ =	shalt  }
0x86: {  	_ =	shalt  }
0x87: {  	_ =	shalt  }
.Lfunc_end0:
.L_simem_size_0:
called_computation.1_lowered:
.L_overlay_start_0:
0x88: {  	s2 =	sld [smem:$0x3FD9]  }
0x89: {  	s3 =	sld [smem:$0x3FFE];
	_ =	sdelay $0x1  }
0x8a: {  	s1 =	srdreg.scid  }
0x8b: {  	s0 =	sand.u32 $0x1, s1  }
0x8c: {  	s17 =	sshll.u32 s0, $0xA;
	s2 =	sadd.s32 s3, s2  }
0x8d: {  	s2 =	sadd.s32 s2, s17  }
0x8e: {  	[smem:$0x3FC5] =	sst s2  }
0x8f: {  	_ = 	snop  }
0x90: {  	s2 =	sld [smem:$0x3FD0];
	(tm) =	ssettm $0x1  }
0x91: {  	s18 =	sld [smem:$0x3FFB];
	_ =	sdelay $0x3  }
0x92: {  	_ =	strace s18  }
0x93: {  	s3 =	sld [smem:$0x3FFC];
	_ =	sdelay $0x3  }
0x94: {  	_ =	strace s3  }
0x95: {  	s3 =	sld [smem:$0x3FFD];
	_ =	sdelay $0x3  }
0x96: {  	_ =	strace s3  }
0x97: {  	_ =	strace $0x8FFFFFFF  }
0x98: {  	s19 =	sld [smem:$0x3FDB];
	_ =	sdelay $0x1  }
0x99: {  	s4 =	simm.s32 $_scs_section_size  }
0x9a: {  	s5 =	simm.s32 $_size__tile_overlayer_lowered;
	s6 =	simm.s32 $_tile_overlayer_lowered  }
0x9b: {  	s22 =	simm.s32 $0x1BFF;
	s21 =	sshll.u32 s6, $0x1;
	s3 =	sadd.s32 s4, s19  }
0x9c: {  	s7 =	simm.s32 $0x0;
	s20 =	sshll.u32 s5, $0x1;
	s5 =	sadd.s32 s21, s3  }
0x9d: {  	[timem:s7], [sflag:s22] =	dma.local [hbm:s5], s20  }
0x9e: {  	_ =	swait.ge [sflag:s22], s20  }
0x9f: {  	s4 =	ssub.s32 $0x0, s20;
	[sflag:s22] =	ssyncset.done $0x0  }
0xa0: {  	[sflag:s22] =	ssyncadd.s32 s4;
	_ =	sdelay $0x1  }
0xa1: {  	s23 =	simm.s32 $0x1B8B  }
0xa2: {  	_ =	swait.ge [sflag:s23], $0x1  }
0xa3: {  	[sflag:s23] =	ssyncset.done $0x0  }
0xa4: {  	s25 =	simm.s32 $0x1B8E;
	s24 =	sld [smem:$0x3FFE];
	[sflag:s23] =	ssyncadd.s32 $0xFFFFFFFF  }
0xa5: {  	s26 =	simm.s32 $execute0_lowered;
	[smem:$0x3FD2] =	sst s25  }
0xa6: {  	s5 =	sshll.u32 s26, $0x1;
	_ =	strace $0x80000049;
	[dreg:$0x1] =	wrdreg $0xFFFFFFFF  }
0xa7: {  	s28 =	simm.s32 $_size_execute0_lowered;
	s3 =	sadd.s32 s3, s5;
	[dreg:$0x0] =	wrdreg $0x0  }
0xa8: {  	s5 =	sshll.u32 s28, $0x1;
	[dreg:$0x2] =	wrdreg s3  }
0xa9: {  	[dreg:$0x3] =	wrdreg s5  }
0xaa: {  	[dreg:$0x4] =	wrdreg $0xC0  }
0xab: {  	_ =	task [dreg:s7], $0x5FFFF  }
0xac: {  	[dreg:$0x1] =	wrdreg $0xFFFFFFFF  }
0xad: {  	[dreg:$0x0] =	wrdreg $0x60  }
0xae: {  	[dreg:$0x2] =	wrdreg s24  }
0xaf: {  	[dreg:$0x3] =	wrdreg s2  }
0xb0: {  	[dreg:$0x4] =	wrdreg $0x9  }
0xb1: {  	_ =	task.clear_ibuf [dreg:s7], $0x5FFFF;
	_ =	strace $0x90000049  }
0xb2: {  	s29 =	simm.s32 $0x9;
	_ =	strace $0x8000004B  }
0xb3: {  	_ =	swait.ge [sflag:s29], $0x1  }
0xb4: {  	[sflag:s29] =	ssyncadd.s32 $0xFFFFFFFF  }
0xb5: {  	_ =	strace $0x9000004B  }
0xb6: {  	_ =	sfence  }
0xb7: {  	s30 =	sld [smem:$0x0];
	_ =	sdelay $0x2  }
0xb8: {  	s31 =	sshll.u32 s1, $0xD;
	s1 =	sshrl.u32 s1, $0x2  }
0xb9: {  	s3 =	sand.u32 $0x4000, s31;
	s1 =	sadd.s32 s1, s30  }
0xba: {  	s0 =	sor.u32 s3, s0;
	s1 =	sshll.u32 s1, $0x11  }
0xbb: {  	s0 =	sor.u32 s1, s0  }
0xbc: {  	s0 =	sadd.s32 $0x8F2B, s0  }
0xbd: {  	[sflag:s0] =	ssyncadd.remote.s32 $0x1  }
0xbe: {  	_ =	sfence.sel $0xFFFF  }
0xbf: {  	[dreg:$0x0] =	wrdreg $0xFFFFFFFF;
	(pc) =	sbr.abs _section_cstart, $3  }
0xc0: {  	[dreg:$0x1] =	wrdreg $0xFFFFFFFF  }
0xc1: {  	_ =	task.clear_ibuf [dreg:s7], $0x2FFFF;
	_ =	strace $0x9FFFFFFF  }
0xc2: {  	(tm) =	ssettm $0x7FFFFFFF  }
0xc3: {  	_ =	shalt  }
tec
execute0_lowered:
.L_overlay_start_1:
0x0: {  	(tag) =	ssettag $0x1  }
0x1: {  	s0 =	rddreg [dreg:$0x0]  }
0x2: {  	s9 =	rddreg [dreg:$0x1]  }
0x3: {  	s1 =	srdreg.scid;
	s2 =	stileid.u32  }
0x4: {  	s3 =	simm.s32 $0x0;
	s1 =	sand.u32 $0x1, s1;
	s2 =	sshll.u32 s2, $0xA  }
0x5: {  	[smem:$0x7FF] =	sst s3;
	s5 =	sadd.s32 $0xF43000, s0;
	s4 =	sshll.u32 s1, $0x9  }
0x6: {  	s6 =	sadd.s32 $0x100B000, s0;
	s1 =	ssub.s32 $0x2, s1;
	s2 =	sor.u32 s4, s2  }
0x7: {  	_ =	strace $0x8000004A;
	s8 =	sshrl.u32 s1, $0x1;
	s7 =	smul.u32 $0x19, s2  }
0x8: {  	s4 =	sadd.s32 $0xFA7000, s0;
	s16 =	ssub.s32 s1, s8;
	s26 =	sor.u32 $0x8, s2  }
0x9: {  	[dreg:$0xd] =	wrdreg s26;
	s0 =	smax.u32 s16, $0x1;
	s18 =	sadd.s32 s4, s7  }
0xa: {  	s21 =	sor.u32 $0x64, s7;
	s7 =	sadd.s32 s5, s7;
	[dreg:$0xe] =	wrdreg s0  }
0xb: {  	[dreg:$0x7] =	wrdreg s7  }
0xc: {  	s28 =	simm.s32 $0x5;
	s19 =	sadd.s32 $0x19, s18;
	[dreg:$0x3] =	wrdreg s18  }
0xd: {  	s29 =	simm.s32 $0x19C80;
	s20 =	sadd.s32 $0x32, s18;
	[dreg:$0x4] =	wrdreg s19  }
0xe: {  	s30 =	simm.s32 $0x7;
	s10 =	sadd.s32 $0x4B, s18;
	[dreg:$0x5] =	wrdreg s20  }
0xf: {  	s31 =	simm.s32 $0x6;
	s22 =	sadd.s32 s4, s21;
	[dreg:$0x6] =	wrdreg s10  }
0x10: {  	s17 =	sshll.u32 s2, $0x3;
	s23 =	sadd.s32 $0x7D, s18;
	[dreg:$0x8] =	wrdreg s22  }
0x11: {  	s8 =	simm.s32 $0x80;
	s24 =	sadd.s32 $0x96, s18;
	[dreg:$0x9] =	wrdreg s23  }
0x12: {  	s26 =	simm.s32 $0x320;
	s25 =	sadd.s32 $0xAF, s18;
	[dreg:$0xa] =	wrdreg s24  }
.Ltmp0:
0x13: {  	s1 =	sadd.s32 s5, s21;
	[dreg:$0xb] =	wrdreg s25;
	(pc) =	sbr.rel .LBB2_1-.Ltmp0, $4  }
0x14: {  	s0 =	simm.s32 $0x1;
	s18 =	simm.s32 $0x19480;
	[dreg:$0xc] =	wrdreg s1  }
0x15: {  	s19 =	sadd.s32 $0x20, s9;
	s20 =	sor.u32 $0xC, s2;
	s1 =	simm.s32 $0x3  }
0x16: {  	s22 =	simm.s32 $0x20;
	s25 =	simm.s32 $0x2;
	s9 =	simm.s32 $0x4  }
0x17: {  	s24 =	simm.s32 $0x17480;
	s2 =	simm.s32 $0x620;
	s10 =	simm.s32 $0x0  }
.LBB2_14:
0x18: {  	s10 =	rddreg [dreg:$0xf]  }
0x19: {  	s7 =	rddreg [dreg:$0xe];
	s10 =	sadd.s32 $0x1, s10  }
0x1a: {  	p0 =	sne.s32 s10, s7  }
.Ltmp1:
0x1b: {  	_ = 	snop;
	(pc) =	sbr.rel @!p0 .LBB2_15-.Ltmp1, $1  }
0x1c: {  	_ =	sdelay $0x3  }
.LBB2_1:
0x1d: {  	[dreg:$0xf] =	wrdreg s10  }
0x1e: {  	s7 =	rddreg [dreg:$0x3]  }
0x1f: {  	[tilespmem:s3], [sflag:$0x1] =	stream.linear.gather [hbm4b:s7+s3], $0xC8, $0x38;
	[tilespmem:$0x19D80] =	vst v63  }
0x20: {  	s15 =	rddreg [dreg:$0x4];
	s16 =	simm.s32 $0xC8  }
0x21: {  	[tilespmem:s16], [sflag:$0x1] =	stream.linear.gather [hbm4b:s15+s3], $0xC8, $0x38;
	[tilespmem:$0x19D80] =	vst v63  }
0x22: {  	s21 =	rddreg [dreg:$0x5];
	s23 =	simm.s32 $0x190  }
0x23: {  	[tilespmem:s23], [sflag:$0x1] =	stream.linear.gather [hbm4b:s21+s3], $0xC8, $0x38;
	[tilespmem:$0x19D80] =	vst v63  }
0x24: {  	s10 =	rddreg [dreg:$0x6];
	s11 =	simm.s32 $0x258  }
0x25: {  	[tilespmem:s11], [sflag:$0x1] =	stream.linear.gather [hbm4b:s10+s3], $0xC8, $0x38;
	[tilespmem:$0x19D80] =	vst v63  }
0x26: {  	s12 =	rddreg [dreg:$0x7];
	s13 =	simm.s32 $0x640  }
0x27: {  	[tilespmem:s13], [sflag:$0x3] =	stream.linear.gather [hbm4b:s12+s3], $0x320, $0x38;
	[tilespmem:$0x19D80] =	vst v63  }
0x28: {  	s14 =	rddreg [dreg:$0x8]  }
0x29: {  	[tilespmem:s26], [sflag:$0x2] =	stream.linear.gather [hbm4b:s14+s3], $0xC8, $0x38;
	[tilespmem:$0x19D80] =	vst v63  }
0x2a: {  	s15 =	rddreg [dreg:$0x9];
	s16 =	simm.s32 $0x3E8  }
0x2b: {  	[tilespmem:s16], [sflag:$0x2] =	stream.linear.gather [hbm4b:s15+s3], $0xC8, $0x38;
	[tilespmem:$0x19D80] =	vst v63  }
0x2c: {  	s21 =	rddreg [dreg:$0xa];
	s23 =	simm.s32 $0x4B0  }
0x2d: {  	[tilespmem:s23], [sflag:$0x2] =	stream.linear.gather [hbm4b:s21+s3], $0xC8, $0x38;
	[tilespmem:$0x19D80] =	vst v63  }
0x2e: {  	s11 =	rddreg [dreg:$0xb];
	s12 =	simm.s32 $0x578  }
0x2f: {  	[tilespmem:s12], [sflag:$0x2] =	stream.linear.gather [hbm4b:s11+s3], $0xC8, $0x38;
	[tilespmem:$0x19D80] =	vst v63  }
0x30: {  	s13 =	rddreg [dreg:$0xc];
	s14 =	simm.s32 $0x960  }
0x31: {  	[tilespmem:s14], [sflag:$0x4] =	stream.linear.gather [hbm4b:s13+s3], $0x320, $0x38;
	[tilespmem:$0x19D80] =	vst v63  }
0x32: {  	_ =	swait.ge [sflag:s0], $0xC8  }
0x33: {  	[sflag:s0] =	ssyncset.done $0x0  }
0x34: {  	[sflag:s0] =	ssyncadd.s32 $0xFFFFFF38  }
0x35: {  	_ =	swait.ge [sflag:s0], $0xC8  }
0x36: {  	[sflag:s0] =	ssyncset.done $0x0  }
0x37: {  	[sflag:s0] =	ssyncadd.s32 $0xFFFFFF38  }
0x38: {  	_ =	swait.ge [sflag:s0], $0xC8  }
0x39: {  	[sflag:s0] =	ssyncset.done $0x0  }
0x3a: {  	[sflag:s0] =	ssyncadd.s32 $0xFFFFFF38  }
0x3b: {  	_ =	swait.ge [sflag:s0], $0xC8  }
0x3c: {  	[sflag:s0] =	ssyncset.done $0x0  }
0x3d: {  	[sflag:s0] =	ssyncadd.s32 $0xFFFFFF38  }
0x3e: {  	_ =	swait.ge [sflag:s1], $0x320  }
0x3f: {  	[sflag:s1] =	ssyncset.done $0x0  }
0x40: {  	[sflag:s1] =	ssyncadd.s32 $0xFFFFFCE0  }
0x41: {  	v0 =	vld [tilespmem:$0x0]  }
0x42: {  	v1 =	vld [tilespmem:$0x10]  }
0x43: {  	v2 =	vld [tilespmem:$0x20]  }
0x44: {  	v3 =	vld [tilespmem:$0x30]  }
0x45: {  	v4 =	vld [tilespmem:$0x40]  }
0x46: {  	v5 =	vld [tilespmem:$0x50];
	v0 =	vshll.u32 v0, $0x1  }
0x47: {  	v28 =	vld [tilespmem:$0x60];
	v27 =	vshll.u32 v1, $0x1;
	[tilespmem:$0x0] =	vst v0  }
0x48: {  	v30 =	vld [tilespmem:$0x70];
	v29 =	vshll.u32 v2, $0x1;
	[tilespmem:$0x10] =	vst v27  }
0x49: {  	v32 =	vld [tilespmem:$0x80];
	v31 =	vshll.u32 v3, $0x1;
	[tilespmem:$0x20] =	vst v29  }
0x4a: {  	v34 =	vld [tilespmem:$0x90];
	v33 =	vshll.u32 v4, $0x1;
	[tilespmem:$0x30] =	vst v31  }
0x4b: {  	v36 =	vld [tilespmem:$0xA0];
	v35 =	vshll.u32 v5, $0x1;
	[tilespmem:$0x40] =	vst v33  }
0x4c: {  	v38 =	vld [tilespmem:$0xB0];
	v37 =	vshll.u32 v28, $0x1;
	[tilespmem:$0x50] =	vst v35  }
0x4d: {  	v40 =	vld [tilespmem:$0xC0];
	v39 =	vshll.u32 v30, $0x1;
	[tilespmem:$0x60] =	vst v37  }
0x4e: {  	v42 =	vld [tilespmem:$0xD0];
	v41 =	vshll.u32 v32, $0x1;
	[tilespmem:$0x70] =	vst v39  }
0x4f: {  	v44 =	vld [tilespmem:$0xE0];
	v43 =	vshll.u32 v34, $0x1;
	[tilespmem:$0x80] =	vst v41  }
0x50: {  	v46 =	vld [tilespmem:$0xF0];
	v45 =	vshll.u32 v36, $0x1;
	[tilespmem:$0x90] =	vst v43  }
0x51: {  	v48 =	vld [tilespmem:$0x100];
	v47 =	vshll.u32 v38, $0x1;
	[tilespmem:$0xA0] =	vst v45  }
0x52: {  	v50 =	vld [tilespmem:$0x110];
	v49 =	vshll.u32 v40, $0x1;
	[tilespmem:$0xB0] =	vst v47  }
0x53: {  	v52 =	vld [tilespmem:$0x120];
	v51 =	vshll.u32 v42, $0x1;
	[tilespmem:$0xC0] =	vst v49  }
0x54: {  	v54 =	vld [tilespmem:$0x130];
	v53 =	vshll.u32 v44, $0x1;
	[tilespmem:$0xD0] =	vst v51  }
0x55: {  	v56 =	vld [tilespmem:$0x140];
	v55 =	vshll.u32 v46, $0x1;
	[tilespmem:$0xE0] =	vst v53  }
0x56: {  	v58 =	vld [tilespmem:$0x150];
	v57 =	vshll.u32 v48, $0x1;
	[tilespmem:$0xF0] =	vst v55  }
0x57: {  	v60 =	vld [tilespmem:$0x160];
	v59 =	vshll.u32 v50, $0x1;
	[tilespmem:$0x100] =	vst v57  }
0x58: {  	v62 =	vld [tilespmem:$0x170];
	v61 =	vshll.u32 v52, $0x1;
	[tilespmem:$0x110] =	vst v59  }
0x59: {  	v8 =	vld [tilespmem:$0x180];
	v63 =	vshll.u32 v54, $0x1;
	[tilespmem:$0x120] =	vst v61  }
0x5a: {  	v10 =	vld [tilespmem:$0x190];
	v9 =	vshll.u32 v56, $0x1;
	[tilespmem:$0x130] =	vst v63  }
0x5b: {  	v12 =	vld [tilespmem:$0x1A0];
	v11 =	vshll.u32 v58, $0x1;
	[tilespmem:$0x140] =	vst v9  }
0x5c: {  	v14 =	vld [tilespmem:$0x1B0];
	v13 =	vshll.u32 v60, $0x1;
	[tilespmem:$0x150] =	vst v11  }
0x5d: {  	v16 =	vld [tilespmem:$0x1C0];
	v15 =	vshll.u32 v62, $0x1;
	[tilespmem:$0x160] =	vst v13  }
0x5e: {  	v18 =	vld [tilespmem:$0x1D0];
	v17 =	vshll.u32 v8, $0x1;
	[tilespmem:$0x170] =	vst v15  }
0x5f: {  	v20 =	vld [tilespmem:$0x1E0];
	v19 =	vshll.u32 v10, $0x1;
	[tilespmem:$0x180] =	vst v17  }
0x60: {  	v22 =	vld [tilespmem:$0x1F0];
	v21 =	vshll.u32 v12, $0x1;
	[tilespmem:$0x190] =	vst v19  }
0x61: {  	v24 =	vld [tilespmem:$0x200];
	v23 =	vshll.u32 v14, $0x1;
	[tilespmem:$0x1A0] =	vst v21  }
0x62: {  	v26 =	vld [tilespmem:$0x210];
	v25 =	vshll.u32 v16, $0x1;
	[tilespmem:$0x1B0] =	vst v23  }
0x63: {  	v28 =	vld [tilespmem:$0x220];
	[tilespmem:$0x1C0] =	vst v25;
	v27 =	vshll.u32 v18, $0x1  }
0x64: {  	v30 =	vld [tilespmem:$0x230];
	v29 =	vshll.u32 v20, $0x1;
	[tilespmem:$0x1D0] =	vst v27  }
0x65: {  	v32 =	vld [tilespmem:$0x240];
	v31 =	vshll.u32 v22, $0x1;
	[tilespmem:$0x1E0] =	vst v29  }
0x66: {  	v34 =	vld [tilespmem:$0x250];
	v33 =	vshll.u32 v24, $0x1;
	[tilespmem:$0x1F0] =	vst v31  }
0x67: {  	v36 =	vld [tilespmem:$0x260];
	v35 =	vshll.u32 v26, $0x1;
	[tilespmem:$0x200] =	vst v33  }
0x68: {  	v38 =	vld [tilespmem:$0x270];
	[tilespmem:$0x210] =	vst v35;
	v37 =	vshll.u32 v28, $0x1  }
0x69: {  	v40 =	vld [tilespmem:$0x280];
	v39 =	vshll.u32 v30, $0x1;
	[tilespmem:$0x220] =	vst v37  }
0x6a: {  	v42 =	vld [tilespmem:$0x290];
	v41 =	vshll.u32 v32, $0x1;
	[tilespmem:$0x230] =	vst v39  }
0x6b: {  	v44 =	vld [tilespmem:$0x2A0];
	v43 =	vshll.u32 v34, $0x1;
	[tilespmem:$0x240] =	vst v41  }
0x6c: {  	v46 =	vld [tilespmem:$0x2B0];
	v45 =	vshll.u32 v36, $0x1;
	[tilespmem:$0x250] =	vst v43  }
0x6d: {  	v48 =	vld [tilespmem:$0x2C0];
	v47 =	vshll.u32 v38, $0x1;
	[tilespmem:$0x260] =	vst v45  }
0x6e: {  	v50 =	vld [tilespmem:$0x2D0];
	v49 =	vshll.u32 v40, $0x1;
	[tilespmem:$0x270] =	vst v47  }
0x6f: {  	v52 =	vld [tilespmem:$0x2E0];
	v51 =	vshll.u32 v42, $0x1;
	[tilespmem:$0x280] =	vst v49  }
0x70: {  	v54 =	vld [tilespmem:$0x2F0];
	v53 =	vshll.u32 v44, $0x1;
	[tilespmem:$0x290] =	vst v51  }
0x71: {  	v56 =	vld [tilespmem:$0x300];
	v55 =	vshll.u32 v46, $0x1;
	[tilespmem:$0x2A0] =	vst v53  }
0x72: {  	v58 =	vld [tilespmem:$0x310];
	v57 =	vshll.u32 v48, $0x1;
	[tilespmem:$0x2B0] =	vst v55  }
0x73: {  	v59 =	vshll.u32 v50, $0x1;
	[tilespmem:$0x2C0] =	vst v57  }
0x74: {  	v60 =	vshll.u32 v52, $0x1;
	[tilespmem:$0x2D0] =	vst v59  }
0x75: {  	v61 =	vshll.u32 v54, $0x1;
	[tilespmem:$0x2E0] =	vst v60  }
0x76: {  	v62 =	vshll.u32 v56, $0x1;
	[tilespmem:$0x2F0] =	vst v61  }
0x77: {  	v63 =	vshll.u32 v58, $0x1;
	[tilespmem:$0x300] =	vst v62  }
0x78: {  	s15 =	simm.s32 $0xC80;
	[tilespmem:$0x310] =	vst v63  }
0x79: {  	[tilespmem:s15], [sflag:$0x5] =	stream.indirect.gather [hbm4b:s6+s8], $0x40, s3, s8, $0xb8;
	[tilespmem:$0x19D80] =	vst v63  }
0x7a: {  	s16 =	simm.s32 $0x2C80  }
0x7b: {  	[tilespmem:s16], [sflag:$0x5] =	stream.indirect.gather [hbm4b:s6+s8], $0x40, s8, s8, $0xb8;
	[tilespmem:$0x19D80] =	vst v63  }
0x7c: {  	s21 =	simm.s32 $0x100;
	s23 =	simm.s32 $0x4C80  }
0x7d: {  	[tilespmem:s23], [sflag:$0x5] =	stream.indirect.gather [hbm4b:s6+s8], $0x40, s21, s8, $0xb8;
	[tilespmem:$0x19D80] =	vst v63  }
0x7e: {  	s11 =	simm.s32 $0x180;
	s12 =	simm.s32 $0x6C80  }
0x7f: {  	[tilespmem:s12], [sflag:$0x5] =	stream.indirect.gather [hbm4b:s6+s8], $0x40, s11, s8, $0xb8;
	[tilespmem:$0x19D80] =	vst v63  }
0x80: {  	s13 =	simm.s32 $0x200;
	s14 =	simm.s32 $0x8C80  }
0x81: {  	[tilespmem:s14], [sflag:$0x5] =	stream.indirect.gather [hbm4b:s6+s8], $0x40, s13, s8, $0xb8;
	[tilespmem:$0x19D80] =	vst v63  }
0x82: {  	s15 =	simm.s32 $0x280;
	s16 =	simm.s32 $0xAC80  }
0x83: {  	[tilespmem:s16], [sflag:$0x5] =	stream.indirect.gather [hbm4b:s6+s8], $0x40, s15, s8, $0xb8;
	[tilespmem:$0x19D80] =	vst v63  }
0x84: {  	s10 =	simm.s32 $0x0;
	s21 =	simm.s32 $0x300;
	s23 =	simm.s32 $0xCC80  }
0x85: {  	[tilespmem:s23], [sflag:$0x5] =	stream.indirect.gather [hbm4b:s6+s22], $0x40, s21, s22, $0xb8;
	[tilespmem:$0x19D80] =	vst v63  }
.LBB2_2:
0x86: {  	_ =	swait.ge [sflag:s25], $0xC8  }
0x87: {  	[sflag:s25] =	ssyncset.done $0x0  }
0x88: {  	[sflag:s25] =	ssyncadd.s32 $0xFFFFFF38  }
0x89: {  	_ =	swait.ge [sflag:s25], $0xC8  }
0x8a: {  	[sflag:s25] =	ssyncset.done $0x0  }
0x8b: {  	[sflag:s25] =	ssyncadd.s32 $0xFFFFFF38  }
0x8c: {  	_ =	swait.ge [sflag:s25], $0xC8  }
0x8d: {  	[sflag:s25] =	ssyncset.done $0x0  }
0x8e: {  	[sflag:s25] =	ssyncadd.s32 $0xFFFFFF38  }
0x8f: {  	_ =	swait.ge [sflag:s25], $0xC8  }
0x90: {  	[sflag:s25] =	ssyncset.done $0x0  }
0x91: {  	[sflag:s25] =	ssyncadd.s32 $0xFFFFFF38  }
0x92: {  	_ =	swait.ge [sflag:s9], $0x320  }
0x93: {  	[sflag:s9] =	ssyncset.done $0x0  }
0x94: {  	[sflag:s9] =	ssyncadd.s32 $0xFFFFFCE0  }
0x95: {  	v0 =	vld [tilespmem:$0x320]  }
0x96: {  	v1 =	vld [tilespmem:$0x330]  }
0x97: {  	v2 =	vld [tilespmem:$0x340]  }
0x98: {  	v3 =	vld [tilespmem:$0x350]  }
0x99: {  	v4 =	vld [tilespmem:$0x360]  }
0x9a: {  	v5 =	vld [tilespmem:$0x370];
	v0 =	vshll.u32 v0, $0x1  }
0x9b: {  	v28 =	vld [tilespmem:$0x380];
	v27 =	vshll.u32 v1, $0x1;
	[tilespmem:$0x320] =	vst v0  }
0x9c: {  	v30 =	vld [tilespmem:$0x390];
	v29 =	vshll.u32 v2, $0x1;
	[tilespmem:$0x330] =	vst v27  }
0x9d: {  	v32 =	vld [tilespmem:$0x3A0];
	v31 =	vshll.u32 v3, $0x1;
	[tilespmem:$0x340] =	vst v29  }
0x9e: {  	v34 =	vld [tilespmem:$0x3B0];
	v33 =	vshll.u32 v4, $0x1;
	[tilespmem:$0x350] =	vst v31  }
0x9f: {  	v36 =	vld [tilespmem:$0x3C0];
	v35 =	vshll.u32 v5, $0x1;
	[tilespmem:$0x360] =	vst v33  }
0xa0: {  	v38 =	vld [tilespmem:$0x3D0];
	v37 =	vshll.u32 v28, $0x1;
	[tilespmem:$0x370] =	vst v35  }
0xa1: {  	v40 =	vld [tilespmem:$0x3E0];
	v39 =	vshll.u32 v30, $0x1;
	[tilespmem:$0x380] =	vst v37  }
0xa2: {  	v42 =	vld [tilespmem:$0x3F0];
	v41 =	vshll.u32 v32, $0x1;
	[tilespmem:$0x390] =	vst v39  }
0xa3: {  	v44 =	vld [tilespmem:$0x400];
	v43 =	vshll.u32 v34, $0x1;
	[tilespmem:$0x3A0] =	vst v41  }
0xa4: {  	v46 =	vld [tilespmem:$0x410];
	v45 =	vshll.u32 v36, $0x1;
	[tilespmem:$0x3B0] =	vst v43  }
0xa5: {  	v48 =	vld [tilespmem:$0x420];
	v47 =	vshll.u32 v38, $0x1;
	[tilespmem:$0x3C0] =	vst v45  }
0xa6: {  	v50 =	vld [tilespmem:$0x430];
	v49 =	vshll.u32 v40, $0x1;
	[tilespmem:$0x3D0] =	vst v47  }
0xa7: {  	v52 =	vld [tilespmem:$0x440];
	v51 =	vshll.u32 v42, $0x1;
	[tilespmem:$0x3E0] =	vst v49  }
0xa8: {  	v54 =	vld [tilespmem:$0x450];
	v53 =	vshll.u32 v44, $0x1;
	[tilespmem:$0x3F0] =	vst v51  }
0xa9: {  	v56 =	vld [tilespmem:$0x460];
	v55 =	vshll.u32 v46, $0x1;
	[tilespmem:$0x400] =	vst v53  }
0xaa: {  	v58 =	vld [tilespmem:$0x470];
	v57 =	vshll.u32 v48, $0x1;
	[tilespmem:$0x410] =	vst v55  }
0xab: {  	v60 =	vld [tilespmem:$0x480];
	v59 =	vshll.u32 v50, $0x1;
	[tilespmem:$0x420] =	vst v57  }
0xac: {  	v62 =	vld [tilespmem:$0x490];
	v61 =	vshll.u32 v52, $0x1;
	[tilespmem:$0x430] =	vst v59  }
0xad: {  	v8 =	vld [tilespmem:$0x4A0];
	v63 =	vshll.u32 v54, $0x1;
	[tilespmem:$0x440] =	vst v61  }
0xae: {  	v10 =	vld [tilespmem:$0x4B0];
	v9 =	vshll.u32 v56, $0x1;
	[tilespmem:$0x450] =	vst v63  }
0xaf: {  	v12 =	vld [tilespmem:$0x4C0];
	v11 =	vshll.u32 v58, $0x1;
	[tilespmem:$0x460] =	vst v9  }
0xb0: {  	v14 =	vld [tilespmem:$0x4D0];
	v13 =	vshll.u32 v60, $0x1;
	[tilespmem:$0x470] =	vst v11  }
0xb1: {  	v16 =	vld [tilespmem:$0x4E0];
	v15 =	vshll.u32 v62, $0x1;
	[tilespmem:$0x480] =	vst v13  }
0xb2: {  	v18 =	vld [tilespmem:$0x4F0];
	v17 =	vshll.u32 v8, $0x1;
	[tilespmem:$0x490] =	vst v15  }
0xb3: {  	v20 =	vld [tilespmem:$0x500];
	v19 =	vshll.u32 v10, $0x1;
	[tilespmem:$0x4A0] =	vst v17  }
0xb4: {  	v22 =	vld [tilespmem:$0x510];
	v21 =	vshll.u32 v12, $0x1;
	[tilespmem:$0x4B0] =	vst v19  }
0xb5: {  	v24 =	vld [tilespmem:$0x520];
	v23 =	vshll.u32 v14, $0x1;
	[tilespmem:$0x4C0] =	vst v21  }
0xb6: {  	v26 =	vld [tilespmem:$0x530];
	v25 =	vshll.u32 v16, $0x1;
	[tilespmem:$0x4D0] =	vst v23  }
0xb7: {  	v28 =	vld [tilespmem:$0x540];
	[tilespmem:$0x4E0] =	vst v25;
	v27 =	vshll.u32 v18, $0x1  }
0xb8: {  	v30 =	vld [tilespmem:$0x550];
	v29 =	vshll.u32 v20, $0x1;
	[tilespmem:$0x4F0] =	vst v27  }
0xb9: {  	v32 =	vld [tilespmem:$0x560];
	v31 =	vshll.u32 v22, $0x1;
	[tilespmem:$0x500] =	vst v29  }
0xba: {  	v34 =	vld [tilespmem:$0x570];
	v33 =	vshll.u32 v24, $0x1;
	[tilespmem:$0x510] =	vst v31  }
0xbb: {  	v36 =	vld [tilespmem:$0x580];
	v35 =	vshll.u32 v26, $0x1;
	[tilespmem:$0x520] =	vst v33  }
0xbc: {  	v38 =	vld [tilespmem:$0x590];
	[tilespmem:$0x530] =	vst v35;
	v37 =	vshll.u32 v28, $0x1  }
0xbd: {  	v40 =	vld [tilespmem:$0x5A0];
	v39 =	vshll.u32 v30, $0x1;
	[tilespmem:$0x540] =	vst v37  }
0xbe: {  	v42 =	vld [tilespmem:$0x5B0];
	v41 =	vshll.u32 v32, $0x1;
	[tilespmem:$0x550] =	vst v39  }
0xbf: {  	v44 =	vld [tilespmem:$0x5C0];
	v43 =	vshll.u32 v34, $0x1;
	[tilespmem:$0x560] =	vst v41  }
0xc0: {  	v46 =	vld [tilespmem:$0x5D0];
	v45 =	vshll.u32 v36, $0x1;
	[tilespmem:$0x570] =	vst v43  }
0xc1: {  	v48 =	vld [tilespmem:$0x5E0];
	v47 =	vshll.u32 v38, $0x1;
	[tilespmem:$0x580] =	vst v45  }
0xc2: {  	v50 =	vld [tilespmem:$0x5F0];
	v49 =	vshll.u32 v40, $0x1;
	[tilespmem:$0x590] =	vst v47  }
0xc3: {  	v52 =	vld [tilespmem:$0x600];
	v51 =	vshll.u32 v42, $0x1;
	[tilespmem:$0x5A0] =	vst v49  }
0xc4: {  	v54 =	vld [tilespmem:$0x610];
	v53 =	vshll.u32 v44, $0x1;
	[tilespmem:$0x5B0] =	vst v51  }
0xc5: {  	v56 =	vld [tilespmem:$0x620];
	v55 =	vshll.u32 v46, $0x1;
	[tilespmem:$0x5C0] =	vst v53  }
0xc6: {  	v58 =	vld [tilespmem:$0x630];
	v57 =	vshll.u32 v48, $0x1;
	[tilespmem:$0x5D0] =	vst v55  }
0xc7: {  	v59 =	vshll.u32 v50, $0x1;
	[tilespmem:$0x5E0] =	vst v57  }
0xc8: {  	v60 =	vshll.u32 v52, $0x1;
	[tilespmem:$0x5F0] =	vst v59  }
0xc9: {  	v61 =	vshll.u32 v54, $0x1;
	[tilespmem:$0x600] =	vst v60  }
0xca: {  	v62 =	vshll.u32 v56, $0x1;
	[tilespmem:$0x610] =	vst v61  }
0xcb: {  	v63 =	vshll.u32 v58, $0x1;
	[tilespmem:$0x620] =	vst v62  }
0xcc: {  	s7 =	simm.s32 $0xD480;
	[tilespmem:$0x630] =	vst v63  }
0xcd: {  	[tilespmem:s7], [sflag:$0x6] =	stream.indirect.gather [hbm4b:s6+s8], $0x40, s26, s8, $0xb8;
	[tilespmem:$0x19D80] =	vst v63  }
0xce: {  	s23 =	simm.s32 $0x3A0;
	s11 =	simm.s32 $0xF480  }
0xcf: {  	[tilespmem:s11], [sflag:$0x6] =	stream.indirect.gather [hbm4b:s6+s8], $0x40, s23, s8, $0xb8;
	[tilespmem:$0x19D80] =	vst v63  }
0xd0: {  	s12 =	simm.s32 $0x420;
	s13 =	simm.s32 $0x11480  }
0xd1: {  	[tilespmem:s13], [sflag:$0x6] =	stream.indirect.gather [hbm4b:s6+s8], $0x40, s12, s8, $0xb8;
	[tilespmem:$0x19D80] =	vst v63  }
0xd2: {  	s14 =	simm.s32 $0x4A0;
	s15 =	simm.s32 $0x13480  }
0xd3: {  	[tilespmem:s15], [sflag:$0x6] =	stream.indirect.gather [hbm4b:s6+s8], $0x40, s14, s8, $0xb8;
	[tilespmem:$0x19D80] =	vst v63  }
0xd4: {  	s16 =	simm.s32 $0x520;
	s21 =	simm.s32 $0x15480  }
0xd5: {  	[tilespmem:s21], [sflag:$0x6] =	stream.indirect.gather [hbm4b:s6+s8], $0x40, s16, s8, $0xb8;
	[tilespmem:$0x19D80] =	vst v63  }
0xd6: {  	s23 =	simm.s32 $0x5A0  }
0xd7: {  	[tilespmem:s24], [sflag:$0x6] =	stream.indirect.gather [hbm4b:s6+s8], $0x40, s23, s8, $0xb8;
	[tilespmem:$0x19D80] =	vst v63  }
0xd8: {  	_ = 	snop  }
0xd9: {  	[tilespmem:s18], [sflag:$0x6] =	stream.indirect.gather [hbm4b:s6+s22], $0x40, s2, s22, $0xb8;
	[tilespmem:$0x19D80] =	vst v63  }
0xda: {  	_ =	swait.ge [sflag:s28], $0xC800  }
0xdb: {  	s11 =	simm.s32 $0x0;
	[sflag:s28] =	ssyncset.done $0x0  }
0xdc: {  	s12 =	simm.s32 $0x640;
	s13 =	simm.s32 $0xE80;
	[sflag:s28] =	ssyncadd.s32 $0xFFFF3800  }
.LBB2_3:
0xdd: {  	v3 =	vld [tilespmem:s13+$0x1C0]  }
0xde: {  	v6 =	vld [tilespmem:s13+$0x1D0]  }
0xdf: {  	v7 =	vld [tilespmem:s13+$0x180]  }
0xe0: {  	v9 =	vld [tilespmem:s13+$0x190]  }
0xe1: {  	v10 =	vld [tilespmem:s13+$0x140]  }
0xe2: {  	v12 =	vmov s12;
	v13 =	vld [tilespmem:s13+$0x150]  }
0xe3: {  	v14 =	vld [tilespmem:s13+$0x100]  }
0xe4: {  	v17 =	vld [tilespmem:s13+$0x110]  }
0xe5: {  	v18 =	vld [tilespmem:s13+$0xC0]  }
0xe6: {  	s7 =	simm.s32 $0x0;
	v20 =	vld [tilespmem:s13+$0xD0]  }
0xe7: {  	v4 =	vld.idx.msk [tilespmem:v12+s7+$0x0 ss:$0x1], $0xffff  }
0xe8: {  	v21 =	vld [tilespmem:s13+$0x80]  }
0xe9: {  	v23 =	vld [tilespmem:s13+$0x90]  }
0xea: {  	v24 =	vld [tilespmem:s13+$0x40]  }
0xeb: {  	v26 =	vld [tilespmem:s13+$0x50]  }
0xec: {  	v27 =	vld [tilespmem:s13+$0x0];
	v1 =	vbroadcast v4, $0xE;
	v0 =	vbroadcast v4, $0xF  }
0xed: {  	v32 =	vld [tilespmem:s13+$0x10];
	v5 =	vbroadcast v4, $0xC;
	v2 =	vbroadcast v4, $0xD  }
0xee: {  	v36 =	vld [tilespmem:s13+$0xFFFFFFC0];
	v11 =	vbroadcast v4, $0xA;
	v8 =	vbroadcast v4, $0xB  }
0xef: {  	v37 =	vld [tilespmem:s13+$0xFFFFFFD0];
	v16 =	vbroadcast v4, $0x8;
	v15 =	vbroadcast v4, $0x9  }
0xf0: {  	v38 =	vld [tilespmem:s13+$0xFFFFFF80];
	v22 =	vbroadcast v4, $0x6;
	v19 =	vbroadcast v4, $0x7  }
0xf1: {  	v42 =	vld [tilespmem:s13+$0xFFFFFF90];
	v28 =	vbroadcast v4, $0x4;
	v25 =	vbroadcast v4, $0x5  }
0xf2: {  	v39 =	vld [tilespmem:s13+$0xFFFFFF40];
	v30 =	vbroadcast v4, $0x2;
	v29 =	vbroadcast v4, $0x3  }
0xf3: {  	v41 =	vld [tilespmem:s13+$0xFFFFFF50];
	v43 =	vbroadcast v4, $0x0;
	v35 =	vbroadcast v4, $0x1  }
0xf4: {  	v40 =	vld [tilespmem:s13+$0xFFFFFF00];
	v4 =	vmul.f32 v3, v0;
	v3 =	vmul.f32 v6, v0  }
0xf5: {  	v44 =	vld [tilespmem:s13+$0xFFFFFF10];
	v6 =	vmul.f32 v7, v1;
	v7 =	vmul.f32 v9, v1  }
0xf6: {  	v45 =	vld [tilespmem:s13+$0xFFFFFEC0];
	v9 =	vmul.f32 v10, v2;
	v10 =	vmul.f32 v13, v2  }
0xf7: {  	v46 =	vld [tilespmem:s13+$0xFFFFFED0];
	v13 =	vmul.f32 v14, v5;
	v14 =	vmul.f32 v17, v5  }
0xf8: {  	v47 =	vld [tilespmem:s13+$0xFFFFFE80];
	v31 =	vimm.f32 $0.0e+00;
	v17 =	vmul.f32 v18, v8;
	v18 =	vmul.f32 v20, v8  }
0xf9: {  	v48 =	vld [tilespmem:s13+$0xFFFFFE90];
	v34 =	vimm.f32 $0.0e+00;
	v20 =	vmul.f32 v21, v11;
	v21 =	vmul.f32 v23, v11  }
0xfa: {  	v49 =	vld [tilespmem:s13+$0xFFFFFE40];
	v33 =	vimm.f32 $0.0e+00;
	v23 =	vmul.f32 v24, v15;
	v24 =	vmul.f32 v26, v15  }
0xfb: {  	s14 =	smul.u32 $0xC8, s11;
	v50 =	vld [tilespmem:s13+$0xFFFFFE50];
	s16 =	simm.s32 $0x40;
	s15 =	smov.u32 s13;
	v26 =	vmul.f32 v27, v16;
	v27 =	vmul.f32 v32, v16;
	v32 =	vimm.f32 $0.0e+00  }
.LBB2_4:
0xfc: {  	p0 =	sne.s32 s16, $0x2C0;
	v51 =	vld [tilespmem:s15+$0xFFFFFE00];
	v36 =	vmul.f32 v36, v19;
	v37 =	vmul.f32 v37, v19  }
0xfd: {  	v38 =	vmul.f32 v38, v22;
	v42 =	vmul.f32 v42, v22;
	v52 =	vld [tilespmem:s15+$0xFFFFFE10]  }
0xfe: {  	v39 =	vmul.f32 v39, v25;
	v41 =	vmul.f32 v41, v25;
	v53 =	vld [tilespmem:s15+$0xFFFFFE20]  }
0xff: {  	v40 =	vmul.f32 v40, v28;
	v44 =	vmul.f32 v44, v28;
	v54 =	vld [tilespmem:s15+$0xFFFFFE30]  }
0x100: {  	v45 =	vmul.f32 v45, v29;
	v46 =	vmul.f32 v46, v29;
	v55 =	vld [tilespmem:s15+$0xFFFFFE60]  }
0x101: {  	v47 =	vmul.f32 v47, v30;
	v48 =	vmul.f32 v48, v30;
	v56 =	vld [tilespmem:s15+$0xFFFFFE70]  }
0x102: {  	v49 =	vmul.f32 v49, v35;
	v50 =	vmul.f32 v50, v35;
	v57 =	vld [tilespmem:s15+$0xFFFFFEA0]  }
0x103: {  	v51 =	vmul.f32 v51, v43;
	v52 =	vmul.f32 v52, v43;
	v58 =	vld [tilespmem:s15+$0xFFFFFEB0]  }
0x104: {  	v53 =	vmul.f32 v53, v43;
	v43 =	vmul.f32 v54, v43;
	v54 =	vld [tilespmem:s15+$0xFFFFFEE0]  }
0x105: {  	v31 =	vadd.f32 v51, v31;
	v34 =	vadd.f32 v52, v34;
	v51 =	vmul.f32 v55, v35;
	v52 =	vld [tilespmem:s15+$0xFFFFFEF0]  }
0x106: {  	v33 =	vadd.f32 v53, v33;
	v32 =	vadd.f32 v43, v32;
	v35 =	vmul.f32 v56, v35;
	v43 =	vld [tilespmem:s15+$0xFFFFFF20]  }
0x107: {  	v31 =	vadd.f32 v49, v31;
	v34 =	vadd.f32 v50, v34;
	v49 =	vmul.f32 v57, v30;
	v50 =	vld [tilespmem:s15+$0xFFFFFF30]  }
0x108: {  	v33 =	vadd.f32 v51, v33;
	v32 =	vadd.f32 v35, v32;
	v30 =	vmul.f32 v58, v30;
	v35 =	vld [tilespmem:s15+$0xFFFFFF60]  }
0x109: {  	v31 =	vadd.f32 v47, v31;
	v34 =	vadd.f32 v48, v34;
	v47 =	vmul.f32 v54, v29;
	v48 =	vld [tilespmem:s15+$0xFFFFFF70]  }
0x10a: {  	v33 =	vadd.f32 v49, v33;
	v30 =	vadd.f32 v30, v32;
	v29 =	vmul.f32 v52, v29;
	v32 =	vld [tilespmem:s15+$0xFFFFFFA0]  }
0x10b: {  	v31 =	vadd.f32 v45, v31;
	v34 =	vadd.f32 v46, v34;
	v43 =	vmul.f32 v43, v28;
	v45 =	vld [tilespmem:s15+$0xFFFFFFB0]  }
0x10c: {  	v33 =	vadd.f32 v47, v33;
	v29 =	vadd.f32 v29, v30;
	v28 =	vmul.f32 v50, v28;
	v30 =	vld [tilespmem:s15+$0xFFFFFFE0]  }
0x10d: {  	v31 =	vadd.f32 v40, v31;
	v34 =	vadd.f32 v44, v34;
	v35 =	vmul.f32 v35, v25;
	v40 =	vld [tilespmem:s15+$0xFFFFFFF0]  }
0x10e: {  	v33 =	vadd.f32 v43, v33;
	v28 =	vadd.f32 v28, v29;
	v25 =	vmul.f32 v48, v25;
	v29 =	vld [tilespmem:s15+$0x20]  }
0x10f: {  	v31 =	vadd.f32 v39, v31;
	v34 =	vadd.f32 v41, v34;
	v32 =	vmul.f32 v32, v22;
	v39 =	vld [tilespmem:s15+$0x30]  }
0x110: {  	v33 =	vadd.f32 v35, v33;
	v25 =	vadd.f32 v25, v28;
	v22 =	vmul.f32 v45, v22;
	v28 =	vld [tilespmem:s15+$0x60]  }
0x111: {  	v31 =	vadd.f32 v38, v31;
	v34 =	vadd.f32 v42, v34;
	v30 =	vmul.f32 v30, v19;
	v35 =	vld [tilespmem:s15+$0x70]  }
0x112: {  	v32 =	vadd.f32 v32, v33;
	v22 =	vadd.f32 v22, v25;
	v19 =	vmul.f32 v40, v19;
	v25 =	vld [tilespmem:s15+$0xA0]  }
0x113: {  	v31 =	vadd.f32 v36, v31;
	v33 =	vadd.f32 v37, v34;
	v29 =	vmul.f32 v29, v16;
	v34 =	vld [tilespmem:s15+$0xB0]  }
0x114: {  	v30 =	vadd.f32 v30, v32;
	v19 =	vadd.f32 v19, v22;
	v16 =	vmul.f32 v39, v16;
	v22 =	vld [tilespmem:s15+$0xE0]  }
0x115: {  	v26 =	vadd.f32 v26, v31;
	v27 =	vadd.f32 v27, v33;
	v28 =	vmul.f32 v28, v15;
	v31 =	vld [tilespmem:s15+$0xF0]  }
0x116: {  	v29 =	vadd.f32 v29, v30;
	v16 =	vadd.f32 v16, v19;
	v15 =	vmul.f32 v35, v15;
	v19 =	vld [tilespmem:s15+$0x120]  }
0x117: {  	v23 =	vadd.f32 v23, v26;
	v24 =	vadd.f32 v24, v27;
	v25 =	vmul.f32 v25, v11;
	v26 =	vld [tilespmem:s15+$0x130]  }
0x118: {  	v27 =	vadd.f32 v28, v29;
	v15 =	vadd.f32 v15, v16;
	v11 =	vmul.f32 v34, v11;
	v16 =	vld [tilespmem:s15+$0x160]  }
0x119: {  	v20 =	vadd.f32 v20, v23;
	v21 =	vadd.f32 v21, v24;
	v22 =	vmul.f32 v22, v8;
	v23 =	vld [tilespmem:s15+$0x170]  }
0x11a: {  	v24 =	vadd.f32 v25, v27;
	v11 =	vadd.f32 v11, v15;
	v8 =	vmul.f32 v31, v8;
	v15 =	vld [tilespmem:s15+$0x1A0]  }
0x11b: {  	v17 =	vadd.f32 v17, v20;
	v18 =	vadd.f32 v18, v21;
	v19 =	vmul.f32 v19, v5;
	v20 =	vld [tilespmem:s15+$0x1B0]  }
0x11c: {  	v21 =	vadd.f32 v22, v24;
	v8 =	vadd.f32 v8, v11;
	v5 =	vmul.f32 v26, v5;
	v11 =	vld [tilespmem:s15+$0x1E0]  }
0x11d: {  	v13 =	vadd.f32 v13, v17;
	v14 =	vadd.f32 v14, v18;
	v16 =	vmul.f32 v16, v2;
	v17 =	vld [tilespmem:s15+$0x1F0];
	s15 =	sadd.s32 $0x400, s15  }
0x11e: {  	v19 =	vadd.f32 v19, v21;
	v18 =	vld [tilespmem:s15+$0x1C0];
	v5 =	vadd.f32 v5, v8;
	v2 =	vmul.f32 v23, v2  }
0x11f: {  	v8 =	vadd.f32 v9, v13;
	v9 =	vadd.f32 v10, v14;
	v21 =	vld [tilespmem:s15+$0x1D0];
	v10 =	vmul.f32 v15, v1  }
0x120: {  	v14 =	vadd.f32 v16, v19;
	v13 =	vld [tilespmem:s15+$0x180];
	v2 =	vadd.f32 v2, v5;
	v1 =	vmul.f32 v20, v1  }
0x121: {  	v5 =	vadd.f32 v6, v8;
	v6 =	vadd.f32 v7, v9;
	v20 =	vld [tilespmem:s15+$0x190];
	v7 =	vmul.f32 v11, v0  }
0x122: {  	v8 =	vadd.f32 v10, v14;
	v9 =	vld [tilespmem:s15+$0x140];
	v1 =	vadd.f32 v1, v2;
	v0 =	vmul.f32 v17, v0  }
0x123: {  	v31 =	vadd.f32 v4, v5;
	v34 =	vadd.f32 v3, v6;
	v10 =	vld [tilespmem:s15+$0x150]  }
0x124: {  	v33 =	vadd.f32 v7, v8;
	v14 =	vld [tilespmem:s15+$0x100];
	v32 =	vadd.f32 v0, v1  }
0x125: {  	v17 =	vld [tilespmem:s15+$0x110]  }
0x126: {  	s7 =	sshra.s32 s16, $0x2;
	v23 =	vld [tilespmem:s15+$0xC0]  }
0x127: {  	v3 =	vld.idx.msk [tilespmem:v12+s7+$0x0 ss:$0x1], $0xffff  }
0x128: {  	v24 =	vld [tilespmem:s15+$0xD0]  }
0x129: {  	v26 =	vld [tilespmem:s15+$0x80]  }
0x12a: {  	v27 =	vld [tilespmem:s15+$0x90]  }
0x12b: {  	v50 =	vld [tilespmem:s15+$0x40]  }
0x12c: {  	v51 =	vld [tilespmem:s15+$0x50]  }
0x12d: {  	v1 =	vbroadcast v3, $0xE;
	v0 =	vbroadcast v3, $0xF;
	v52 =	vld [tilespmem:s15+$0x0]  }
0x12e: {  	v5 =	vbroadcast v3, $0xC;
	v2 =	vbroadcast v3, $0xD;
	v53 =	vld [tilespmem:s15+$0x10]  }
0x12f: {  	v11 =	vbroadcast v3, $0xA;
	v8 =	vbroadcast v3, $0xB;
	v36 =	vld [tilespmem:s15+$0xFFFFFFC0]  }
0x130: {  	v16 =	vbroadcast v3, $0x8;
	v15 =	vbroadcast v3, $0x9;
	v37 =	vld [tilespmem:s15+$0xFFFFFFD0]  }
0x131: {  	v22 =	vbroadcast v3, $0x6;
	v19 =	vbroadcast v3, $0x7;
	v38 =	vld [tilespmem:s15+$0xFFFFFF80]  }
0x132: {  	v28 =	vbroadcast v3, $0x4;
	v25 =	vbroadcast v3, $0x5;
	v42 =	vld [tilespmem:s15+$0xFFFFFF90]  }
0x133: {  	v30 =	vbroadcast v3, $0x2;
	v29 =	vbroadcast v3, $0x3;
	v39 =	vld [tilespmem:s15+$0xFFFFFF40]  }
0x134: {  	v43 =	vbroadcast v3, $0x0;
	v35 =	vbroadcast v3, $0x1;
	v41 =	vld [tilespmem:s15+$0xFFFFFF50]  }
0x135: {  	v4 =	vmul.f32 v18, v0;
	v3 =	vmul.f32 v21, v0;
	v40 =	vld [tilespmem:s15+$0xFFFFFF00]  }
0x136: {  	v6 =	vmul.f32 v13, v1;
	v7 =	vmul.f32 v20, v1;
	v44 =	vld [tilespmem:s15+$0xFFFFFF10]  }
0x137: {  	v9 =	vmul.f32 v9, v2;
	v10 =	vmul.f32 v10, v2;
	v45 =	vld [tilespmem:s15+$0xFFFFFEC0]  }
.Ltmp2:
0x138: {  	v13 =	vmul.f32 v14, v5;
	v14 =	vmul.f32 v17, v5;
	v46 =	vld [tilespmem:s15+$0xFFFFFED0];
	(pc) =	sbr.rel @p0 .LBB2_4-.Ltmp2, $4  }
0x139: {  	v17 =	vmul.f32 v23, v8;
	v18 =	vmul.f32 v24, v8;
	v47 =	vld [tilespmem:s15+$0xFFFFFE80]  }
0x13a: {  	v20 =	vmul.f32 v26, v11;
	v21 =	vmul.f32 v27, v11;
	v48 =	vld [tilespmem:s15+$0xFFFFFE90]  }
0x13b: {  	v23 =	vmul.f32 v50, v15;
	v24 =	vmul.f32 v51, v15;
	v49 =	vld [tilespmem:s15+$0xFFFFFE40]  }
0x13c: {  	s16 =	sadd.s32 $0x40, s16;
	v26 =	vmul.f32 v52, v16;
	v27 =	vmul.f32 v53, v16;
	v50 =	vld [tilespmem:s15+$0xFFFFFE50]  }
0x13d: {  	v12 =	vld [tilespmem:s15+$0xFFFFFE00]  }
0x13e: {  	v51 =	vld [tilespmem:s15+$0xFFFFFE10]  }
0x13f: {  	v52 =	vld [tilespmem:s15+$0xFFFFFE20]  }
0x140: {  	v53 =	vld [tilespmem:s15+$0xFFFFFE30]  }
0x141: {  	v54 =	vld [tilespmem:s15+$0xFFFFFE60]  }
0x142: {  	v55 =	vld [tilespmem:s15+$0xFFFFFE70]  }
0x143: {  	v56 =	vld [tilespmem:s15+$0xFFFFFEA0]  }
0x144: {  	v57 =	vld [tilespmem:s15+$0xFFFFFEB0]  }
0x145: {  	v58 =	vld [tilespmem:s15+$0xFFFFFEE0]  }
0x146: {  	v59 =	vld [tilespmem:s15+$0xFFFFFEF0]  }
0x147: {  	v60 =	vld [tilespmem:s15+$0xFFFFFF20]  }
0x148: {  	v61 =	vld [tilespmem:s15+$0xFFFFFF30];
	v12 =	vmul.f32 v12, v43;
	v51 =	vmul.f32 v51, v43  }
0x149: {  	v52 =	vmul.f32 v52, v43;
	v63 =	vmul.f32 v53, v43;
	v43 =	vld [tilespmem:s15+$0xFFFFFFF0]  }
0x14a: {  	v36 =	vmul.f32 v36, v19;
	v53 =	vld [tilespmem:s15+$0x20]  }
0x14b: {  	v37 =	vmul.f32 v37, v19;
	v12 =	vadd.f32 v12, v31;
	v31 =	vadd.f32 v51, v34;
	v34 =	vld [tilespmem:s15+$0xFFFFFF60]  }
0x14c: {  	v38 =	vmul.f32 v38, v22;
	v42 =	vmul.f32 v42, v22;
	v51 =	vld [tilespmem:s15+$0xFFFFFF70]  }
0x14d: {  	v49 =	vmul.f32 v49, v35;
	v50 =	vmul.f32 v50, v35;
	v33 =	vadd.f32 v52, v33;
	v52 =	vld [tilespmem:s15+$0xFFFFFFA0]  }
0x14e: {  	v62 =	vmul.f32 v54, v35;
	v32 =	vadd.f32 v63, v32;
	v63 =	vmul.f32 v55, v35;
	v35 =	vld [tilespmem:s15+$0x70]  }
0x14f: {  	v39 =	vmul.f32 v39, v25;
	v41 =	vmul.f32 v41, v25;
	v55 =	vld [tilespmem:s15+$0xA0]  }
0x150: {  	v40 =	vmul.f32 v40, v28;
	v47 =	vmul.f32 v47, v30;
	v12 =	vadd.f32 v49, v12;
	v49 =	vld [tilespmem:s15+$0xFFFFFFB0]  }
0x151: {  	v44 =	vmul.f32 v44, v28;
	v48 =	vmul.f32 v48, v30;
	v31 =	vadd.f32 v50, v31;
	v50 =	vld [tilespmem:s15+$0xFFFFFFE0]  }
0x152: {  	s7 =	smul.u32 $0xC800, s11;
	v57 =	vmul.f32 v57, v30;
	v32 =	vadd.f32 v63, v32;
	v12 =	vadd.f32 v47, v12;
	v47 =	vld [tilespmem:s15+$0x30]  }
0x153: {  	v56 =	vmul.f32 v56, v30;
	v33 =	vadd.f32 v62, v33;
	v31 =	vadd.f32 v48, v31;
	v48 =	vld [tilespmem:s15+$0x60]  }
0x154: {  	v45 =	vmul.f32 v45, v29;
	s7 =	sshra.s32 s7, $0x2;
	v63 =	vmul.f32 v59, v29;
	v30 =	vadd.f32 v57, v32;
	v57 =	vld [tilespmem:s15+$0xB0]  }
0x155: {  	v33 =	vadd.f32 v56, v33;
	v56 =	vmul.f32 v60, v28;
	v54 =	vmul.f32 v55, v11;
	v55 =	vld [tilespmem:s7+$0x3C80]  }
0x156: {  	v60 =	vmul.f32 v52, v22;
	v52 =	vmul.f32 v35, v15;
	v35 =	vld [tilespmem:s7+$0x3CE0]  }
0x157: {  	v46 =	vmul.f32 v46, v29;
	v62 =	vmul.f32 v58, v29;
	v29 =	vadd.f32 v63, v30;
	v30 =	vld [tilespmem:s15+$0xE0]  }
0x158: {  	v58 =	vmul.f32 v61, v28;
	v12 =	vadd.f32 v45, v12;
	v63 =	vmul.f32 v43, v19;
	v43 =	vld [tilespmem:s15+$0x1B0]  }
0x159: {  	v34 =	vmul.f32 v34, v25;
	v59 =	vmul.f32 v51, v25;
	v31 =	vadd.f32 v46, v31;
	v45 =	vld [tilespmem:s15+$0x1E0]  }
0x15a: {  	v33 =	vadd.f32 v62, v33;
	v46 =	vld [tilespmem:s7+$0x3D30];
	v61 =	vmul.f32 v49, v22;
	v12 =	vadd.f32 v40, v12  }
0x15b: {  	v62 =	vmul.f32 v50, v19;
	v31 =	vadd.f32 v44, v31;
	v40 =	vld [tilespmem:s15+$0xF0];
	v28 =	vadd.f32 v58, v29  }
0x15c: {  	v33 =	vadd.f32 v56, v33;
	v29 =	vld [tilespmem:s15+$0x120];
	v44 =	vmul.f32 v47, v16;
	v12 =	vadd.f32 v39, v12  }
0x15d: {  	v47 =	vld [tilespmem:s15+$0x1F0];
	v50 =	vmul.f32 v48, v15;
	v31 =	vadd.f32 v41, v31;
	v25 =	vadd.f32 v59, v28  }
0x15e: {  	v56 =	vmul.f32 v57, v11;
	v41 =	vld [tilespmem:s15+$0x130];
	v33 =	vadd.f32 v34, v33;
	v12 =	vadd.f32 v38, v12  }
0x15f: {  	v28 =	vld [tilespmem:s15+$0x160];
	v59 =	vmul.f32 v30, v8;
	v31 =	vadd.f32 v42, v31;
	v22 =	vadd.f32 v61, v25  }
0x160: {  	v57 =	vld [tilespmem:s7+$0x3C90];
	v33 =	vadd.f32 v60, v33;
	v42 =	vmul.f32 v53, v16;
	v12 =	vadd.f32 v36, v12  }
0x161: {  	v38 =	vld [tilespmem:s15+$0x170];
	v61 =	vmul.f32 v40, v8;
	v31 =	vadd.f32 v37, v31;
	v19 =	vadd.f32 v63, v22  }
0x162: {  	v25 =	vld [tilespmem:s15+$0x1A0];
	v33 =	vadd.f32 v62, v33;
	v47 =	vmul.f32 v47, v0;
	v12 =	vadd.f32 v26, v12  }
0x163: {  	v30 =	vmul.f32 v41, v5;
	v49 =	vadd.f32 v27, v31;
	v16 =	vadd.f32 v44, v19;
	v19 =	vld [tilespmem:s14+$0x6F8]  }
0x164: {  	v39 =	vld [tilespmem:s7+$0x3D00];
	v51 =	vadd.f32 v42, v33;
	v33 =	vmul.f32 v28, v2;
	v42 =	vmul.f32 v43, v1  }
0x165: {  	v60 =	vld [tilespmem:s7+$0x3CA0];
	v44 =	vmul.f32 v45, v0;
	v12 =	vadd.f32 v23, v12;
	v53 =	vadd.f32 v24, v49  }
0x166: {  	v62 =	vld [tilespmem:s7+$0x3CB0];
	v36 =	vmul.f32 v38, v2;
	v27 =	vadd.f32 v50, v51;
	v15 =	vadd.f32 v52, v16  }
0x167: {  	v31 =	vld [tilespmem:s7+$0x3CD0];
	v40 =	vmul.f32 v25, v1;
	v12 =	vadd.f32 v20, v12;
	v58 =	vadd.f32 v21, v53  }
0x168: {  	v41 =	vld [tilespmem:s7+$0x3D10];
	v24 =	vadd.f32 v54, v27;
	v27 =	vmul.f32 v29, v5;
	v45 =	vbroadcast v19, $0x8  }
0x169: {  	v38 =	vld [tilespmem:s7+$0x3CF0];
	v11 =	vadd.f32 v56, v15;
	v54 =	vbroadcast v19, $0x9;
	v34 =	vbroadcast v19, $0xC  }
0x16a: {  	v29 =	vld [tilespmem:s7+$0x3CC0];
	v12 =	vadd.f32 v17, v12;
	v63 =	vadd.f32 v18, v58;
	v50 =	vmul.f32 v55, v45  }
0x16b: {  	v43 =	vld [tilespmem:s7+$0x3D20];
	v21 =	vadd.f32 v59, v24;
	v51 =	vmul.f32 v57, v45;
	v53 =	vmul.f32 v60, v45  }
0x16c: {  	v52 =	vld [tilespmem:s7+$0x3D50];
	v8 =	vadd.f32 v61, v11;
	v57 =	vmul.f32 v62, v45;
	v62 =	vmul.f32 v31, v54  }
0x16d: {  	v20 =	vld [tilespmem:s7+$0x3D90];
	v23 =	vmul.f32 v35, v54;
	v12 =	vadd.f32 v13, v12;
	v32 =	vadd.f32 v14, v63  }
0x16e: {  	v61 =	vld [tilespmem:s7+$0x3D80];
	v5 =	vadd.f32 v30, v8;
	v63 =	vbroadcast v19, $0xA;
	v8 =	vmul.f32 v38, v54  }
0x16f: {  	v24 =	vld [tilespmem:s7+$0x3DA0];
	v18 =	vadd.f32 v27, v21;
	v27 =	vbroadcast v19, $0xB;
	v60 =	vmul.f32 v29, v54  }
0x170: {  	v55 =	vld [tilespmem:s7+$0x3D60];
	v9 =	vadd.f32 v9, v12;
	v10 =	vadd.f32 v10, v32;
	v25 =	vmul.f32 v39, v63  }
0x171: {  	v2 =	vadd.f32 v36, v5;
	v5 =	vmul.f32 v41, v63;
	v29 =	vmul.f32 v46, v63  }
0x172: {  	v49 =	vld [tilespmem:s7+$0x3D40];
	v14 =	vadd.f32 v33, v18;
	v33 =	vmul.f32 v52, v27;
	v39 =	vmul.f32 v20, v34  }
0x173: {  	v58 =	vld [tilespmem:s7+$0x3D70];
	v38 =	vmul.f32 v61, v34;
	v6 =	vadd.f32 v6, v9;
	v7 =	vadd.f32 v7, v10  }
0x174: {  	v26 =	vld [tilespmem:s7+$0x3DB0];
	v41 =	vmul.f32 v24, v34;
	v13 =	vadd.f32 v40, v14;
	v1 =	vadd.f32 v42, v2  }
0x175: {  	v28 =	vld [tilespmem:s7+$0x3DC0];
	v9 =	vmul.f32 v43, v63;
	v36 =	vmul.f32 v55, v27;
	v48 =	vadd.f32 v4, v6  }
0x176: {  	v42 =	vbroadcast v19, $0xD;
	v3 =	vadd.f32 v3, v7;
	v10 =	vadd.f32 v44, v13  }
0x177: {  	v35 =	vld [tilespmem:s7+$0x3DF0];
	v55 =	vbroadcast v19, $0xF;
	v0 =	vadd.f32 v47, v1;
	v56 =	vadd.f32 v50, v48  }
0x178: {  	v30 =	vld [tilespmem:s7+$0x3DD0];
	v4 =	vmul.f32 v49, v27;
	v6 =	vmul.f32 v58, v27;
	v3 =	vadd.f32 v51, v3  }
0x179: {  	v32 =	vld [tilespmem:s7+$0x3DE0];
	v44 =	vmul.f32 v26, v34;
	v59 =	vadd.f32 v53, v10;
	v1 =	vadd.f32 v60, v56  }
0x17a: {  	v37 =	vld [tilespmem:s7+$0x3E00];
	v46 =	vmul.f32 v28, v42;
	v0 =	vadd.f32 v57, v0;
	v2 =	vadd.f32 v62, v3  }
0x17b: {  	v40 =	vld [tilespmem:s7+$0x3E10];
	v49 =	vbroadcast v19, $0xE;
	v7 =	vadd.f32 v23, v59;
	v1 =	vadd.f32 v25, v1  }
0x17c: {  	v43 =	vld [tilespmem:s7+$0x3E20];
	v52 =	vmul.f32 v35, v42;
	v0 =	vadd.f32 v8, v0;
	v2 =	vadd.f32 v5, v2  }
0x17d: {  	v45 =	vld [tilespmem:s7+$0x3E30];
	v48 =	vmul.f32 v30, v42;
	v31 =	vadd.f32 v9, v7;
	v1 =	vadd.f32 v4, v1  }
0x17e: {  	v47 =	vld [tilespmem:s7+$0x3E40];
	v51 =	vmul.f32 v32, v42;
	v0 =	vadd.f32 v29, v0;
	v2 =	vadd.f32 v33, v2  }
0x17f: {  	v50 =	vld [tilespmem:s7+$0x3E50];
	v54 =	vmul.f32 v37, v49;
	v4 =	vadd.f32 v36, v31;
	v1 =	vadd.f32 v38, v1  }
0x180: {  	v53 =	vld [tilespmem:s7+$0x3E60];
	v57 =	vmul.f32 v40, v49;
	v0 =	vadd.f32 v6, v0;
	v2 =	vadd.f32 v39, v2  }
0x181: {  	v58 =	vmul.f32 v43, v49;
	v56 =	vld [tilespmem:s7+$0x3E70];
	v4 =	vadd.f32 v41, v4;
	v1 =	vadd.f32 v46, v1  }
0x182: {  	v60 =	vmul.f32 v45, v49;
	v0 =	vadd.f32 v44, v0;
	v2 =	vadd.f32 v48, v2  }
0x183: {  	v59 =	vmul.f32 v47, v55;
	v4 =	vadd.f32 v51, v4;
	v1 =	vadd.f32 v54, v1  }
0x184: {  	s23 =	sshll.u32 s11, $0x6;
	s11 =	sadd.s32 $0x1, s11;
	v61 =	vmul.f32 v50, v55;
	v0 =	vadd.f32 v52, v0;
	v2 =	vadd.f32 v57, v2  }
0x185: {  	p0 =	sne.s32 s11, $0x4;
	v62 =	vmul.f32 v53, v55;
	v3 =	vadd.f32 v58, v4;
	v1 =	vadd.f32 v59, v1  }
.Ltmp3:
0x186: {  	s7 =	sand.u32 $0x3FFFFFC0, s23;
	v63 =	vmul.f32 v56, v55;
	v0 =	vadd.f32 v60, v0;
	v2 =	vadd.f32 v61, v2;
	(pc) =	sbr.rel @p0 .LBB2_3-.Ltmp3, $4  }
0x187: {  	v3 =	vadd.f32 v62, v3;
	[tilespmem:s7+$0x19C80] =	vst v1  }
0x188: {  	v0 =	vadd.f32 v63, v0;
	[tilespmem:s7+$0x19C90] =	vst v2  }
0x189: {  	[tilespmem:s7+$0x19CA0] =	vst v3  }
0x18a: {  	s12 =	sadd.s32 $0xC8, s12;
	s13 =	sadd.s32 $0x3200, s13;
	[tilespmem:s7+$0x19CB0] =	vst v0  }
0x18b: {  	s7 =	sshll.u32 s10, $0x6  }
0x18c: {  	s23 =	rddreg [dreg:$0x1];
	p0 =	seq.s32 s10, $0x3F;
	s12 =	sadd.s32 s17, s7  }
.Ltmp4:
0x18d: {  	s7 =	sadd.s32 s23, s12;
	(pc) =	sbr.rel @p0 .LBB2_8-.Ltmp4, $4  }
0x18e: {  	[hbm4b:s7+s3] =	stream.linear.scatter [tilespmem:s29], [sflag:$0x7], $0x100, $0x38;
	[tilespmem:$0x19D80] =	vst v63  }
0x18f: {  	_ =	swait.ge [sflag:s30], $0x100  }
0x190: {  	[sflag:s30] =	ssyncset.done $0x0  }
0x191: {  	s11 =	sshll.u32 s10, $0x3;
	[sflag:s30] =	ssyncadd.s32 $0xFFFFFF00  }
0x192: {  	s7 =	rddreg [dreg:$0xd]  }
0x193: {  	s7 =	sadd.s32 s11, s7  }
0x194: {  	s13 =	smul.u32 $0x19, s7  }
0x195: {  	s7 =	smul.u32 $0xC8, s7;
	_ =	sdelay $0x1  }
0x196: {  	s14 =	sadd.s32 s4, s13;
	s16 =	sadd.s32 $0xC8, s7  }
0x197: {  	[tilespmem:s3], [sflag:$0x1] =	stream.linear.gather [hbm4b:s14+s3], $0xC8, $0x38;
	[tilespmem:$0x19D80] =	vst v63  }
0x198: {  	s14 =	sshrl.u32 s16, $0x3  }
0x199: {  	s15 =	simm.s32 $0xC8;
	s21 =	sshrl.u32 s7, $0x3;
	s14 =	sadd.s32 s4, s14  }
0x19a: {  	[tilespmem:s15], [sflag:$0x1] =	stream.linear.gather [hbm4b:s14+s3], $0xC8, $0x38;
	[tilespmem:$0x19D80] =	vst v63  }
0x19b: {  	s7 =	sadd.s32 $0x258, s7;
	s14 =	sadd.s32 s4, s21  }
0x19c: {  	s23 =	simm.s32 $0x190;
	s7 =	sshrl.u32 s7, $0x3;
	s14 =	sadd.s32 $0x32, s14  }
0x19d: {  	[tilespmem:s23], [sflag:$0x1] =	stream.linear.gather [hbm4b:s14+s3], $0xC8, $0x38;
	[tilespmem:$0x19D80] =	vst v63  }
0x19e: {  	s16 =	simm.s32 $0x258;
	s7 =	sadd.s32 s4, s7  }
0x19f: {  	[tilespmem:s16], [sflag:$0x1] =	stream.linear.gather [hbm4b:s7+s3], $0xC8, $0x38;
	[tilespmem:$0x19D80] =	vst v63  }
0x1a0: {  	s21 =	sadd.s32 s5, s13;
	s23 =	simm.s32 $0x640  }
0x1a1: {  	[tilespmem:s23], [sflag:$0x3] =	stream.linear.gather [hbm4b:s21+s3], $0x320, $0x38;
	[tilespmem:$0x19D80] =	vst v63  }
0x1a2: {  	_ =	swait.ge [sflag:s0], $0xC8  }
0x1a3: {  	[sflag:s0] =	ssyncset.done $0x0  }
0x1a4: {  	[sflag:s0] =	ssyncadd.s32 $0xFFFFFF38  }
0x1a5: {  	_ =	swait.ge [sflag:s0], $0xC8  }
0x1a6: {  	[sflag:s0] =	ssyncset.done $0x0  }
0x1a7: {  	[sflag:s0] =	ssyncadd.s32 $0xFFFFFF38  }
0x1a8: {  	_ =	swait.ge [sflag:s0], $0xC8  }
0x1a9: {  	[sflag:s0] =	ssyncset.done $0x0  }
0x1aa: {  	[sflag:s0] =	ssyncadd.s32 $0xFFFFFF38  }
0x1ab: {  	_ =	swait.ge [sflag:s0], $0xC8  }
0x1ac: {  	[sflag:s0] =	ssyncset.done $0x0  }
0x1ad: {  	[sflag:s0] =	ssyncadd.s32 $0xFFFFFF38  }
0x1ae: {  	_ =	swait.ge [sflag:s1], $0x320  }
0x1af: {  	[sflag:s1] =	ssyncset.done $0x0  }
0x1b0: {  	[sflag:s1] =	ssyncadd.s32 $0xFFFFFCE0  }
0x1b1: {  	v0 =	vld [tilespmem:$0x0]  }
0x1b2: {  	v1 =	vld [tilespmem:$0x10]  }
0x1b3: {  	v2 =	vld [tilespmem:$0x20]  }
0x1b4: {  	v3 =	vld [tilespmem:$0x30]  }
0x1b5: {  	v4 =	vld [tilespmem:$0x40]  }
0x1b6: {  	v5 =	vld [tilespmem:$0x50];
	v0 =	vshll.u32 v0, $0x1  }
0x1b7: {  	v28 =	vld [tilespmem:$0x60];
	v27 =	vshll.u32 v1, $0x1;
	[tilespmem:$0x0] =	vst v0  }
0x1b8: {  	v30 =	vld [tilespmem:$0x70];
	v29 =	vshll.u32 v2, $0x1;
	[tilespmem:$0x10] =	vst v27  }
0x1b9: {  	v32 =	vld [tilespmem:$0x80];
	v31 =	vshll.u32 v3, $0x1;
	[tilespmem:$0x20] =	vst v29  }
0x1ba: {  	v34 =	vld [tilespmem:$0x90];
	v33 =	vshll.u32 v4, $0x1;
	[tilespmem:$0x30] =	vst v31  }
0x1bb: {  	v36 =	vld [tilespmem:$0xA0];
	v35 =	vshll.u32 v5, $0x1;
	[tilespmem:$0x40] =	vst v33  }
0x1bc: {  	v38 =	vld [tilespmem:$0xB0];
	v37 =	vshll.u32 v28, $0x1;
	[tilespmem:$0x50] =	vst v35  }
0x1bd: {  	v40 =	vld [tilespmem:$0xC0];
	v39 =	vshll.u32 v30, $0x1;
	[tilespmem:$0x60] =	vst v37  }
0x1be: {  	v42 =	vld [tilespmem:$0xD0];
	v41 =	vshll.u32 v32, $0x1;
	[tilespmem:$0x70] =	vst v39  }
0x1bf: {  	v44 =	vld [tilespmem:$0xE0];
	v43 =	vshll.u32 v34, $0x1;
	[tilespmem:$0x80] =	vst v41  }
0x1c0: {  	v46 =	vld [tilespmem:$0xF0];
	v45 =	vshll.u32 v36, $0x1;
	[tilespmem:$0x90] =	vst v43  }
0x1c1: {  	v48 =	vld [tilespmem:$0x100];
	v47 =	vshll.u32 v38, $0x1;
	[tilespmem:$0xA0] =	vst v45  }
0x1c2: {  	v50 =	vld [tilespmem:$0x110];
	v49 =	vshll.u32 v40, $0x1;
	[tilespmem:$0xB0] =	vst v47  }
0x1c3: {  	v52 =	vld [tilespmem:$0x120];
	v51 =	vshll.u32 v42, $0x1;
	[tilespmem:$0xC0] =	vst v49  }
0x1c4: {  	v54 =	vld [tilespmem:$0x130];
	v53 =	vshll.u32 v44, $0x1;
	[tilespmem:$0xD0] =	vst v51  }
0x1c5: {  	v56 =	vld [tilespmem:$0x140];
	v55 =	vshll.u32 v46, $0x1;
	[tilespmem:$0xE0] =	vst v53  }
0x1c6: {  	v58 =	vld [tilespmem:$0x150];
	v57 =	vshll.u32 v48, $0x1;
	[tilespmem:$0xF0] =	vst v55  }
0x1c7: {  	v60 =	vld [tilespmem:$0x160];
	v59 =	vshll.u32 v50, $0x1;
	[tilespmem:$0x100] =	vst v57  }
0x1c8: {  	v62 =	vld [tilespmem:$0x170];
	v61 =	vshll.u32 v52, $0x1;
	[tilespmem:$0x110] =	vst v59  }
0x1c9: {  	v8 =	vld [tilespmem:$0x180];
	v63 =	vshll.u32 v54, $0x1;
	[tilespmem:$0x120] =	vst v61  }
0x1ca: {  	v10 =	vld [tilespmem:$0x190];
	v9 =	vshll.u32 v56, $0x1;
	[tilespmem:$0x130] =	vst v63  }
0x1cb: {  	v12 =	vld [tilespmem:$0x1A0];
	v11 =	vshll.u32 v58, $0x1;
	[tilespmem:$0x140] =	vst v9  }
0x1cc: {  	v14 =	vld [tilespmem:$0x1B0];
	v13 =	vshll.u32 v60, $0x1;
	[tilespmem:$0x150] =	vst v11  }
0x1cd: {  	v16 =	vld [tilespmem:$0x1C0];
	v15 =	vshll.u32 v62, $0x1;
	[tilespmem:$0x160] =	vst v13  }
0x1ce: {  	v18 =	vld [tilespmem:$0x1D0];
	v17 =	vshll.u32 v8, $0x1;
	[tilespmem:$0x170] =	vst v15  }
0x1cf: {  	v20 =	vld [tilespmem:$0x1E0];
	v19 =	vshll.u32 v10, $0x1;
	[tilespmem:$0x180] =	vst v17  }
0x1d0: {  	v22 =	vld [tilespmem:$0x1F0];
	v21 =	vshll.u32 v12, $0x1;
	[tilespmem:$0x190] =	vst v19  }
0x1d1: {  	v24 =	vld [tilespmem:$0x200];
	v23 =	vshll.u32 v14, $0x1;
	[tilespmem:$0x1A0] =	vst v21  }
0x1d2: {  	v26 =	vld [tilespmem:$0x210];
	v25 =	vshll.u32 v16, $0x1;
	[tilespmem:$0x1B0] =	vst v23  }
0x1d3: {  	v28 =	vld [tilespmem:$0x220];
	[tilespmem:$0x1C0] =	vst v25;
	v27 =	vshll.u32 v18, $0x1  }
0x1d4: {  	v30 =	vld [tilespmem:$0x230];
	v29 =	vshll.u32 v20, $0x1;
	[tilespmem:$0x1D0] =	vst v27  }
0x1d5: {  	v32 =	vld [tilespmem:$0x240];
	v31 =	vshll.u32 v22, $0x1;
	[tilespmem:$0x1E0] =	vst v29  }
0x1d6: {  	v34 =	vld [tilespmem:$0x250];
	v33 =	vshll.u32 v24, $0x1;
	[tilespmem:$0x1F0] =	vst v31  }
0x1d7: {  	v36 =	vld [tilespmem:$0x260];
	v35 =	vshll.u32 v26, $0x1;
	[tilespmem:$0x200] =	vst v33  }
0x1d8: {  	v38 =	vld [tilespmem:$0x270];
	[tilespmem:$0x210] =	vst v35;
	v37 =	vshll.u32 v28, $0x1  }
0x1d9: {  	v40 =	vld [tilespmem:$0x280];
	v39 =	vshll.u32 v30, $0x1;
	[tilespmem:$0x220] =	vst v37  }
0x1da: {  	v42 =	vld [tilespmem:$0x290];
	v41 =	vshll.u32 v32, $0x1;
	[tilespmem:$0x230] =	vst v39  }
0x1db: {  	v44 =	vld [tilespmem:$0x2A0];
	v43 =	vshll.u32 v34, $0x1;
	[tilespmem:$0x240] =	vst v41  }
0x1dc: {  	v46 =	vld [tilespmem:$0x2B0];
	v45 =	vshll.u32 v36, $0x1;
	[tilespmem:$0x250] =	vst v43  }
0x1dd: {  	v48 =	vld [tilespmem:$0x2C0];
	v47 =	vshll.u32 v38, $0x1;
	[tilespmem:$0x260] =	vst v45  }
0x1de: {  	v50 =	vld [tilespmem:$0x2D0];
	v49 =	vshll.u32 v40, $0x1;
	[tilespmem:$0x270] =	vst v47  }
0x1df: {  	v52 =	vld [tilespmem:$0x2E0];
	v51 =	vshll.u32 v42, $0x1;
	[tilespmem:$0x280] =	vst v49  }
0x1e0: {  	v54 =	vld [tilespmem:$0x2F0];
	v53 =	vshll.u32 v44, $0x1;
	[tilespmem:$0x290] =	vst v51  }
0x1e1: {  	v56 =	vld [tilespmem:$0x300];
	v55 =	vshll.u32 v46, $0x1;
	[tilespmem:$0x2A0] =	vst v53  }
0x1e2: {  	v58 =	vld [tilespmem:$0x310];
	v57 =	vshll.u32 v48, $0x1;
	[tilespmem:$0x2B0] =	vst v55  }
0x1e3: {  	v59 =	vshll.u32 v50, $0x1;
	[tilespmem:$0x2C0] =	vst v57  }
0x1e4: {  	v60 =	vshll.u32 v52, $0x1;
	[tilespmem:$0x2D0] =	vst v59  }
0x1e5: {  	v61 =	vshll.u32 v54, $0x1;
	[tilespmem:$0x2E0] =	vst v60  }
0x1e6: {  	v62 =	vshll.u32 v56, $0x1;
	[tilespmem:$0x2F0] =	vst v61  }
0x1e7: {  	v63 =	vshll.u32 v58, $0x1;
	[tilespmem:$0x300] =	vst v62  }
0x1e8: {  	s13 =	simm.s32 $0xC80;
	[tilespmem:$0x310] =	vst v63  }
0x1e9: {  	[tilespmem:s13], [sflag:$0x5] =	stream.indirect.gather [hbm4b:s6+s8], $0x40, s3, s8, $0xb8;
	[tilespmem:$0x19D80] =	vst v63  }
0x1ea: {  	s14 =	simm.s32 $0x2C80  }
0x1eb: {  	[tilespmem:s14], [sflag:$0x5] =	stream.indirect.gather [hbm4b:s6+s8], $0x40, s8, s8, $0xb8;
	[tilespmem:$0x19D80] =	vst v63  }
0x1ec: {  	s15 =	simm.s32 $0x100;
	s16 =	simm.s32 $0x4C80  }
0x1ed: {  	[tilespmem:s16], [sflag:$0x5] =	stream.indirect.gather [hbm4b:s6+s8], $0x40, s15, s8, $0xb8;
	[tilespmem:$0x19D80] =	vst v63  }
0x1ee: {  	s21 =	simm.s32 $0x180;
	s23 =	simm.s32 $0x6C80  }
0x1ef: {  	[tilespmem:s23], [sflag:$0x5] =	stream.indirect.gather [hbm4b:s6+s8], $0x40, s21, s8, $0xb8;
	[tilespmem:$0x19D80] =	vst v63  }
0x1f0: {  	s13 =	simm.s32 $0x200;
	s14 =	simm.s32 $0x8C80  }
0x1f1: {  	[tilespmem:s14], [sflag:$0x5] =	stream.indirect.gather [hbm4b:s6+s8], $0x40, s13, s8, $0xb8;
	[tilespmem:$0x19D80] =	vst v63  }
0x1f2: {  	s15 =	simm.s32 $0x280;
	s16 =	simm.s32 $0xAC80  }
0x1f3: {  	[tilespmem:s16], [sflag:$0x5] =	stream.indirect.gather [hbm4b:s6+s8], $0x40, s15, s8, $0xb8;
	[tilespmem:$0x19D80] =	vst v63  }
0x1f4: {  	s21 =	simm.s32 $0x300;
	s23 =	simm.s32 $0xCC80  }
0x1f5: {  	[tilespmem:s23], [sflag:$0x5] =	stream.indirect.gather [hbm4b:s6+s22], $0x40, s21, s22, $0xb8;
	[tilespmem:$0x19D80] =	vst v63  }
.LBB2_8:
0x1f6: {  	_ =	swait.ge [sflag:s31], $0xC800  }
0x1f7: {  	s13 =	simm.s32 $0x0;
	[sflag:s31] =	ssyncset.done $0x0  }
0x1f8: {  	s14 =	simm.s32 $0x960;
	s21 =	simm.s32 $0xD680;
	[sflag:s31] =	ssyncadd.s32 $0xFFFF3800  }
.LBB2_9:
0x1f9: {  	v3 =	vld [tilespmem:s21+$0x1C0]  }
0x1fa: {  	v6 =	vld [tilespmem:s21+$0x1D0]  }
0x1fb: {  	v7 =	vld [tilespmem:s21+$0x180]  }
0x1fc: {  	v9 =	vld [tilespmem:s21+$0x190]  }
0x1fd: {  	v10 =	vld [tilespmem:s21+$0x140]  }
0x1fe: {  	v12 =	vmov s14;
	v13 =	vld [tilespmem:s21+$0x150]  }
0x1ff: {  	v14 =	vld [tilespmem:s21+$0x100]  }
0x200: {  	v17 =	vld [tilespmem:s21+$0x110]  }
0x201: {  	v18 =	vld [tilespmem:s21+$0xC0]  }
0x202: {  	s7 =	simm.s32 $0x0;
	v20 =	vld [tilespmem:s21+$0xD0]  }
0x203: {  	v4 =	vld.idx.msk [tilespmem:v12+s7+$0x0 ss:$0x1], $0xffff  }
0x204: {  	v21 =	vld [tilespmem:s21+$0x80]  }
0x205: {  	v23 =	vld [tilespmem:s21+$0x90]  }
0x206: {  	v24 =	vld [tilespmem:s21+$0x40]  }
0x207: {  	v26 =	vld [tilespmem:s21+$0x50]  }
0x208: {  	v27 =	vld [tilespmem:s21+$0x0];
	v1 =	vbroadcast v4, $0xE;
	v0 =	vbroadcast v4, $0xF  }
0x209: {  	v32 =	vld [tilespmem:s21+$0x10];
	v5 =	vbroadcast v4, $0xC;
	v2 =	vbroadcast v4, $0xD  }
0x20a: {  	v36 =	vld [tilespmem:s21+$0xFFFFFFC0];
	v11 =	vbroadcast v4, $0xA;
	v8 =	vbroadcast v4, $0xB  }
0x20b: {  	v37 =	vld [tilespmem:s21+$0xFFFFFFD0];
	v16 =	vbroadcast v4, $0x8;
	v15 =	vbroadcast v4, $0x9  }
0x20c: {  	v38 =	vld [tilespmem:s21+$0xFFFFFF80];
	v22 =	vbroadcast v4, $0x6;
	v19 =	vbroadcast v4, $0x7  }
0x20d: {  	v42 =	vld [tilespmem:s21+$0xFFFFFF90];
	v28 =	vbroadcast v4, $0x4;
	v25 =	vbroadcast v4, $0x5  }
0x20e: {  	v39 =	vld [tilespmem:s21+$0xFFFFFF40];
	v30 =	vbroadcast v4, $0x2;
	v29 =	vbroadcast v4, $0x3  }
0x20f: {  	v41 =	vld [tilespmem:s21+$0xFFFFFF50];
	v43 =	vbroadcast v4, $0x0;
	v35 =	vbroadcast v4, $0x1  }
0x210: {  	v40 =	vld [tilespmem:s21+$0xFFFFFF00];
	v4 =	vmul.f32 v3, v0;
	v3 =	vmul.f32 v6, v0  }
0x211: {  	v44 =	vld [tilespmem:s21+$0xFFFFFF10];
	v6 =	vmul.f32 v7, v1;
	v7 =	vmul.f32 v9, v1  }
0x212: {  	v45 =	vld [tilespmem:s21+$0xFFFFFEC0];
	v9 =	vmul.f32 v10, v2;
	v10 =	vmul.f32 v13, v2  }
0x213: {  	v46 =	vld [tilespmem:s21+$0xFFFFFED0];
	v13 =	vmul.f32 v14, v5;
	v14 =	vmul.f32 v17, v5  }
0x214: {  	v47 =	vld [tilespmem:s21+$0xFFFFFE80];
	v31 =	vimm.f32 $0.0e+00;
	v17 =	vmul.f32 v18, v8;
	v18 =	vmul.f32 v20, v8  }
0x215: {  	v48 =	vld [tilespmem:s21+$0xFFFFFE90];
	v34 =	vimm.f32 $0.0e+00;
	v20 =	vmul.f32 v21, v11;
	v21 =	vmul.f32 v23, v11  }
0x216: {  	v49 =	vld [tilespmem:s21+$0xFFFFFE40];
	v33 =	vimm.f32 $0.0e+00;
	v23 =	vmul.f32 v24, v15;
	v24 =	vmul.f32 v26, v15  }
0x217: {  	s16 =	smul.u32 $0xC8, s13;
	v50 =	vld [tilespmem:s21+$0xFFFFFE50];
	s15 =	smov.u32 s21;
	s7 =	simm.s32 $0x40;
	v26 =	vmul.f32 v27, v16;
	v27 =	vmul.f32 v32, v16;
	v32 =	vimm.f32 $0.0e+00  }
.LBB2_10:
0x218: {  	p1 =	sne.s32 s7, $0x2C0;
	v51 =	vld [tilespmem:s15+$0xFFFFFE00];
	v36 =	vmul.f32 v36, v19;
	v37 =	vmul.f32 v37, v19  }
0x219: {  	v38 =	vmul.f32 v38, v22;
	v42 =	vmul.f32 v42, v22;
	v52 =	vld [tilespmem:s15+$0xFFFFFE10]  }
0x21a: {  	v39 =	vmul.f32 v39, v25;
	v41 =	vmul.f32 v41, v25;
	v53 =	vld [tilespmem:s15+$0xFFFFFE20]  }
0x21b: {  	v40 =	vmul.f32 v40, v28;
	v44 =	vmul.f32 v44, v28;
	v54 =	vld [tilespmem:s15+$0xFFFFFE30]  }
0x21c: {  	v45 =	vmul.f32 v45, v29;
	v46 =	vmul.f32 v46, v29;
	v55 =	vld [tilespmem:s15+$0xFFFFFE60]  }
0x21d: {  	v47 =	vmul.f32 v47, v30;
	v48 =	vmul.f32 v48, v30;
	v56 =	vld [tilespmem:s15+$0xFFFFFE70]  }
0x21e: {  	v49 =	vmul.f32 v49, v35;
	v50 =	vmul.f32 v50, v35;
	v57 =	vld [tilespmem:s15+$0xFFFFFEA0]  }
0x21f: {  	v51 =	vmul.f32 v51, v43;
	v52 =	vmul.f32 v52, v43;
	v58 =	vld [tilespmem:s15+$0xFFFFFEB0]  }
0x220: {  	v53 =	vmul.f32 v53, v43;
	v43 =	vmul.f32 v54, v43;
	v54 =	vld [tilespmem:s15+$0xFFFFFEE0]  }
0x221: {  	v31 =	vadd.f32 v51, v31;
	v34 =	vadd.f32 v52, v34;
	v51 =	vmul.f32 v55, v35;
	v52 =	vld [tilespmem:s15+$0xFFFFFEF0]  }
0x222: {  	v33 =	vadd.f32 v53, v33;
	v32 =	vadd.f32 v43, v32;
	v35 =	vmul.f32 v56, v35;
	v43 =	vld [tilespmem:s15+$0xFFFFFF20]  }
0x223: {  	v31 =	vadd.f32 v49, v31;
	v34 =	vadd.f32 v50, v34;
	v49 =	vmul.f32 v57, v30;
	v50 =	vld [tilespmem:s15+$0xFFFFFF30]  }
0x224: {  	v33 =	vadd.f32 v51, v33;
	v32 =	vadd.f32 v35, v32;
	v30 =	vmul.f32 v58, v30;
	v35 =	vld [tilespmem:s15+$0xFFFFFF60]  }
0x225: {  	v31 =	vadd.f32 v47, v31;
	v34 =	vadd.f32 v48, v34;
	v47 =	vmul.f32 v54, v29;
	v48 =	vld [tilespmem:s15+$0xFFFFFF70]  }
0x226: {  	v33 =	vadd.f32 v49, v33;
	v30 =	vadd.f32 v30, v32;
	v29 =	vmul.f32 v52, v29;
	v32 =	vld [tilespmem:s15+$0xFFFFFFA0]  }
0x227: {  	v31 =	vadd.f32 v45, v31;
	v34 =	vadd.f32 v46, v34;
	v43 =	vmul.f32 v43, v28;
	v45 =	vld [tilespmem:s15+$0xFFFFFFB0]  }
0x228: {  	v33 =	vadd.f32 v47, v33;
	v29 =	vadd.f32 v29, v30;
	v28 =	vmul.f32 v50, v28;
	v30 =	vld [tilespmem:s15+$0xFFFFFFE0]  }
0x229: {  	v31 =	vadd.f32 v40, v31;
	v34 =	vadd.f32 v44, v34;
	v35 =	vmul.f32 v35, v25;
	v40 =	vld [tilespmem:s15+$0xFFFFFFF0]  }
0x22a: {  	v33 =	vadd.f32 v43, v33;
	v28 =	vadd.f32 v28, v29;
	v25 =	vmul.f32 v48, v25;
	v29 =	vld [tilespmem:s15+$0x20]  }
0x22b: {  	v31 =	vadd.f32 v39, v31;
	v34 =	vadd.f32 v41, v34;
	v32 =	vmul.f32 v32, v22;
	v39 =	vld [tilespmem:s15+$0x30]  }
0x22c: {  	v33 =	vadd.f32 v35, v33;
	v25 =	vadd.f32 v25, v28;
	v22 =	vmul.f32 v45, v22;
	v28 =	vld [tilespmem:s15+$0x60]  }
0x22d: {  	v31 =	vadd.f32 v38, v31;
	v34 =	vadd.f32 v42, v34;
	v30 =	vmul.f32 v30, v19;
	v35 =	vld [tilespmem:s15+$0x70]  }
0x22e: {  	v32 =	vadd.f32 v32, v33;
	v22 =	vadd.f32 v22, v25;
	v19 =	vmul.f32 v40, v19;
	v25 =	vld [tilespmem:s15+$0xA0]  }
0x22f: {  	v31 =	vadd.f32 v36, v31;
	v33 =	vadd.f32 v37, v34;
	v29 =	vmul.f32 v29, v16;
	v34 =	vld [tilespmem:s15+$0xB0]  }
0x230: {  	v30 =	vadd.f32 v30, v32;
	v19 =	vadd.f32 v19, v22;
	v16 =	vmul.f32 v39, v16;
	v22 =	vld [tilespmem:s15+$0xE0]  }
0x231: {  	v26 =	vadd.f32 v26, v31;
	v27 =	vadd.f32 v27, v33;
	v28 =	vmul.f32 v28, v15;
	v31 =	vld [tilespmem:s15+$0xF0]  }
0x232: {  	v29 =	vadd.f32 v29, v30;
	v16 =	vadd.f32 v16, v19;
	v15 =	vmul.f32 v35, v15;
	v19 =	vld [tilespmem:s15+$0x120]  }
0x233: {  	v23 =	vadd.f32 v23, v26;
	v24 =	vadd.f32 v24, v27;
	v25 =	vmul.f32 v25, v11;
	v26 =	vld [tilespmem:s15+$0x130]  }
0x234: {  	v27 =	vadd.f32 v28, v29;
	v15 =	vadd.f32 v15, v16;
	v11 =	vmul.f32 v34, v11;
	v16 =	vld [tilespmem:s15+$0x160]  }
0x235: {  	v20 =	vadd.f32 v20, v23;
	v21 =	vadd.f32 v21, v24;
	v22 =	vmul.f32 v22, v8;
	v23 =	vld [tilespmem:s15+$0x170]  }
0x236: {  	v24 =	vadd.f32 v25, v27;
	v11 =	vadd.f32 v11, v15;
	v8 =	vmul.f32 v31, v8;
	v15 =	vld [tilespmem:s15+$0x1A0]  }
0x237: {  	v17 =	vadd.f32 v17, v20;
	v18 =	vadd.f32 v18, v21;
	v19 =	vmul.f32 v19, v5;
	v20 =	vld [tilespmem:s15+$0x1B0]  }
0x238: {  	v21 =	vadd.f32 v22, v24;
	v8 =	vadd.f32 v8, v11;
	v5 =	vmul.f32 v26, v5;
	v11 =	vld [tilespmem:s15+$0x1E0]  }
0x239: {  	v13 =	vadd.f32 v13, v17;
	v14 =	vadd.f32 v14, v18;
	v16 =	vmul.f32 v16, v2;
	v17 =	vld [tilespmem:s15+$0x1F0];
	s15 =	sadd.s32 $0x400, s15  }
0x23a: {  	v19 =	vadd.f32 v19, v21;
	v18 =	vld [tilespmem:s15+$0x1C0];
	v5 =	vadd.f32 v5, v8;
	v2 =	vmul.f32 v23, v2  }
0x23b: {  	v8 =	vadd.f32 v9, v13;
	v9 =	vadd.f32 v10, v14;
	v21 =	vld [tilespmem:s15+$0x1D0];
	v10 =	vmul.f32 v15, v1  }
0x23c: {  	v14 =	vadd.f32 v16, v19;
	v13 =	vld [tilespmem:s15+$0x180];
	v2 =	vadd.f32 v2, v5;
	v1 =	vmul.f32 v20, v1  }
0x23d: {  	v5 =	vadd.f32 v6, v8;
	v6 =	vadd.f32 v7, v9;
	v20 =	vld [tilespmem:s15+$0x190];
	v7 =	vmul.f32 v11, v0  }
0x23e: {  	v8 =	vadd.f32 v10, v14;
	v9 =	vld [tilespmem:s15+$0x140];
	v1 =	vadd.f32 v1, v2;
	v0 =	vmul.f32 v17, v0  }
0x23f: {  	v31 =	vadd.f32 v4, v5;
	v34 =	vadd.f32 v3, v6;
	v10 =	vld [tilespmem:s15+$0x150]  }
0x240: {  	v33 =	vadd.f32 v7, v8;
	v14 =	vld [tilespmem:s15+$0x100];
	v32 =	vadd.f32 v0, v1  }
0x241: {  	v17 =	vld [tilespmem:s15+$0x110]  }
0x242: {  	s23 =	sshra.s32 s7, $0x2;
	v23 =	vld [tilespmem:s15+$0xC0]  }
0x243: {  	v3 =	vld.idx.msk [tilespmem:v12+s23+$0x0 ss:$0x1], $0xffff  }
0x244: {  	v24 =	vld [tilespmem:s15+$0xD0]  }
0x245: {  	v26 =	vld [tilespmem:s15+$0x80]  }
0x246: {  	v27 =	vld [tilespmem:s15+$0x90]  }
0x247: {  	v50 =	vld [tilespmem:s15+$0x40]  }
0x248: {  	v51 =	vld [tilespmem:s15+$0x50]  }
0x249: {  	v1 =	vbroadcast v3, $0xE;
	v0 =	vbroadcast v3, $0xF;
	v52 =	vld [tilespmem:s15+$0x0]  }
0x24a: {  	v5 =	vbroadcast v3, $0xC;
	v2 =	vbroadcast v3, $0xD;
	v53 =	vld [tilespmem:s15+$0x10]  }
0x24b: {  	v11 =	vbroadcast v3, $0xA;
	v8 =	vbroadcast v3, $0xB;
	v36 =	vld [tilespmem:s15+$0xFFFFFFC0]  }
0x24c: {  	v16 =	vbroadcast v3, $0x8;
	v15 =	vbroadcast v3, $0x9;
	v37 =	vld [tilespmem:s15+$0xFFFFFFD0]  }
0x24d: {  	v22 =	vbroadcast v3, $0x6;
	v19 =	vbroadcast v3, $0x7;
	v38 =	vld [tilespmem:s15+$0xFFFFFF80]  }
0x24e: {  	v28 =	vbroadcast v3, $0x4;
	v25 =	vbroadcast v3, $0x5;
	v42 =	vld [tilespmem:s15+$0xFFFFFF90]  }
0x24f: {  	v30 =	vbroadcast v3, $0x2;
	v29 =	vbroadcast v3, $0x3;
	v39 =	vld [tilespmem:s15+$0xFFFFFF40]  }
0x250: {  	v43 =	vbroadcast v3, $0x0;
	v35 =	vbroadcast v3, $0x1;
	v41 =	vld [tilespmem:s15+$0xFFFFFF50]  }
0x251: {  	v4 =	vmul.f32 v18, v0;
	v3 =	vmul.f32 v21, v0;
	v40 =	vld [tilespmem:s15+$0xFFFFFF00]  }
0x252: {  	v6 =	vmul.f32 v13, v1;
	v7 =	vmul.f32 v20, v1;
	v44 =	vld [tilespmem:s15+$0xFFFFFF10]  }
0x253: {  	v9 =	vmul.f32 v9, v2;
	v10 =	vmul.f32 v10, v2;
	v45 =	vld [tilespmem:s15+$0xFFFFFEC0]  }
.Ltmp5:
0x254: {  	v13 =	vmul.f32 v14, v5;
	v14 =	vmul.f32 v17, v5;
	v46 =	vld [tilespmem:s15+$0xFFFFFED0];
	(pc) =	sbr.rel @p1 .LBB2_10-.Ltmp5, $4  }
0x255: {  	v17 =	vmul.f32 v23, v8;
	v18 =	vmul.f32 v24, v8;
	v47 =	vld [tilespmem:s15+$0xFFFFFE80]  }
0x256: {  	v20 =	vmul.f32 v26, v11;
	v21 =	vmul.f32 v27, v11;
	v48 =	vld [tilespmem:s15+$0xFFFFFE90]  }
0x257: {  	v23 =	vmul.f32 v50, v15;
	v24 =	vmul.f32 v51, v15;
	v49 =	vld [tilespmem:s15+$0xFFFFFE40]  }
0x258: {  	s7 =	sadd.s32 $0x40, s7;
	v26 =	vmul.f32 v52, v16;
	v27 =	vmul.f32 v53, v16;
	v50 =	vld [tilespmem:s15+$0xFFFFFE50]  }
0x259: {  	v12 =	vld [tilespmem:s15+$0xFFFFFE00]  }
0x25a: {  	v51 =	vld [tilespmem:s15+$0xFFFFFE10]  }
0x25b: {  	v52 =	vld [tilespmem:s15+$0xFFFFFE20]  }
0x25c: {  	v53 =	vld [tilespmem:s15+$0xFFFFFE30]  }
0x25d: {  	v54 =	vld [tilespmem:s15+$0xFFFFFE60]  }
0x25e: {  	v55 =	vld [tilespmem:s15+$0xFFFFFE70]  }
0x25f: {  	v56 =	vld [tilespmem:s15+$0xFFFFFEA0]  }
0x260: {  	v57 =	vld [tilespmem:s15+$0xFFFFFEB0]  }
0x261: {  	v58 =	vld [tilespmem:s15+$0xFFFFFEE0]  }
0x262: {  	v59 =	vld [tilespmem:s15+$0xFFFFFEF0]  }
0x263: {  	v60 =	vld [tilespmem:s15+$0xFFFFFF20]  }
0x264: {  	v61 =	vld [tilespmem:s15+$0xFFFFFF30];
	v12 =	vmul.f32 v12, v43;
	v51 =	vmul.f32 v51, v43  }
0x265: {  	v52 =	vmul.f32 v52, v43;
	v63 =	vmul.f32 v53, v43;
	v43 =	vld [tilespmem:s15+$0xFFFFFFF0]  }
0x266: {  	v36 =	vmul.f32 v36, v19;
	v53 =	vld [tilespmem:s15+$0x20]  }
0x267: {  	v37 =	vmul.f32 v37, v19;
	v12 =	vadd.f32 v12, v31;
	v31 =	vadd.f32 v51, v34;
	v34 =	vld [tilespmem:s15+$0xFFFFFF60]  }
0x268: {  	v38 =	vmul.f32 v38, v22;
	v42 =	vmul.f32 v42, v22;
	v51 =	vld [tilespmem:s15+$0xFFFFFF70]  }
0x269: {  	v49 =	vmul.f32 v49, v35;
	v50 =	vmul.f32 v50, v35;
	v33 =	vadd.f32 v52, v33;
	v52 =	vld [tilespmem:s15+$0xFFFFFFA0]  }
0x26a: {  	v62 =	vmul.f32 v54, v35;
	v32 =	vadd.f32 v63, v32;
	v63 =	vmul.f32 v55, v35;
	v35 =	vld [tilespmem:s15+$0x70]  }
0x26b: {  	v39 =	vmul.f32 v39, v25;
	v41 =	vmul.f32 v41, v25;
	v55 =	vld [tilespmem:s15+$0xA0]  }
0x26c: {  	v40 =	vmul.f32 v40, v28;
	v47 =	vmul.f32 v47, v30;
	v12 =	vadd.f32 v49, v12;
	v49 =	vld [tilespmem:s15+$0xFFFFFFB0]  }
0x26d: {  	v44 =	vmul.f32 v44, v28;
	v48 =	vmul.f32 v48, v30;
	v31 =	vadd.f32 v50, v31;
	v50 =	vld [tilespmem:s15+$0xFFFFFFE0]  }
0x26e: {  	s7 =	smul.u32 $0xC800, s13;
	v57 =	vmul.f32 v57, v30;
	v32 =	vadd.f32 v63, v32;
	v12 =	vadd.f32 v47, v12;
	v47 =	vld [tilespmem:s15+$0x30]  }
0x26f: {  	v56 =	vmul.f32 v56, v30;
	v33 =	vadd.f32 v62, v33;
	v31 =	vadd.f32 v48, v31;
	v48 =	vld [tilespmem:s15+$0x60]  }
0x270: {  	v45 =	vmul.f32 v45, v29;
	s7 =	sshra.s32 s7, $0x2;
	v63 =	vmul.f32 v59, v29;
	v30 =	vadd.f32 v57, v32;
	v57 =	vld [tilespmem:s15+$0xB0]  }
0x271: {  	v33 =	vadd.f32 v56, v33;
	v56 =	vmul.f32 v60, v28;
	v54 =	vmul.f32 v55, v11;
	v55 =	vld [tilespmem:s7+$0x10480]  }
0x272: {  	v60 =	vmul.f32 v52, v22;
	v52 =	vmul.f32 v35, v15;
	v35 =	vld [tilespmem:s7+$0x104E0]  }
0x273: {  	v46 =	vmul.f32 v46, v29;
	v62 =	vmul.f32 v58, v29;
	v29 =	vadd.f32 v63, v30;
	v30 =	vld [tilespmem:s15+$0xE0]  }
0x274: {  	v58 =	vmul.f32 v61, v28;
	v12 =	vadd.f32 v45, v12;
	v63 =	vmul.f32 v43, v19;
	v43 =	vld [tilespmem:s15+$0x1B0]  }
0x275: {  	v34 =	vmul.f32 v34, v25;
	v59 =	vmul.f32 v51, v25;
	v31 =	vadd.f32 v46, v31;
	v45 =	vld [tilespmem:s15+$0x1E0]  }
0x276: {  	v33 =	vadd.f32 v62, v33;
	v46 =	vld [tilespmem:s7+$0x10530];
	v61 =	vmul.f32 v49, v22;
	v12 =	vadd.f32 v40, v12  }
0x277: {  	v62 =	vmul.f32 v50, v19;
	v31 =	vadd.f32 v44, v31;
	v40 =	vld [tilespmem:s15+$0xF0];
	v28 =	vadd.f32 v58, v29  }
0x278: {  	v33 =	vadd.f32 v56, v33;
	v29 =	vld [tilespmem:s15+$0x120];
	v44 =	vmul.f32 v47, v16;
	v12 =	vadd.f32 v39, v12  }
0x279: {  	v47 =	vld [tilespmem:s15+$0x1F0];
	v50 =	vmul.f32 v48, v15;
	v31 =	vadd.f32 v41, v31;
	v25 =	vadd.f32 v59, v28  }
0x27a: {  	v56 =	vmul.f32 v57, v11;
	v41 =	vld [tilespmem:s15+$0x130];
	v33 =	vadd.f32 v34, v33;
	v12 =	vadd.f32 v38, v12  }
0x27b: {  	v28 =	vld [tilespmem:s15+$0x160];
	v59 =	vmul.f32 v30, v8;
	v31 =	vadd.f32 v42, v31;
	v22 =	vadd.f32 v61, v25  }
0x27c: {  	v57 =	vld [tilespmem:s7+$0x10490];
	v33 =	vadd.f32 v60, v33;
	v42 =	vmul.f32 v53, v16;
	v12 =	vadd.f32 v36, v12  }
0x27d: {  	v38 =	vld [tilespmem:s15+$0x170];
	v61 =	vmul.f32 v40, v8;
	v31 =	vadd.f32 v37, v31;
	v19 =	vadd.f32 v63, v22  }
0x27e: {  	v25 =	vld [tilespmem:s15+$0x1A0];
	v33 =	vadd.f32 v62, v33;
	v47 =	vmul.f32 v47, v0;
	v12 =	vadd.f32 v26, v12  }
0x27f: {  	v30 =	vmul.f32 v41, v5;
	v49 =	vadd.f32 v27, v31;
	v16 =	vadd.f32 v44, v19;
	v19 =	vld [tilespmem:s16+$0xA18]  }
0x280: {  	v39 =	vld [tilespmem:s7+$0x10500];
	v51 =	vadd.f32 v42, v33;
	v33 =	vmul.f32 v28, v2;
	v42 =	vmul.f32 v43, v1  }
0x281: {  	v60 =	vld [tilespmem:s7+$0x104A0];
	v44 =	vmul.f32 v45, v0;
	v12 =	vadd.f32 v23, v12;
	v53 =	vadd.f32 v24, v49  }
0x282: {  	v62 =	vld [tilespmem:s7+$0x104B0];
	v36 =	vmul.f32 v38, v2;
	v27 =	vadd.f32 v50, v51;
	v15 =	vadd.f32 v52, v16  }
0x283: {  	v31 =	vld [tilespmem:s7+$0x104D0];
	v40 =	vmul.f32 v25, v1;
	v12 =	vadd.f32 v20, v12;
	v58 =	vadd.f32 v21, v53  }
0x284: {  	v41 =	vld [tilespmem:s7+$0x10510];
	v24 =	vadd.f32 v54, v27;
	v27 =	vmul.f32 v29, v5;
	v45 =	vbroadcast v19, $0x8  }
0x285: {  	v38 =	vld [tilespmem:s7+$0x104F0];
	v11 =	vadd.f32 v56, v15;
	v54 =	vbroadcast v19, $0x9;
	v34 =	vbroadcast v19, $0xC  }
0x286: {  	v29 =	vld [tilespmem:s7+$0x104C0];
	v12 =	vadd.f32 v17, v12;
	v63 =	vadd.f32 v18, v58;
	v50 =	vmul.f32 v55, v45  }
0x287: {  	v43 =	vld [tilespmem:s7+$0x10520];
	v21 =	vadd.f32 v59, v24;
	v51 =	vmul.f32 v57, v45;
	v53 =	vmul.f32 v60, v45  }
0x288: {  	v52 =	vld [tilespmem:s7+$0x10550];
	v8 =	vadd.f32 v61, v11;
	v57 =	vmul.f32 v62, v45;
	v62 =	vmul.f32 v31, v54  }
0x289: {  	v20 =	vld [tilespmem:s7+$0x10590];
	v23 =	vmul.f32 v35, v54;
	v12 =	vadd.f32 v13, v12;
	v32 =	vadd.f32 v14, v63  }
0x28a: {  	v61 =	vld [tilespmem:s7+$0x10580];
	v5 =	vadd.f32 v30, v8;
	v63 =	vbroadcast v19, $0xA;
	v8 =	vmul.f32 v38, v54  }
0x28b: {  	v24 =	vld [tilespmem:s7+$0x105A0];
	v18 =	vadd.f32 v27, v21;
	v27 =	vbroadcast v19, $0xB;
	v60 =	vmul.f32 v29, v54  }
0x28c: {  	v55 =	vld [tilespmem:s7+$0x10560];
	v9 =	vadd.f32 v9, v12;
	v10 =	vadd.f32 v10, v32;
	v25 =	vmul.f32 v39, v63  }
0x28d: {  	v2 =	vadd.f32 v36, v5;
	v5 =	vmul.f32 v41, v63;
	v29 =	vmul.f32 v46, v63  }
0x28e: {  	v49 =	vld [tilespmem:s7+$0x10540];
	v14 =	vadd.f32 v33, v18;
	v33 =	vmul.f32 v52, v27;
	v39 =	vmul.f32 v20, v34  }
0x28f: {  	v58 =	vld [tilespmem:s7+$0x10570];
	v38 =	vmul.f32 v61, v34;
	v6 =	vadd.f32 v6, v9;
	v7 =	vadd.f32 v7, v10  }
0x290: {  	v26 =	vld [tilespmem:s7+$0x105B0];
	v41 =	vmul.f32 v24, v34;
	v13 =	vadd.f32 v40, v14;
	v1 =	vadd.f32 v42, v2  }
0x291: {  	v28 =	vld [tilespmem:s7+$0x105C0];
	v9 =	vmul.f32 v43, v63;
	v36 =	vmul.f32 v55, v27;
	v48 =	vadd.f32 v4, v6  }
0x292: {  	v42 =	vbroadcast v19, $0xD;
	v3 =	vadd.f32 v3, v7;
	v10 =	vadd.f32 v44, v13  }
0x293: {  	v35 =	vld [tilespmem:s7+$0x105F0];
	v55 =	vbroadcast v19, $0xF;
	v0 =	vadd.f32 v47, v1;
	v56 =	vadd.f32 v50, v48  }
0x294: {  	v30 =	vld [tilespmem:s7+$0x105D0];
	v4 =	vmul.f32 v49, v27;
	v6 =	vmul.f32 v58, v27;
	v3 =	vadd.f32 v51, v3  }
0x295: {  	v32 =	vld [tilespmem:s7+$0x105E0];
	v44 =	vmul.f32 v26, v34;
	v59 =	vadd.f32 v53, v10;
	v1 =	vadd.f32 v60, v56  }
0x296: {  	v37 =	vld [tilespmem:s7+$0x10600];
	v46 =	vmul.f32 v28, v42;
	v0 =	vadd.f32 v57, v0;
	v2 =	vadd.f32 v62, v3  }
0x297: {  	v40 =	vld [tilespmem:s7+$0x10610];
	v49 =	vbroadcast v19, $0xE;
	v7 =	vadd.f32 v23, v59;
	v1 =	vadd.f32 v25, v1  }
0x298: {  	v43 =	vld [tilespmem:s7+$0x10620];
	v52 =	vmul.f32 v35, v42;
	v0 =	vadd.f32 v8, v0;
	v2 =	vadd.f32 v5, v2  }
0x299: {  	v45 =	vld [tilespmem:s7+$0x10630];
	v48 =	vmul.f32 v30, v42;
	v31 =	vadd.f32 v9, v7;
	v1 =	vadd.f32 v4, v1  }
0x29a: {  	v47 =	vld [tilespmem:s7+$0x10640];
	v51 =	vmul.f32 v32, v42;
	v0 =	vadd.f32 v29, v0;
	v2 =	vadd.f32 v33, v2  }
0x29b: {  	v50 =	vld [tilespmem:s7+$0x10650];
	v54 =	vmul.f32 v37, v49;
	v4 =	vadd.f32 v36, v31;
	v1 =	vadd.f32 v38, v1  }
0x29c: {  	v53 =	vld [tilespmem:s7+$0x10660];
	v57 =	vmul.f32 v40, v49;
	v0 =	vadd.f32 v6, v0;
	v2 =	vadd.f32 v39, v2  }
0x29d: {  	v58 =	vmul.f32 v43, v49;
	v56 =	vld [tilespmem:s7+$0x10670];
	v4 =	vadd.f32 v41, v4;
	v1 =	vadd.f32 v46, v1  }
0x29e: {  	v60 =	vmul.f32 v45, v49;
	v0 =	vadd.f32 v44, v0;
	v2 =	vadd.f32 v48, v2  }
0x29f: {  	v59 =	vmul.f32 v47, v55;
	v4 =	vadd.f32 v51, v4;
	v1 =	vadd.f32 v54, v1  }
0x2a0: {  	s23 =	sshll.u32 s13, $0x6;
	s13 =	sadd.s32 $0x1, s13;
	v61 =	vmul.f32 v50, v55;
	v0 =	vadd.f32 v52, v0;
	v2 =	vadd.f32 v57, v2  }
0x2a1: {  	p1 =	sne.s32 s13, $0x4;
	v62 =	vmul.f32 v53, v55;
	v3 =	vadd.f32 v58, v4;
	v1 =	vadd.f32 v59, v1  }
.Ltmp6:
0x2a2: {  	s7 =	sand.u32 $0x3FFFFFC0, s23;
	v63 =	vmul.f32 v56, v55;
	v0 =	vadd.f32 v60, v0;
	v2 =	vadd.f32 v61, v2;
	(pc) =	sbr.rel @p1 .LBB2_9-.Ltmp6, $4  }
0x2a3: {  	v3 =	vadd.f32 v62, v3;
	[tilespmem:s7+$0x19C80] =	vst v1  }
0x2a4: {  	v0 =	vadd.f32 v63, v0;
	[tilespmem:s7+$0x19C90] =	vst v2  }
0x2a5: {  	[tilespmem:s7+$0x19CA0] =	vst v3  }
0x2a6: {  	s14 =	sadd.s32 $0xC8, s14;
	s21 =	sadd.s32 $0x3200, s21;
	[tilespmem:s7+$0x19CB0] =	vst v0  }
.Ltmp7:
0x2a7: {  	s7 =	sadd.s32 s12, s19;
	(pc) =	sbr.rel @p0 .LBB2_14-.Ltmp7, $4  }
0x2a8: {  	[hbm4b:s7+s3] =	stream.linear.scatter [tilespmem:s29], [sflag:$0x7], $0x100, $0x38;
	[tilespmem:$0x19D80] =	vst v63  }
0x2a9: {  	_ =	swait.ge [sflag:s30], $0x100  }
0x2aa: {  	[sflag:s30] =	ssyncset.done $0x0  }
0x2ab: {  	[sflag:s30] =	ssyncadd.s32 $0xFFFFFF00  }
0x2ac: {  	s7 =	sadd.s32 s11, s20  }
0x2ad: {  	s11 =	smul.u32 $0x19, s7  }
0x2ae: {  	s7 =	smul.u32 $0xC8, s7;
	_ =	sdelay $0x1  }
0x2af: {  	s12 =	sadd.s32 s4, s11;
	s13 =	sadd.s32 $0xC8, s7  }
0x2b0: {  	[tilespmem:s26], [sflag:$0x2] =	stream.linear.gather [hbm4b:s12+s3], $0xC8, $0x38;
	[tilespmem:$0x19D80] =	vst v63  }
0x2b1: {  	s12 =	sshrl.u32 s13, $0x3  }
0x2b2: {  	s14 =	sshrl.u32 s7, $0x3;
	s13 =	simm.s32 $0x3E8;
	s12 =	sadd.s32 s4, s12  }
0x2b3: {  	[tilespmem:s13], [sflag:$0x2] =	stream.linear.gather [hbm4b:s12+s3], $0xC8, $0x38;
	[tilespmem:$0x19D80] =	vst v63  }
0x2b4: {  	s12 =	sadd.s32 s4, s14  }
0x2b5: {  	s15 =	simm.s32 $0x4B0;
	s7 =	sadd.s32 $0x258, s7;
	s12 =	sadd.s32 $0x32, s12  }
0x2b6: {  	[tilespmem:s15], [sflag:$0x2] =	stream.linear.gather [hbm4b:s12+s3], $0xC8, $0x38;
	[tilespmem:$0x19D80] =	vst v63  }
.Ltmp8:
0x2b7: {  	s7 =	sshrl.u32 s7, $0x3;
	(pc) =	sbr.rel .LBB2_2-.Ltmp8, $4  }
0x2b8: {  	s16 =	simm.s32 $0x578;
	s7 =	sadd.s32 s4, s7  }
0x2b9: {  	[tilespmem:s16], [sflag:$0x2] =	stream.linear.gather [hbm4b:s7+s3], $0xC8, $0x38;
	[tilespmem:$0x19D80] =	vst v63  }
0x2ba: {  	s23 =	simm.s32 $0x960;
	s10 =	sadd.s32 $0x1, s10;
	s21 =	sadd.s32 s5, s11  }
0x2bb: {  	[tilespmem:s23], [sflag:$0x4] =	stream.linear.gather [hbm4b:s21+s3], $0x320, $0x38;
	[tilespmem:$0x19D80] =	vst v63  }
.LBB2_15:
0x2bc: {  	_ =	sfence.sel $0x180000  }
0x2bd: {  	[bflag:$0x0] =	sbarrier.arrive $0xFFFF  }
0x2be: {  	_ =	strace $0x9000004A  }
0x2bf: {  	s0 =	stileid.u32;
	[bflag:$0x2] =	sbarrier.arrive $0xFFFF  }
0x2c0: {  	p0 =	sne.s32 s0, $0x0;
	s0 =	rddreg [dreg:$0x2]  }
0x2c1: {  	s0 =	sadd.s32 @!p0 $0x100000, s0  }
0x2c2: {  	[sflag:s0] =	ssyncadd.tile.s32 @!p0 $0x1;
	_ =	shalt  }
.Lfunc_end2:
_tile_overlayer_lowered:
.L_overlay_start_2:
0x2c3: {  	(tag) =	ssettag $0x2  }
0x2c4: {  	s0 =	rddreg [dreg:$0x0];
	s2 =	stileid.u32  }
0x2c5: {  	s1 =	rddreg [dreg:$0x1];
	p0 =	sne.s32 s2, $0x0  }
0x2c6: {  	s3 =	rddreg [dreg:$0x2];
	[bflag:$0x3] =	sbarrier.arrive $0xFFFF;
	s2 =	simm.s32 @!p0 $0x1C07  }
0x2c7: {  	[timem:s3], [sflag:s2] =	dma.local @!p0 [hbm:s0], s1  }
0x2c8: {  	s0 =	simm.s32 @!p0 $0x7  }
0x2c9: {  	_ =	swait.ge @!p0 [sflag:s0], s1  }
0x2ca: {  	s1 =	ssub.s32 @!p0 $0x0, s1;
	[sflag:s0] =	ssyncset.done @!p0 $0x0  }
0x2cb: {  	[sflag:s0] =	ssyncadd.s32 @!p0 s1  }
0x2cc: {  	[bflag:$0x3] =	sbarrier.arrive $0xFFFF  }
0x2cd: {  	_ =	shalt  }

// kernel: sparse-core-data-format-call.cloned.1.call-start
scs
called_computation_lowered:
.L_overlay_start_0:
0x0: {  	s2 =	sld [smem:$0x3FD9]  }
0x1: {  	s3 =	sld [smem:$0x3FFE];
	_ =	sdelay $0x1  }
0x2: {  	s1 =	srdreg.scid  }
0x3: {  	s0 =	sand.u32 $0x1, s1  }
0x4: {  	s18 =	sshll.u32 s0, $0xA;
	s2 =	sadd.s32 s3, s2  }
0x5: {  	s2 =	sadd.s32 s2, s18  }
0x6: {  	[smem:$0x3FC5] =	sst s2  }
0x7: {  	_ = 	snop  }
0x8: {  	s2 =	sld [smem:$0x3FC7];
	(tm) =	ssettm $0x1  }
0x9: {  	s19 =	sld [smem:$0x3FFB];
	_ =	sdelay $0x3  }
0xa: {  	_ =	strace s19  }
0xb: {  	s3 =	sld [smem:$0x3FFC];
	_ =	sdelay $0x3  }
0xc: {  	_ =	strace s3  }
0xd: {  	s3 =	sld [smem:$0x3FFD];
	_ =	sdelay $0x3  }
0xe: {  	_ =	strace s3  }
0xf: {  	_ =	strace $0x8FFFFFFF  }
0x10: {  	s20 =	sld [smem:$0x3FDB];
	_ =	sdelay $0x1  }
0x11: {  	s4 =	simm.s32 $_scs_section_size  }
0x12: {  	s5 =	simm.s32 $_size__tile_overlayer_lowered;
	s6 =	simm.s32 $_tile_overlayer_lowered  }
0x13: {  	s23 =	simm.s32 $0x1BFF;
	s22 =	sshll.u32 s6, $0x1;
	s3 =	sadd.s32 s4, s20  }
0x14: {  	s7 =	simm.s32 $0x0;
	s21 =	sshll.u32 s5, $0x1;
	s5 =	sadd.s32 s22, s3  }
0x15: {  	[timem:s7], [sflag:s23] =	dma.local [hbm:s5], s21  }
0x16: {  	_ =	swait.ge [sflag:s23], s21  }
0x17: {  	s4 =	ssub.s32 $0x0, s21;
	[sflag:s23] =	ssyncset.done $0x0  }
0x18: {  	[sflag:s23] =	ssyncadd.s32 s4;
	_ =	sdelay $0x1  }
0x19: {  	s24 =	simm.s32 $0x1B8B  }
0x1a: {  	_ =	swait.ge [sflag:s24], $0x1  }
0x1b: {  	[sflag:s24] =	ssyncset.done $0x0  }
0x1c: {  	s26 =	simm.s32 $0x1B8E;
	s25 =	sld [smem:$0x3FFE];
	[sflag:s24] =	ssyncadd.s32 $0xFFFFFFFF  }
0x1d: {  	s27 =	simm.s32 $execute0_lowered;
	[smem:$0x3FD2] =	sst s26  }
0x1e: {  	s5 =	sshll.u32 s27, $0x1;
	_ =	strace $0x80000046;
	[dreg:$0x1] =	wrdreg $0xFFFFFFFF  }
0x1f: {  	s28 =	simm.s32 $_size_execute0_lowered;
	s3 =	sadd.s32 s3, s5;
	[dreg:$0x0] =	wrdreg $0x0  }
0x20: {  	s5 =	sshll.u32 s28, $0x1;
	[dreg:$0x2] =	wrdreg s3  }
0x21: {  	[dreg:$0x3] =	wrdreg s5  }
0x22: {  	[dreg:$0x4] =	wrdreg $0xC0  }
0x23: {  	_ =	task [dreg:s7], $0x5FFFF  }
0x24: {  	[dreg:$0x1] =	wrdreg $0xFFFFFFFF  }
0x25: {  	[dreg:$0x0] =	wrdreg $0x60  }
0x26: {  	[dreg:$0x2] =	wrdreg s2  }
0x27: {  	[dreg:$0x3] =	wrdreg s25  }
0x28: {  	[dreg:$0x4] =	wrdreg $0x9  }
0x29: {  	_ =	task.clear_ibuf [dreg:s7], $0x5FFFF;
	_ =	strace $0x90000046  }
0x2a: {  	s29 =	simm.s32 $0x9;
	_ =	strace $0x80000048  }
0x2b: {  	_ =	swait.ge [sflag:s29], $0x1  }
0x2c: {  	[sflag:s29] =	ssyncadd.s32 $0xFFFFFFFF  }
0x2d: {  	_ =	strace $0x90000048  }
0x2e: {  	_ =	sfence  }
0x2f: {  	s30 =	sld [smem:$0x0];
	_ =	sdelay $0x2  }
0x30: {  	s31 =	sshll.u32 s1, $0xD;
	s1 =	sshrl.u32 s1, $0x2  }
0x31: {  	s3 =	sand.u32 $0x4000, s31;
	s1 =	sadd.s32 s1, s30  }
0x32: {  	s0 =	sor.u32 s3, s0;
	s1 =	sshll.u32 s1, $0x11  }
0x33: {  	s0 =	sor.u32 s1, s0  }
0x34: {  	s0 =	sadd.s32 $0x8F2B, s0  }
0x35: {  	[sflag:s0] =	ssyncadd.remote.s32 $0x1  }
0x36: {  	_ =	sfence.sel $0xFFFF  }
0x37: {  	[dreg:$0x0] =	wrdreg $0xFFFFFFFF;
	(pc) =	sbr.abs _section_cstart, $3  }
0x38: {  	[dreg:$0x1] =	wrdreg $0xFFFFFFFF  }
0x39: {  	_ =	task.clear_ibuf [dreg:s7], $0x2FFFF;
	_ =	strace $0x9FFFFFFF  }
0x3a: {  	(tm) =	ssettm $0x7FFFFFFF  }
0x3b: {  	_ =	shalt  }
tec
execute0_lowered:
.L_overlay_start_1:
0x0: {  	(tag) =	ssettag $0x1  }
0x1: {  	s0 =	srdreg.scid;
	s2 =	rddreg [dreg:$0x0]  }
0x2: {  	s5 =	rddreg [dreg:$0x1];
	s1 =	stileid.u32  }
0x3: {  	s4 =	simm.s32 $0x1;
	s6 =	simm.s32 $0x2;
	s15 =	simm.s32 $0x0  }
0x4: {  	p0 =	por $0x0, $0x0;
	s8 =	simm.s32 $0x80;
	s0 =	sshll.u32 s0, $0x4  }
0x5: {  	s14 =	simm.s32 $0x0;
	s9 =	simm.s32 $0x0;
	s3 =	sand.u32 $0x10, s0  }
.Ltmp0:
0x6: {  	s10 =	simm.s32 $0x0;
	s3 =	sor.u32 s1, s3;
	(pc) =	sbr.rel .LBB1_1-.Ltmp0, $4  }
0x7: {  	s0 =	rddreg [dreg:$0x2];
	_ =	strace $0x80000047;
	s3 =	sshll.u32 s3, $0x7  }
0x8: {  	s12 =	simm.s32 $0x0;
	[sflag:s4] =	ssyncpa.u1 $0x0;
	s7 =	ssub.s32 $0xF4200, s3  }
0x9: {  	s13 =	simm.s32 $0x0;
	[sflag:s6] =	ssyncpa.u1 $0x0;
	s6 =	sshrl.u32 s7, $0xC  }
0xa: {  	s5 =	sadd.s32 $0xC00, s5;
	s11 =	smov.u32 s3;
	s7 =	sadd.s32 $0x2, s6  }
.LBB1_5:
0xb: {  	p1 =	slt.u32 s13, $0x2  }
0xc: {  	s17 =	smov.u32 s15;
	p2 =	sgt.s32 @!p1 s15, $0xF41C0;
	s16 =	sshra.s32 @!p1 s15, $0x1F  }
0xd: {  	p3 =	sgt.s32 @!p1 s14, $0x40;
	s18 =	sshra.s32 @!p1 s14, $0x1F;
	p2 =	por !p2, p1  }
0xe: {  	s15 =	sand.u32 @!p1 s16, s15;
	p3 =	por !p3, p1;
	s16 =	smov.u32 s14  }
0xf: {  	s14 =	sand.u32 @!p1 s18, s14;
	s17 =	simm.s32 @p2 $0xF41C0;
	s16 =	simm.s32 @p3 $0x40  }
0x10: {  	s15 =	ssub.s32 @!p1 s17, s15;
	s14 =	ssub.s32 @!p1 s16, s14  }
0x11: {  	s18 =	smov.u32 s12;
	s16 =	sadd.s32 @!p1 $0xFFF0BE40, s15;
	s17 =	sadd.s32 @!p1 $0xFFFFFFC0, s14  }
0x12: {  	s15 =	ssub.s32 @!p1 $0xF4240, s15;
	p2 =	sgt.s32 @!p1 s16, $0x7F;
	p3 =	sgt.s32 @!p1 s17, $0x3F  }
0x13: {  	s14 =	ssub.s32 @!p1 $0x80, s14;
	p2 =	por !p2, p1;
	p3 =	por !p3, p1  }
0x14: {  	s16 =	sadd.s32 $0x1000, s11;
	s15 =	simm.s32 @!p2 $0x0;
	s14 =	simm.s32 @!p3 $0x0  }
0x15: {  	p2 =	sgt.s32 s16, $0xF423F;
	s14 =	smul.u32 @!p1 s14, s15;
	s15 =	sadd.s32 $0x40, s12  }
0x16: {  	s18 =	smov.u32 @p2 s15  }
0x17: {  	s16 =	smov.u32 @p2 s3;
	p2 =	sgt.s32 s18, $0x3F  }
0x18: {  	s18 =	simm.s32 @p2 $0x0;
	p2 =	sne.s32 s13, s7  }
.Ltmp1:
0x19: {  	p0 =	por !p0, !p0;
	s17 =	simm.s32 @!p1 $0x2;
	(pc) =	sbr.rel @!p2 .LBB1_6-.Ltmp1, $4  }
0x1a: {  	s15 =	smov.u32 s9;
	s9 =	smov.u32 s11;
	s14 =	sand.u32 @!p1 $0x3FFFFFFF, s14  }
0x1b: {  	s11 =	smov.u32 s16;
	_ =	swait.ge @!p1 [sflag:s17], s14;
	s19 =	ssub.s32 @!p1 $0x0, s14  }
0x1c: {  	s14 =	smov.u32 s10;
	s13 =	sadd.s32 $0x1, s13;
	[sflag:s17] =	ssyncset.done @!p1 $0x0  }
0x1d: {  	s10 =	smov.u32 s12;
	s12 =	smov.u32 s18;
	[sflag:s17] =	ssyncadd.s32 @!p1 s19  }
.LBB1_1:
0x1e: {  	p1 =	sgt.u32 s13, s6  }
0x1f: {  	s16 =	sshrl.u32 @!p1 s12, $0x3  }
0x20: {  	s17 =	sshll.u32 @!p1 s11, $0x3;
	s16 =	smul.u32 @!p1 $0x7A1400, s16  }
0x21: {  	s18 =	sshll.u32 @!p1 s12, $0x7;
	s17 =	sand.u32 @!p1 $0xFFFFFC00, s17  }
0x22: {  	s16 =	sadd.s32 @!p1 s16, s17;
	s17 =	sand.u32 @!p1 $0x380, s18  }
0x23: {  	s18 =	sand.u32 @!p1 $0x7F, s11;
	s16 =	sor.u32 @!p1 s17, s16  }
0x24: {  	s17 =	sor.u32 @!p1 s18, s16  }
0x25: {  	s18 =	smulhi.u32 @!p1 $0x218D6287, s17;
	_ =	sdelay $0x1  }
0x26: {  	s16 =	smulhi.u32 @!p1 $0x218D6287, s16;
	s18 =	sshrl.u32 @!p1 s18, $0x11  }
0x27: {  	s18 =	smul.u32 @!p1 $0xF4280, s18  }
0x28: {  	s19 =	sxor.u32 @!p1 $0xFFFFFFFF, s13;
	s16 =	sshrl.u32 @!p1 s16, $0x11  }
0x29: {  	s19 =	sshll.u32 @!p1 s19, $0xD;
	s16 =	sand.u32 @!p1 $0x3F, s16;
	s17 =	ssub.s32 @!p1 s17, s18  }
0x2a: {  	s16 =	smul.u32 @!p1 $0x1E850, s16;
	s18 =	sshrl.u32 @!p1 s17, $0x3;
	s17 =	sand.u32 @!p1 $0x7, s17  }
0x2b: {  	s19 =	sand.u32 @!p1 $0x2000, s19;
	s18 =	sadd.s32 @!p1 s2, s18;
	s17 =	sshll.u32 @!p1 s17, $0x12  }
0x2c: {  	s16 =	sadd.s32 @!p1 s16, s18;
	s17 =	sor.u32 @!p1 $0x400, s17;
	s18 =	simm.s32 @!p1 $0x7A1400  }
0x2d: {  	[tilespmem:s19], [sflag:$0x1] =	stream.strided.gather @!p1 [hbm4b:s16+s17], $0x2000, s18, s17, $0x38;
	[tilespmem:$0x8100] =	vst v63  }
0x2e: {  	p1 =	seq.s32 s13, $0x0  }
0x2f: {  	p2 =	sge.u32 @!p1 s13, s7  }
0x30: {  	p1 =	por p1, p2  }
.Ltmp2:
0x31: {  	_ = 	snop;
	(pc) =	sbr.rel @p1 .LBB1_5-.Ltmp2, $1  }
0x32: {  	_ =	sdelay $0x3  }
0x33: {  	s16 =	simm.s32 $0x1  }
0x34: {  	_ =	swait.ge [sflag:s4], $0x2000;
	s16 =	simm.s32 @!p0 $0x0  }
0x35: {  	[sflag:s4] =	ssyncset.done $0x0;
	s17 =	sshll.u32 s16, $0xD  }
0x36: {  	[sflag:s4] =	ssyncadd.s32 $0xFFFFE000;
	s17 =	sor.u32 $0x40, s17  }
0x37: {  	s16 =	smul.u32 $0x8200, s16;
	v0 =	vld [tilespmem:s17+$0x30]  }
0x38: {  	v1 =	vld [tilespmem:s17+$0xFFFFFFD0]  }
0x39: {  	s16 =	sshrl.u32 s16, $0x2;
	v5 =	vld [tilespmem:s17+$0xFFFFFFE0]  }
0x3a: {  	v6 =	vld [tilespmem:s17+$0xFFFFFFF0];
	s19 =	sor.u32 $0x4000, s16  }
0x3b: {  	s31 =	sand.u32 $0x1, s13;
	v4 =	vld [tilespmem:s17+$0x0];
	s18 =	sadd.s32 $0x0, s19  }
0x3c: {  	v3 =	vld [tilespmem:s17+$0x10];
	s16 =	smul.u32 $0x8200, s31;
	[tilespmem:s18+$0x1C70 ss:$0x41] =	vst.msk $0xffff, v0  }
0x3d: {  	v2 =	vld [tilespmem:s17+$0x20];
	[tilespmem:s18+$0x410 ss:$0x41] =	vst.msk $0xffff, v1  }
0x3e: {  	s16 =	sshrl.u32 s16, $0x2;
	v1 =	vld [tilespmem:s17+$0xFFFFFFC0];
	[tilespmem:s18+$0x820 ss:$0x41] =	vst.msk $0xffff, v5;
	s17 =	sadd.s32 $0x80, s17  }
0x3f: {  	s20 =	simm.s32 $0x4;
	s21 =	simm.s32 $0x8;
	s16 =	sor.u32 $0x4000, s16;
	[tilespmem:s18+$0xC30 ss:$0x41] =	vst.msk $0xffff, v6;
	v0 =	vld [tilespmem:s17+$0x30]  }
.LBB1_3:
0x40: {  	p1 =	sne.s32 s21, $0xFC;
	v5 =	vld [tilespmem:s17+$0xFFFFFFD0];
	[tilespmem:s18+$0x1040 ss:$0x41] =	vst.msk $0xffff, v4  }
0x41: {  	v6 =	vld [tilespmem:s17+$0xFFFFFFE0];
	[tilespmem:s18+$0x1450 ss:$0x41] =	vst.msk $0xffff, v3  }
0x42: {  	s22 =	sshra.s32 s20, $0x2;
	s20 =	smov.u32 s21;
	v7 =	vld [tilespmem:s17+$0xFFFFFFF0];
	[tilespmem:s18+$0x1860 ss:$0x41] =	vst.msk $0xffff, v2  }
.Ltmp3:
0x43: {  	v4 =	vld [tilespmem:s17+$0x0];
	[tilespmem:s18+$0x0 ss:$0x41] =	vst.msk $0xffff, v1;
	s18 =	sadd.s32 s22, s19;
	(pc) =	sbr.rel @p1 .LBB1_3-.Ltmp3, $4  }
0x44: {  	v3 =	vld [tilespmem:s17+$0x10];
	[tilespmem:s18+$0x1C70 ss:$0x41] =	vst.msk $0xffff, v0  }
0x45: {  	[tilespmem:s18+$0x410 ss:$0x41] =	vst.msk $0xffff, v5;
	v2 =	vld [tilespmem:s17+$0x20]  }
0x46: {  	v1 =	vld [tilespmem:s17+$0xFFFFFFC0];
	[tilespmem:s18+$0x820 ss:$0x41] =	vst.msk $0xffff, v6;
	s17 =	sadd.s32 $0x80, s17  }
0x47: {  	s21 =	sadd.s32 $0x4, s21;
	v0 =	vld [tilespmem:s17+$0x30];
	[tilespmem:s18+$0xC30 ss:$0x41] =	vst.msk $0xffff, v7  }
0x48: {  	s21 =	sshll.u32 s9, $0x7;
	s22 =	sshll.u32 s10, $0x3;
	s20 =	sshra.s32 s20, $0x2  }
0x49: {  	p1 =	sgt.s32 s9, $0xF41C0;
	s30 =	sshra.s32 s9, $0x1F;
	s25 =	sshra.s32 s10, $0x1F  }
0x4a: {  	v5 =	vld [tilespmem:s17+$0xFFFFFFD0];
	s28 =	sshrl.u32 s10, $0x3;
	s23 =	sand.u32 $0xFFFFFC00, s21;
	s22 =	sand.u32 $0xFFFFFC00, s22  }
0x4b: {  	[tilespmem:s18+$0x1040 ss:$0x41] =	vst.msk $0xffff, v4;
	v58 =	vld [tilespmem:s17+$0xFFFFFFE0];
	s21 =	sand.u32 $0x380, s21;
	s19 =	sadd.s32 s20, s19;
	s22 =	sadd.s32 s22, s23  }
0x4c: {  	v59 =	vld [tilespmem:s17+$0xFFFFFFF0];
	[tilespmem:s18+$0x1450 ss:$0x41] =	vst.msk $0xffff, v3;
	s29 =	sor.u32 s21, s22;
	s21 =	smov.u32 s9;
	s22 =	sand.u32 s30, s9  }
0x4d: {  	v60 =	vld [tilespmem:s17+$0x0];
	[tilespmem:s18+$0x1860 ss:$0x41] =	vst.msk $0xffff, v2;
	s30 =	sand.u32 $0x7, s10;
	s20 =	sshrl.u32 s29, $0x7;
	s21 =	simm.s32 @!p1 $0xF41C0  }
0x4e: {  	v61 =	vld [tilespmem:s17+$0x10];
	[tilespmem:s18+$0x0 ss:$0x41] =	vst.msk $0xffff, v1;
	p1 =	sgt.s32 s10, $0x40;
	s24 =	ssub.s32 s21, s22;
	s21 =	smov.u32 s10  }
0x4f: {  	v62 =	vld [tilespmem:s17+$0x20];
	[tilespmem:s19+$0x1C70 ss:$0x41] =	vst.msk $0xffff, v0;
	s31 =	smulhi.u32 $0x218DEF5, s20;
	s22 =	sand.u32 s25, s10;
	s21 =	simm.s32 @!p1 $0x40  }
0x50: {  	v63 =	vld [tilespmem:s17+$0xFFFFFFC0];
	[tilespmem:s19+$0x410 ss:$0x41] =	vst.msk $0xffff, v5;
	s26 =	sadd.s32 $0xFFF0BE40, s24;
	s17 =	ssub.s32 $0xF4240, s24;
	s21 =	ssub.s32 s21, s22  }
0x51: {  	[tilespmem:s19+$0x820 ss:$0x41] =	vst.msk $0xffff, v58;
	s23 =	sshrl.u32 s31, $0xD;
	p1 =	sgt.s32 s26, $0x7F;
	s27 =	sadd.s32 $0xFFFFFFC0, s21  }
0x52: {  	[tilespmem:s19+$0xC30 ss:$0x41] =	vst.msk $0xffff, v59;
	s23 =	smul.u32 $0xF4240, s23;
	s18 =	ssub.s32 $0x80, s21;
	p2 =	sgt.s32 s27, $0x3F  }
.Ltmp4:
0x53: {  	[tilespmem:s19+$0x1040 ss:$0x41] =	vst.msk $0xffff, v60;
	s17 =	simm.s32 @p1 $0x0;
	s18 =	simm.s32 @p2 $0x0;
	(pc) =	sbr.rel .LBB1_5-.Ltmp4, $4  }
0x54: {  	s29 =	sand.u32 $0xF, s28;
	[tilespmem:s19+$0x1450 ss:$0x41] =	vst.msk $0xffff, v61;
	s20 =	ssub.s32 s20, s23;
	s17 =	smul.u32 s18, s17  }
0x55: {  	[tilespmem:s19+$0x1860 ss:$0x41] =	vst.msk $0xffff, v62;
	s21 =	sshll.u32 s30, $0x12;
	s20 =	sshll.u32 s20, $0x4;
	s18 =	sadd.s32 s5, s29  }
0x56: {  	[tilespmem:s19+$0x0 ss:$0x41] =	vst.msk $0xffff, v63;
	s31 =	sor.u32 $0x40, s21;
	s18 =	sadd.s32 s20, s18;
	s17 =	sand.u32 $0x3FFFFFFF, s17  }
0x57: {  	[hbm4b:s18+s31] =	stream.strided.scatter [tilespmem:s16], [sflag:$0x2], s17, s8, s31, $0x18;
	[tilespmem:$0x8100] =	vst v63  }
.LBB1_6:
0x58: {  	_ =	sfence.sel $0x180000  }
0x59: {  	s2 =	simm.s32 $0x1;
	[bflag:$0x0] =	sbarrier.arrive $0xFFFF  }
0x5a: {  	s31 =	simm.s32 $0x2;
	[sflag:s2] =	ssyncpa.u1 $0x1  }
0x5b: {  	[sflag:s31] =	ssyncpa.u1 $0x1  }
0x5c: {  	p0 =	sne.s32 s1, $0x0;
	_ =	strace $0x90000047  }
0x5d: {  	s0 =	sadd.s32 @!p0 $0x100000, s0;
	[bflag:$0x2] =	sbarrier.arrive $0xFFFF  }
0x5e: {  	[sflag:s0] =	ssyncadd.tile.s32 @!p0 $0x1;
	_ =	shalt  }
.Lfunc_end1:
_tile_overlayer_lowered:
.L_overlay_start_2:
0x5f: {  	(tag) =	ssettag $0x2  }
0x60: {  	s0 =	rddreg [dreg:$0x0];
	s2 =	stileid.u32  }
0x61: {  	s1 =	rddreg [dreg:$0x1];
	p0 =	sne.s32 s2, $0x0  }
0x62: {  	s3 =	rddreg [dreg:$0x2];
	[bflag:$0x3] =	sbarrier.arrive $0xFFFF;
	s2 =	simm.s32 @!p0 $0x1C01  }
0x63: {  	[timem:s3], [sflag:s2] =	dma.local @!p0 [hbm:s0], s1  }
0x64: {  	s0 =	simm.s32 @!p0 $0x1  }
0x65: {  	_ =	swait.ge @!p0 [sflag:s0], s1  }
0x66: {  	s1 =	ssub.s32 @!p0 $0x0, s1;
	[sflag:s0] =	ssyncset.done @!p0 $0x0  }
0x67: {  	[sflag:s0] =	ssyncadd.s32 @!p0 s1  }
0x68: {  	[bflag:$0x3] =	sbarrier.arrive $0xFFFF  }
0x69: {  	_ =	shalt  }

</sc_bundles>
